<compile_context>
chip_gen: v7x
topology: tpu7x:2x2x1
jax: 0.10.2.dev20260603
libtpu: 0.0.44.dev20260713+nightly
codegen_flags: <defaults>
</compile_context>

<pallas_src>
import jax
import jax.numpy as jnp
from jax import lax
from jax.experimental import pallas as pl
from jax.experimental.pallas import tpu as pltpu
from jax.experimental.pallas import tpu_sc as plsc

B = 16384
K = 32
N = 1000000
G = 8
NC = 2
NS = 16
NW = NC * NS
BPW = B // NW
L = 16
W = 16


def _body(ut, it, uid, iid, out_hbm,
          idx_u_s, idx_i_s,
          stag_u, stag_i, out_v, sem):
    wid = lax.axis_index("s") * NC + lax.axis_index("c")
    base = wid * BPW

    pltpu.sync_copy(uid.at[pl.ds(base, BPW)], idx_u_s)
    pltpu.sync_copy(iid.at[pl.ds(base, BPW)], idx_i_s)

    def fire(w, half):
        b0 = pl.multiple_of(w * W, W)
        hb = pl.multiple_of(half * W * G, W * G)
        iv_u = idx_u_s[pl.ds(b0, W)]
        iv_i = idx_i_s[pl.ds(b0, W)]
        for t in range(W):
            gu = iv_u[t] >> 3
            gi = iv_i[t] >> 3
            pltpu.async_copy(ut.at[gu], stag_u.at[pl.ds(hb + t * G, G)], sem)
            pltpu.async_copy(it.at[gi], stag_i.at[pl.ds(hb + t * G, G)], sem)

    def drain_extract(w, half):
        b0 = pl.multiple_of(w * W, W)
        hb = pl.multiple_of(half * W * G, W * G)
        iv_u = idx_u_s[pl.ds(b0, W)]
        iv_i = idx_i_s[pl.ds(b0, W)]
        for t in range(W):
            pltpu.make_async_copy(
                ut.at[0], stag_u.at[pl.ds(hb + t * G, G)], sem).wait()
            pltpu.make_async_copy(
                it.at[0], stag_i.at[pl.ds(hb + t * G, G)], sem).wait()
        rvec_u = hb + lax.iota(jnp.int32, L) * G + (iv_u & 7)
        rvec_i = hb + lax.iota(jnp.int32, L) * G + (iv_i & 7)
        acc = jnp.zeros((L,), jnp.float32)
        for k in range(K):
            kv = jnp.full((L,), k, jnp.int32)
            u = plsc.load_gather(stag_u, [rvec_u, kv])
            v = plsc.load_gather(stag_i, [rvec_i, kv])
            acc = acc + u * v
        out_v[pl.ds(b0, L)] = acc

    NWAVES = BPW // W
    fire(0, 0)

    def wave(w, _):
        fire(w + 1, (w + 1) & 1)
        drain_extract(w, w & 1)
        return 0

    lax.fori_loop(0, NWAVES - 1, wave, 0)
    drain_extract(NWAVES - 1, (NWAVES - 1) & 1)

    pltpu.sync_copy(out_v, out_hbm.at[pl.ds(base, BPW)])


def kernel(user_id, item_id, user_table, item_table):
    ut = user_table.reshape(N // G, G, K)
    it = item_table.reshape(N // G, G, K)
    uid = user_id.astype(jnp.int32)
    iid = item_id.astype(jnp.int32)
    mesh = plsc.VectorSubcoreMesh(core_axis_name="c", subcore_axis_name="s",
                                  num_cores=NC, num_subcores=NS)
    out = pl.kernel(
        _body,
        out_type=jax.ShapeDtypeStruct((B,), jnp.float32),
        mesh=mesh,
        scratch_types=[
            pltpu.VMEM((BPW,), jnp.int32),
            pltpu.VMEM((BPW,), jnp.int32),
            pltpu.VMEM((2 * W * G, K), jnp.float32),
            pltpu.VMEM((2 * W * G, K), jnp.float32),
            pltpu.VMEM((BPW,), jnp.float32),
            pltpu.SemaphoreType.DMA,
        ],
        compiler_params=pltpu.CompilerParams(needs_layout_passes=False,
                                             use_tc_tiling_on_sc=True),
    )(ut, it, uid, iid)
    return out.reshape(B, 1)

# --- scband reference (transcript-rebuilt; emitter-appended) ---
"""Pipeline reference for scband-cfmodel-52475910422726 (READ-ONLY COPY).

The authoritative reference and input builder live on the scoring server;
editing this copy changes nothing except your own understanding.
"""

import jax, jax.numpy as jnp
import numpy as np

N_USERS = 1000000
M_ITEMS = 1000000
K_FACTORS = 32
BATCH = 16384


def setup_inputs(seed: int = 0) -> dict:
    key = jax.random.key(seed)
    k1, k2, k3, k4 = jax.random.split(key, 4)
    user_id = jax.random.randint(k1, (BATCH,), 0, N_USERS, dtype=jnp.int64 if jax.config.jax_enable_x64 else jnp.int32)
    item_id = jax.random.randint(k2, (BATCH,), 0, M_ITEMS, dtype=jnp.int64 if jax.config.jax_enable_x64 else jnp.int32)
    user_table = jax.random.normal(k3, (N_USERS, K_FACTORS), dtype=jnp.float32) * 0.05
    item_table = jax.random.normal(k4, (M_ITEMS, K_FACTORS), dtype=jnp.float32) * 0.05
    return {"user_id": user_id, "item_id": item_id, "user_table": user_table, "item_table": item_table}


def reference(user_id, item_id, user_table, item_table):
    # Embedding lookups (gather) -> [B, K]
    user_vector = jnp.take(user_table, user_id, axis=0)
    item_vector = jnp.take(item_table, item_id, axis=0)
    # Flatten is a no-op for [B, K]. Dot(axes=1) -> [B, 1]
    out = jnp.sum(user_vector * item_vector, axis=1, keepdims=True)
    return out

if __name__ == "__main__":
    import jax
    _d = setup_inputs()
    print(jax.jit(kernel)(*tuple(_d.values())))

</pallas_src>

<mosaic_0001>
#map = affine_map<(d0, d1) -> (0, 0, 0)>
#map1 = affine_map<(d0, d1) -> (0)>
module attributes {stable_mosaic.version = 14 : i64} {
  func.func @_body(%arg0: i32, %arg1: i32, %arg2: memref<125000x8x32xf32, #tpu.memory_space<hbm>>, %arg3: memref<125000x8x32xf32, #tpu.memory_space<hbm>>, %arg4: memref<16384xi32, #tpu.memory_space<hbm>>, %arg5: memref<16384xi32, #tpu.memory_space<hbm>>, %arg6: memref<16384xf32, #tpu.memory_space<hbm>>, %arg7: memref<512xi32, #tpu.memory_space<vmem>>, %arg8: memref<512xi32, #tpu.memory_space<vmem>>, %arg9: memref<256x32xf32, #tpu.memory_space<vmem>>, %arg10: memref<256x32xf32, #tpu.memory_space<vmem>>, %arg11: memref<512xf32, #tpu.memory_space<vmem>>, %arg12: memref<!tpu.dma_semaphore, #tpu.memory_space<semaphore_mem>>) attributes {dimension_semantics = [#tpu.dimension_semantics<core_parallel>, #tpu.dimension_semantics<subcore_parallel>], iteration_bounds = array<i64: 2, 16>, scalar_prefetch = 0 : i64, scratch_operands = 6 : i64, tpu.core_type = #tpu.core_type<sc_vector_subcore>, window_params = [{transform_indices = #map}, {transform_indices = #map}, {transform_indices = #map1}, {transform_indices = #map1}, {transform_indices = #map1}]} {
    %mul3A = arith.constant 2 : i32
    %mul3A_0 = arith.muli %arg1, %mul3A : i32
    %add3A = arith.addi %mul3A_0, %arg0 : i32
    %mul3A_1 = arith.constant 512 : i32
    %mul3A_2 = arith.muli %add3A, %mul3A_1 : i32
    "tpu.region"() ({
      %run_scoped3A = tpu.sem_alloc : memref<!tpu.dma_semaphore, #tpu.memory_space<semaphore_mem>>
      %dma_start3A_1285 = tpu.memref_slice %arg4[%mul3A_2] : memref<16384xi32, #tpu.memory_space<hbm>> -> memref<512xi32, #tpu.memory_space<hbm>>
      %dma_start3A_1286 = tpu.memref_slice %arg4[%mul3A_2] : memref<16384xi32, #tpu.memory_space<hbm>> -> memref<512xi32, #tpu.memory_space<hbm>>
      tpu.enqueue_dma source(%dma_start3A_1286 : memref<512xi32, #tpu.memory_space<hbm>>) target(%arg7 : memref<512xi32, #tpu.memory_space<vmem>>) target_semaphore(%run_scoped3A : memref<!tpu.dma_semaphore, #tpu.memory_space<semaphore_mem>>)
      %dma_wait3A_1287 = tpu.memref_slice %arg4[%mul3A_2] : memref<16384xi32, #tpu.memory_space<hbm>> -> memref<512xi32, #tpu.memory_space<hbm>>
      %dma_wait3A_1288 = tpu.memref_slice %arg4[%mul3A_2] : memref<16384xi32, #tpu.memory_space<hbm>> -> memref<512xi32, #tpu.memory_space<hbm>>
      tpu.wait_dma2 semaphore(%run_scoped3A : memref<!tpu.dma_semaphore, #tpu.memory_space<semaphore_mem>>) src(%dma_wait3A_1288 : memref<512xi32, #tpu.memory_space<hbm>>) dst(%arg7 : memref<512xi32, #tpu.memory_space<vmem>>)
      tpu.yield
    }) : () -> ()
    "tpu.region"() ({
      %run_scoped3A = tpu.sem_alloc : memref<!tpu.dma_semaphore, #tpu.memory_space<semaphore_mem>>
      %dma_start3A_1285 = tpu.memref_slice %arg5[%mul3A_2] : memref<16384xi32, #tpu.memory_space<hbm>> -> memref<512xi32, #tpu.memory_space<hbm>>
      %dma_start3A_1286 = tpu.memref_slice %arg5[%mul3A_2] : memref<16384xi32, #tpu.memory_space<hbm>> -> memref<512xi32, #tpu.memory_space<hbm>>
      tpu.enqueue_dma source(%dma_start3A_1286 : memref<512xi32, #tpu.memory_space<hbm>>) target(%arg8 : memref<512xi32, #tpu.memory_space<vmem>>) target_semaphore(%run_scoped3A : memref<!tpu.dma_semaphore, #tpu.memory_space<semaphore_mem>>)
      %dma_wait3A_1287 = tpu.memref_slice %arg5[%mul3A_2] : memref<16384xi32, #tpu.memory_space<hbm>> -> memref<512xi32, #tpu.memory_space<hbm>>
      %dma_wait3A_1288 = tpu.memref_slice %arg5[%mul3A_2] : memref<16384xi32, #tpu.memory_space<hbm>> -> memref<512xi32, #tpu.memory_space<hbm>>
      tpu.wait_dma2 semaphore(%run_scoped3A : memref<!tpu.dma_semaphore, #tpu.memory_space<semaphore_mem>>) src(%dma_wait3A_1288 : memref<512xi32, #tpu.memory_space<hbm>>) dst(%arg8 : memref<512xi32, #tpu.memory_space<vmem>>)
      tpu.yield
    }) : () -> ()
    %multiple_of3A = arith.constant 0 : i32
    %multiple_of3A_3 = tpu.assume_multiple %multiple_of3A, 16 : i32
    %multiple_of3A_4 = arith.constant 0 : i32
    %multiple_of3A_5 = tpu.assume_multiple %multiple_of3A_4, 128 : i32
    %get3A = arith.index_cast %multiple_of3A_3 : i32 to index
    %get3A_6 = tpu.vector_load %arg7[%get3A] {strides = array<i32>} : memref<512xi32, #tpu.memory_space<vmem>>, vector<16xi32>,
    %get3A_7 = arith.index_cast %multiple_of3A_3 : i32 to index
    %get3A_8 = tpu.vector_load %arg8[%get3A_7] {strides = array<i32>} : memref<512xi32, #tpu.memory_space<vmem>>, vector<16xi32>,
    %slice3A = vector.extract_strided_slice %get3A_6 {offsets = [0], sizes = [1], strides = [1]} : vector<16xi32> to vector<1xi32>
    %squeeze3A = vector.extract %slice3A[0] : i32 from vector<1xi32>
    %shift_right_arithmetic3A = arith.constant 3 : i32
    %shift_right_arithmetic3A_9 = arith.shrsi %squeeze3A, %shift_right_arithmetic3A : i32
    %slice3A_10 = vector.extract_strided_slice %get3A_8 {offsets = [0], sizes = [1], strides = [1]} : vector<16xi32> to vector<1xi32>
    %squeeze3A_11 = vector.extract %slice3A_10[0] : i32 from vector<1xi32>
    %shift_right_arithmetic3A_12 = arith.constant 3 : i32
    %shift_right_arithmetic3A_13 = arith.shrsi %squeeze3A_11, %shift_right_arithmetic3A_12 : i32
    %add3A_14 = arith.constant 0 : i32
    %add3A_15 = arith.addi %multiple_of3A_5, %add3A_14 : i32
    %dma_start3A = arith.constant 0 : i32
    %dma_start3A_16 = tpu.memref_slice %arg9[%add3A_15, %dma_start3A] : memref<256x32xf32, #tpu.memory_space<vmem>> -> memref<8x32xf32, #tpu.memory_space<vmem>>
    %dma_start3A_17 = arith.constant 0 : i32
    %dma_start3A_18 = arith.constant 0 : i32
    %dma_start3A_19 = tpu.memref_slice %arg2[%shift_right_arithmetic3A_9, %dma_start3A_17, %dma_start3A_18] : memref<125000x8x32xf32, #tpu.memory_space<hbm>> -> memref<1x8x32xf32, #tpu.memory_space<hbm>>
    %dma_start3A_20 = tpu.memref_squeeze %dma_start3A_19 : memref<1x8x32xf32, #tpu.memory_space<hbm>> -> memref<8x32xf32, #tpu.memory_space<hbm>>
    %dma_start3A_21 = arith.constant 0 : i32
    %dma_start3A_22 = tpu.memref_slice %arg9[%add3A_15, %dma_start3A_21] : memref<256x32xf32, #tpu.memory_space<vmem>> -> memref<8x32xf32, #tpu.memory_space<vmem>>
    %dma_start3A_23 = arith.constant 0 : i32
    %dma_start3A_24 = arith.constant 0 : i32
    %dma_start3A_25 = tpu.memref_slice %arg2[%shift_right_arithmetic3A_9, %dma_start3A_23, %dma_start3A_24] : memref<125000x8x32xf32, #tpu.memory_space<hbm>> -> memref<1x8x32xf32, #tpu.memory_space<hbm>>
    %dma_start3A_26 = tpu.memref_squeeze %dma_start3A_25 : memref<1x8x32xf32, #tpu.memory_space<hbm>> -> memref<8x32xf32, #tpu.memory_space<hbm>>
    tpu.enqueue_dma source(%dma_start3A_26 : memref<8x32xf32, #tpu.memory_space<hbm>>) target(%dma_start3A_22 : memref<8x32xf32, #tpu.memory_space<vmem>>) target_semaphore(%arg12 : memref<!tpu.dma_semaphore, #tpu.memory_space<semaphore_mem>>)
    %add3A_27 = arith.constant 0 : i32
    %add3A_28 = arith.addi %multiple_of3A_5, %add3A_27 : i32
    %dma_start3A_29 = arith.constant 0 : i32
    %dma_start3A_30 = tpu.memref_slice %arg10[%add3A_28, %dma_start3A_29] : memref<256x32xf32, #tpu.memory_space<vmem>> -> memref<8x32xf32, #tpu.memory_space<vmem>>
    %dma_start3A_31 = arith.constant 0 : i32
    %dma_start3A_32 = arith.constant 0 : i32
    %dma_start3A_33 = tpu.memref_slice %arg3[%shift_right_arithmetic3A_13, %dma_start3A_31, %dma_start3A_32] : memref<125000x8x32xf32, #tpu.memory_space<hbm>> -> memref<1x8x32xf32, #tpu.memory_space<hbm>>
    %dma_start3A_34 = tpu.memref_squeeze %dma_start3A_33 : memref<1x8x32xf32, #tpu.memory_space<hbm>> -> memref<8x32xf32, #tpu.memory_space<hbm>>
    %dma_start3A_35 = arith.constant 0 : i32
    %dma_start3A_36 = tpu.memref_slice %arg10[%add3A_28, %dma_start3A_35] : memref<256x32xf32, #tpu.memory_space<vmem>> -> memref<8x32xf32, #tpu.memory_space<vmem>>
    %dma_start3A_37 = arith.constant 0 : i32
    %dma_start3A_38 = arith.constant 0 : i32
    %dma_start3A_39 = tpu.memref_slice %arg3[%shift_right_arithmetic3A_13, %dma_start3A_37, %dma_start3A_38] : memref<125000x8x32xf32, #tpu.memory_space<hbm>> -> memref<1x8x32xf32, #tpu.memory_space<hbm>>
    %dma_start3A_40 = tpu.memref_squeeze %dma_start3A_39 : memref<1x8x32xf32, #tpu.memory_space<hbm>> -> memref<8x32xf32, #tpu.memory_space<hbm>>
    tpu.enqueue_dma source(%dma_start3A_40 : memref<8x32xf32, #tpu.memory_space<hbm>>) target(%dma_start3A_36 : memref<8x32xf32, #tpu.memory_space<vmem>>) target_semaphore(%arg12 : memref<!tpu.dma_semaphore, #tpu.memory_space<semaphore_mem>>)
    %slice3A_41 = vector.extract_strided_slice %get3A_6 {offsets = [1], sizes = [1], strides = [1]} : vector<16xi32> to vector<1xi32>
    %squeeze3A_42 = vector.extract %slice3A_41[0] : i32 from vector<1xi32>
    %shift_right_arithmetic3A_43 = arith.constant 3 : i32
    %shift_right_arithmetic3A_44 = arith.shrsi %squeeze3A_42, %shift_right_arithmetic3A_43 : i32
    %slice3A_45 = vector.extract_strided_slice %get3A_8 {offsets = [1], sizes = [1], strides = [1]} : vector<16xi32> to vector<1xi32>
    %squeeze3A_46 = vector.extract %slice3A_45[0] : i32 from vector<1xi32>
    %shift_right_arithmetic3A_47 = arith.constant 3 : i32
    %shift_right_arithmetic3A_48 = arith.shrsi %squeeze3A_46, %shift_right_arithmetic3A_47 : i32
    %add3A_49 = arith.constant 8 : i32
    %add3A_50 = arith.addi %multiple_of3A_5, %add3A_49 : i32
    %dma_start3A_51 = arith.constant 0 : i32
    %dma_start3A_52 = tpu.memref_slice %arg9[%add3A_50, %dma_start3A_51] : memref<256x32xf32, #tpu.memory_space<vmem>> -> memref<8x32xf32, #tpu.memory_space<vmem>>
    %dma_start3A_53 = arith.constant 0 : i32
    %dma_start3A_54 = arith.constant 0 : i32
    %dma_start3A_55 = tpu.memref_slice %arg2[%shift_right_arithmetic3A_44, %dma_start3A_53, %dma_start3A_54] : memref<125000x8x32xf32, #tpu.memory_space<hbm>> -> memref<1x8x32xf32, #tpu.memory_space<hbm>>
    %dma_start3A_56 = tpu.memref_squeeze %dma_start3A_55 : memref<1x8x32xf32, #tpu.memory_space<hbm>> -> memref<8x32xf32, #tpu.memory_space<hbm>>
    %dma_start3A_57 = arith.constant 0 : i32
    %dma_start3A_58 = tpu.memref_slice %arg9[%add3A_50, %dma_start3A_57] : memref<256x32xf32, #tpu.memory_space<vmem>> -> memref<8x32xf32, #tpu.memory_space<vmem>>
    %dma_start3A_59 = arith.constant 0 : i32
    %dma_start3A_60 = arith.constant 0 : i32
    %dma_start3A_61 = tpu.memref_slice %arg2[%shift_right_arithmetic3A_44, %dma_start3A_59, %dma_start3A_60] : memref<125000x8x32xf32, #tpu.memory_space<hbm>> -> memref<1x8x32xf32, #tpu.memory_space<hbm>>
    %dma_start3A_62 = tpu.memref_squeeze %dma_start3A_61 : memref<1x8x32xf32, #tpu.memory_space<hbm>> -> memref<8x32xf32, #tpu.memory_space<hbm>>
    tpu.enqueue_dma source(%dma_start3A_62 : memref<8x32xf32, #tpu.memory_space<hbm>>) target(%dma_start3A_58 : memref<8x32xf32, #tpu.memory_space<vmem>>) target_semaphore(%arg12 : memref<!tpu.dma_semaphore, #tpu.memory_space<semaphore_mem>>)
    %add3A_63 = arith.constant 8 : i32
    %add3A_64 = arith.addi %multiple_of3A_5, %add3A_63 : i32
    %dma_start3A_65 = arith.constant 0 : i32
    %dma_start3A_66 = tpu.memref_slice %arg10[%add3A_64, %dma_start3A_65] : memref<256x32xf32, #tpu.memory_space<vmem>> -> memref<8x32xf32, #tpu.memory_space<vmem>>
    %dma_start3A_67 = arith.constant 0 : i32
    %dma_start3A_68 = arith.constant 0 : i32
    %dma_start3A_69 = tpu.memref_slice %arg3[%shift_right_arithmetic3A_48, %dma_start3A_67, %dma_start3A_68] : memref<125000x8x32xf32, #tpu.memory_space<hbm>> -> memref<1x8x32xf32, #tpu.memory_space<hbm>>
    %dma_start3A_70 = tpu.memref_squeeze %dma_start3A_69 : memref<1x8x32xf32, #tpu.memory_space<hbm>> -> memref<8x32xf32, #tpu.memory_space<hbm>>
    %dma_start3A_71 = arith.constant 0 : i32
    %dma_start3A_72 = tpu.memref_slice %arg10[%add3A_64, %dma_start3A_71] : memref<256x32xf32, #tpu.memory_space<vmem>> -> memref<8x32xf32, #tpu.memory_space<vmem>>
    %dma_start3A_73 = arith.constant 0 : i32
    %dma_start3A_74 = arith.constant 0 : i32
    %dma_start3A_75 = tpu.memref_slice %arg3[%shift_right_arithmetic3A_48, %dma_start3A_73, %dma_start3A_74] : memref<125000x8x32xf32, #tpu.memory_space<hbm>> -> memref<1x8x32xf32, #tpu.memory_space<hbm>>
    %dma_start3A_76 = tpu.memref_squeeze %dma_start3A_75 : memref<1x8x32xf32, #tpu.memory_space<hbm>> -> memref<8x32xf32, #tpu.memory_space<hbm>>
    tpu.enqueue_dma source(%dma_start3A_76 : memref<8x32xf32, #tpu.memory_space<hbm>>) target(%dma_start3A_72 : memref<8x32xf32, #tpu.memory_space<vmem>>) target_semaphore(%arg12 : memref<!tpu.dma_semaphore, #tpu.memory_space<semaphore_mem>>)
    %slice3A_77 = vector.extract_strided_slice %get3A_6 {offsets = [2], sizes = [1], strides = [1]} : vector<16xi32> to vector<1xi32>
    %squeeze3A_78 = vector.extract %slice3A_77[0] : i32 from vector<1xi32>
    %shift_right_arithmetic3A_79 = arith.constant 3 : i32
    %shift_right_arithmetic3A_80 = arith.shrsi %squeeze3A_78, %shift_right_arithmetic3A_79 : i32
    %slice3A_81 = vector.extract_strided_slice %get3A_8 {offsets = [2], sizes = [1], strides = [1]} : vector<16xi32> to vector<1xi32>
    %squeeze3A_82 = vector.extract %slice3A_81[0] : i32 from vector<1xi32>
    %shift_right_arithmetic3A_83 = arith.constant 3 : i32
    %shift_right_arithmetic3A_84 = arith.shrsi %squeeze3A_82, %shift_right_arithmetic3A_83 : i32
    %add3A_85 = arith.constant 16 : i32
    %add3A_86 = arith.addi %multiple_of3A_5, %add3A_85 : i32
    %dma_start3A_87 = arith.constant 0 : i32
    %dma_start3A_88 = tpu.memref_slice %arg9[%add3A_86, %dma_start3A_87] : memref<256x32xf32, #tpu.memory_space<vmem>> -> memref<8x32xf32, #tpu.memory_space<vmem>>
    %dma_start3A_89 = arith.constant 0 : i32
    %dma_start3A_90 = arith.constant 0 : i32
    %dma_start3A_91 = tpu.memref_slice %arg2[%shift_right_arithmetic3A_80, %dma_start3A_89, %dma_start3A_90] : memref<125000x8x32xf32, #tpu.memory_space<hbm>> -> memref<1x8x32xf32, #tpu.memory_space<hbm>>
    %dma_start3A_92 = tpu.memref_squeeze %dma_start3A_91 : memref<1x8x32xf32, #tpu.memory_space<hbm>> -> memref<8x32xf32, #tpu.memory_space<hbm>>
    %dma_start3A_93 = arith.constant 0 : i32
    %dma_start3A_94 = tpu.memref_slice %arg9[%add3A_86, %dma_start3A_93] : memref<256x32xf32, #tpu.memory_space<vmem>> -> memref<8x32xf32, #tpu.memory_space<vmem>>
    %dma_start3A_95 = arith.constant 0 : i32
    %dma_start3A_96 = arith.constant 0 : i32
    %dma_start3A_97 = tpu.memref_slice %arg2[%shift_right_arithmetic3A_80, %dma_start3A_95, %dma_start3A_96] : memref<125000x8x32xf32, #tpu.memory_space<hbm>> -> memref<1x8x32xf32, #tpu.memory_space<hbm>>
    %dma_start3A_98 = tpu.memref_squeeze %dma_start3A_97 : memref<1x8x32xf32, #tpu.memory_space<hbm>> -> memref<8x32xf32, #tpu.memory_space<hbm>>
    tpu.enqueue_dma source(%dma_start3A_98 : memref<8x32xf32, #tpu.memory_space<hbm>>) target(%dma_start3A_94 : memref<8x32xf32, #tpu.memory_space<vmem>>) target_semaphore(%arg12 : memref<!tpu.dma_semaphore, #tpu.memory_space<semaphore_mem>>)
    %add3A_99 = arith.constant 16 : i32
    %add3A_100 = arith.addi %multiple_of3A_5, %add3A_99 : i32
    %dma_start3A_101 = arith.constant 0 : i32
    %dma_start3A_102 = tpu.memref_slice %arg10[%add3A_100, %dma_start3A_101] : memref<256x32xf32, #tpu.memory_space<vmem>> -> memref<8x32xf32, #tpu.memory_space<vmem>>
    %dma_start3A_103 = arith.constant 0 : i32
    %dma_start3A_104 = arith.constant 0 : i32
    %dma_start3A_105 = tpu.memref_slice %arg3[%shift_right_arithmetic3A_84, %dma_start3A_103, %dma_start3A_104] : memref<125000x8x32xf32, #tpu.memory_space<hbm>> -> memref<1x8x32xf32, #tpu.memory_space<hbm>>
    %dma_start3A_106 = tpu.memref_squeeze %dma_start3A_105 : memref<1x8x32xf32, #tpu.memory_space<hbm>> -> memref<8x32xf32, #tpu.memory_space<hbm>>
    %dma_start3A_107 = arith.constant 0 : i32
    %dma_start3A_108 = tpu.memref_slice %arg10[%add3A_100, %dma_start3A_107] : memref<256x32xf32, #tpu.memory_space<vmem>> -> memref<8x32xf32, #tpu.memory_space<vmem>>
    %dma_start3A_109 = arith.constant 0 : i32
    %dma_start3A_110 = arith.constant 0 : i32
    %dma_start3A_111 = tpu.memref_slice %arg3[%shift_right_arithmetic3A_84, %dma_start3A_109, %dma_start3A_110] : memref<125000x8x32xf32, #tpu.memory_space<hbm>> -> memref<1x8x32xf32, #tpu.memory_space<hbm>>
    %dma_start3A_112 = tpu.memref_squeeze %dma_start3A_111 : memref<1x8x32xf32, #tpu.memory_space<hbm>> -> memref<8x32xf32, #tpu.memory_space<hbm>>
    tpu.enqueue_dma source(%dma_start3A_112 : memref<8x32xf32, #tpu.memory_space<hbm>>) target(%dma_start3A_108 : memref<8x32xf32, #tpu.memory_space<vmem>>) target_semaphore(%arg12 : memref<!tpu.dma_semaphore, #tpu.memory_space<semaphore_mem>>)
    %slice3A_113 = vector.extract_strided_slice %get3A_6 {offsets = [3], sizes = [1], strides = [1]} : vector<16xi32> to vector<1xi32>
    %squeeze3A_114 = vector.extract %slice3A_113[0] : i32 from vector<1xi32>
    %shift_right_arithmetic3A_115 = arith.constant 3 : i32
    %shift_right_arithmetic3A_116 = arith.shrsi %squeeze3A_114, %shift_right_arithmetic3A_115 : i32
    %slice3A_117 = vector.extract_strided_slice %get3A_8 {offsets = [3], sizes = [1], strides = [1]} : vector<16xi32> to vector<1xi32>
    %squeeze3A_118 = vector.extract %slice3A_117[0] : i32 from vector<1xi32>
    %shift_right_arithmetic3A_119 = arith.constant 3 : i32
    %shift_right_arithmetic3A_120 = arith.shrsi %squeeze3A_118, %shift_right_arithmetic3A_119 : i32
    %add3A_121 = arith.constant 24 : i32
    %add3A_122 = arith.addi %multiple_of3A_5, %add3A_121 : i32
    %dma_start3A_123 = arith.constant 0 : i32
    %dma_start3A_124 = tpu.memref_slice %arg9[%add3A_122, %dma_start3A_123] : memref<256x32xf32, #tpu.memory_space<vmem>> -> memref<8x32xf32, #tpu.memory_space<vmem>>
    %dma_start3A_125 = arith.constant 0 : i32
    %dma_start3A_126 = arith.constant 0 : i32
    %dma_start3A_127 = tpu.memref_slice %arg2[%shift_right_arithmetic3A_116, %dma_start3A_125, %dma_start3A_126] : memref<125000x8x32xf32, #tpu.memory_space<hbm>> -> memref<1x8x32xf32, #tpu.memory_space<hbm>>
    %dma_start3A_128 = tpu.memref_squeeze %dma_start3A_127 : memref<1x8x32xf32, #tpu.memory_space<hbm>> -> memref<8x32xf32, #tpu.memory_space<hbm>>
    %dma_start3A_129 = arith.constant 0 : i32
    %dma_start3A_130 = tpu.memref_slice %arg9[%add3A_122, %dma_start3A_129] : memref<256x32xf32, #tpu.memory_space<vmem>> -> memref<8x32xf32, #tpu.memory_space<vmem>>
    %dma_start3A_131 = arith.constant 0 : i32
    %dma_start3A_132 = arith.constant 0 : i32
    %dma_start3A_133 = tpu.memref_slice %arg2[%shift_right_arithmetic3A_116, %dma_start3A_131, %dma_start3A_132] : memref<125000x8x32xf32, #tpu.memory_space<hbm>> -> memref<1x8x32xf32, #tpu.memory_space<hbm>>
    %dma_start3A_134 = tpu.memref_squeeze %dma_start3A_133 : memref<1x8x32xf32, #tpu.memory_space<hbm>> -> memref<8x32xf32, #tpu.memory_space<hbm>>
    tpu.enqueue_dma source(%dma_start3A_134 : memref<8x32xf32, #tpu.memory_space<hbm>>) target(%dma_start3A_130 : memref<8x32xf32, #tpu.memory_space<vmem>>) target_semaphore(%arg12 : memref<!tpu.dma_semaphore, #tpu.memory_space<semaphore_mem>>)
    %add3A_135 = arith.constant 24 : i32
    %add3A_136 = arith.addi %multiple_of3A_5, %add3A_135 : i32
    %dma_start3A_137 = arith.constant 0 : i32
    %dma_start3A_138 = tpu.memref_slice %arg10[%add3A_136, %dma_start3A_137] : memref<256x32xf32, #tpu.memory_space<vmem>> -> memref<8x32xf32, #tpu.memory_space<vmem>>
    %dma_start3A_139 = arith.constant 0 : i32
    %dma_start3A_140 = arith.constant 0 : i32
    %dma_start3A_141 = tpu.memref_slice %arg3[%shift_right_arithmetic3A_120, %dma_start3A_139, %dma_start3A_140] : memref<125000x8x32xf32, #tpu.memory_space<hbm>> -> memref<1x8x32xf32, #tpu.memory_space<hbm>>
    %dma_start3A_142 = tpu.memref_squeeze %dma_start3A_141 : memref<1x8x32xf32, #tpu.memory_space<hbm>> -> memref<8x32xf32, #tpu.memory_space<hbm>>
    %dma_start3A_143 = arith.constant 0 : i32
    %dma_start3A_144 = tpu.memref_slice %arg10[%add3A_136, %dma_start3A_143] : memref<256x32xf32, #tpu.memory_space<vmem>> -> memref<8x32xf32, #tpu.memory_space<vmem>>
    %dma_start3A_145 = arith.constant 0 : i32
    %dma_start3A_146 = arith.constant 0 : i32
    %dma_start3A_147 = tpu.memref_slice %arg3[%shift_right_arithmetic3A_120, %dma_start3A_145, %dma_start3A_146] : memref<125000x8x32xf32, #tpu.memory_space<hbm>> -> memref<1x8x32xf32, #tpu.memory_space<hbm>>
    %dma_start3A_148 = tpu.memref_squeeze %dma_start3A_147 : memref<1x8x32xf32, #tpu.memory_space<hbm>> -> memref<8x32xf32, #tpu.memory_space<hbm>>
    tpu.enqueue_dma source(%dma_start3A_148 : memref<8x32xf32, #tpu.memory_space<hbm>>) target(%dma_start3A_144 : memref<8x32xf32, #tpu.memory_space<vmem>>) target_semaphore(%arg12 : memref<!tpu.dma_semaphore, #tpu.memory_space<semaphore_mem>>)
    %slice3A_149 = vector.extract_strided_slice %get3A_6 {offsets = [4], sizes = [1], strides = [1]} : vector<16xi32> to vector<1xi32>
    %squeeze3A_150 = vector.extract %slice3A_149[0] : i32 from vector<1xi32>
    %shift_right_arithmetic3A_151 = arith.constant 3 : i32
    %shift_right_arithmetic3A_152 = arith.shrsi %squeeze3A_150, %shift_right_arithmetic3A_151 : i32
    %slice3A_153 = vector.extract_strided_slice %get3A_8 {offsets = [4], sizes = [1], strides = [1]} : vector<16xi32> to vector<1xi32>
    %squeeze3A_154 = vector.extract %slice3A_153[0] : i32 from vector<1xi32>
    %shift_right_arithmetic3A_155 = arith.constant 3 : i32
    %shift_right_arithmetic3A_156 = arith.shrsi %squeeze3A_154, %shift_right_arithmetic3A_155 : i32
    %add3A_157 = arith.constant 32 : i32
    %add3A_158 = arith.addi %multiple_of3A_5, %add3A_157 : i32
    %dma_start3A_159 = arith.constant 0 : i32
    %dma_start3A_160 = tpu.memref_slice %arg9[%add3A_158, %dma_start3A_159] : memref<256x32xf32, #tpu.memory_space<vmem>> -> memref<8x32xf32, #tpu.memory_space<vmem>>
    %dma_start3A_161 = arith.constant 0 : i32
    %dma_start3A_162 = arith.constant 0 : i32
    %dma_start3A_163 = tpu.memref_slice %arg2[%shift_right_arithmetic3A_152, %dma_start3A_161, %dma_start3A_162] : memref<125000x8x32xf32, #tpu.memory_space<hbm>> -> memref<1x8x32xf32, #tpu.memory_space<hbm>>
    %dma_start3A_164 = tpu.memref_squeeze %dma_start3A_163 : memref<1x8x32xf32, #tpu.memory_space<hbm>> -> memref<8x32xf32, #tpu.memory_space<hbm>>
    %dma_start3A_165 = arith.constant 0 : i32
    %dma_start3A_166 = tpu.memref_slice %arg9[%add3A_158, %dma_start3A_165] : memref<256x32xf32, #tpu.memory_space<vmem>> -> memref<8x32xf32, #tpu.memory_space<vmem>>
    %dma_start3A_167 = arith.constant 0 : i32
    %dma_start3A_168 = arith.constant 0 : i32
    %dma_start3A_169 = tpu.memref_slice %arg2[%shift_right_arithmetic3A_152, %dma_start3A_167, %dma_start3A_168] : memref<125000x8x32xf32, #tpu.memory_space<hbm>> -> memref<1x8x32xf32, #tpu.memory_space<hbm>>
    %dma_start3A_170 = tpu.memref_squeeze %dma_start3A_169 : memref<1x8x32xf32, #tpu.memory_space<hbm>> -> memref<8x32xf32, #tpu.memory_space<hbm>>
    tpu.enqueue_dma source(%dma_start3A_170 : memref<8x32xf32, #tpu.memory_space<hbm>>) target(%dma_start3A_166 : memref<8x32xf32, #tpu.memory_space<vmem>>) target_semaphore(%arg12 : memref<!tpu.dma_semaphore, #tpu.memory_space<semaphore_mem>>)
    %add3A_171 = arith.constant 32 : i32
    %add3A_172 = arith.addi %multiple_of3A_5, %add3A_171 : i32
    %dma_start3A_173 = arith.constant 0 : i32
    %dma_start3A_174 = tpu.memref_slice %arg10[%add3A_172, %dma_start3A_173] : memref<256x32xf32, #tpu.memory_space<vmem>> -> memref<8x32xf32, #tpu.memory_space<vmem>>
    %dma_start3A_175 = arith.constant 0 : i32
    %dma_start3A_176 = arith.constant 0 : i32
    %dma_start3A_177 = tpu.memref_slice %arg3[%shift_right_arithmetic3A_156, %dma_start3A_175, %dma_start3A_176] : memref<125000x8x32xf32, #tpu.memory_space<hbm>> -> memref<1x8x32xf32, #tpu.memory_space<hbm>>
    %dma_start3A_178 = tpu.memref_squeeze %dma_start3A_177 : memref<1x8x32xf32, #tpu.memory_space<hbm>> -> memref<8x32xf32, #tpu.memory_space<hbm>>
    %dma_start3A_179 = arith.constant 0 : i32
    %dma_start3A_180 = tpu.memref_slice %arg10[%add3A_172, %dma_start3A_179] : memref<256x32xf32, #tpu.memory_space<vmem>> -> memref<8x32xf32, #tpu.memory_space<vmem>>
    %dma_start3A_181 = arith.constant 0 : i32
    %dma_start3A_182 = arith.constant 0 : i32
    %dma_start3A_183 = tpu.memref_slice %arg3[%shift_right_arithmetic3A_156, %dma_start3A_181, %dma_start3A_182] : memref<125000x8x32xf32, #tpu.memory_space<hbm>> -> memref<1x8x32xf32, #tpu.memory_space<hbm>>
    %dma_start3A_184 = tpu.memref_squeeze %dma_start3A_183 : memref<1x8x32xf32, #tpu.memory_space<hbm>> -> memref<8x32xf32, #tpu.memory_space<hbm>>
    tpu.enqueue_dma source(%dma_start3A_184 : memref<8x32xf32, #tpu.memory_space<hbm>>) target(%dma_start3A_180 : memref<8x32xf32, #tpu.memory_space<vmem>>) target_semaphore(%arg12 : memref<!tpu.dma_semaphore, #tpu.memory_space<semaphore_mem>>)
    %slice3A_185 = vector.extract_strided_slice %get3A_6 {offsets = [5], sizes = [1], strides = [1]} : vector<16xi32> to vector<1xi32>
    %squeeze3A_186 = vector.extract %slice3A_185[0] : i32 from vector<1xi32>
    %shift_right_arithmetic3A_187 = arith.constant 3 : i32
    %shift_right_arithmetic3A_188 = arith.shrsi %squeeze3A_186, %shift_right_arithmetic3A_187 : i32
    %slice3A_189 = vector.extract_strided_slice %get3A_8 {offsets = [5], sizes = [1], strides = [1]} : vector<16xi32> to vector<1xi32>
    %squeeze3A_190 = vector.extract %slice3A_189[0] : i32 from vector<1xi32>
    %shift_right_arithmetic3A_191 = arith.constant 3 : i32
    %shift_right_arithmetic3A_192 = arith.shrsi %squeeze3A_190, %shift_right_arithmetic3A_191 : i32
    %add3A_193 = arith.constant 40 : i32
    %add3A_194 = arith.addi %multiple_of3A_5, %add3A_193 : i32
    %dma_start3A_195 = arith.constant 0 : i32
    %dma_start3A_196 = tpu.memref_slice %arg9[%add3A_194, %dma_start3A_195] : memref<256x32xf32, #tpu.memory_space<vmem>> -> memref<8x32xf32, #tpu.memory_space<vmem>>
    %dma_start3A_197 = arith.constant 0 : i32
    %dma_start3A_198 = arith.constant 0 : i32
    %dma_start3A_199 = tpu.memref_slice %arg2[%shift_right_arithmetic3A_188, %dma_start3A_197, %dma_start3A_198] : memref<125000x8x32xf32, #tpu.memory_space<hbm>> -> memref<1x8x32xf32, #tpu.memory_space<hbm>>
    %dma_start3A_200 = tpu.memref_squeeze %dma_start3A_199 : memref<1x8x32xf32, #tpu.memory_space<hbm>> -> memref<8x32xf32, #tpu.memory_space<hbm>>
    %dma_start3A_201 = arith.constant 0 : i32
    %dma_start3A_202 = tpu.memref_slice %arg9[%add3A_194, %dma_start3A_201] : memref<256x32xf32, #tpu.memory_space<vmem>> -> memref<8x32xf32, #tpu.memory_space<vmem>>
    %dma_start3A_203 = arith.constant 0 : i32
    %dma_start3A_204 = arith.constant 0 : i32
    %dma_start3A_205 = tpu.memref_slice %arg2[%shift_right_arithmetic3A_188, %dma_start3A_203, %dma_start3A_204] : memref<125000x8x32xf32, #tpu.memory_space<hbm>> -> memref<1x8x32xf32, #tpu.memory_space<hbm>>
    %dma_start3A_206 = tpu.memref_squeeze %dma_start3A_205 : memref<1x8x32xf32, #tpu.memory_space<hbm>> -> memref<8x32xf32, #tpu.memory_space<hbm>>
    tpu.enqueue_dma source(%dma_start3A_206 : memref<8x32xf32, #tpu.memory_space<hbm>>) target(%dma_start3A_202 : memref<8x32xf32, #tpu.memory_space<vmem>>) target_semaphore(%arg12 : memref<!tpu.dma_semaphore, #tpu.memory_space<semaphore_mem>>)
    %add3A_207 = arith.constant 40 : i32
    %add3A_208 = arith.addi %multiple_of3A_5, %add3A_207 : i32
    %dma_start3A_209 = arith.constant 0 : i32
    %dma_start3A_210 = tpu.memref_slice %arg10[%add3A_208, %dma_start3A_209] : memref<256x32xf32, #tpu.memory_space<vmem>> -> memref<8x32xf32, #tpu.memory_space<vmem>>
    %dma_start3A_211 = arith.constant 0 : i32
    %dma_start3A_212 = arith.constant 0 : i32
    %dma_start3A_213 = tpu.memref_slice %arg3[%shift_right_arithmetic3A_192, %dma_start3A_211, %dma_start3A_212] : memref<125000x8x32xf32, #tpu.memory_space<hbm>> -> memref<1x8x32xf32, #tpu.memory_space<hbm>>
    %dma_start3A_214 = tpu.memref_squeeze %dma_start3A_213 : memref<1x8x32xf32, #tpu.memory_space<hbm>> -> memref<8x32xf32, #tpu.memory_space<hbm>>
    %dma_start3A_215 = arith.constant 0 : i32
    %dma_start3A_216 = tpu.memref_slice %arg10[%add3A_208, %dma_start3A_215] : memref<256x32xf32, #tpu.memory_space<vmem>> -> memref<8x32xf32, #tpu.memory_space<vmem>>
    %dma_start3A_217 = arith.constant 0 : i32
    %dma_start3A_218 = arith.constant 0 : i32
    %dma_start3A_219 = tpu.memref_slice %arg3[%shift_right_arithmetic3A_192, %dma_start3A_217, %dma_start3A_218] : memref<125000x8x32xf32, #tpu.memory_space<hbm>> -> memref<1x8x32xf32, #tpu.memory_space<hbm>>
    %dma_start3A_220 = tpu.memref_squeeze %dma_start3A_219 : memref<1x8x32xf32, #tpu.memory_space<hbm>> -> memref<8x32xf32, #tpu.memory_space<hbm>>
    tpu.enqueue_dma source(%dma_start3A_220 : memref<8x32xf32, #tpu.memory_space<hbm>>) target(%dma_start3A_216 : memref<8x32xf32, #tpu.memory_space<vmem>>) target_semaphore(%arg12 : memref<!tpu.dma_semaphore, #tpu.memory_space<semaphore_mem>>)
    %slice3A_221 = vector.extract_strided_slice %get3A_6 {offsets = [6], sizes = [1], strides = [1]} : vector<16xi32> to vector<1xi32>
    %squeeze3A_222 = vector.extract %slice3A_221[0] : i32 from vector<1xi32>
    %shift_right_arithmetic3A_223 = arith.constant 3 : i32
    %shift_right_arithmetic3A_224 = arith.shrsi %squeeze3A_222, %shift_right_arithmetic3A_223 : i32
    %slice3A_225 = vector.extract_strided_slice %get3A_8 {offsets = [6], sizes = [1], strides = [1]} : vector<16xi32> to vector<1xi32>
    %squeeze3A_226 = vector.extract %slice3A_225[0] : i32 from vector<1xi32>
    %shift_right_arithmetic3A_227 = arith.constant 3 : i32
    %shift_right_arithmetic3A_228 = arith.shrsi %squeeze3A_226, %shift_right_arithmetic3A_227 : i32
    %add3A_229 = arith.constant 48 : i32
    %add3A_230 = arith.addi %multiple_of3A_5, %add3A_229 : i32
    %dma_start3A_231 = arith.constant 0 : i32
    %dma_start3A_232 = tpu.memref_slice %arg9[%add3A_230, %dma_start3A_231] : memref<256x32xf32, #tpu.memory_space<vmem>> -> memref<8x32xf32, #tpu.memory_space<vmem>>
    %dma_start3A_233 = arith.constant 0 : i32
    %dma_start3A_234 = arith.constant 0 : i32
    %dma_start3A_235 = tpu.memref_slice %arg2[%shift_right_arithmetic3A_224, %dma_start3A_233, %dma_start3A_234] : memref<125000x8x32xf32, #tpu.memory_space<hbm>> -> memref<1x8x32xf32, #tpu.memory_space<hbm>>
    %dma_start3A_236 = tpu.memref_squeeze %dma_start3A_235 : memref<1x8x32xf32, #tpu.memory_space<hbm>> -> memref<8x32xf32, #tpu.memory_space<hbm>>
    %dma_start3A_237 = arith.constant 0 : i32
    %dma_start3A_238 = tpu.memref_slice %arg9[%add3A_230, %dma_start3A_237] : memref<256x32xf32, #tpu.memory_space<vmem>> -> memref<8x32xf32, #tpu.memory_space<vmem>>
    %dma_start3A_239 = arith.constant 0 : i32
    %dma_start3A_240 = arith.constant 0 : i32
    %dma_start3A_241 = tpu.memref_slice %arg2[%shift_right_arithmetic3A_224, %dma_start3A_239, %dma_start3A_240] : memref<125000x8x32xf32, #tpu.memory_space<hbm>> -> memref<1x8x32xf32, #tpu.memory_space<hbm>>
    %dma_start3A_242 = tpu.memref_squeeze %dma_start3A_241 : memref<1x8x32xf32, #tpu.memory_space<hbm>> -> memref<8x32xf32, #tpu.memory_space<hbm>>
    tpu.enqueue_dma source(%dma_start3A_242 : memref<8x32xf32, #tpu.memory_space<hbm>>) target(%dma_start3A_238 : memref<8x32xf32, #tpu.memory_space<vmem>>) target_semaphore(%arg12 : memref<!tpu.dma_semaphore, #tpu.memory_space<semaphore_mem>>)
    %add3A_243 = arith.constant 48 : i32
    %add3A_244 = arith.addi %multiple_of3A_5, %add3A_243 : i32
    %dma_start3A_245 = arith.constant 0 : i32
    %dma_start3A_246 = tpu.memref_slice %arg10[%add3A_244, %dma_start3A_245] : memref<256x32xf32, #tpu.memory_space<vmem>> -> memref<8x32xf32, #tpu.memory_space<vmem>>
    %dma_start3A_247 = arith.constant 0 : i32
    %dma_start3A_248 = arith.constant 0 : i32
    %dma_start3A_249 = tpu.memref_slice %arg3[%shift_right_arithmetic3A_228, %dma_start3A_247, %dma_start3A_248] : memref<125000x8x32xf32, #tpu.memory_space<hbm>> -> memref<1x8x32xf32, #tpu.memory_space<hbm>>
    %dma_start3A_250 = tpu.memref_squeeze %dma_start3A_249 : memref<1x8x32xf32, #tpu.memory_space<hbm>> -> memref<8x32xf32, #tpu.memory_space<hbm>>
    %dma_start3A_251 = arith.constant 0 : i32
    %dma_start3A_252 = tpu.memref_slice %arg10[%add3A_244, %dma_start3A_251] : memref<256x32xf32, #tpu.memory_space<vmem>> -> memref<8x32xf32, #tpu.memory_space<vmem>>
    %dma_start3A_253 = arith.constant 0 : i32
    %dma_start3A_254 = arith.constant 0 : i32
    %dma_start3A_255 = tpu.memref_slice %arg3[%shift_right_arithmetic3A_228, %dma_start3A_253, %dma_start3A_254] : memref<125000x8x32xf32, #tpu.memory_space<hbm>> -> memref<1x8x32xf32, #tpu.memory_space<hbm>>
    %dma_start3A_256 = tpu.memref_squeeze %dma_start3A_255 : memref<1x8x32xf32, #tpu.memory_space<hbm>> -> memref<8x32xf32, #tpu.memory_space<hbm>>
    tpu.enqueue_dma source(%dma_start3A_256 : memref<8x32xf32, #tpu.memory_space<hbm>>) target(%dma_start3A_252 : memref<8x32xf32, #tpu.memory_space<vmem>>) target_semaphore(%arg12 : memref<!tpu.dma_semaphore, #tpu.memory_space<semaphore_mem>>)
    %slice3A_257 = vector.extract_strided_slice %get3A_6 {offsets = [7], sizes = [1], strides = [1]} : vector<16xi32> to vector<1xi32>
    %squeeze3A_258 = vector.extract %slice3A_257[0] : i32 from vector<1xi32>
    %shift_right_arithmetic3A_259 = arith.constant 3 : i32
    %shift_right_arithmetic3A_260 = arith.shrsi %squeeze3A_258, %shift_right_arithmetic3A_259 : i32
    %slice3A_261 = vector.extract_strided_slice %get3A_8 {offsets = [7], sizes = [1], strides = [1]} : vector<16xi32> to vector<1xi32>
    %squeeze3A_262 = vector.extract %slice3A_261[0] : i32 from vector<1xi32>
    %shift_right_arithmetic3A_263 = arith.constant 3 : i32
    %shift_right_arithmetic3A_264 = arith.shrsi %squeeze3A_262, %shift_right_arithmetic3A_263 : i32
    %add3A_265 = arith.constant 56 : i32
    %add3A_266 = arith.addi %multiple_of3A_5, %add3A_265 : i32
    %dma_start3A_267 = arith.constant 0 : i32
    %dma_start3A_268 = tpu.memref_slice %arg9[%add3A_266, %dma_start3A_267] : memref<256x32xf32, #tpu.memory_space<vmem>> -> memref<8x32xf32, #tpu.memory_space<vmem>>
    %dma_start3A_269 = arith.constant 0 : i32
    %dma_start3A_270 = arith.constant 0 : i32
    %dma_start3A_271 = tpu.memref_slice %arg2[%shift_right_arithmetic3A_260, %dma_start3A_269, %dma_start3A_270] : memref<125000x8x32xf32, #tpu.memory_space<hbm>> -> memref<1x8x32xf32, #tpu.memory_space<hbm>>
    %dma_start3A_272 = tpu.memref_squeeze %dma_start3A_271 : memref<1x8x32xf32, #tpu.memory_space<hbm>> -> memref<8x32xf32, #tpu.memory_space<hbm>>
    %dma_start3A_273 = arith.constant 0 : i32
    %dma_start3A_274 = tpu.memref_slice %arg9[%add3A_266, %dma_start3A_273] : memref<256x32xf32, #tpu.memory_space<vmem>> -> memref<8x32xf32, #tpu.memory_space<vmem>>
    %dma_start3A_275 = arith.constant 0 : i32
    %dma_start3A_276 = arith.constant 0 : i32
    %dma_start3A_277 = tpu.memref_slice %arg2[%shift_right_arithmetic3A_260, %dma_start3A_275, %dma_start3A_276] : memref<125000x8x32xf32, #tpu.memory_space<hbm>> -> memref<1x8x32xf32, #tpu.memory_space<hbm>>
    %dma_start3A_278 = tpu.memref_squeeze %dma_start3A_277 : memref<1x8x32xf32, #tpu.memory_space<hbm>> -> memref<8x32xf32, #tpu.memory_space<hbm>>
    tpu.enqueue_dma source(%dma_start3A_278 : memref<8x32xf32, #tpu.memory_space<hbm>>) target(%dma_start3A_274 : memref<8x32xf32, #tpu.memory_space<vmem>>) target_semaphore(%arg12 : memref<!tpu.dma_semaphore, #tpu.memory_space<semaphore_mem>>)
    %add3A_279 = arith.constant 56 : i32
    %add3A_280 = arith.addi %multiple_of3A_5, %add3A_279 : i32
    %dma_start3A_281 = arith.constant 0 : i32
    %dma_start3A_282 = tpu.memref_slice %arg10[%add3A_280, %dma_start3A_281] : memref<256x32xf32, #tpu.memory_space<vmem>> -> memref<8x32xf32, #tpu.memory_space<vmem>>
    %dma_start3A_283 = arith.constant 0 : i32
    %dma_start3A_284 = arith.constant 0 : i32
    %dma_start3A_285 = tpu.memref_slice %arg3[%shift_right_arithmetic3A_264, %dma_start3A_283, %dma_start3A_284] : memref<125000x8x32xf32, #tpu.memory_space<hbm>> -> memref<1x8x32xf32, #tpu.memory_space<hbm>>
    %dma_start3A_286 = tpu.memref_squeeze %dma_start3A_285 : memref<1x8x32xf32, #tpu.memory_space<hbm>> -> memref<8x32xf32, #tpu.memory_space<hbm>>
    %dma_start3A_287 = arith.constant 0 : i32
    %dma_start3A_288 = tpu.memref_slice %arg10[%add3A_280, %dma_start3A_287] : memref<256x32xf32, #tpu.memory_space<vmem>> -> memref<8x32xf32, #tpu.memory_space<vmem>>
    %dma_start3A_289 = arith.constant 0 : i32
    %dma_start3A_290 = arith.constant 0 : i32
    %dma_start3A_291 = tpu.memref_slice %arg3[%shift_right_arithmetic3A_264, %dma_start3A_289, %dma_start3A_290] : memref<125000x8x32xf32, #tpu.memory_space<hbm>> -> memref<1x8x32xf32, #tpu.memory_space<hbm>>
    %dma_start3A_292 = tpu.memref_squeeze %dma_start3A_291 : memref<1x8x32xf32, #tpu.memory_space<hbm>> -> memref<8x32xf32, #tpu.memory_space<hbm>>
    tpu.enqueue_dma source(%dma_start3A_292 : memref<8x32xf32, #tpu.memory_space<hbm>>) target(%dma_start3A_288 : memref<8x32xf32, #tpu.memory_space<vmem>>) target_semaphore(%arg12 : memref<!tpu.dma_semaphore, #tpu.memory_space<semaphore_mem>>)
    %slice3A_293 = vector.extract_strided_slice %get3A_6 {offsets = [8], sizes = [1], strides = [1]} : vector<16xi32> to vector<1xi32>
    %squeeze3A_294 = vector.extract %slice3A_293[0] : i32 from vector<1xi32>
    %shift_right_arithmetic3A_295 = arith.constant 3 : i32
    %shift_right_arithmetic3A_296 = arith.shrsi %squeeze3A_294, %shift_right_arithmetic3A_295 : i32
    %slice3A_297 = vector.extract_strided_slice %get3A_8 {offsets = [8], sizes = [1], strides = [1]} : vector<16xi32> to vector<1xi32>
    %squeeze3A_298 = vector.extract %slice3A_297[0] : i32 from vector<1xi32>
    %shift_right_arithmetic3A_299 = arith.constant 3 : i32
    %shift_right_arithmetic3A_300 = arith.shrsi %squeeze3A_298, %shift_right_arithmetic3A_299 : i32
    %add3A_301 = arith.constant 64 : i32
    %add3A_302 = arith.addi %multiple_of3A_5, %add3A_301 : i32
    %dma_start3A_303 = arith.constant 0 : i32
    %dma_start3A_304 = tpu.memref_slice %arg9[%add3A_302, %dma_start3A_303] : memref<256x32xf32, #tpu.memory_space<vmem>> -> memref<8x32xf32, #tpu.memory_space<vmem>>
    %dma_start3A_305 = arith.constant 0 : i32
    %dma_start3A_306 = arith.constant 0 : i32
    %dma_start3A_307 = tpu.memref_slice %arg2[%shift_right_arithmetic3A_296, %dma_start3A_305, %dma_start3A_306] : memref<125000x8x32xf32, #tpu.memory_space<hbm>> -> memref<1x8x32xf32, #tpu.memory_space<hbm>>
    %dma_start3A_308 = tpu.memref_squeeze %dma_start3A_307 : memref<1x8x32xf32, #tpu.memory_space<hbm>> -> memref<8x32xf32, #tpu.memory_space<hbm>>
    %dma_start3A_309 = arith.constant 0 : i32
    %dma_start3A_310 = tpu.memref_slice %arg9[%add3A_302, %dma_start3A_309] : memref<256x32xf32, #tpu.memory_space<vmem>> -> memref<8x32xf32, #tpu.memory_space<vmem>>
    %dma_start3A_311 = arith.constant 0 : i32
    %dma_start3A_312 = arith.constant 0 : i32
    %dma_start3A_313 = tpu.memref_slice %arg2[%shift_right_arithmetic3A_296, %dma_start3A_311, %dma_start3A_312] : memref<125000x8x32xf32, #tpu.memory_space<hbm>> -> memref<1x8x32xf32, #tpu.memory_space<hbm>>
    %dma_start3A_314 = tpu.memref_squeeze %dma_start3A_313 : memref<1x8x32xf32, #tpu.memory_space<hbm>> -> memref<8x32xf32, #tpu.memory_space<hbm>>
    tpu.enqueue_dma source(%dma_start3A_314 : memref<8x32xf32, #tpu.memory_space<hbm>>) target(%dma_start3A_310 : memref<8x32xf32, #tpu.memory_space<vmem>>) target_semaphore(%arg12 : memref<!tpu.dma_semaphore, #tpu.memory_space<semaphore_mem>>)
    %add3A_315 = arith.constant 64 : i32
    %add3A_316 = arith.addi %multiple_of3A_5, %add3A_315 : i32
    %dma_start3A_317 = arith.constant 0 : i32
    %dma_start3A_318 = tpu.memref_slice %arg10[%add3A_316, %dma_start3A_317] : memref<256x32xf32, #tpu.memory_space<vmem>> -> memref<8x32xf32, #tpu.memory_space<vmem>>
    %dma_start3A_319 = arith.constant 0 : i32
    %dma_start3A_320 = arith.constant 0 : i32
    %dma_start3A_321 = tpu.memref_slice %arg3[%shift_right_arithmetic3A_300, %dma_start3A_319, %dma_start3A_320] : memref<125000x8x32xf32, #tpu.memory_space<hbm>> -> memref<1x8x32xf32, #tpu.memory_space<hbm>>
    %dma_start3A_322 = tpu.memref_squeeze %dma_start3A_321 : memref<1x8x32xf32, #tpu.memory_space<hbm>> -> memref<8x32xf32, #tpu.memory_space<hbm>>
    %dma_start3A_323 = arith.constant 0 : i32
    %dma_start3A_324 = tpu.memref_slice %arg10[%add3A_316, %dma_start3A_323] : memref<256x32xf32, #tpu.memory_space<vmem>> -> memref<8x32xf32, #tpu.memory_space<vmem>>
    %dma_start3A_325 = arith.constant 0 : i32
    %dma_start3A_326 = arith.constant 0 : i32
    %dma_start3A_327 = tpu.memref_slice %arg3[%shift_right_arithmetic3A_300, %dma_start3A_325, %dma_start3A_326] : memref<125000x8x32xf32, #tpu.memory_space<hbm>> -> memref<1x8x32xf32, #tpu.memory_space<hbm>>
    %dma_start3A_328 = tpu.memref_squeeze %dma_start3A_327 : memref<1x8x32xf32, #tpu.memory_space<hbm>> -> memref<8x32xf32, #tpu.memory_space<hbm>>
    tpu.enqueue_dma source(%dma_start3A_328 : memref<8x32xf32, #tpu.memory_space<hbm>>) target(%dma_start3A_324 : memref<8x32xf32, #tpu.memory_space<vmem>>) target_semaphore(%arg12 : memref<!tpu.dma_semaphore, #tpu.memory_space<semaphore_mem>>)
    %slice3A_329 = vector.extract_strided_slice %get3A_6 {offsets = [9], sizes = [1], strides = [1]} : vector<16xi32> to vector<1xi32>
    %squeeze3A_330 = vector.extract %slice3A_329[0] : i32 from vector<1xi32>
    %shift_right_arithmetic3A_331 = arith.constant 3 : i32
    %shift_right_arithmetic3A_332 = arith.shrsi %squeeze3A_330, %shift_right_arithmetic3A_331 : i32
    %slice3A_333 = vector.extract_strided_slice %get3A_8 {offsets = [9], sizes = [1], strides = [1]} : vector<16xi32> to vector<1xi32>
    %squeeze3A_334 = vector.extract %slice3A_333[0] : i32 from vector<1xi32>
    %shift_right_arithmetic3A_335 = arith.constant 3 : i32
    %shift_right_arithmetic3A_336 = arith.shrsi %squeeze3A_334, %shift_right_arithmetic3A_335 : i32
    %add3A_337 = arith.constant 72 : i32
    %add3A_338 = arith.addi %multiple_of3A_5, %add3A_337 : i32
    %dma_start3A_339 = arith.constant 0 : i32
    %dma_start3A_340 = tpu.memref_slice %arg9[%add3A_338, %dma_start3A_339] : memref<256x32xf32, #tpu.memory_space<vmem>> -> memref<8x32xf32, #tpu.memory_space<vmem>>
    %dma_start3A_341 = arith.constant 0 : i32
    %dma_start3A_342 = arith.constant 0 : i32
    %dma_start3A_343 = tpu.memref_slice %arg2[%shift_right_arithmetic3A_332, %dma_start3A_341, %dma_start3A_342] : memref<125000x8x32xf32, #tpu.memory_space<hbm>> -> memref<1x8x32xf32, #tpu.memory_space<hbm>>
    %dma_start3A_344 = tpu.memref_squeeze %dma_start3A_343 : memref<1x8x32xf32, #tpu.memory_space<hbm>> -> memref<8x32xf32, #tpu.memory_space<hbm>>
    %dma_start3A_345 = arith.constant 0 : i32
    %dma_start3A_346 = tpu.memref_slice %arg9[%add3A_338, %dma_start3A_345] : memref<256x32xf32, #tpu.memory_space<vmem>> -> memref<8x32xf32, #tpu.memory_space<vmem>>
    %dma_start3A_347 = arith.constant 0 : i32
    %dma_start3A_348 = arith.constant 0 : i32
    %dma_start3A_349 = tpu.memref_slice %arg2[%shift_right_arithmetic3A_332, %dma_start3A_347, %dma_start3A_348] : memref<125000x8x32xf32, #tpu.memory_space<hbm>> -> memref<1x8x32xf32, #tpu.memory_space<hbm>>
    %dma_start3A_350 = tpu.memref_squeeze %dma_start3A_349 : memref<1x8x32xf32, #tpu.memory_space<hbm>> -> memref<8x32xf32, #tpu.memory_space<hbm>>
    tpu.enqueue_dma source(%dma_start3A_350 : memref<8x32xf32, #tpu.memory_space<hbm>>) target(%dma_start3A_346 : memref<8x32xf32, #tpu.memory_space<vmem>>) target_semaphore(%arg12 : memref<!tpu.dma_semaphore, #tpu.memory_space<semaphore_mem>>)
    %add3A_351 = arith.constant 72 : i32
    %add3A_352 = arith.addi %multiple_of3A_5, %add3A_351 : i32
    %dma_start3A_353 = arith.constant 0 : i32
    %dma_start3A_354 = tpu.memref_slice %arg10[%add3A_352, %dma_start3A_353] : memref<256x32xf32, #tpu.memory_space<vmem>> -> memref<8x32xf32, #tpu.memory_space<vmem>>
    %dma_start3A_355 = arith.constant 0 : i32
    %dma_start3A_356 = arith.constant 0 : i32
    %dma_start3A_357 = tpu.memref_slice %arg3[%shift_right_arithmetic3A_336, %dma_start3A_355, %dma_start3A_356] : memref<125000x8x32xf32, #tpu.memory_space<hbm>> -> memref<1x8x32xf32, #tpu.memory_space<hbm>>
    %dma_start3A_358 = tpu.memref_squeeze %dma_start3A_357 : memref<1x8x32xf32, #tpu.memory_space<hbm>> -> memref<8x32xf32, #tpu.memory_space<hbm>>
    %dma_start3A_359 = arith.constant 0 : i32
    %dma_start3A_360 = tpu.memref_slice %arg10[%add3A_352, %dma_start3A_359] : memref<256x32xf32, #tpu.memory_space<vmem>> -> memref<8x32xf32, #tpu.memory_space<vmem>>
    %dma_start3A_361 = arith.constant 0 : i32
    %dma_start3A_362 = arith.constant 0 : i32
    %dma_start3A_363 = tpu.memref_slice %arg3[%shift_right_arithmetic3A_336, %dma_start3A_361, %dma_start3A_362] : memref<125000x8x32xf32, #tpu.memory_space<hbm>> -> memref<1x8x32xf32, #tpu.memory_space<hbm>>
    %dma_start3A_364 = tpu.memref_squeeze %dma_start3A_363 : memref<1x8x32xf32, #tpu.memory_space<hbm>> -> memref<8x32xf32, #tpu.memory_space<hbm>>
    tpu.enqueue_dma source(%dma_start3A_364 : memref<8x32xf32, #tpu.memory_space<hbm>>) target(%dma_start3A_360 : memref<8x32xf32, #tpu.memory_space<vmem>>) target_semaphore(%arg12 : memref<!tpu.dma_semaphore, #tpu.memory_space<semaphore_mem>>)
    %slice3A_365 = vector.extract_strided_slice %get3A_6 {offsets = [10], sizes = [1], strides = [1]} : vector<16xi32> to vector<1xi32>
    %squeeze3A_366 = vector.extract %slice3A_365[0] : i32 from vector<1xi32>
    %shift_right_arithmetic3A_367 = arith.constant 3 : i32
    %shift_right_arithmetic3A_368 = arith.shrsi %squeeze3A_366, %shift_right_arithmetic3A_367 : i32
    %slice3A_369 = vector.extract_strided_slice %get3A_8 {offsets = [10], sizes = [1], strides = [1]} : vector<16xi32> to vector<1xi32>
    %squeeze3A_370 = vector.extract %slice3A_369[0] : i32 from vector<1xi32>
    %shift_right_arithmetic3A_371 = arith.constant 3 : i32
    %shift_right_arithmetic3A_372 = arith.shrsi %squeeze3A_370, %shift_right_arithmetic3A_371 : i32
    %add3A_373 = arith.constant 80 : i32
    %add3A_374 = arith.addi %multiple_of3A_5, %add3A_373 : i32
    %dma_start3A_375 = arith.constant 0 : i32
    %dma_start3A_376 = tpu.memref_slice %arg9[%add3A_374, %dma_start3A_375] : memref<256x32xf32, #tpu.memory_space<vmem>> -> memref<8x32xf32, #tpu.memory_space<vmem>>
    %dma_start3A_377 = arith.constant 0 : i32
    %dma_start3A_378 = arith.constant 0 : i32
    %dma_start3A_379 = tpu.memref_slice %arg2[%shift_right_arithmetic3A_368, %dma_start3A_377, %dma_start3A_378] : memref<125000x8x32xf32, #tpu.memory_space<hbm>> -> memref<1x8x32xf32, #tpu.memory_space<hbm>>
    %dma_start3A_380 = tpu.memref_squeeze %dma_start3A_379 : memref<1x8x32xf32, #tpu.memory_space<hbm>> -> memref<8x32xf32, #tpu.memory_space<hbm>>
    %dma_start3A_381 = arith.constant 0 : i32
    %dma_start3A_382 = tpu.memref_slice %arg9[%add3A_374, %dma_start3A_381] : memref<256x32xf32, #tpu.memory_space<vmem>> -> memref<8x32xf32, #tpu.memory_space<vmem>>
    %dma_start3A_383 = arith.constant 0 : i32
    %dma_start3A_384 = arith.constant 0 : i32
    %dma_start3A_385 = tpu.memref_slice %arg2[%shift_right_arithmetic3A_368, %dma_start3A_383, %dma_start3A_384] : memref<125000x8x32xf32, #tpu.memory_space<hbm>> -> memref<1x8x32xf32, #tpu.memory_space<hbm>>
    %dma_start3A_386 = tpu.memref_squeeze %dma_start3A_385 : memref<1x8x32xf32, #tpu.memory_space<hbm>> -> memref<8x32xf32, #tpu.memory_space<hbm>>
    tpu.enqueue_dma source(%dma_start3A_386 : memref<8x32xf32, #tpu.memory_space<hbm>>) target(%dma_start3A_382 : memref<8x32xf32, #tpu.memory_space<vmem>>) target_semaphore(%arg12 : memref<!tpu.dma_semaphore, #tpu.memory_space<semaphore_mem>>)
    %add3A_387 = arith.constant 80 : i32
    %add3A_388 = arith.addi %multiple_of3A_5, %add3A_387 : i32
    %dma_start3A_389 = arith.constant 0 : i32
    %dma_start3A_390 = tpu.memref_slice %arg10[%add3A_388, %dma_start3A_389] : memref<256x32xf32, #tpu.memory_space<vmem>> -> memref<8x32xf32, #tpu.memory_space<vmem>>
    %dma_start3A_391 = arith.constant 0 : i32
    %dma_start3A_392 = arith.constant 0 : i32
    %dma_start3A_393 = tpu.memref_slice %arg3[%shift_right_arithmetic3A_372, %dma_start3A_391, %dma_start3A_392] : memref<125000x8x32xf32, #tpu.memory_space<hbm>> -> memref<1x8x32xf32, #tpu.memory_space<hbm>>
    %dma_start3A_394 = tpu.memref_squeeze %dma_start3A_393 : memref<1x8x32xf32, #tpu.memory_space<hbm>> -> memref<8x32xf32, #tpu.memory_space<hbm>>
    %dma_start3A_395 = arith.constant 0 : i32
    %dma_start3A_396 = tpu.memref_slice %arg10[%add3A_388, %dma_start3A_395] : memref<256x32xf32, #tpu.memory_space<vmem>> -> memref<8x32xf32, #tpu.memory_space<vmem>>
    %dma_start3A_397 = arith.constant 0 : i32
    %dma_start3A_398 = arith.constant 0 : i32
    %dma_start3A_399 = tpu.memref_slice %arg3[%shift_right_arithmetic3A_372, %dma_start3A_397, %dma_start3A_398] : memref<125000x8x32xf32, #tpu.memory_space<hbm>> -> memref<1x8x32xf32, #tpu.memory_space<hbm>>
    %dma_start3A_400 = tpu.memref_squeeze %dma_start3A_399 : memref<1x8x32xf32, #tpu.memory_space<hbm>> -> memref<8x32xf32, #tpu.memory_space<hbm>>
    tpu.enqueue_dma source(%dma_start3A_400 : memref<8x32xf32, #tpu.memory_space<hbm>>) target(%dma_start3A_396 : memref<8x32xf32, #tpu.memory_space<vmem>>) target_semaphore(%arg12 : memref<!tpu.dma_semaphore, #tpu.memory_space<semaphore_mem>>)
    %slice3A_401 = vector.extract_strided_slice %get3A_6 {offsets = [11], sizes = [1], strides = [1]} : vector<16xi32> to vector<1xi32>
    %squeeze3A_402 = vector.extract %slice3A_401[0] : i32 from vector<1xi32>
    %shift_right_arithmetic3A_403 = arith.constant 3 : i32
    %shift_right_arithmetic3A_404 = arith.shrsi %squeeze3A_402, %shift_right_arithmetic3A_403 : i32
    %slice3A_405 = vector.extract_strided_slice %get3A_8 {offsets = [11], sizes = [1], strides = [1]} : vector<16xi32> to vector<1xi32>
    %squeeze3A_406 = vector.extract %slice3A_405[0] : i32 from vector<1xi32>
    %shift_right_arithmetic3A_407 = arith.constant 3 : i32
    %shift_right_arithmetic3A_408 = arith.shrsi %squeeze3A_406, %shift_right_arithmetic3A_407 : i32
    %add3A_409 = arith.constant 88 : i32
    %add3A_410 = arith.addi %multiple_of3A_5, %add3A_409 : i32
    %dma_start3A_411 = arith.constant 0 : i32
    %dma_start3A_412 = tpu.memref_slice %arg9[%add3A_410, %dma_start3A_411] : memref<256x32xf32, #tpu.memory_space<vmem>> -> memref<8x32xf32, #tpu.memory_space<vmem>>
    %dma_start3A_413 = arith.constant 0 : i32
    %dma_start3A_414 = arith.constant 0 : i32
    %dma_start3A_415 = tpu.memref_slice %arg2[%shift_right_arithmetic3A_404, %dma_start3A_413, %dma_start3A_414] : memref<125000x8x32xf32, #tpu.memory_space<hbm>> -> memref<1x8x32xf32, #tpu.memory_space<hbm>>
    %dma_start3A_416 = tpu.memref_squeeze %dma_start3A_415 : memref<1x8x32xf32, #tpu.memory_space<hbm>> -> memref<8x32xf32, #tpu.memory_space<hbm>>
    %dma_start3A_417 = arith.constant 0 : i32
    %dma_start3A_418 = tpu.memref_slice %arg9[%add3A_410, %dma_start3A_417] : memref<256x32xf32, #tpu.memory_space<vmem>> -> memref<8x32xf32, #tpu.memory_space<vmem>>
    %dma_start3A_419 = arith.constant 0 : i32
    %dma_start3A_420 = arith.constant 0 : i32
    %dma_start3A_421 = tpu.memref_slice %arg2[%shift_right_arithmetic3A_404, %dma_start3A_419, %dma_start3A_420] : memref<125000x8x32xf32, #tpu.memory_space<hbm>> -> memref<1x8x32xf32, #tpu.memory_space<hbm>>
    %dma_start3A_422 = tpu.memref_squeeze %dma_start3A_421 : memref<1x8x32xf32, #tpu.memory_space<hbm>> -> memref<8x32xf32, #tpu.memory_space<hbm>>
    tpu.enqueue_dma source(%dma_start3A_422 : memref<8x32xf32, #tpu.memory_space<hbm>>) target(%dma_start3A_418 : memref<8x32xf32, #tpu.memory_space<vmem>>) target_semaphore(%arg12 : memref<!tpu.dma_semaphore, #tpu.memory_space<semaphore_mem>>)
    %add3A_423 = arith.constant 88 : i32
    %add3A_424 = arith.addi %multiple_of3A_5, %add3A_423 : i32
    %dma_start3A_425 = arith.constant 0 : i32
    %dma_start3A_426 = tpu.memref_slice %arg10[%add3A_424, %dma_start3A_425] : memref<256x32xf32, #tpu.memory_space<vmem>> -> memref<8x32xf32, #tpu.memory_space<vmem>>
    %dma_start3A_427 = arith.constant 0 : i32
    %dma_start3A_428 = arith.constant 0 : i32
    %dma_start3A_429 = tpu.memref_slice %arg3[%shift_right_arithmetic3A_408, %dma_start3A_427, %dma_start3A_428] : memref<125000x8x32xf32, #tpu.memory_space<hbm>> -> memref<1x8x32xf32, #tpu.memory_space<hbm>>
    %dma_start3A_430 = tpu.memref_squeeze %dma_start3A_429 : memref<1x8x32xf32, #tpu.memory_space<hbm>> -> memref<8x32xf32, #tpu.memory_space<hbm>>
    %dma_start3A_431 = arith.constant 0 : i32
    %dma_start3A_432 = tpu.memref_slice %arg10[%add3A_424, %dma_start3A_431] : memref<256x32xf32, #tpu.memory_space<vmem>> -> memref<8x32xf32, #tpu.memory_space<vmem>>
    %dma_start3A_433 = arith.constant 0 : i32
    %dma_start3A_434 = arith.constant 0 : i32
    %dma_start3A_435 = tpu.memref_slice %arg3[%shift_right_arithmetic3A_408, %dma_start3A_433, %dma_start3A_434] : memref<125000x8x32xf32, #tpu.memory_space<hbm>> -> memref<1x8x32xf32, #tpu.memory_space<hbm>>
    %dma_start3A_436 = tpu.memref_squeeze %dma_start3A_435 : memref<1x8x32xf32, #tpu.memory_space<hbm>> -> memref<8x32xf32, #tpu.memory_space<hbm>>
    tpu.enqueue_dma source(%dma_start3A_436 : memref<8x32xf32, #tpu.memory_space<hbm>>) target(%dma_start3A_432 : memref<8x32xf32, #tpu.memory_space<vmem>>) target_semaphore(%arg12 : memref<!tpu.dma_semaphore, #tpu.memory_space<semaphore_mem>>)
    %slice3A_437 = vector.extract_strided_slice %get3A_6 {offsets = [12], sizes = [1], strides = [1]} : vector<16xi32> to vector<1xi32>
    %squeeze3A_438 = vector.extract %slice3A_437[0] : i32 from vector<1xi32>
    %shift_right_arithmetic3A_439 = arith.constant 3 : i32
    %shift_right_arithmetic3A_440 = arith.shrsi %squeeze3A_438, %shift_right_arithmetic3A_439 : i32
    %slice3A_441 = vector.extract_strided_slice %get3A_8 {offsets = [12], sizes = [1], strides = [1]} : vector<16xi32> to vector<1xi32>
    %squeeze3A_442 = vector.extract %slice3A_441[0] : i32 from vector<1xi32>
    %shift_right_arithmetic3A_443 = arith.constant 3 : i32
    %shift_right_arithmetic3A_444 = arith.shrsi %squeeze3A_442, %shift_right_arithmetic3A_443 : i32
    %add3A_445 = arith.constant 96 : i32
    %add3A_446 = arith.addi %multiple_of3A_5, %add3A_445 : i32
    %dma_start3A_447 = arith.constant 0 : i32
    %dma_start3A_448 = tpu.memref_slice %arg9[%add3A_446, %dma_start3A_447] : memref<256x32xf32, #tpu.memory_space<vmem>> -> memref<8x32xf32, #tpu.memory_space<vmem>>
    %dma_start3A_449 = arith.constant 0 : i32
    %dma_start3A_450 = arith.constant 0 : i32
    %dma_start3A_451 = tpu.memref_slice %arg2[%shift_right_arithmetic3A_440, %dma_start3A_449, %dma_start3A_450] : memref<125000x8x32xf32, #tpu.memory_space<hbm>> -> memref<1x8x32xf32, #tpu.memory_space<hbm>>
    %dma_start3A_452 = tpu.memref_squeeze %dma_start3A_451 : memref<1x8x32xf32, #tpu.memory_space<hbm>> -> memref<8x32xf32, #tpu.memory_space<hbm>>
    %dma_start3A_453 = arith.constant 0 : i32
    %dma_start3A_454 = tpu.memref_slice %arg9[%add3A_446, %dma_start3A_453] : memref<256x32xf32, #tpu.memory_space<vmem>> -> memref<8x32xf32, #tpu.memory_space<vmem>>
    %dma_start3A_455 = arith.constant 0 : i32
    %dma_start3A_456 = arith.constant 0 : i32
    %dma_start3A_457 = tpu.memref_slice %arg2[%shift_right_arithmetic3A_440, %dma_start3A_455, %dma_start3A_456] : memref<125000x8x32xf32, #tpu.memory_space<hbm>> -> memref<1x8x32xf32, #tpu.memory_space<hbm>>
    %dma_start3A_458 = tpu.memref_squeeze %dma_start3A_457 : memref<1x8x32xf32, #tpu.memory_space<hbm>> -> memref<8x32xf32, #tpu.memory_space<hbm>>
    tpu.enqueue_dma source(%dma_start3A_458 : memref<8x32xf32, #tpu.memory_space<hbm>>) target(%dma_start3A_454 : memref<8x32xf32, #tpu.memory_space<vmem>>) target_semaphore(%arg12 : memref<!tpu.dma_semaphore, #tpu.memory_space<semaphore_mem>>)
    %add3A_459 = arith.constant 96 : i32
    %add3A_460 = arith.addi %multiple_of3A_5, %add3A_459 : i32
    %dma_start3A_461 = arith.constant 0 : i32
    %dma_start3A_462 = tpu.memref_slice %arg10[%add3A_460, %dma_start3A_461] : memref<256x32xf32, #tpu.memory_space<vmem>> -> memref<8x32xf32, #tpu.memory_space<vmem>>
    %dma_start3A_463 = arith.constant 0 : i32
    %dma_start3A_464 = arith.constant 0 : i32
    %dma_start3A_465 = tpu.memref_slice %arg3[%shift_right_arithmetic3A_444, %dma_start3A_463, %dma_start3A_464] : memref<125000x8x32xf32, #tpu.memory_space<hbm>> -> memref<1x8x32xf32, #tpu.memory_space<hbm>>
    %dma_start3A_466 = tpu.memref_squeeze %dma_start3A_465 : memref<1x8x32xf32, #tpu.memory_space<hbm>> -> memref<8x32xf32, #tpu.memory_space<hbm>>
    %dma_start3A_467 = arith.constant 0 : i32
    %dma_start3A_468 = tpu.memref_slice %arg10[%add3A_460, %dma_start3A_467] : memref<256x32xf32, #tpu.memory_space<vmem>> -> memref<8x32xf32, #tpu.memory_space<vmem>>
    %dma_start3A_469 = arith.constant 0 : i32
    %dma_start3A_470 = arith.constant 0 : i32
    %dma_start3A_471 = tpu.memref_slice %arg3[%shift_right_arithmetic3A_444, %dma_start3A_469, %dma_start3A_470] : memref<125000x8x32xf32, #tpu.memory_space<hbm>> -> memref<1x8x32xf32, #tpu.memory_space<hbm>>
    %dma_start3A_472 = tpu.memref_squeeze %dma_start3A_471 : memref<1x8x32xf32, #tpu.memory_space<hbm>> -> memref<8x32xf32, #tpu.memory_space<hbm>>
    tpu.enqueue_dma source(%dma_start3A_472 : memref<8x32xf32, #tpu.memory_space<hbm>>) target(%dma_start3A_468 : memref<8x32xf32, #tpu.memory_space<vmem>>) target_semaphore(%arg12 : memref<!tpu.dma_semaphore, #tpu.memory_space<semaphore_mem>>)
    %slice3A_473 = vector.extract_strided_slice %get3A_6 {offsets = [13], sizes = [1], strides = [1]} : vector<16xi32> to vector<1xi32>
    %squeeze3A_474 = vector.extract %slice3A_473[0] : i32 from vector<1xi32>
    %shift_right_arithmetic3A_475 = arith.constant 3 : i32
    %shift_right_arithmetic3A_476 = arith.shrsi %squeeze3A_474, %shift_right_arithmetic3A_475 : i32
    %slice3A_477 = vector.extract_strided_slice %get3A_8 {offsets = [13], sizes = [1], strides = [1]} : vector<16xi32> to vector<1xi32>
    %squeeze3A_478 = vector.extract %slice3A_477[0] : i32 from vector<1xi32>
    %shift_right_arithmetic3A_479 = arith.constant 3 : i32
    %shift_right_arithmetic3A_480 = arith.shrsi %squeeze3A_478, %shift_right_arithmetic3A_479 : i32
    %add3A_481 = arith.constant 104 : i32
    %add3A_482 = arith.addi %multiple_of3A_5, %add3A_481 : i32
    %dma_start3A_483 = arith.constant 0 : i32
    %dma_start3A_484 = tpu.memref_slice %arg9[%add3A_482, %dma_start3A_483] : memref<256x32xf32, #tpu.memory_space<vmem>> -> memref<8x32xf32, #tpu.memory_space<vmem>>
    %dma_start3A_485 = arith.constant 0 : i32
    %dma_start3A_486 = arith.constant 0 : i32
    %dma_start3A_487 = tpu.memref_slice %arg2[%shift_right_arithmetic3A_476, %dma_start3A_485, %dma_start3A_486] : memref<125000x8x32xf32, #tpu.memory_space<hbm>> -> memref<1x8x32xf32, #tpu.memory_space<hbm>>
    %dma_start3A_488 = tpu.memref_squeeze %dma_start3A_487 : memref<1x8x32xf32, #tpu.memory_space<hbm>> -> memref<8x32xf32, #tpu.memory_space<hbm>>
    %dma_start3A_489 = arith.constant 0 : i32
    %dma_start3A_490 = tpu.memref_slice %arg9[%add3A_482, %dma_start3A_489] : memref<256x32xf32, #tpu.memory_space<vmem>> -> memref<8x32xf32, #tpu.memory_space<vmem>>
    %dma_start3A_491 = arith.constant 0 : i32
    %dma_start3A_492 = arith.constant 0 : i32
    %dma_start3A_493 = tpu.memref_slice %arg2[%shift_right_arithmetic3A_476, %dma_start3A_491, %dma_start3A_492] : memref<125000x8x32xf32, #tpu.memory_space<hbm>> -> memref<1x8x32xf32, #tpu.memory_space<hbm>>
    %dma_start3A_494 = tpu.memref_squeeze %dma_start3A_493 : memref<1x8x32xf32, #tpu.memory_space<hbm>> -> memref<8x32xf32, #tpu.memory_space<hbm>>
    tpu.enqueue_dma source(%dma_start3A_494 : memref<8x32xf32, #tpu.memory_space<hbm>>) target(%dma_start3A_490 : memref<8x32xf32, #tpu.memory_space<vmem>>) target_semaphore(%arg12 : memref<!tpu.dma_semaphore, #tpu.memory_space<semaphore_mem>>)
    %add3A_495 = arith.constant 104 : i32
    %add3A_496 = arith.addi %multiple_of3A_5, %add3A_495 : i32
    %dma_start3A_497 = arith.constant 0 : i32
    %dma_start3A_498 = tpu.memref_slice %arg10[%add3A_496, %dma_start3A_497] : memref<256x32xf32, #tpu.memory_space<vmem>> -> memref<8x32xf32, #tpu.memory_space<vmem>>
    %dma_start3A_499 = arith.constant 0 : i32
    %dma_start3A_500 = arith.constant 0 : i32
    %dma_start3A_501 = tpu.memref_slice %arg3[%shift_right_arithmetic3A_480, %dma_start3A_499, %dma_start3A_500] : memref<125000x8x32xf32, #tpu.memory_space<hbm>> -> memref<1x8x32xf32, #tpu.memory_space<hbm>>
    %dma_start3A_502 = tpu.memref_squeeze %dma_start3A_501 : memref<1x8x32xf32, #tpu.memory_space<hbm>> -> memref<8x32xf32, #tpu.memory_space<hbm>>
    %dma_start3A_503 = arith.constant 0 : i32
    %dma_start3A_504 = tpu.memref_slice %arg10[%add3A_496, %dma_start3A_503] : memref<256x32xf32, #tpu.memory_space<vmem>> -> memref<8x32xf32, #tpu.memory_space<vmem>>
    %dma_start3A_505 = arith.constant 0 : i32
    %dma_start3A_506 = arith.constant 0 : i32
    %dma_start3A_507 = tpu.memref_slice %arg3[%shift_right_arithmetic3A_480, %dma_start3A_505, %dma_start3A_506] : memref<125000x8x32xf32, #tpu.memory_space<hbm>> -> memref<1x8x32xf32, #tpu.memory_space<hbm>>
    %dma_start3A_508 = tpu.memref_squeeze %dma_start3A_507 : memref<1x8x32xf32, #tpu.memory_space<hbm>> -> memref<8x32xf32, #tpu.memory_space<hbm>>
    tpu.enqueue_dma source(%dma_start3A_508 : memref<8x32xf32, #tpu.memory_space<hbm>>) target(%dma_start3A_504 : memref<8x32xf32, #tpu.memory_space<vmem>>) target_semaphore(%arg12 : memref<!tpu.dma_semaphore, #tpu.memory_space<semaphore_mem>>)
    %slice3A_509 = vector.extract_strided_slice %get3A_6 {offsets = [14], sizes = [1], strides = [1]} : vector<16xi32> to vector<1xi32>
    %squeeze3A_510 = vector.extract %slice3A_509[0] : i32 from vector<1xi32>
    %shift_right_arithmetic3A_511 = arith.constant 3 : i32
    %shift_right_arithmetic3A_512 = arith.shrsi %squeeze3A_510, %shift_right_arithmetic3A_511 : i32
    %slice3A_513 = vector.extract_strided_slice %get3A_8 {offsets = [14], sizes = [1], strides = [1]} : vector<16xi32> to vector<1xi32>
    %squeeze3A_514 = vector.extract %slice3A_513[0] : i32 from vector<1xi32>
    %shift_right_arithmetic3A_515 = arith.constant 3 : i32
    %shift_right_arithmetic3A_516 = arith.shrsi %squeeze3A_514, %shift_right_arithmetic3A_515 : i32
    %add3A_517 = arith.constant 112 : i32
    %add3A_518 = arith.addi %multiple_of3A_5, %add3A_517 : i32
    %dma_start3A_519 = arith.constant 0 : i32
    %dma_start3A_520 = tpu.memref_slice %arg9[%add3A_518, %dma_start3A_519] : memref<256x32xf32, #tpu.memory_space<vmem>> -> memref<8x32xf32, #tpu.memory_space<vmem>>
    %dma_start3A_521 = arith.constant 0 : i32
    %dma_start3A_522 = arith.constant 0 : i32
    %dma_start3A_523 = tpu.memref_slice %arg2[%shift_right_arithmetic3A_512, %dma_start3A_521, %dma_start3A_522] : memref<125000x8x32xf32, #tpu.memory_space<hbm>> -> memref<1x8x32xf32, #tpu.memory_space<hbm>>
    %dma_start3A_524 = tpu.memref_squeeze %dma_start3A_523 : memref<1x8x32xf32, #tpu.memory_space<hbm>> -> memref<8x32xf32, #tpu.memory_space<hbm>>
    %dma_start3A_525 = arith.constant 0 : i32
    %dma_start3A_526 = tpu.memref_slice %arg9[%add3A_518, %dma_start3A_525] : memref<256x32xf32, #tpu.memory_space<vmem>> -> memref<8x32xf32, #tpu.memory_space<vmem>>
    %dma_start3A_527 = arith.constant 0 : i32
    %dma_start3A_528 = arith.constant 0 : i32
    %dma_start3A_529 = tpu.memref_slice %arg2[%shift_right_arithmetic3A_512, %dma_start3A_527, %dma_start3A_528] : memref<125000x8x32xf32, #tpu.memory_space<hbm>> -> memref<1x8x32xf32, #tpu.memory_space<hbm>>
    %dma_start3A_530 = tpu.memref_squeeze %dma_start3A_529 : memref<1x8x32xf32, #tpu.memory_space<hbm>> -> memref<8x32xf32, #tpu.memory_space<hbm>>
    tpu.enqueue_dma source(%dma_start3A_530 : memref<8x32xf32, #tpu.memory_space<hbm>>) target(%dma_start3A_526 : memref<8x32xf32, #tpu.memory_space<vmem>>) target_semaphore(%arg12 : memref<!tpu.dma_semaphore, #tpu.memory_space<semaphore_mem>>)
    %add3A_531 = arith.constant 112 : i32
    %add3A_532 = arith.addi %multiple_of3A_5, %add3A_531 : i32
    %dma_start3A_533 = arith.constant 0 : i32
    %dma_start3A_534 = tpu.memref_slice %arg10[%add3A_532, %dma_start3A_533] : memref<256x32xf32, #tpu.memory_space<vmem>> -> memref<8x32xf32, #tpu.memory_space<vmem>>
    %dma_start3A_535 = arith.constant 0 : i32
    %dma_start3A_536 = arith.constant 0 : i32
    %dma_start3A_537 = tpu.memref_slice %arg3[%shift_right_arithmetic3A_516, %dma_start3A_535, %dma_start3A_536] : memref<125000x8x32xf32, #tpu.memory_space<hbm>> -> memref<1x8x32xf32, #tpu.memory_space<hbm>>
    %dma_start3A_538 = tpu.memref_squeeze %dma_start3A_537 : memref<1x8x32xf32, #tpu.memory_space<hbm>> -> memref<8x32xf32, #tpu.memory_space<hbm>>
    %dma_start3A_539 = arith.constant 0 : i32
    %dma_start3A_540 = tpu.memref_slice %arg10[%add3A_532, %dma_start3A_539] : memref<256x32xf32, #tpu.memory_space<vmem>> -> memref<8x32xf32, #tpu.memory_space<vmem>>
    %dma_start3A_541 = arith.constant 0 : i32
    %dma_start3A_542 = arith.constant 0 : i32
    %dma_start3A_543 = tpu.memref_slice %arg3[%shift_right_arithmetic3A_516, %dma_start3A_541, %dma_start3A_542] : memref<125000x8x32xf32, #tpu.memory_space<hbm>> -> memref<1x8x32xf32, #tpu.memory_space<hbm>>
    %dma_start3A_544 = tpu.memref_squeeze %dma_start3A_543 : memref<1x8x32xf32, #tpu.memory_space<hbm>> -> memref<8x32xf32, #tpu.memory_space<hbm>>
    tpu.enqueue_dma source(%dma_start3A_544 : memref<8x32xf32, #tpu.memory_space<hbm>>) target(%dma_start3A_540 : memref<8x32xf32, #tpu.memory_space<vmem>>) target_semaphore(%arg12 : memref<!tpu.dma_semaphore, #tpu.memory_space<semaphore_mem>>)
    %slice3A_545 = vector.extract_strided_slice %get3A_6 {offsets = [15], sizes = [1], strides = [1]} : vector<16xi32> to vector<1xi32>
    %squeeze3A_546 = vector.extract %slice3A_545[0] : i32 from vector<1xi32>
    %shift_right_arithmetic3A_547 = arith.constant 3 : i32
    %shift_right_arithmetic3A_548 = arith.shrsi %squeeze3A_546, %shift_right_arithmetic3A_547 : i32
    %slice3A_549 = vector.extract_strided_slice %get3A_8 {offsets = [15], sizes = [1], strides = [1]} : vector<16xi32> to vector<1xi32>
    %squeeze3A_550 = vector.extract %slice3A_549[0] : i32 from vector<1xi32>
    %shift_right_arithmetic3A_551 = arith.constant 3 : i32
    %shift_right_arithmetic3A_552 = arith.shrsi %squeeze3A_550, %shift_right_arithmetic3A_551 : i32
    %add3A_553 = arith.constant 120 : i32
    %add3A_554 = arith.addi %multiple_of3A_5, %add3A_553 : i32
    %dma_start3A_555 = arith.constant 0 : i32
    %dma_start3A_556 = tpu.memref_slice %arg9[%add3A_554, %dma_start3A_555] : memref<256x32xf32, #tpu.memory_space<vmem>> -> memref<8x32xf32, #tpu.memory_space<vmem>>
    %dma_start3A_557 = arith.constant 0 : i32
    %dma_start3A_558 = arith.constant 0 : i32
    %dma_start3A_559 = tpu.memref_slice %arg2[%shift_right_arithmetic3A_548, %dma_start3A_557, %dma_start3A_558] : memref<125000x8x32xf32, #tpu.memory_space<hbm>> -> memref<1x8x32xf32, #tpu.memory_space<hbm>>
    %dma_start3A_560 = tpu.memref_squeeze %dma_start3A_559 : memref<1x8x32xf32, #tpu.memory_space<hbm>> -> memref<8x32xf32, #tpu.memory_space<hbm>>
    %dma_start3A_561 = arith.constant 0 : i32
    %dma_start3A_562 = tpu.memref_slice %arg9[%add3A_554, %dma_start3A_561] : memref<256x32xf32, #tpu.memory_space<vmem>> -> memref<8x32xf32, #tpu.memory_space<vmem>>
    %dma_start3A_563 = arith.constant 0 : i32
    %dma_start3A_564 = arith.constant 0 : i32
    %dma_start3A_565 = tpu.memref_slice %arg2[%shift_right_arithmetic3A_548, %dma_start3A_563, %dma_start3A_564] : memref<125000x8x32xf32, #tpu.memory_space<hbm>> -> memref<1x8x32xf32, #tpu.memory_space<hbm>>
    %dma_start3A_566 = tpu.memref_squeeze %dma_start3A_565 : memref<1x8x32xf32, #tpu.memory_space<hbm>> -> memref<8x32xf32, #tpu.memory_space<hbm>>
    tpu.enqueue_dma source(%dma_start3A_566 : memref<8x32xf32, #tpu.memory_space<hbm>>) target(%dma_start3A_562 : memref<8x32xf32, #tpu.memory_space<vmem>>) target_semaphore(%arg12 : memref<!tpu.dma_semaphore, #tpu.memory_space<semaphore_mem>>)
    %add3A_567 = arith.constant 120 : i32
    %add3A_568 = arith.addi %multiple_of3A_5, %add3A_567 : i32
    %dma_start3A_569 = arith.constant 0 : i32
    %dma_start3A_570 = tpu.memref_slice %arg10[%add3A_568, %dma_start3A_569] : memref<256x32xf32, #tpu.memory_space<vmem>> -> memref<8x32xf32, #tpu.memory_space<vmem>>
    %dma_start3A_571 = arith.constant 0 : i32
    %dma_start3A_572 = arith.constant 0 : i32
    %dma_start3A_573 = tpu.memref_slice %arg3[%shift_right_arithmetic3A_552, %dma_start3A_571, %dma_start3A_572] : memref<125000x8x32xf32, #tpu.memory_space<hbm>> -> memref<1x8x32xf32, #tpu.memory_space<hbm>>
    %dma_start3A_574 = tpu.memref_squeeze %dma_start3A_573 : memref<1x8x32xf32, #tpu.memory_space<hbm>> -> memref<8x32xf32, #tpu.memory_space<hbm>>
    %dma_start3A_575 = arith.constant 0 : i32
    %dma_start3A_576 = tpu.memref_slice %arg10[%add3A_568, %dma_start3A_575] : memref<256x32xf32, #tpu.memory_space<vmem>> -> memref<8x32xf32, #tpu.memory_space<vmem>>
    %dma_start3A_577 = arith.constant 0 : i32
    %dma_start3A_578 = arith.constant 0 : i32
    %dma_start3A_579 = tpu.memref_slice %arg3[%shift_right_arithmetic3A_552, %dma_start3A_577, %dma_start3A_578] : memref<125000x8x32xf32, #tpu.memory_space<hbm>> -> memref<1x8x32xf32, #tpu.memory_space<hbm>>
    %dma_start3A_580 = tpu.memref_squeeze %dma_start3A_579 : memref<1x8x32xf32, #tpu.memory_space<hbm>> -> memref<8x32xf32, #tpu.memory_space<hbm>>
    tpu.enqueue_dma source(%dma_start3A_580 : memref<8x32xf32, #tpu.memory_space<hbm>>) target(%dma_start3A_576 : memref<8x32xf32, #tpu.memory_space<vmem>>) target_semaphore(%arg12 : memref<!tpu.dma_semaphore, #tpu.memory_space<semaphore_mem>>)
    %scan3A = arith.constant 0 : i32
    %scan3A_581 = arith.constant 0 : i32
    %scan3A_582 = arith.constant 31 : i32
    %scan3A_583 = arith.addi %scan3A_581, %scan3A_582 : i32
    %scan3A_584 = arith.constant 1 : i32
    %scan3A_585 = scf.for %scan3A_1285 = %scan3A_581 to %scan3A_583 step %scan3A_584 iter_args(%scan3A_1286 = %scan3A) -> (i32)  : i32 {
      %add3A_1287 = arith.constant 1 : i32
      %add3A_1288 = arith.addi %scan3A_1285, %add3A_1287 : i32
      %add3A_1289 = arith.constant 1 : i32
      %add3A_1290 = arith.addi %scan3A_1285, %add3A_1289 : i32
      %and3A_1291 = arith.constant 1 : i32
      %and3A_1292 = arith.andi %add3A_1290, %and3A_1291 : i32
      %mul3A_1293 = arith.constant 16 : i32
      %mul3A_1294 = arith.muli %add3A_1288, %mul3A_1293 : i32
      %multiple_of3A_1295 = tpu.assume_multiple %mul3A_1294, 16 : i32
      %mul3A_1296 = arith.constant 16 : i32
      %mul3A_1297 = arith.muli %and3A_1292, %mul3A_1296 : i32
      %mul3A_1298 = arith.constant 8 : i32
      %mul3A_1299 = arith.muli %mul3A_1297, %mul3A_1298 : i32
      %multiple_of3A_1300 = tpu.assume_multiple %mul3A_1299, 128 : i32
      %get3A_1301 = arith.index_cast %multiple_of3A_1295 : i32 to index
      %get3A_1302 = tpu.vector_load %arg7[%get3A_1301] {strides = array<i32>} : memref<512xi32, #tpu.memory_space<vmem>>, vector<16xi32>,
      %get3A_1303 = arith.index_cast %multiple_of3A_1295 : i32 to index
      %get3A_1304 = tpu.vector_load %arg8[%get3A_1303] {strides = array<i32>} : memref<512xi32, #tpu.memory_space<vmem>>, vector<16xi32>,
      %slice3A_1305 = vector.extract_strided_slice %get3A_1302 {offsets = [0], sizes = [1], strides = [1]} : vector<16xi32> to vector<1xi32>
      %squeeze3A_1306 = vector.extract %slice3A_1305[0] : i32 from vector<1xi32>
      %shift_right_arithmetic3A_1307 = arith.constant 3 : i32
      %shift_right_arithmetic3A_1308 = arith.shrsi %squeeze3A_1306, %shift_right_arithmetic3A_1307 : i32
      %slice3A_1309 = vector.extract_strided_slice %get3A_1304 {offsets = [0], sizes = [1], strides = [1]} : vector<16xi32> to vector<1xi32>
      %squeeze3A_1310 = vector.extract %slice3A_1309[0] : i32 from vector<1xi32>
      %shift_right_arithmetic3A_1311 = arith.constant 3 : i32
      %shift_right_arithmetic3A_1312 = arith.shrsi %squeeze3A_1310, %shift_right_arithmetic3A_1311 : i32
      %add3A_1313 = arith.constant 0 : i32
      %add3A_1314 = arith.addi %multiple_of3A_1300, %add3A_1313 : i32
      %dma_start3A_1315 = arith.constant 0 : i32
      %dma_start3A_1316 = tpu.memref_slice %arg9[%add3A_1314, %dma_start3A_1315] : memref<256x32xf32, #tpu.memory_space<vmem>> -> memref<8x32xf32, #tpu.memory_space<vmem>>
      %dma_start3A_1317 = arith.constant 0 : i32
      %dma_start3A_1318 = arith.constant 0 : i32
      %dma_start3A_1319 = tpu.memref_slice %arg2[%shift_right_arithmetic3A_1308, %dma_start3A_1317, %dma_start3A_1318] : memref<125000x8x32xf32, #tpu.memory_space<hbm>> -> memref<1x8x32xf32, #tpu.memory_space<hbm>>
      %dma_start3A_1320 = tpu.memref_squeeze %dma_start3A_1319 : memref<1x8x32xf32, #tpu.memory_space<hbm>> -> memref<8x32xf32, #tpu.memory_space<hbm>>
      %dma_start3A_1321 = arith.constant 0 : i32
      %dma_start3A_1322 = tpu.memref_slice %arg9[%add3A_1314, %dma_start3A_1321] : memref<256x32xf32, #tpu.memory_space<vmem>> -> memref<8x32xf32, #tpu.memory_space<vmem>>
      %dma_start3A_1323 = arith.constant 0 : i32
      %dma_start3A_1324 = arith.constant 0 : i32
      %dma_start3A_1325 = tpu.memref_slice %arg2[%shift_right_arithmetic3A_1308, %dma_start3A_1323, %dma_start3A_1324] : memref<125000x8x32xf32, #tpu.memory_space<hbm>> -> memref<1x8x32xf32, #tpu.memory_space<hbm>>
      %dma_start3A_1326 = tpu.memref_squeeze %dma_start3A_1325 : memref<1x8x32xf32, #tpu.memory_space<hbm>> -> memref<8x32xf32, #tpu.memory_space<hbm>>
      tpu.enqueue_dma source(%dma_start3A_1326 : memref<8x32xf32, #tpu.memory_space<hbm>>) target(%dma_start3A_1322 : memref<8x32xf32, #tpu.memory_space<vmem>>) target_semaphore(%arg12 : memref<!tpu.dma_semaphore, #tpu.memory_space<semaphore_mem>>)
      %add3A_1327 = arith.constant 0 : i32
      %add3A_1328 = arith.addi %multiple_of3A_1300, %add3A_1327 : i32
      %dma_start3A_1329 = arith.constant 0 : i32
      %dma_start3A_1330 = tpu.memref_slice %arg10[%add3A_1328, %dma_start3A_1329] : memref<256x32xf32, #tpu.memory_space<vmem>> -> memref<8x32xf32, #tpu.memory_space<vmem>>
      %dma_start3A_1331 = arith.constant 0 : i32
      %dma_start3A_1332 = arith.constant 0 : i32
      %dma_start3A_1333 = tpu.memref_slice %arg3[%shift_right_arithmetic3A_1312, %dma_start3A_1331, %dma_start3A_1332] : memref<125000x8x32xf32, #tpu.memory_space<hbm>> -> memref<1x8x32xf32, #tpu.memory_space<hbm>>
      %dma_start3A_1334 = tpu.memref_squeeze %dma_start3A_1333 : memref<1x8x32xf32, #tpu.memory_space<hbm>> -> memref<8x32xf32, #tpu.memory_space<hbm>>
      %dma_start3A_1335 = arith.constant 0 : i32
      %dma_start3A_1336 = tpu.memref_slice %arg10[%add3A_1328, %dma_start3A_1335] : memref<256x32xf32, #tpu.memory_space<vmem>> -> memref<8x32xf32, #tpu.memory_space<vmem>>
      %dma_start3A_1337 = arith.constant 0 : i32
      %dma_start3A_1338 = arith.constant 0 : i32
      %dma_start3A_1339 = tpu.memref_slice %arg3[%shift_right_arithmetic3A_1312, %dma_start3A_1337, %dma_start3A_1338] : memref<125000x8x32xf32, #tpu.memory_space<hbm>> -> memref<1x8x32xf32, #tpu.memory_space<hbm>>
      %dma_start3A_1340 = tpu.memref_squeeze %dma_start3A_1339 : memref<1x8x32xf32, #tpu.memory_space<hbm>> -> memref<8x32xf32, #tpu.memory_space<hbm>>
      tpu.enqueue_dma source(%dma_start3A_1340 : memref<8x32xf32, #tpu.memory_space<hbm>>) target(%dma_start3A_1336 : memref<8x32xf32, #tpu.memory_space<vmem>>) target_semaphore(%arg12 : memref<!tpu.dma_semaphore, #tpu.memory_space<semaphore_mem>>)
      %slice3A_1341 = vector.extract_strided_slice %get3A_1302 {offsets = [1], sizes = [1], strides = [1]} : vector<16xi32> to vector<1xi32>
      %squeeze3A_1342 = vector.extract %slice3A_1341[0] : i32 from vector<1xi32>
      %shift_right_arithmetic3A_1343 = arith.constant 3 : i32
      %shift_right_arithmetic3A_1344 = arith.shrsi %squeeze3A_1342, %shift_right_arithmetic3A_1343 : i32
      %slice3A_1345 = vector.extract_strided_slice %get3A_1304 {offsets = [1], sizes = [1], strides = [1]} : vector<16xi32> to vector<1xi32>
      %squeeze3A_1346 = vector.extract %slice3A_1345[0] : i32 from vector<1xi32>
      %shift_right_arithmetic3A_1347 = arith.constant 3 : i32
      %shift_right_arithmetic3A_1348 = arith.shrsi %squeeze3A_1346, %shift_right_arithmetic3A_1347 : i32
      %add3A_1349 = arith.constant 8 : i32
      %add3A_1350 = arith.addi %multiple_of3A_1300, %add3A_1349 : i32
      %dma_start3A_1351 = arith.constant 0 : i32
      %dma_start3A_1352 = tpu.memref_slice %arg9[%add3A_1350, %dma_start3A_1351] : memref<256x32xf32, #tpu.memory_space<vmem>> -> memref<8x32xf32, #tpu.memory_space<vmem>>
      %dma_start3A_1353 = arith.constant 0 : i32
      %dma_start3A_1354 = arith.constant 0 : i32
      %dma_start3A_1355 = tpu.memref_slice %arg2[%shift_right_arithmetic3A_1344, %dma_start3A_1353, %dma_start3A_1354] : memref<125000x8x32xf32, #tpu.memory_space<hbm>> -> memref<1x8x32xf32, #tpu.memory_space<hbm>>
      %dma_start3A_1356 = tpu.memref_squeeze %dma_start3A_1355 : memref<1x8x32xf32, #tpu.memory_space<hbm>> -> memref<8x32xf32, #tpu.memory_space<hbm>>
      %dma_start3A_1357 = arith.constant 0 : i32
      %dma_start3A_1358 = tpu.memref_slice %arg9[%add3A_1350, %dma_start3A_1357] : memref<256x32xf32, #tpu.memory_space<vmem>> -> memref<8x32xf32, #tpu.memory_space<vmem>>
      %dma_start3A_1359 = arith.constant 0 : i32
      %dma_start3A_1360 = arith.constant 0 : i32
      %dma_start3A_1361 = tpu.memref_slice %arg2[%shift_right_arithmetic3A_1344, %dma_start3A_1359, %dma_start3A_1360] : memref<125000x8x32xf32, #tpu.memory_space<hbm>> -> memref<1x8x32xf32, #tpu.memory_space<hbm>>
      %dma_start3A_1362 = tpu.memref_squeeze %dma_start3A_1361 : memref<1x8x32xf32, #tpu.memory_space<hbm>> -> memref<8x32xf32, #tpu.memory_space<hbm>>
      tpu.enqueue_dma source(%dma_start3A_1362 : memref<8x32xf32, #tpu.memory_space<hbm>>) target(%dma_start3A_1358 : memref<8x32xf32, #tpu.memory_space<vmem>>) target_semaphore(%arg12 : memref<!tpu.dma_semaphore, #tpu.memory_space<semaphore_mem>>)
      %add3A_1363 = arith.constant 8 : i32
      %add3A_1364 = arith.addi %multiple_of3A_1300, %add3A_1363 : i32
      %dma_start3A_1365 = arith.constant 0 : i32
      %dma_start3A_1366 = tpu.memref_slice %arg10[%add3A_1364, %dma_start3A_1365] : memref<256x32xf32, #tpu.memory_space<vmem>> -> memref<8x32xf32, #tpu.memory_space<vmem>>
      %dma_start3A_1367 = arith.constant 0 : i32
      %dma_start3A_1368 = arith.constant 0 : i32
      %dma_start3A_1369 = tpu.memref_slice %arg3[%shift_right_arithmetic3A_1348, %dma_start3A_1367, %dma_start3A_1368] : memref<125000x8x32xf32, #tpu.memory_space<hbm>> -> memref<1x8x32xf32, #tpu.memory_space<hbm>>
      %dma_start3A_1370 = tpu.memref_squeeze %dma_start3A_1369 : memref<1x8x32xf32, #tpu.memory_space<hbm>> -> memref<8x32xf32, #tpu.memory_space<hbm>>
      %dma_start3A_1371 = arith.constant 0 : i32
      %dma_start3A_1372 = tpu.memref_slice %arg10[%add3A_1364, %dma_start3A_1371] : memref<256x32xf32, #tpu.memory_space<vmem>> -> memref<8x32xf32, #tpu.memory_space<vmem>>
      %dma_start3A_1373 = arith.constant 0 : i32
      %dma_start3A_1374 = arith.constant 0 : i32
      %dma_start3A_1375 = tpu.memref_slice %arg3[%shift_right_arithmetic3A_1348, %dma_start3A_1373, %dma_start3A_1374] : memref<125000x8x32xf32, #tpu.memory_space<hbm>> -> memref<1x8x32xf32, #tpu.memory_space<hbm>>
      %dma_start3A_1376 = tpu.memref_squeeze %dma_start3A_1375 : memref<1x8x32xf32, #tpu.memory_space<hbm>> -> memref<8x32xf32, #tpu.memory_space<hbm>>
      tpu.enqueue_dma source(%dma_start3A_1376 : memref<8x32xf32, #tpu.memory_space<hbm>>) target(%dma_start3A_1372 : memref<8x32xf32, #tpu.memory_space<vmem>>) target_semaphore(%arg12 : memref<!tpu.dma_semaphore, #tpu.memory_space<semaphore_mem>>)
      %slice3A_1377 = vector.extract_strided_slice %get3A_1302 {offsets = [2], sizes = [1], strides = [1]} : vector<16xi32> to vector<1xi32>
      %squeeze3A_1378 = vector.extract %slice3A_1377[0] : i32 from vector<1xi32>
      %shift_right_arithmetic3A_1379 = arith.constant 3 : i32
      %shift_right_arithmetic3A_1380 = arith.shrsi %squeeze3A_1378, %shift_right_arithmetic3A_1379 : i32
      %slice3A_1381 = vector.extract_strided_slice %get3A_1304 {offsets = [2], sizes = [1], strides = [1]} : vector<16xi32> to vector<1xi32>
      %squeeze3A_1382 = vector.extract %slice3A_1381[0] : i32 from vector<1xi32>
      %shift_right_arithmetic3A_1383 = arith.constant 3 : i32
      %shift_right_arithmetic3A_1384 = arith.shrsi %squeeze3A_1382, %shift_right_arithmetic3A_1383 : i32
      %add3A_1385 = arith.constant 16 : i32
      %add3A_1386 = arith.addi %multiple_of3A_1300, %add3A_1385 : i32
      %dma_start3A_1387 = arith.constant 0 : i32
      %dma_start3A_1388 = tpu.memref_slice %arg9[%add3A_1386, %dma_start3A_1387] : memref<256x32xf32, #tpu.memory_space<vmem>> -> memref<8x32xf32, #tpu.memory_space<vmem>>
      %dma_start3A_1389 = arith.constant 0 : i32
      %dma_start3A_1390 = arith.constant 0 : i32
      %dma_start3A_1391 = tpu.memref_slice %arg2[%shift_right_arithmetic3A_1380, %dma_start3A_1389, %dma_start3A_1390] : memref<125000x8x32xf32, #tpu.memory_space<hbm>> -> memref<1x8x32xf32, #tpu.memory_space<hbm>>
      %dma_start3A_1392 = tpu.memref_squeeze %dma_start3A_1391 : memref<1x8x32xf32, #tpu.memory_space<hbm>> -> memref<8x32xf32, #tpu.memory_space<hbm>>
      %dma_start3A_1393 = arith.constant 0 : i32
      %dma_start3A_1394 = tpu.memref_slice %arg9[%add3A_1386, %dma_start3A_1393] : memref<256x32xf32, #tpu.memory_space<vmem>> -> memref<8x32xf32, #tpu.memory_space<vmem>>
      %dma_start3A_1395 = arith.constant 0 : i32
      %dma_start3A_1396 = arith.constant 0 : i32
      %dma_start3A_1397 = tpu.memref_slice %arg2[%shift_right_arithmetic3A_1380, %dma_start3A_1395, %dma_start3A_1396] : memref<125000x8x32xf32, #tpu.memory_space<hbm>> -> memref<1x8x32xf32, #tpu.memory_space<hbm>>
      %dma_start3A_1398 = tpu.memref_squeeze %dma_start3A_1397 : memref<1x8x32xf32, #tpu.memory_space<hbm>> -> memref<8x32xf32, #tpu.memory_space<hbm>>
      tpu.enqueue_dma source(%dma_start3A_1398 : memref<8x32xf32, #tpu.memory_space<hbm>>) target(%dma_start3A_1394 : memref<8x32xf32, #tpu.memory_space<vmem>>) target_semaphore(%arg12 : memref<!tpu.dma_semaphore, #tpu.memory_space<semaphore_mem>>)
      %add3A_1399 = arith.constant 16 : i32
      %add3A_1400 = arith.addi %multiple_of3A_1300, %add3A_1399 : i32
      %dma_start3A_1401 = arith.constant 0 : i32
      %dma_start3A_1402 = tpu.memref_slice %arg10[%add3A_1400, %dma_start3A_1401] : memref<256x32xf32, #tpu.memory_space<vmem>> -> memref<8x32xf32, #tpu.memory_space<vmem>>
      %dma_start3A_1403 = arith.constant 0 : i32
      %dma_start3A_1404 = arith.constant 0 : i32
      %dma_start3A_1405 = tpu.memref_slice %arg3[%shift_right_arithmetic3A_1384, %dma_start3A_1403, %dma_start3A_1404] : memref<125000x8x32xf32, #tpu.memory_space<hbm>> -> memref<1x8x32xf32, #tpu.memory_space<hbm>>
      %dma_start3A_1406 = tpu.memref_squeeze %dma_start3A_1405 : memref<1x8x32xf32, #tpu.memory_space<hbm>> -> memref<8x32xf32, #tpu.memory_space<hbm>>
      %dma_start3A_1407 = arith.constant 0 : i32
      %dma_start3A_1408 = tpu.memref_slice %arg10[%add3A_1400, %dma_start3A_1407] : memref<256x32xf32, #tpu.memory_space<vmem>> -> memref<8x32xf32, #tpu.memory_space<vmem>>
      %dma_start3A_1409 = arith.constant 0 : i32
      %dma_start3A_1410 = arith.constant 0 : i32
      %dma_start3A_1411 = tpu.memref_slice %arg3[%shift_right_arithmetic3A_1384, %dma_start3A_1409, %dma_start3A_1410] : memref<125000x8x32xf32, #tpu.memory_space<hbm>> -> memref<1x8x32xf32, #tpu.memory_space<hbm>>
      %dma_start3A_1412 = tpu.memref_squeeze %dma_start3A_1411 : memref<1x8x32xf32, #tpu.memory_space<hbm>> -> memref<8x32xf32, #tpu.memory_space<hbm>>
      tpu.enqueue_dma source(%dma_start3A_1412 : memref<8x32xf32, #tpu.memory_space<hbm>>) target(%dma_start3A_1408 : memref<8x32xf32, #tpu.memory_space<vmem>>) target_semaphore(%arg12 : memref<!tpu.dma_semaphore, #tpu.memory_space<semaphore_mem>>)
      %slice3A_1413 = vector.extract_strided_slice %get3A_1302 {offsets = [3], sizes = [1], strides = [1]} : vector<16xi32> to vector<1xi32>
      %squeeze3A_1414 = vector.extract %slice3A_1413[0] : i32 from vector<1xi32>
      %shift_right_arithmetic3A_1415 = arith.constant 3 : i32
      %shift_right_arithmetic3A_1416 = arith.shrsi %squeeze3A_1414, %shift_right_arithmetic3A_1415 : i32
      %slice3A_1417 = vector.extract_strided_slice %get3A_1304 {offsets = [3], sizes = [1], strides = [1]} : vector<16xi32> to vector<1xi32>
      %squeeze3A_1418 = vector.extract %slice3A_1417[0] : i32 from vector<1xi32>
      %shift_right_arithmetic3A_1419 = arith.constant 3 : i32
      %shift_right_arithmetic3A_1420 = arith.shrsi %squeeze3A_1418, %shift_right_arithmetic3A_1419 : i32
      %add3A_1421 = arith.constant 24 : i32
      %add3A_1422 = arith.addi %multiple_of3A_1300, %add3A_1421 : i32
      %dma_start3A_1423 = arith.constant 0 : i32
      %dma_start3A_1424 = tpu.memref_slice %arg9[%add3A_1422, %dma_start3A_1423] : memref<256x32xf32, #tpu.memory_space<vmem>> -> memref<8x32xf32, #tpu.memory_space<vmem>>
      %dma_start3A_1425 = arith.constant 0 : i32
      %dma_start3A_1426 = arith.constant 0 : i32
      %dma_start3A_1427 = tpu.memref_slice %arg2[%shift_right_arithmetic3A_1416, %dma_start3A_1425, %dma_start3A_1426] : memref<125000x8x32xf32, #tpu.memory_space<hbm>> -> memref<1x8x32xf32, #tpu.memory_space<hbm>>
      %dma_start3A_1428 = tpu.memref_squeeze %dma_start3A_1427 : memref<1x8x32xf32, #tpu.memory_space<hbm>> -> memref<8x32xf32, #tpu.memory_space<hbm>>
      %dma_start3A_1429 = arith.constant 0 : i32
      %dma_start3A_1430 = tpu.memref_slice %arg9[%add3A_1422, %dma_start3A_1429] : memref<256x32xf32, #tpu.memory_space<vmem>> -> memref<8x32xf32, #tpu.memory_space<vmem>>
      %dma_start3A_1431 = arith.constant 0 : i32
      %dma_start3A_1432 = arith.constant 0 : i32
      %dma_start3A_1433 = tpu.memref_slice %arg2[%shift_right_arithmetic3A_1416, %dma_start3A_1431, %dma_start3A_1432] : memref<125000x8x32xf32, #tpu.memory_space<hbm>> -> memref<1x8x32xf32, #tpu.memory_space<hbm>>
      %dma_start3A_1434 = tpu.memref_squeeze %dma_start3A_1433 : memref<1x8x32xf32, #tpu.memory_space<hbm>> -> memref<8x32xf32, #tpu.memory_space<hbm>>
      tpu.enqueue_dma source(%dma_start3A_1434 : memref<8x32xf32, #tpu.memory_space<hbm>>) target(%dma_start3A_1430 : memref<8x32xf32, #tpu.memory_space<vmem>>) target_semaphore(%arg12 : memref<!tpu.dma_semaphore, #tpu.memory_space<semaphore_mem>>)
      %add3A_1435 = arith.constant 24 : i32
      %add3A_1436 = arith.addi %multiple_of3A_1300, %add3A_1435 : i32
      %dma_start3A_1437 = arith.constant 0 : i32
      %dma_start3A_1438 = tpu.memref_slice %arg10[%add3A_1436, %dma_start3A_1437] : memref<256x32xf32, #tpu.memory_space<vmem>> -> memref<8x32xf32, #tpu.memory_space<vmem>>
      %dma_start3A_1439 = arith.constant 0 : i32
      %dma_start3A_1440 = arith.constant 0 : i32
      %dma_start3A_1441 = tpu.memref_slice %arg3[%shift_right_arithmetic3A_1420, %dma_start3A_1439, %dma_start3A_1440] : memref<125000x8x32xf32, #tpu.memory_space<hbm>> -> memref<1x8x32xf32, #tpu.memory_space<hbm>>
      %dma_start3A_1442 = tpu.memref_squeeze %dma_start3A_1441 : memref<1x8x32xf32, #tpu.memory_space<hbm>> -> memref<8x32xf32, #tpu.memory_space<hbm>>
      %dma_start3A_1443 = arith.constant 0 : i32
      %dma_start3A_1444 = tpu.memref_slice %arg10[%add3A_1436, %dma_start3A_1443] : memref<256x32xf32, #tpu.memory_space<vmem>> -> memref<8x32xf32, #tpu.memory_space<vmem>>
      %dma_start3A_1445 = arith.constant 0 : i32
      %dma_start3A_1446 = arith.constant 0 : i32
      %dma_start3A_1447 = tpu.memref_slice %arg3[%shift_right_arithmetic3A_1420, %dma_start3A_1445, %dma_start3A_1446] : memref<125000x8x32xf32, #tpu.memory_space<hbm>> -> memref<1x8x32xf32, #tpu.memory_space<hbm>>
      %dma_start3A_1448 = tpu.memref_squeeze %dma_start3A_1447 : memref<1x8x32xf32, #tpu.memory_space<hbm>> -> memref<8x32xf32, #tpu.memory_space<hbm>>
      tpu.enqueue_dma source(%dma_start3A_1448 : memref<8x32xf32, #tpu.memory_space<hbm>>) target(%dma_start3A_1444 : memref<8x32xf32, #tpu.memory_space<vmem>>) target_semaphore(%arg12 : memref<!tpu.dma_semaphore, #tpu.memory_space<semaphore_mem>>)
      %slice3A_1449 = vector.extract_strided_slice %get3A_1302 {offsets = [4], sizes = [1], strides = [1]} : vector<16xi32> to vector<1xi32>
      %squeeze3A_1450 = vector.extract %slice3A_1449[0] : i32 from vector<1xi32>
      %shift_right_arithmetic3A_1451 = arith.constant 3 : i32
      %shift_right_arithmetic3A_1452 = arith.shrsi %squeeze3A_1450, %shift_right_arithmetic3A_1451 : i32
      %slice3A_1453 = vector.extract_strided_slice %get3A_1304 {offsets = [4], sizes = [1], strides = [1]} : vector<16xi32> to vector<1xi32>
      %squeeze3A_1454 = vector.extract %slice3A_1453[0] : i32 from vector<1xi32>
      %shift_right_arithmetic3A_1455 = arith.constant 3 : i32
      %shift_right_arithmetic3A_1456 = arith.shrsi %squeeze3A_1454, %shift_right_arithmetic3A_1455 : i32
      %add3A_1457 = arith.constant 32 : i32
      %add3A_1458 = arith.addi %multiple_of3A_1300, %add3A_1457 : i32
      %dma_start3A_1459 = arith.constant 0 : i32
      %dma_start3A_1460 = tpu.memref_slice %arg9[%add3A_1458, %dma_start3A_1459] : memref<256x32xf32, #tpu.memory_space<vmem>> -> memref<8x32xf32, #tpu.memory_space<vmem>>
      %dma_start3A_1461 = arith.constant 0 : i32
      %dma_start3A_1462 = arith.constant 0 : i32
      %dma_start3A_1463 = tpu.memref_slice %arg2[%shift_right_arithmetic3A_1452, %dma_start3A_1461, %dma_start3A_1462] : memref<125000x8x32xf32, #tpu.memory_space<hbm>> -> memref<1x8x32xf32, #tpu.memory_space<hbm>>
      %dma_start3A_1464 = tpu.memref_squeeze %dma_start3A_1463 : memref<1x8x32xf32, #tpu.memory_space<hbm>> -> memref<8x32xf32, #tpu.memory_space<hbm>>
      %dma_start3A_1465 = arith.constant 0 : i32
      %dma_start3A_1466 = tpu.memref_slice %arg9[%add3A_1458, %dma_start3A_1465] : memref<256x32xf32, #tpu.memory_space<vmem>> -> memref<8x32xf32, #tpu.memory_space<vmem>>
      %dma_start3A_1467 = arith.constant 0 : i32
      %dma_start3A_1468 = arith.constant 0 : i32
      %dma_start3A_1469 = tpu.memref_slice %arg2[%shift_right_arithmetic3A_1452, %dma_start3A_1467, %dma_start3A_1468] : memref<125000x8x32xf32, #tpu.memory_space<hbm>> -> memref<1x8x32xf32, #tpu.memory_space<hbm>>
      %dma_start3A_1470 = tpu.memref_squeeze %dma_start3A_1469 : memref<1x8x32xf32, #tpu.memory_space<hbm>> -> memref<8x32xf32, #tpu.memory_space<hbm>>
      tpu.enqueue_dma source(%dma_start3A_1470 : memref<8x32xf32, #tpu.memory_space<hbm>>) target(%dma_start3A_1466 : memref<8x32xf32, #tpu.memory_space<vmem>>) target_semaphore(%arg12 : memref<!tpu.dma_semaphore, #tpu.memory_space<semaphore_mem>>)
      %add3A_1471 = arith.constant 32 : i32
      %add3A_1472 = arith.addi %multiple_of3A_1300, %add3A_1471 : i32
      %dma_start3A_1473 = arith.constant 0 : i32
      %dma_start3A_1474 = tpu.memref_slice %arg10[%add3A_1472, %dma_start3A_1473] : memref<256x32xf32, #tpu.memory_space<vmem>> -> memref<8x32xf32, #tpu.memory_space<vmem>>
      %dma_start3A_1475 = arith.constant 0 : i32
      %dma_start3A_1476 = arith.constant 0 : i32
      %dma_start3A_1477 = tpu.memref_slice %arg3[%shift_right_arithmetic3A_1456, %dma_start3A_1475, %dma_start3A_1476] : memref<125000x8x32xf32, #tpu.memory_space<hbm>> -> memref<1x8x32xf32, #tpu.memory_space<hbm>>
      %dma_start3A_1478 = tpu.memref_squeeze %dma_start3A_1477 : memref<1x8x32xf32, #tpu.memory_space<hbm>> -> memref<8x32xf32, #tpu.memory_space<hbm>>
      %dma_start3A_1479 = arith.constant 0 : i32
      %dma_start3A_1480 = tpu.memref_slice %arg10[%add3A_1472, %dma_start3A_1479] : memref<256x32xf32, #tpu.memory_space<vmem>> -> memref<8x32xf32, #tpu.memory_space<vmem>>
      %dma_start3A_1481 = arith.constant 0 : i32
      %dma_start3A_1482 = arith.constant 0 : i32
      %dma_start3A_1483 = tpu.memref_slice %arg3[%shift_right_arithmetic3A_1456, %dma_start3A_1481, %dma_start3A_1482] : memref<125000x8x32xf32, #tpu.memory_space<hbm>> -> memref<1x8x32xf32, #tpu.memory_space<hbm>>
      %dma_start3A_1484 = tpu.memref_squeeze %dma_start3A_1483 : memref<1x8x32xf32, #tpu.memory_space<hbm>> -> memref<8x32xf32, #tpu.memory_space<hbm>>
      tpu.enqueue_dma source(%dma_start3A_1484 : memref<8x32xf32, #tpu.memory_space<hbm>>) target(%dma_start3A_1480 : memref<8x32xf32, #tpu.memory_space<vmem>>) target_semaphore(%arg12 : memref<!tpu.dma_semaphore, #tpu.memory_space<semaphore_mem>>)
      %slice3A_1485 = vector.extract_strided_slice %get3A_1302 {offsets = [5], sizes = [1], strides = [1]} : vector<16xi32> to vector<1xi32>
      %squeeze3A_1486 = vector.extract %slice3A_1485[0] : i32 from vector<1xi32>
      %shift_right_arithmetic3A_1487 = arith.constant 3 : i32
      %shift_right_arithmetic3A_1488 = arith.shrsi %squeeze3A_1486, %shift_right_arithmetic3A_1487 : i32
      %slice3A_1489 = vector.extract_strided_slice %get3A_1304 {offsets = [5], sizes = [1], strides = [1]} : vector<16xi32> to vector<1xi32>
      %squeeze3A_1490 = vector.extract %slice3A_1489[0] : i32 from vector<1xi32>
      %shift_right_arithmetic3A_1491 = arith.constant 3 : i32
      %shift_right_arithmetic3A_1492 = arith.shrsi %squeeze3A_1490, %shift_right_arithmetic3A_1491 : i32
      %add3A_1493 = arith.constant 40 : i32
      %add3A_1494 = arith.addi %multiple_of3A_1300, %add3A_1493 : i32
      %dma_start3A_1495 = arith.constant 0 : i32
      %dma_start3A_1496 = tpu.memref_slice %arg9[%add3A_1494, %dma_start3A_1495] : memref<256x32xf32, #tpu.memory_space<vmem>> -> memref<8x32xf32, #tpu.memory_space<vmem>>
      %dma_start3A_1497 = arith.constant 0 : i32
      %dma_start3A_1498 = arith.constant 0 : i32
      %dma_start3A_1499 = tpu.memref_slice %arg2[%shift_right_arithmetic3A_1488, %dma_start3A_1497, %dma_start3A_1498] : memref<125000x8x32xf32, #tpu.memory_space<hbm>> -> memref<1x8x32xf32, #tpu.memory_space<hbm>>
      %dma_start3A_1500 = tpu.memref_squeeze %dma_start3A_1499 : memref<1x8x32xf32, #tpu.memory_space<hbm>> -> memref<8x32xf32, #tpu.memory_space<hbm>>
      %dma_start3A_1501 = arith.constant 0 : i32
      %dma_start3A_1502 = tpu.memref_slice %arg9[%add3A_1494, %dma_start3A_1501] : memref<256x32xf32, #tpu.memory_space<vmem>> -> memref<8x32xf32, #tpu.memory_space<vmem>>
      %dma_start3A_1503 = arith.constant 0 : i32
      %dma_start3A_1504 = arith.constant 0 : i32
      %dma_start3A_1505 = tpu.memref_slice %arg2[%shift_right_arithmetic3A_1488, %dma_start3A_1503, %dma_start3A_1504] : memref<125000x8x32xf32, #tpu.memory_space<hbm>> -> memref<1x8x32xf32, #tpu.memory_space<hbm>>
      %dma_start3A_1506 = tpu.memref_squeeze %dma_start3A_1505 : memref<1x8x32xf32, #tpu.memory_space<hbm>> -> memref<8x32xf32, #tpu.memory_space<hbm>>
      tpu.enqueue_dma source(%dma_start3A_1506 : memref<8x32xf32, #tpu.memory_space<hbm>>) target(%dma_start3A_1502 : memref<8x32xf32, #tpu.memory_space<vmem>>) target_semaphore(%arg12 : memref<!tpu.dma_semaphore, #tpu.memory_space<semaphore_mem>>)
      %add3A_1507 = arith.constant 40 : i32
      %add3A_1508 = arith.addi %multiple_of3A_1300, %add3A_1507 : i32
      %dma_start3A_1509 = arith.constant 0 : i32
      %dma_start3A_1510 = tpu.memref_slice %arg10[%add3A_1508, %dma_start3A_1509] : memref<256x32xf32, #tpu.memory_space<vmem>> -> memref<8x32xf32, #tpu.memory_space<vmem>>
      %dma_start3A_1511 = arith.constant 0 : i32
      %dma_start3A_1512 = arith.constant 0 : i32
      %dma_start3A_1513 = tpu.memref_slice %arg3[%shift_right_arithmetic3A_1492, %dma_start3A_1511, %dma_start3A_1512] : memref<125000x8x32xf32, #tpu.memory_space<hbm>> -> memref<1x8x32xf32, #tpu.memory_space<hbm>>
      %dma_start3A_1514 = tpu.memref_squeeze %dma_start3A_1513 : memref<1x8x32xf32, #tpu.memory_space<hbm>> -> memref<8x32xf32, #tpu.memory_space<hbm>>
      %dma_start3A_1515 = arith.constant 0 : i32
      %dma_start3A_1516 = tpu.memref_slice %arg10[%add3A_1508, %dma_start3A_1515] : memref<256x32xf32, #tpu.memory_space<vmem>> -> memref<8x32xf32, #tpu.memory_space<vmem>>
      %dma_start3A_1517 = arith.constant 0 : i32
      %dma_start3A_1518 = arith.constant 0 : i32
      %dma_start3A_1519 = tpu.memref_slice %arg3[%shift_right_arithmetic3A_1492, %dma_start3A_1517, %dma_start3A_1518] : memref<125000x8x32xf32, #tpu.memory_space<hbm>> -> memref<1x8x32xf32, #tpu.memory_space<hbm>>
      %dma_start3A_1520 = tpu.memref_squeeze %dma_start3A_1519 : memref<1x8x32xf32, #tpu.memory_space<hbm>> -> memref<8x32xf32, #tpu.memory_space<hbm>>
      tpu.enqueue_dma source(%dma_start3A_1520 : memref<8x32xf32, #tpu.memory_space<hbm>>) target(%dma_start3A_1516 : memref<8x32xf32, #tpu.memory_space<vmem>>) target_semaphore(%arg12 : memref<!tpu.dma_semaphore, #tpu.memory_space<semaphore_mem>>)
      %slice3A_1521 = vector.extract_strided_slice %get3A_1302 {offsets = [6], sizes = [1], strides = [1]} : vector<16xi32> to vector<1xi32>
      %squeeze3A_1522 = vector.extract %slice3A_1521[0] : i32 from vector<1xi32>
      %shift_right_arithmetic3A_1523 = arith.constant 3 : i32
      %shift_right_arithmetic3A_1524 = arith.shrsi %squeeze3A_1522, %shift_right_arithmetic3A_1523 : i32
      %slice3A_1525 = vector.extract_strided_slice %get3A_1304 {offsets = [6], sizes = [1], strides = [1]} : vector<16xi32> to vector<1xi32>
      %squeeze3A_1526 = vector.extract %slice3A_1525[0] : i32 from vector<1xi32>
      %shift_right_arithmetic3A_1527 = arith.constant 3 : i32
      %shift_right_arithmetic3A_1528 = arith.shrsi %squeeze3A_1526, %shift_right_arithmetic3A_1527 : i32
      %add3A_1529 = arith.constant 48 : i32
      %add3A_1530 = arith.addi %multiple_of3A_1300, %add3A_1529 : i32
      %dma_start3A_1531 = arith.constant 0 : i32
      %dma_start3A_1532 = tpu.memref_slice %arg9[%add3A_1530, %dma_start3A_1531] : memref<256x32xf32, #tpu.memory_space<vmem>> -> memref<8x32xf32, #tpu.memory_space<vmem>>
      %dma_start3A_1533 = arith.constant 0 : i32
      %dma_start3A_1534 = arith.constant 0 : i32
      %dma_start3A_1535 = tpu.memref_slice %arg2[%shift_right_arithmetic3A_1524, %dma_start3A_1533, %dma_start3A_1534] : memref<125000x8x32xf32, #tpu.memory_space<hbm>> -> memref<1x8x32xf32, #tpu.memory_space<hbm>>
      %dma_start3A_1536 = tpu.memref_squeeze %dma_start3A_1535 : memref<1x8x32xf32, #tpu.memory_space<hbm>> -> memref<8x32xf32, #tpu.memory_space<hbm>>
      %dma_start3A_1537 = arith.constant 0 : i32
      %dma_start3A_1538 = tpu.memref_slice %arg9[%add3A_1530, %dma_start3A_1537] : memref<256x32xf32, #tpu.memory_space<vmem>> -> memref<8x32xf32, #tpu.memory_space<vmem>>
      %dma_start3A_1539 = arith.constant 0 : i32
      %dma_start3A_1540 = arith.constant 0 : i32
      %dma_start3A_1541 = tpu.memref_slice %arg2[%shift_right_arithmetic3A_1524, %dma_start3A_1539, %dma_start3A_1540] : memref<125000x8x32xf32, #tpu.memory_space<hbm>> -> memref<1x8x32xf32, #tpu.memory_space<hbm>>
      %dma_start3A_1542 = tpu.memref_squeeze %dma_start3A_1541 : memref<1x8x32xf32, #tpu.memory_space<hbm>> -> memref<8x32xf32, #tpu.memory_space<hbm>>
      tpu.enqueue_dma source(%dma_start3A_1542 : memref<8x32xf32, #tpu.memory_space<hbm>>) target(%dma_start3A_1538 : memref<8x32xf32, #tpu.memory_space<vmem>>) target_semaphore(%arg12 : memref<!tpu.dma_semaphore, #tpu.memory_space<semaphore_mem>>)
      %add3A_1543 = arith.constant 48 : i32
      %add3A_1544 = arith.addi %multiple_of3A_1300, %add3A_1543 : i32
      %dma_start3A_1545 = arith.constant 0 : i32
      %dma_start3A_1546 = tpu.memref_slice %arg10[%add3A_1544, %dma_start3A_1545] : memref<256x32xf32, #tpu.memory_space<vmem>> -> memref<8x32xf32, #tpu.memory_space<vmem>>
      %dma_start3A_1547 = arith.constant 0 : i32
      %dma_start3A_1548 = arith.constant 0 : i32
      %dma_start3A_1549 = tpu.memref_slice %arg3[%shift_right_arithmetic3A_1528, %dma_start3A_1547, %dma_start3A_1548] : memref<125000x8x32xf32, #tpu.memory_space<hbm>> -> memref<1x8x32xf32, #tpu.memory_space<hbm>>
      %dma_start3A_1550 = tpu.memref_squeeze %dma_start3A_1549 : memref<1x8x32xf32, #tpu.memory_space<hbm>> -> memref<8x32xf32, #tpu.memory_space<hbm>>
      %dma_start3A_1551 = arith.constant 0 : i32
      %dma_start3A_1552 = tpu.memref_slice %arg10[%add3A_1544, %dma_start3A_1551] : memref<256x32xf32, #tpu.memory_space<vmem>> -> memref<8x32xf32, #tpu.memory_space<vmem>>
      %dma_start3A_1553 = arith.constant 0 : i32
      %dma_start3A_1554 = arith.constant 0 : i32
      %dma_start3A_1555 = tpu.memref_slice %arg3[%shift_right_arithmetic3A_1528, %dma_start3A_1553, %dma_start3A_1554] : memref<125000x8x32xf32, #tpu.memory_space<hbm>> -> memref<1x8x32xf32, #tpu.memory_space<hbm>>
      %dma_start3A_1556 = tpu.memref_squeeze %dma_start3A_1555 : memref<1x8x32xf32, #tpu.memory_space<hbm>> -> memref<8x32xf32, #tpu.memory_space<hbm>>
      tpu.enqueue_dma source(%dma_start3A_1556 : memref<8x32xf32, #tpu.memory_space<hbm>>) target(%dma_start3A_1552 : memref<8x32xf32, #tpu.memory_space<vmem>>) target_semaphore(%arg12 : memref<!tpu.dma_semaphore, #tpu.memory_space<semaphore_mem>>)
      %slice3A_1557 = vector.extract_strided_slice %get3A_1302 {offsets = [7], sizes = [1], strides = [1]} : vector<16xi32> to vector<1xi32>
      %squeeze3A_1558 = vector.extract %slice3A_1557[0] : i32 from vector<1xi32>
      %shift_right_arithmetic3A_1559 = arith.constant 3 : i32
      %shift_right_arithmetic3A_1560 = arith.shrsi %squeeze3A_1558, %shift_right_arithmetic3A_1559 : i32
      %slice3A_1561 = vector.extract_strided_slice %get3A_1304 {offsets = [7], sizes = [1], strides = [1]} : vector<16xi32> to vector<1xi32>
      %squeeze3A_1562 = vector.extract %slice3A_1561[0] : i32 from vector<1xi32>
      %shift_right_arithmetic3A_1563 = arith.constant 3 : i32
      %shift_right_arithmetic3A_1564 = arith.shrsi %squeeze3A_1562, %shift_right_arithmetic3A_1563 : i32
      %add3A_1565 = arith.constant 56 : i32
      %add3A_1566 = arith.addi %multiple_of3A_1300, %add3A_1565 : i32
      %dma_start3A_1567 = arith.constant 0 : i32
      %dma_start3A_1568 = tpu.memref_slice %arg9[%add3A_1566, %dma_start3A_1567] : memref<256x32xf32, #tpu.memory_space<vmem>> -> memref<8x32xf32, #tpu.memory_space<vmem>>
      %dma_start3A_1569 = arith.constant 0 : i32
      %dma_start3A_1570 = arith.constant 0 : i32
      %dma_start3A_1571 = tpu.memref_slice %arg2[%shift_right_arithmetic3A_1560, %dma_start3A_1569, %dma_start3A_1570] : memref<125000x8x32xf32, #tpu.memory_space<hbm>> -> memref<1x8x32xf32, #tpu.memory_space<hbm>>
      %dma_start3A_1572 = tpu.memref_squeeze %dma_start3A_1571 : memref<1x8x32xf32, #tpu.memory_space<hbm>> -> memref<8x32xf32, #tpu.memory_space<hbm>>
      %dma_start3A_1573 = arith.constant 0 : i32
      %dma_start3A_1574 = tpu.memref_slice %arg9[%add3A_1566, %dma_start3A_1573] : memref<256x32xf32, #tpu.memory_space<vmem>> -> memref<8x32xf32, #tpu.memory_space<vmem>>
      %dma_start3A_1575 = arith.constant 0 : i32
      %dma_start3A_1576 = arith.constant 0 : i32
      %dma_start3A_1577 = tpu.memref_slice %arg2[%shift_right_arithmetic3A_1560, %dma_start3A_1575, %dma_start3A_1576] : memref<125000x8x32xf32, #tpu.memory_space<hbm>> -> memref<1x8x32xf32, #tpu.memory_space<hbm>>
      %dma_start3A_1578 = tpu.memref_squeeze %dma_start3A_1577 : memref<1x8x32xf32, #tpu.memory_space<hbm>> -> memref<8x32xf32, #tpu.memory_space<hbm>>
      tpu.enqueue_dma source(%dma_start3A_1578 : memref<8x32xf32, #tpu.memory_space<hbm>>) target(%dma_start3A_1574 : memref<8x32xf32, #tpu.memory_space<vmem>>) target_semaphore(%arg12 : memref<!tpu.dma_semaphore, #tpu.memory_space<semaphore_mem>>)
      %add3A_1579 = arith.constant 56 : i32
      %add3A_1580 = arith.addi %multiple_of3A_1300, %add3A_1579 : i32
      %dma_start3A_1581 = arith.constant 0 : i32
      %dma_start3A_1582 = tpu.memref_slice %arg10[%add3A_1580, %dma_start3A_1581] : memref<256x32xf32, #tpu.memory_space<vmem>> -> memref<8x32xf32, #tpu.memory_space<vmem>>
      %dma_start3A_1583 = arith.constant 0 : i32
      %dma_start3A_1584 = arith.constant 0 : i32
      %dma_start3A_1585 = tpu.memref_slice %arg3[%shift_right_arithmetic3A_1564, %dma_start3A_1583, %dma_start3A_1584] : memref<125000x8x32xf32, #tpu.memory_space<hbm>> -> memref<1x8x32xf32, #tpu.memory_space<hbm>>
      %dma_start3A_1586 = tpu.memref_squeeze %dma_start3A_1585 : memref<1x8x32xf32, #tpu.memory_space<hbm>> -> memref<8x32xf32, #tpu.memory_space<hbm>>
      %dma_start3A_1587 = arith.constant 0 : i32
      %dma_start3A_1588 = tpu.memref_slice %arg10[%add3A_1580, %dma_start3A_1587] : memref<256x32xf32, #tpu.memory_space<vmem>> -> memref<8x32xf32, #tpu.memory_space<vmem>>
      %dma_start3A_1589 = arith.constant 0 : i32
      %dma_start3A_1590 = arith.constant 0 : i32
      %dma_start3A_1591 = tpu.memref_slice %arg3[%shift_right_arithmetic3A_1564, %dma_start3A_1589, %dma_start3A_1590] : memref<125000x8x32xf32, #tpu.memory_space<hbm>> -> memref<1x8x32xf32, #tpu.memory_space<hbm>>
      %dma_start3A_1592 = tpu.memref_squeeze %dma_start3A_1591 : memref<1x8x32xf32, #tpu.memory_space<hbm>> -> memref<8x32xf32, #tpu.memory_space<hbm>>
      tpu.enqueue_dma source(%dma_start3A_1592 : memref<8x32xf32, #tpu.memory_space<hbm>>) target(%dma_start3A_1588 : memref<8x32xf32, #tpu.memory_space<vmem>>) target_semaphore(%arg12 : memref<!tpu.dma_semaphore, #tpu.memory_space<semaphore_mem>>)
      %slice3A_1593 = vector.extract_strided_slice %get3A_1302 {offsets = [8], sizes = [1], strides = [1]} : vector<16xi32> to vector<1xi32>
      %squeeze3A_1594 = vector.extract %slice3A_1593[0] : i32 from vector<1xi32>
      %shift_right_arithmetic3A_1595 = arith.constant 3 : i32
      %shift_right_arithmetic3A_1596 = arith.shrsi %squeeze3A_1594, %shift_right_arithmetic3A_1595 : i32
      %slice3A_1597 = vector.extract_strided_slice %get3A_1304 {offsets = [8], sizes = [1], strides = [1]} : vector<16xi32> to vector<1xi32>
      %squeeze3A_1598 = vector.extract %slice3A_1597[0] : i32 from vector<1xi32>
      %shift_right_arithmetic3A_1599 = arith.constant 3 : i32
      %shift_right_arithmetic3A_1600 = arith.shrsi %squeeze3A_1598, %shift_right_arithmetic3A_1599 : i32
      %add3A_1601 = arith.constant 64 : i32
      %add3A_1602 = arith.addi %multiple_of3A_1300, %add3A_1601 : i32
      %dma_start3A_1603 = arith.constant 0 : i32
      %dma_start3A_1604 = tpu.memref_slice %arg9[%add3A_1602, %dma_start3A_1603] : memref<256x32xf32, #tpu.memory_space<vmem>> -> memref<8x32xf32, #tpu.memory_space<vmem>>
      %dma_start3A_1605 = arith.constant 0 : i32
      %dma_start3A_1606 = arith.constant 0 : i32
      %dma_start3A_1607 = tpu.memref_slice %arg2[%shift_right_arithmetic3A_1596, %dma_start3A_1605, %dma_start3A_1606] : memref<125000x8x32xf32, #tpu.memory_space<hbm>> -> memref<1x8x32xf32, #tpu.memory_space<hbm>>
      %dma_start3A_1608 = tpu.memref_squeeze %dma_start3A_1607 : memref<1x8x32xf32, #tpu.memory_space<hbm>> -> memref<8x32xf32, #tpu.memory_space<hbm>>
      %dma_start3A_1609 = arith.constant 0 : i32
      %dma_start3A_1610 = tpu.memref_slice %arg9[%add3A_1602, %dma_start3A_1609] : memref<256x32xf32, #tpu.memory_space<vmem>> -> memref<8x32xf32, #tpu.memory_space<vmem>>
      %dma_start3A_1611 = arith.constant 0 : i32
      %dma_start3A_1612 = arith.constant 0 : i32
      %dma_start3A_1613 = tpu.memref_slice %arg2[%shift_right_arithmetic3A_1596, %dma_start3A_1611, %dma_start3A_1612] : memref<125000x8x32xf32, #tpu.memory_space<hbm>> -> memref<1x8x32xf32, #tpu.memory_space<hbm>>
      %dma_start3A_1614 = tpu.memref_squeeze %dma_start3A_1613 : memref<1x8x32xf32, #tpu.memory_space<hbm>> -> memref<8x32xf32, #tpu.memory_space<hbm>>
      tpu.enqueue_dma source(%dma_start3A_1614 : memref<8x32xf32, #tpu.memory_space<hbm>>) target(%dma_start3A_1610 : memref<8x32xf32, #tpu.memory_space<vmem>>) target_semaphore(%arg12 : memref<!tpu.dma_semaphore, #tpu.memory_space<semaphore_mem>>)
      %add3A_1615 = arith.constant 64 : i32
      %add3A_1616 = arith.addi %multiple_of3A_1300, %add3A_1615 : i32
      %dma_start3A_1617 = arith.constant 0 : i32
      %dma_start3A_1618 = tpu.memref_slice %arg10[%add3A_1616, %dma_start3A_1617] : memref<256x32xf32, #tpu.memory_space<vmem>> -> memref<8x32xf32, #tpu.memory_space<vmem>>
      %dma_start3A_1619 = arith.constant 0 : i32
      %dma_start3A_1620 = arith.constant 0 : i32
      %dma_start3A_1621 = tpu.memref_slice %arg3[%shift_right_arithmetic3A_1600, %dma_start3A_1619, %dma_start3A_1620] : memref<125000x8x32xf32, #tpu.memory_space<hbm>> -> memref<1x8x32xf32, #tpu.memory_space<hbm>>
      %dma_start3A_1622 = tpu.memref_squeeze %dma_start3A_1621 : memref<1x8x32xf32, #tpu.memory_space<hbm>> -> memref<8x32xf32, #tpu.memory_space<hbm>>
      %dma_start3A_1623 = arith.constant 0 : i32
      %dma_start3A_1624 = tpu.memref_slice %arg10[%add3A_1616, %dma_start3A_1623] : memref<256x32xf32, #tpu.memory_space<vmem>> -> memref<8x32xf32, #tpu.memory_space<vmem>>
      %dma_start3A_1625 = arith.constant 0 : i32
      %dma_start3A_1626 = arith.constant 0 : i32
      %dma_start3A_1627 = tpu.memref_slice %arg3[%shift_right_arithmetic3A_1600, %dma_start3A_1625, %dma_start3A_1626] : memref<125000x8x32xf32, #tpu.memory_space<hbm>> -> memref<1x8x32xf32, #tpu.memory_space<hbm>>
      %dma_start3A_1628 = tpu.memref_squeeze %dma_start3A_1627 : memref<1x8x32xf32, #tpu.memory_space<hbm>> -> memref<8x32xf32, #tpu.memory_space<hbm>>
      tpu.enqueue_dma source(%dma_start3A_1628 : memref<8x32xf32, #tpu.memory_space<hbm>>) target(%dma_start3A_1624 : memref<8x32xf32, #tpu.memory_space<vmem>>) target_semaphore(%arg12 : memref<!tpu.dma_semaphore, #tpu.memory_space<semaphore_mem>>)
      %slice3A_1629 = vector.extract_strided_slice %get3A_1302 {offsets = [9], sizes = [1], strides = [1]} : vector<16xi32> to vector<1xi32>
      %squeeze3A_1630 = vector.extract %slice3A_1629[0] : i32 from vector<1xi32>
      %shift_right_arithmetic3A_1631 = arith.constant 3 : i32
      %shift_right_arithmetic3A_1632 = arith.shrsi %squeeze3A_1630, %shift_right_arithmetic3A_1631 : i32
      %slice3A_1633 = vector.extract_strided_slice %get3A_1304 {offsets = [9], sizes = [1], strides = [1]} : vector<16xi32> to vector<1xi32>
      %squeeze3A_1634 = vector.extract %slice3A_1633[0] : i32 from vector<1xi32>
      %shift_right_arithmetic3A_1635 = arith.constant 3 : i32
      %shift_right_arithmetic3A_1636 = arith.shrsi %squeeze3A_1634, %shift_right_arithmetic3A_1635 : i32
      %add3A_1637 = arith.constant 72 : i32
      %add3A_1638 = arith.addi %multiple_of3A_1300, %add3A_1637 : i32
      %dma_start3A_1639 = arith.constant 0 : i32
      %dma_start3A_1640 = tpu.memref_slice %arg9[%add3A_1638, %dma_start3A_1639] : memref<256x32xf32, #tpu.memory_space<vmem>> -> memref<8x32xf32, #tpu.memory_space<vmem>>
      %dma_start3A_1641 = arith.constant 0 : i32
      %dma_start3A_1642 = arith.constant 0 : i32
      %dma_start3A_1643 = tpu.memref_slice %arg2[%shift_right_arithmetic3A_1632, %dma_start3A_1641, %dma_start3A_1642] : memref<125000x8x32xf32, #tpu.memory_space<hbm>> -> memref<1x8x32xf32, #tpu.memory_space<hbm>>
      %dma_start3A_1644 = tpu.memref_squeeze %dma_start3A_1643 : memref<1x8x32xf32, #tpu.memory_space<hbm>> -> memref<8x32xf32, #tpu.memory_space<hbm>>
      %dma_start3A_1645 = arith.constant 0 : i32
      %dma_start3A_1646 = tpu.memref_slice %arg9[%add3A_1638, %dma_start3A_1645] : memref<256x32xf32, #tpu.memory_space<vmem>> -> memref<8x32xf32, #tpu.memory_space<vmem>>
      %dma_start3A_1647 = arith.constant 0 : i32
      %dma_start3A_1648 = arith.constant 0 : i32
      %dma_start3A_1649 = tpu.memref_slice %arg2[%shift_right_arithmetic3A_1632, %dma_start3A_1647, %dma_start3A_1648] : memref<125000x8x32xf32, #tpu.memory_space<hbm>> -> memref<1x8x32xf32, #tpu.memory_space<hbm>>
      %dma_start3A_1650 = tpu.memref_squeeze %dma_start3A_1649 : memref<1x8x32xf32, #tpu.memory_space<hbm>> -> memref<8x32xf32, #tpu.memory_space<hbm>>
      tpu.enqueue_dma source(%dma_start3A_1650 : memref<8x32xf32, #tpu.memory_space<hbm>>) target(%dma_start3A_1646 : memref<8x32xf32, #tpu.memory_space<vmem>>) target_semaphore(%arg12 : memref<!tpu.dma_semaphore, #tpu.memory_space<semaphore_mem>>)
      %add3A_1651 = arith.constant 72 : i32
      %add3A_1652 = arith.addi %multiple_of3A_1300, %add3A_1651 : i32
      %dma_start3A_1653 = arith.constant 0 : i32
      %dma_start3A_1654 = tpu.memref_slice %arg10[%add3A_1652, %dma_start3A_1653] : memref<256x32xf32, #tpu.memory_space<vmem>> -> memref<8x32xf32, #tpu.memory_space<vmem>>
      %dma_start3A_1655 = arith.constant 0 : i32
      %dma_start3A_1656 = arith.constant 0 : i32
      %dma_start3A_1657 = tpu.memref_slice %arg3[%shift_right_arithmetic3A_1636, %dma_start3A_1655, %dma_start3A_1656] : memref<125000x8x32xf32, #tpu.memory_space<hbm>> -> memref<1x8x32xf32, #tpu.memory_space<hbm>>
      %dma_start3A_1658 = tpu.memref_squeeze %dma_start3A_1657 : memref<1x8x32xf32, #tpu.memory_space<hbm>> -> memref<8x32xf32, #tpu.memory_space<hbm>>
      %dma_start3A_1659 = arith.constant 0 : i32
      %dma_start3A_1660 = tpu.memref_slice %arg10[%add3A_1652, %dma_start3A_1659] : memref<256x32xf32, #tpu.memory_space<vmem>> -> memref<8x32xf32, #tpu.memory_space<vmem>>
      %dma_start3A_1661 = arith.constant 0 : i32
      %dma_start3A_1662 = arith.constant 0 : i32
      %dma_start3A_1663 = tpu.memref_slice %arg3[%shift_right_arithmetic3A_1636, %dma_start3A_1661, %dma_start3A_1662] : memref<125000x8x32xf32, #tpu.memory_space<hbm>> -> memref<1x8x32xf32, #tpu.memory_space<hbm>>
      %dma_start3A_1664 = tpu.memref_squeeze %dma_start3A_1663 : memref<1x8x32xf32, #tpu.memory_space<hbm>> -> memref<8x32xf32, #tpu.memory_space<hbm>>
      tpu.enqueue_dma source(%dma_start3A_1664 : memref<8x32xf32, #tpu.memory_space<hbm>>) target(%dma_start3A_1660 : memref<8x32xf32, #tpu.memory_space<vmem>>) target_semaphore(%arg12 : memref<!tpu.dma_semaphore, #tpu.memory_space<semaphore_mem>>)
      %slice3A_1665 = vector.extract_strided_slice %get3A_1302 {offsets = [10], sizes = [1], strides = [1]} : vector<16xi32> to vector<1xi32>
      %squeeze3A_1666 = vector.extract %slice3A_1665[0] : i32 from vector<1xi32>
      %shift_right_arithmetic3A_1667 = arith.constant 3 : i32
      %shift_right_arithmetic3A_1668 = arith.shrsi %squeeze3A_1666, %shift_right_arithmetic3A_1667 : i32
      %slice3A_1669 = vector.extract_strided_slice %get3A_1304 {offsets = [10], sizes = [1], strides = [1]} : vector<16xi32> to vector<1xi32>
      %squeeze3A_1670 = vector.extract %slice3A_1669[0] : i32 from vector<1xi32>
      %shift_right_arithmetic3A_1671 = arith.constant 3 : i32
      %shift_right_arithmetic3A_1672 = arith.shrsi %squeeze3A_1670, %shift_right_arithmetic3A_1671 : i32
      %add3A_1673 = arith.constant 80 : i32
      %add3A_1674 = arith.addi %multiple_of3A_1300, %add3A_1673 : i32
      %dma_start3A_1675 = arith.constant 0 : i32
      %dma_start3A_1676 = tpu.memref_slice %arg9[%add3A_1674, %dma_start3A_1675] : memref<256x32xf32, #tpu.memory_space<vmem>> -> memref<8x32xf32, #tpu.memory_space<vmem>>
      %dma_start3A_1677 = arith.constant 0 : i32
      %dma_start3A_1678 = arith.constant 0 : i32
      %dma_start3A_1679 = tpu.memref_slice %arg2[%shift_right_arithmetic3A_1668, %dma_start3A_1677, %dma_start3A_1678] : memref<125000x8x32xf32, #tpu.memory_space<hbm>> -> memref<1x8x32xf32, #tpu.memory_space<hbm>>
      %dma_start3A_1680 = tpu.memref_squeeze %dma_start3A_1679 : memref<1x8x32xf32, #tpu.memory_space<hbm>> -> memref<8x32xf32, #tpu.memory_space<hbm>>
      %dma_start3A_1681 = arith.constant 0 : i32
      %dma_start3A_1682 = tpu.memref_slice %arg9[%add3A_1674, %dma_start3A_1681] : memref<256x32xf32, #tpu.memory_space<vmem>> -> memref<8x32xf32, #tpu.memory_space<vmem>>
      %dma_start3A_1683 = arith.constant 0 : i32
      %dma_start3A_1684 = arith.constant 0 : i32
      %dma_start3A_1685 = tpu.memref_slice %arg2[%shift_right_arithmetic3A_1668, %dma_start3A_1683, %dma_start3A_1684] : memref<125000x8x32xf32, #tpu.memory_space<hbm>> -> memref<1x8x32xf32, #tpu.memory_space<hbm>>
      %dma_start3A_1686 = tpu.memref_squeeze %dma_start3A_1685 : memref<1x8x32xf32, #tpu.memory_space<hbm>> -> memref<8x32xf32, #tpu.memory_space<hbm>>
      tpu.enqueue_dma source(%dma_start3A_1686 : memref<8x32xf32, #tpu.memory_space<hbm>>) target(%dma_start3A_1682 : memref<8x32xf32, #tpu.memory_space<vmem>>) target_semaphore(%arg12 : memref<!tpu.dma_semaphore, #tpu.memory_space<semaphore_mem>>)
      %add3A_1687 = arith.constant 80 : i32
      %add3A_1688 = arith.addi %multiple_of3A_1300, %add3A_1687 : i32
      %dma_start3A_1689 = arith.constant 0 : i32
      %dma_start3A_1690 = tpu.memref_slice %arg10[%add3A_1688, %dma_start3A_1689] : memref<256x32xf32, #tpu.memory_space<vmem>> -> memref<8x32xf32, #tpu.memory_space<vmem>>
      %dma_start3A_1691 = arith.constant 0 : i32
      %dma_start3A_1692 = arith.constant 0 : i32
      %dma_start3A_1693 = tpu.memref_slice %arg3[%shift_right_arithmetic3A_1672, %dma_start3A_1691, %dma_start3A_1692] : memref<125000x8x32xf32, #tpu.memory_space<hbm>> -> memref<1x8x32xf32, #tpu.memory_space<hbm>>
      %dma_start3A_1694 = tpu.memref_squeeze %dma_start3A_1693 : memref<1x8x32xf32, #tpu.memory_space<hbm>> -> memref<8x32xf32, #tpu.memory_space<hbm>>
      %dma_start3A_1695 = arith.constant 0 : i32
      %dma_start3A_1696 = tpu.memref_slice %arg10[%add3A_1688, %dma_start3A_1695] : memref<256x32xf32, #tpu.memory_space<vmem>> -> memref<8x32xf32, #tpu.memory_space<vmem>>
      %dma_start3A_1697 = arith.constant 0 : i32
      %dma_start3A_1698 = arith.constant 0 : i32
      %dma_start3A_1699 = tpu.memref_slice %arg3[%shift_right_arithmetic3A_1672, %dma_start3A_1697, %dma_start3A_1698] : memref<125000x8x32xf32, #tpu.memory_space<hbm>> -> memref<1x8x32xf32, #tpu.memory_space<hbm>>
      %dma_start3A_1700 = tpu.memref_squeeze %dma_start3A_1699 : memref<1x8x32xf32, #tpu.memory_space<hbm>> -> memref<8x32xf32, #tpu.memory_space<hbm>>
      tpu.enqueue_dma source(%dma_start3A_1700 : memref<8x32xf32, #tpu.memory_space<hbm>>) target(%dma_start3A_1696 : memref<8x32xf32, #tpu.memory_space<vmem>>) target_semaphore(%arg12 : memref<!tpu.dma_semaphore, #tpu.memory_space<semaphore_mem>>)
      %slice3A_1701 = vector.extract_strided_slice %get3A_1302 {offsets = [11], sizes = [1], strides = [1]} : vector<16xi32> to vector<1xi32>
      %squeeze3A_1702 = vector.extract %slice3A_1701[0] : i32 from vector<1xi32>
      %shift_right_arithmetic3A_1703 = arith.constant 3 : i32
      %shift_right_arithmetic3A_1704 = arith.shrsi %squeeze3A_1702, %shift_right_arithmetic3A_1703 : i32
      %slice3A_1705 = vector.extract_strided_slice %get3A_1304 {offsets = [11], sizes = [1], strides = [1]} : vector<16xi32> to vector<1xi32>
      %squeeze3A_1706 = vector.extract %slice3A_1705[0] : i32 from vector<1xi32>
      %shift_right_arithmetic3A_1707 = arith.constant 3 : i32
      %shift_right_arithmetic3A_1708 = arith.shrsi %squeeze3A_1706, %shift_right_arithmetic3A_1707 : i32
      %add3A_1709 = arith.constant 88 : i32
      %add3A_1710 = arith.addi %multiple_of3A_1300, %add3A_1709 : i32
      %dma_start3A_1711 = arith.constant 0 : i32
      %dma_start3A_1712 = tpu.memref_slice %arg9[%add3A_1710, %dma_start3A_1711] : memref<256x32xf32, #tpu.memory_space<vmem>> -> memref<8x32xf32, #tpu.memory_space<vmem>>
      %dma_start3A_1713 = arith.constant 0 : i32
      %dma_start3A_1714 = arith.constant 0 : i32
      %dma_start3A_1715 = tpu.memref_slice %arg2[%shift_right_arithmetic3A_1704, %dma_start3A_1713, %dma_start3A_1714] : memref<125000x8x32xf32, #tpu.memory_space<hbm>> -> memref<1x8x32xf32, #tpu.memory_space<hbm>>
      %dma_start3A_1716 = tpu.memref_squeeze %dma_start3A_1715 : memref<1x8x32xf32, #tpu.memory_space<hbm>> -> memref<8x32xf32, #tpu.memory_space<hbm>>
      %dma_start3A_1717 = arith.constant 0 : i32
      %dma_start3A_1718 = tpu.memref_slice %arg9[%add3A_1710, %dma_start3A_1717] : memref<256x32xf32, #tpu.memory_space<vmem>> -> memref<8x32xf32, #tpu.memory_space<vmem>>
      %dma_start3A_1719 = arith.constant 0 : i32
      %dma_start3A_1720 = arith.constant 0 : i32
      %dma_start3A_1721 = tpu.memref_slice %arg2[%shift_right_arithmetic3A_1704, %dma_start3A_1719, %dma_start3A_1720] : memref<125000x8x32xf32, #tpu.memory_space<hbm>> -> memref<1x8x32xf32, #tpu.memory_space<hbm>>
      %dma_start3A_1722 = tpu.memref_squeeze %dma_start3A_1721 : memref<1x8x32xf32, #tpu.memory_space<hbm>> -> memref<8x32xf32, #tpu.memory_space<hbm>>
      tpu.enqueue_dma source(%dma_start3A_1722 : memref<8x32xf32, #tpu.memory_space<hbm>>) target(%dma_start3A_1718 : memref<8x32xf32, #tpu.memory_space<vmem>>) target_semaphore(%arg12 : memref<!tpu.dma_semaphore, #tpu.memory_space<semaphore_mem>>)
      %add3A_1723 = arith.constant 88 : i32
      %add3A_1724 = arith.addi %multiple_of3A_1300, %add3A_1723 : i32
      %dma_start3A_1725 = arith.constant 0 : i32
      %dma_start3A_1726 = tpu.memref_slice %arg10[%add3A_1724, %dma_start3A_1725] : memref<256x32xf32, #tpu.memory_space<vmem>> -> memref<8x32xf32, #tpu.memory_space<vmem>>
      %dma_start3A_1727 = arith.constant 0 : i32
      %dma_start3A_1728 = arith.constant 0 : i32
      %dma_start3A_1729 = tpu.memref_slice %arg3[%shift_right_arithmetic3A_1708, %dma_start3A_1727, %dma_start3A_1728] : memref<125000x8x32xf32, #tpu.memory_space<hbm>> -> memref<1x8x32xf32, #tpu.memory_space<hbm>>
      %dma_start3A_1730 = tpu.memref_squeeze %dma_start3A_1729 : memref<1x8x32xf32, #tpu.memory_space<hbm>> -> memref<8x32xf32, #tpu.memory_space<hbm>>
      %dma_start3A_1731 = arith.constant 0 : i32
      %dma_start3A_1732 = tpu.memref_slice %arg10[%add3A_1724, %dma_start3A_1731] : memref<256x32xf32, #tpu.memory_space<vmem>> -> memref<8x32xf32, #tpu.memory_space<vmem>>
      %dma_start3A_1733 = arith.constant 0 : i32
      %dma_start3A_1734 = arith.constant 0 : i32
      %dma_start3A_1735 = tpu.memref_slice %arg3[%shift_right_arithmetic3A_1708, %dma_start3A_1733, %dma_start3A_1734] : memref<125000x8x32xf32, #tpu.memory_space<hbm>> -> memref<1x8x32xf32, #tpu.memory_space<hbm>>
      %dma_start3A_1736 = tpu.memref_squeeze %dma_start3A_1735 : memref<1x8x32xf32, #tpu.memory_space<hbm>> -> memref<8x32xf32, #tpu.memory_space<hbm>>
      tpu.enqueue_dma source(%dma_start3A_1736 : memref<8x32xf32, #tpu.memory_space<hbm>>) target(%dma_start3A_1732 : memref<8x32xf32, #tpu.memory_space<vmem>>) target_semaphore(%arg12 : memref<!tpu.dma_semaphore, #tpu.memory_space<semaphore_mem>>)
      %slice3A_1737 = vector.extract_strided_slice %get3A_1302 {offsets = [12], sizes = [1], strides = [1]} : vector<16xi32> to vector<1xi32>
      %squeeze3A_1738 = vector.extract %slice3A_1737[0] : i32 from vector<1xi32>
      %shift_right_arithmetic3A_1739 = arith.constant 3 : i32
      %shift_right_arithmetic3A_1740 = arith.shrsi %squeeze3A_1738, %shift_right_arithmetic3A_1739 : i32
      %slice3A_1741 = vector.extract_strided_slice %get3A_1304 {offsets = [12], sizes = [1], strides = [1]} : vector<16xi32> to vector<1xi32>
      %squeeze3A_1742 = vector.extract %slice3A_1741[0] : i32 from vector<1xi32>
      %shift_right_arithmetic3A_1743 = arith.constant 3 : i32
      %shift_right_arithmetic3A_1744 = arith.shrsi %squeeze3A_1742, %shift_right_arithmetic3A_1743 : i32
      %add3A_1745 = arith.constant 96 : i32
      %add3A_1746 = arith.addi %multiple_of3A_1300, %add3A_1745 : i32
      %dma_start3A_1747 = arith.constant 0 : i32
      %dma_start3A_1748 = tpu.memref_slice %arg9[%add3A_1746, %dma_start3A_1747] : memref<256x32xf32, #tpu.memory_space<vmem>> -> memref<8x32xf32, #tpu.memory_space<vmem>>
      %dma_start3A_1749 = arith.constant 0 : i32
      %dma_start3A_1750 = arith.constant 0 : i32
      %dma_start3A_1751 = tpu.memref_slice %arg2[%shift_right_arithmetic3A_1740, %dma_start3A_1749, %dma_start3A_1750] : memref<125000x8x32xf32, #tpu.memory_space<hbm>> -> memref<1x8x32xf32, #tpu.memory_space<hbm>>
      %dma_start3A_1752 = tpu.memref_squeeze %dma_start3A_1751 : memref<1x8x32xf32, #tpu.memory_space<hbm>> -> memref<8x32xf32, #tpu.memory_space<hbm>>
      %dma_start3A_1753 = arith.constant 0 : i32
      %dma_start3A_1754 = tpu.memref_slice %arg9[%add3A_1746, %dma_start3A_1753] : memref<256x32xf32, #tpu.memory_space<vmem>> -> memref<8x32xf32, #tpu.memory_space<vmem>>
      %dma_start3A_1755 = arith.constant 0 : i32
      %dma_start3A_1756 = arith.constant 0 : i32
      %dma_start3A_1757 = tpu.memref_slice %arg2[%shift_right_arithmetic3A_1740, %dma_start3A_1755, %dma_start3A_1756] : memref<125000x8x32xf32, #tpu.memory_space<hbm>> -> memref<1x8x32xf32, #tpu.memory_space<hbm>>
      %dma_start3A_1758 = tpu.memref_squeeze %dma_start3A_1757 : memref<1x8x32xf32, #tpu.memory_space<hbm>> -> memref<8x32xf32, #tpu.memory_space<hbm>>
      tpu.enqueue_dma source(%dma_start3A_1758 : memref<8x32xf32, #tpu.memory_space<hbm>>) target(%dma_start3A_1754 : memref<8x32xf32, #tpu.memory_space<vmem>>) target_semaphore(%arg12 : memref<!tpu.dma_semaphore, #tpu.memory_space<semaphore_mem>>)
      %add3A_1759 = arith.constant 96 : i32
      %add3A_1760 = arith.addi %multiple_of3A_1300, %add3A_1759 : i32
      %dma_start3A_1761 = arith.constant 0 : i32
      %dma_start3A_1762 = tpu.memref_slice %arg10[%add3A_1760, %dma_start3A_1761] : memref<256x32xf32, #tpu.memory_space<vmem>> -> memref<8x32xf32, #tpu.memory_space<vmem>>
      %dma_start3A_1763 = arith.constant 0 : i32
      %dma_start3A_1764 = arith.constant 0 : i32
      %dma_start3A_1765 = tpu.memref_slice %arg3[%shift_right_arithmetic3A_1744, %dma_start3A_1763, %dma_start3A_1764] : memref<125000x8x32xf32, #tpu.memory_space<hbm>> -> memref<1x8x32xf32, #tpu.memory_space<hbm>>
      %dma_start3A_1766 = tpu.memref_squeeze %dma_start3A_1765 : memref<1x8x32xf32, #tpu.memory_space<hbm>> -> memref<8x32xf32, #tpu.memory_space<hbm>>
      %dma_start3A_1767 = arith.constant 0 : i32
      %dma_start3A_1768 = tpu.memref_slice %arg10[%add3A_1760, %dma_start3A_1767] : memref<256x32xf32, #tpu.memory_space<vmem>> -> memref<8x32xf32, #tpu.memory_space<vmem>>
      %dma_start3A_1769 = arith.constant 0 : i32
      %dma_start3A_1770 = arith.constant 0 : i32
      %dma_start3A_1771 = tpu.memref_slice %arg3[%shift_right_arithmetic3A_1744, %dma_start3A_1769, %dma_start3A_1770] : memref<125000x8x32xf32, #tpu.memory_space<hbm>> -> memref<1x8x32xf32, #tpu.memory_space<hbm>>
      %dma_start3A_1772 = tpu.memref_squeeze %dma_start3A_1771 : memref<1x8x32xf32, #tpu.memory_space<hbm>> -> memref<8x32xf32, #tpu.memory_space<hbm>>
      tpu.enqueue_dma source(%dma_start3A_1772 : memref<8x32xf32, #tpu.memory_space<hbm>>) target(%dma_start3A_1768 : memref<8x32xf32, #tpu.memory_space<vmem>>) target_semaphore(%arg12 : memref<!tpu.dma_semaphore, #tpu.memory_space<semaphore_mem>>)
      %slice3A_1773 = vector.extract_strided_slice %get3A_1302 {offsets = [13], sizes = [1], strides = [1]} : vector<16xi32> to vector<1xi32>
      %squeeze3A_1774 = vector.extract %slice3A_1773[0] : i32 from vector<1xi32>
      %shift_right_arithmetic3A_1775 = arith.constant 3 : i32
      %shift_right_arithmetic3A_1776 = arith.shrsi %squeeze3A_1774, %shift_right_arithmetic3A_1775 : i32
      %slice3A_1777 = vector.extract_strided_slice %get3A_1304 {offsets = [13], sizes = [1], strides = [1]} : vector<16xi32> to vector<1xi32>
      %squeeze3A_1778 = vector.extract %slice3A_1777[0] : i32 from vector<1xi32>
      %shift_right_arithmetic3A_1779 = arith.constant 3 : i32
      %shift_right_arithmetic3A_1780 = arith.shrsi %squeeze3A_1778, %shift_right_arithmetic3A_1779 : i32
      %add3A_1781 = arith.constant 104 : i32
      %add3A_1782 = arith.addi %multiple_of3A_1300, %add3A_1781 : i32
      %dma_start3A_1783 = arith.constant 0 : i32
      %dma_start3A_1784 = tpu.memref_slice %arg9[%add3A_1782, %dma_start3A_1783] : memref<256x32xf32, #tpu.memory_space<vmem>> -> memref<8x32xf32, #tpu.memory_space<vmem>>
      %dma_start3A_1785 = arith.constant 0 : i32
      %dma_start3A_1786 = arith.constant 0 : i32
      %dma_start3A_1787 = tpu.memref_slice %arg2[%shift_right_arithmetic3A_1776, %dma_start3A_1785, %dma_start3A_1786] : memref<125000x8x32xf32, #tpu.memory_space<hbm>> -> memref<1x8x32xf32, #tpu.memory_space<hbm>>
      %dma_start3A_1788 = tpu.memref_squeeze %dma_start3A_1787 : memref<1x8x32xf32, #tpu.memory_space<hbm>> -> memref<8x32xf32, #tpu.memory_space<hbm>>
      %dma_start3A_1789 = arith.constant 0 : i32
      %dma_start3A_1790 = tpu.memref_slice %arg9[%add3A_1782, %dma_start3A_1789] : memref<256x32xf32, #tpu.memory_space<vmem>> -> memref<8x32xf32, #tpu.memory_space<vmem>>
      %dma_start3A_1791 = arith.constant 0 : i32
      %dma_start3A_1792 = arith.constant 0 : i32
      %dma_start3A_1793 = tpu.memref_slice %arg2[%shift_right_arithmetic3A_1776, %dma_start3A_1791, %dma_start3A_1792] : memref<125000x8x32xf32, #tpu.memory_space<hbm>> -> memref<1x8x32xf32, #tpu.memory_space<hbm>>
      %dma_start3A_1794 = tpu.memref_squeeze %dma_start3A_1793 : memref<1x8x32xf32, #tpu.memory_space<hbm>> -> memref<8x32xf32, #tpu.memory_space<hbm>>
      tpu.enqueue_dma source(%dma_start3A_1794 : memref<8x32xf32, #tpu.memory_space<hbm>>) target(%dma_start3A_1790 : memref<8x32xf32, #tpu.memory_space<vmem>>) target_semaphore(%arg12 : memref<!tpu.dma_semaphore, #tpu.memory_space<semaphore_mem>>)
      %add3A_1795 = arith.constant 104 : i32
      %add3A_1796 = arith.addi %multiple_of3A_1300, %add3A_1795 : i32
      %dma_start3A_1797 = arith.constant 0 : i32
      %dma_start3A_1798 = tpu.memref_slice %arg10[%add3A_1796, %dma_start3A_1797] : memref<256x32xf32, #tpu.memory_space<vmem>> -> memref<8x32xf32, #tpu.memory_space<vmem>>
      %dma_start3A_1799 = arith.constant 0 : i32
      %dma_start3A_1800 = arith.constant 0 : i32
      %dma_start3A_1801 = tpu.memref_slice %arg3[%shift_right_arithmetic3A_1780, %dma_start3A_1799, %dma_start3A_1800] : memref<125000x8x32xf32, #tpu.memory_space<hbm>> -> memref<1x8x32xf32, #tpu.memory_space<hbm>>
      %dma_start3A_1802 = tpu.memref_squeeze %dma_start3A_1801 : memref<1x8x32xf32, #tpu.memory_space<hbm>> -> memref<8x32xf32, #tpu.memory_space<hbm>>
      %dma_start3A_1803 = arith.constant 0 : i32
      %dma_start3A_1804 = tpu.memref_slice %arg10[%add3A_1796, %dma_start3A_1803] : memref<256x32xf32, #tpu.memory_space<vmem>> -> memref<8x32xf32, #tpu.memory_space<vmem>>
      %dma_start3A_1805 = arith.constant 0 : i32
      %dma_start3A_1806 = arith.constant 0 : i32
      %dma_start3A_1807 = tpu.memref_slice %arg3[%shift_right_arithmetic3A_1780, %dma_start3A_1805, %dma_start3A_1806] : memref<125000x8x32xf32, #tpu.memory_space<hbm>> -> memref<1x8x32xf32, #tpu.memory_space<hbm>>
      %dma_start3A_1808 = tpu.memref_squeeze %dma_start3A_1807 : memref<1x8x32xf32, #tpu.memory_space<hbm>> -> memref<8x32xf32, #tpu.memory_space<hbm>>
      tpu.enqueue_dma source(%dma_start3A_1808 : memref<8x32xf32, #tpu.memory_space<hbm>>) target(%dma_start3A_1804 : memref<8x32xf32, #tpu.memory_space<vmem>>) target_semaphore(%arg12 : memref<!tpu.dma_semaphore, #tpu.memory_space<semaphore_mem>>)
      %slice3A_1809 = vector.extract_strided_slice %get3A_1302 {offsets = [14], sizes = [1], strides = [1]} : vector<16xi32> to vector<1xi32>
      %squeeze3A_1810 = vector.extract %slice3A_1809[0] : i32 from vector<1xi32>
      %shift_right_arithmetic3A_1811 = arith.constant 3 : i32
      %shift_right_arithmetic3A_1812 = arith.shrsi %squeeze3A_1810, %shift_right_arithmetic3A_1811 : i32
      %slice3A_1813 = vector.extract_strided_slice %get3A_1304 {offsets = [14], sizes = [1], strides = [1]} : vector<16xi32> to vector<1xi32>
      %squeeze3A_1814 = vector.extract %slice3A_1813[0] : i32 from vector<1xi32>
      %shift_right_arithmetic3A_1815 = arith.constant 3 : i32
      %shift_right_arithmetic3A_1816 = arith.shrsi %squeeze3A_1814, %shift_right_arithmetic3A_1815 : i32
      %add3A_1817 = arith.constant 112 : i32
      %add3A_1818 = arith.addi %multiple_of3A_1300, %add3A_1817 : i32
      %dma_start3A_1819 = arith.constant 0 : i32
      %dma_start3A_1820 = tpu.memref_slice %arg9[%add3A_1818, %dma_start3A_1819] : memref<256x32xf32, #tpu.memory_space<vmem>> -> memref<8x32xf32, #tpu.memory_space<vmem>>
      %dma_start3A_1821 = arith.constant 0 : i32
      %dma_start3A_1822 = arith.constant 0 : i32
      %dma_start3A_1823 = tpu.memref_slice %arg2[%shift_right_arithmetic3A_1812, %dma_start3A_1821, %dma_start3A_1822] : memref<125000x8x32xf32, #tpu.memory_space<hbm>> -> memref<1x8x32xf32, #tpu.memory_space<hbm>>
      %dma_start3A_1824 = tpu.memref_squeeze %dma_start3A_1823 : memref<1x8x32xf32, #tpu.memory_space<hbm>> -> memref<8x32xf32, #tpu.memory_space<hbm>>
      %dma_start3A_1825 = arith.constant 0 : i32
      %dma_start3A_1826 = tpu.memref_slice %arg9[%add3A_1818, %dma_start3A_1825] : memref<256x32xf32, #tpu.memory_space<vmem>> -> memref<8x32xf32, #tpu.memory_space<vmem>>
      %dma_start3A_1827 = arith.constant 0 : i32
      %dma_start3A_1828 = arith.constant 0 : i32
      %dma_start3A_1829 = tpu.memref_slice %arg2[%shift_right_arithmetic3A_1812, %dma_start3A_1827, %dma_start3A_1828] : memref<125000x8x32xf32, #tpu.memory_space<hbm>> -> memref<1x8x32xf32, #tpu.memory_space<hbm>>
      %dma_start3A_1830 = tpu.memref_squeeze %dma_start3A_1829 : memref<1x8x32xf32, #tpu.memory_space<hbm>> -> memref<8x32xf32, #tpu.memory_space<hbm>>
      tpu.enqueue_dma source(%dma_start3A_1830 : memref<8x32xf32, #tpu.memory_space<hbm>>) target(%dma_start3A_1826 : memref<8x32xf32, #tpu.memory_space<vmem>>) target_semaphore(%arg12 : memref<!tpu.dma_semaphore, #tpu.memory_space<semaphore_mem>>)
      %add3A_1831 = arith.constant 112 : i32
      %add3A_1832 = arith.addi %multiple_of3A_1300, %add3A_1831 : i32
      %dma_start3A_1833 = arith.constant 0 : i32
      %dma_start3A_1834 = tpu.memref_slice %arg10[%add3A_1832, %dma_start3A_1833] : memref<256x32xf32, #tpu.memory_space<vmem>> -> memref<8x32xf32, #tpu.memory_space<vmem>>
      %dma_start3A_1835 = arith.constant 0 : i32
      %dma_start3A_1836 = arith.constant 0 : i32
      %dma_start3A_1837 = tpu.memref_slice %arg3[%shift_right_arithmetic3A_1816, %dma_start3A_1835, %dma_start3A_1836] : memref<125000x8x32xf32, #tpu.memory_space<hbm>> -> memref<1x8x32xf32, #tpu.memory_space<hbm>>
      %dma_start3A_1838 = tpu.memref_squeeze %dma_start3A_1837 : memref<1x8x32xf32, #tpu.memory_space<hbm>> -> memref<8x32xf32, #tpu.memory_space<hbm>>
      %dma_start3A_1839 = arith.constant 0 : i32
      %dma_start3A_1840 = tpu.memref_slice %arg10[%add3A_1832, %dma_start3A_1839] : memref<256x32xf32, #tpu.memory_space<vmem>> -> memref<8x32xf32, #tpu.memory_space<vmem>>
      %dma_start3A_1841 = arith.constant 0 : i32
      %dma_start3A_1842 = arith.constant 0 : i32
      %dma_start3A_1843 = tpu.memref_slice %arg3[%shift_right_arithmetic3A_1816, %dma_start3A_1841, %dma_start3A_1842] : memref<125000x8x32xf32, #tpu.memory_space<hbm>> -> memref<1x8x32xf32, #tpu.memory_space<hbm>>
      %dma_start3A_1844 = tpu.memref_squeeze %dma_start3A_1843 : memref<1x8x32xf32, #tpu.memory_space<hbm>> -> memref<8x32xf32, #tpu.memory_space<hbm>>
      tpu.enqueue_dma source(%dma_start3A_1844 : memref<8x32xf32, #tpu.memory_space<hbm>>) target(%dma_start3A_1840 : memref<8x32xf32, #tpu.memory_space<vmem>>) target_semaphore(%arg12 : memref<!tpu.dma_semaphore, #tpu.memory_space<semaphore_mem>>)
      %slice3A_1845 = vector.extract_strided_slice %get3A_1302 {offsets = [15], sizes = [1], strides = [1]} : vector<16xi32> to vector<1xi32>
      %squeeze3A_1846 = vector.extract %slice3A_1845[0] : i32 from vector<1xi32>
      %shift_right_arithmetic3A_1847 = arith.constant 3 : i32
      %shift_right_arithmetic3A_1848 = arith.shrsi %squeeze3A_1846, %shift_right_arithmetic3A_1847 : i32
      %slice3A_1849 = vector.extract_strided_slice %get3A_1304 {offsets = [15], sizes = [1], strides = [1]} : vector<16xi32> to vector<1xi32>
      %squeeze3A_1850 = vector.extract %slice3A_1849[0] : i32 from vector<1xi32>
      %shift_right_arithmetic3A_1851 = arith.constant 3 : i32
      %shift_right_arithmetic3A_1852 = arith.shrsi %squeeze3A_1850, %shift_right_arithmetic3A_1851 : i32
      %add3A_1853 = arith.constant 120 : i32
      %add3A_1854 = arith.addi %multiple_of3A_1300, %add3A_1853 : i32
      %dma_start3A_1855 = arith.constant 0 : i32
      %dma_start3A_1856 = tpu.memref_slice %arg9[%add3A_1854, %dma_start3A_1855] : memref<256x32xf32, #tpu.memory_space<vmem>> -> memref<8x32xf32, #tpu.memory_space<vmem>>
      %dma_start3A_1857 = arith.constant 0 : i32
      %dma_start3A_1858 = arith.constant 0 : i32
      %dma_start3A_1859 = tpu.memref_slice %arg2[%shift_right_arithmetic3A_1848, %dma_start3A_1857, %dma_start3A_1858] : memref<125000x8x32xf32, #tpu.memory_space<hbm>> -> memref<1x8x32xf32, #tpu.memory_space<hbm>>
      %dma_start3A_1860 = tpu.memref_squeeze %dma_start3A_1859 : memref<1x8x32xf32, #tpu.memory_space<hbm>> -> memref<8x32xf32, #tpu.memory_space<hbm>>
      %dma_start3A_1861 = arith.constant 0 : i32
      %dma_start3A_1862 = tpu.memref_slice %arg9[%add3A_1854, %dma_start3A_1861] : memref<256x32xf32, #tpu.memory_space<vmem>> -> memref<8x32xf32, #tpu.memory_space<vmem>>
      %dma_start3A_1863 = arith.constant 0 : i32
      %dma_start3A_1864 = arith.constant 0 : i32
      %dma_start3A_1865 = tpu.memref_slice %arg2[%shift_right_arithmetic3A_1848, %dma_start3A_1863, %dma_start3A_1864] : memref<125000x8x32xf32, #tpu.memory_space<hbm>> -> memref<1x8x32xf32, #tpu.memory_space<hbm>>
      %dma_start3A_1866 = tpu.memref_squeeze %dma_start3A_1865 : memref<1x8x32xf32, #tpu.memory_space<hbm>> -> memref<8x32xf32, #tpu.memory_space<hbm>>
      tpu.enqueue_dma source(%dma_start3A_1866 : memref<8x32xf32, #tpu.memory_space<hbm>>) target(%dma_start3A_1862 : memref<8x32xf32, #tpu.memory_space<vmem>>) target_semaphore(%arg12 : memref<!tpu.dma_semaphore, #tpu.memory_space<semaphore_mem>>)
      %add3A_1867 = arith.constant 120 : i32
      %add3A_1868 = arith.addi %multiple_of3A_1300, %add3A_1867 : i32
      %dma_start3A_1869 = arith.constant 0 : i32
      %dma_start3A_1870 = tpu.memref_slice %arg10[%add3A_1868, %dma_start3A_1869] : memref<256x32xf32, #tpu.memory_space<vmem>> -> memref<8x32xf32, #tpu.memory_space<vmem>>
      %dma_start3A_1871 = arith.constant 0 : i32
      %dma_start3A_1872 = arith.constant 0 : i32
      %dma_start3A_1873 = tpu.memref_slice %arg3[%shift_right_arithmetic3A_1852, %dma_start3A_1871, %dma_start3A_1872] : memref<125000x8x32xf32, #tpu.memory_space<hbm>> -> memref<1x8x32xf32, #tpu.memory_space<hbm>>
      %dma_start3A_1874 = tpu.memref_squeeze %dma_start3A_1873 : memref<1x8x32xf32, #tpu.memory_space<hbm>> -> memref<8x32xf32, #tpu.memory_space<hbm>>
      %dma_start3A_1875 = arith.constant 0 : i32
      %dma_start3A_1876 = tpu.memref_slice %arg10[%add3A_1868, %dma_start3A_1875] : memref<256x32xf32, #tpu.memory_space<vmem>> -> memref<8x32xf32, #tpu.memory_space<vmem>>
      %dma_start3A_1877 = arith.constant 0 : i32
      %dma_start3A_1878 = arith.constant 0 : i32
      %dma_start3A_1879 = tpu.memref_slice %arg3[%shift_right_arithmetic3A_1852, %dma_start3A_1877, %dma_start3A_1878] : memref<125000x8x32xf32, #tpu.memory_space<hbm>> -> memref<1x8x32xf32, #tpu.memory_space<hbm>>
      %dma_start3A_1880 = tpu.memref_squeeze %dma_start3A_1879 : memref<1x8x32xf32, #tpu.memory_space<hbm>> -> memref<8x32xf32, #tpu.memory_space<hbm>>
      tpu.enqueue_dma source(%dma_start3A_1880 : memref<8x32xf32, #tpu.memory_space<hbm>>) target(%dma_start3A_1876 : memref<8x32xf32, #tpu.memory_space<vmem>>) target_semaphore(%arg12 : memref<!tpu.dma_semaphore, #tpu.memory_space<semaphore_mem>>)
      %and3A_1881 = arith.constant 1 : i32
      %and3A_1882 = arith.andi %scan3A_1285, %and3A_1881 : i32
      %mul3A_1883 = arith.constant 16 : i32
      %mul3A_1884 = arith.muli %scan3A_1285, %mul3A_1883 : i32
      %multiple_of3A_1885 = tpu.assume_multiple %mul3A_1884, 16 : i32
      %mul3A_1886 = arith.constant 16 : i32
      %mul3A_1887 = arith.muli %and3A_1882, %mul3A_1886 : i32
      %mul3A_1888 = arith.constant 8 : i32
      %mul3A_1889 = arith.muli %mul3A_1887, %mul3A_1888 : i32
      %multiple_of3A_1890 = tpu.assume_multiple %mul3A_1889, 128 : i32
      %get3A_1891 = arith.index_cast %multiple_of3A_1885 : i32 to index
      %get3A_1892 = tpu.vector_load %arg7[%get3A_1891] {strides = array<i32>} : memref<512xi32, #tpu.memory_space<vmem>>, vector<16xi32>,
      %get3A_1893 = arith.index_cast %multiple_of3A_1885 : i32 to index
      %get3A_1894 = tpu.vector_load %arg8[%get3A_1893] {strides = array<i32>} : memref<512xi32, #tpu.memory_space<vmem>>, vector<16xi32>,
      %add3A_1895 = arith.constant 0 : i32
      %add3A_1896 = arith.addi %multiple_of3A_1890, %add3A_1895 : i32
      %dma_wait3A_1897 = arith.constant 0 : i32
      %dma_wait3A_1898 = arith.constant 0 : i32
      %dma_wait3A_1899 = tpu.memref_slice %arg9[%add3A_1896, %dma_wait3A_1898] : memref<256x32xf32, #tpu.memory_space<vmem>> -> memref<8x32xf32, #tpu.memory_space<vmem>>
      %dma_wait3A_1900 = arith.constant 0 : i32
      %dma_wait3A_1901 = arith.constant 0 : i32
      %dma_wait3A_1902 = tpu.memref_slice %arg2[%dma_wait3A_1897, %dma_wait3A_1900, %dma_wait3A_1901] : memref<125000x8x32xf32, #tpu.memory_space<hbm>> -> memref<1x8x32xf32, #tpu.memory_space<hbm>>
      %dma_wait3A_1903 = tpu.memref_squeeze %dma_wait3A_1902 : memref<1x8x32xf32, #tpu.memory_space<hbm>> -> memref<8x32xf32, #tpu.memory_space<hbm>>
      %dma_wait3A_1904 = arith.constant 0 : i32
      %dma_wait3A_1905 = tpu.memref_slice %arg9[%add3A_1896, %dma_wait3A_1904] : memref<256x32xf32, #tpu.memory_space<vmem>> -> memref<8x32xf32, #tpu.memory_space<vmem>>
      %dma_wait3A_1906 = arith.constant 0 : i32
      %dma_wait3A_1907 = arith.constant 0 : i32
      %dma_wait3A_1908 = tpu.memref_slice %arg2[%dma_wait3A_1897, %dma_wait3A_1906, %dma_wait3A_1907] : memref<125000x8x32xf32, #tpu.memory_space<hbm>> -> memref<1x8x32xf32, #tpu.memory_space<hbm>>
      %dma_wait3A_1909 = tpu.memref_squeeze %dma_wait3A_1908 : memref<1x8x32xf32, #tpu.memory_space<hbm>> -> memref<8x32xf32, #tpu.memory_space<hbm>>
      tpu.wait_dma2 semaphore(%arg12 : memref<!tpu.dma_semaphore, #tpu.memory_space<semaphore_mem>>) src(%dma_wait3A_1909 : memref<8x32xf32, #tpu.memory_space<hbm>>) dst(%dma_wait3A_1905 : memref<8x32xf32, #tpu.memory_space<vmem>>)
      %add3A_1910 = arith.constant 0 : i32
      %add3A_1911 = arith.addi %multiple_of3A_1890, %add3A_1910 : i32
      %dma_wait3A_1912 = arith.constant 0 : i32
      %dma_wait3A_1913 = arith.constant 0 : i32
      %dma_wait3A_1914 = tpu.memref_slice %arg10[%add3A_1911, %dma_wait3A_1913] : memref<256x32xf32, #tpu.memory_space<vmem>> -> memref<8x32xf32, #tpu.memory_space<vmem>>
      %dma_wait3A_1915 = arith.constant 0 : i32
      %dma_wait3A_1916 = arith.constant 0 : i32
      %dma_wait3A_1917 = tpu.memref_slice %arg3[%dma_wait3A_1912, %dma_wait3A_1915, %dma_wait3A_1916] : memref<125000x8x32xf32, #tpu.memory_space<hbm>> -> memref<1x8x32xf32, #tpu.memory_space<hbm>>
      %dma_wait3A_1918 = tpu.memref_squeeze %dma_wait3A_1917 : memref<1x8x32xf32, #tpu.memory_space<hbm>> -> memref<8x32xf32, #tpu.memory_space<hbm>>
      %dma_wait3A_1919 = arith.constant 0 : i32
      %dma_wait3A_1920 = tpu.memref_slice %arg10[%add3A_1911, %dma_wait3A_1919] : memref<256x32xf32, #tpu.memory_space<vmem>> -> memref<8x32xf32, #tpu.memory_space<vmem>>
      %dma_wait3A_1921 = arith.constant 0 : i32
      %dma_wait3A_1922 = arith.constant 0 : i32
      %dma_wait3A_1923 = tpu.memref_slice %arg3[%dma_wait3A_1912, %dma_wait3A_1921, %dma_wait3A_1922] : memref<125000x8x32xf32, #tpu.memory_space<hbm>> -> memref<1x8x32xf32, #tpu.memory_space<hbm>>
      %dma_wait3A_1924 = tpu.memref_squeeze %dma_wait3A_1923 : memref<1x8x32xf32, #tpu.memory_space<hbm>> -> memref<8x32xf32, #tpu.memory_space<hbm>>
      tpu.wait_dma2 semaphore(%arg12 : memref<!tpu.dma_semaphore, #tpu.memory_space<semaphore_mem>>) src(%dma_wait3A_1924 : memref<8x32xf32, #tpu.memory_space<hbm>>) dst(%dma_wait3A_1920 : memref<8x32xf32, #tpu.memory_space<vmem>>)
      %add3A_1925 = arith.constant 8 : i32
      %add3A_1926 = arith.addi %multiple_of3A_1890, %add3A_1925 : i32
      %dma_wait3A_1927 = arith.constant 0 : i32
      %dma_wait3A_1928 = arith.constant 0 : i32
      %dma_wait3A_1929 = tpu.memref_slice %arg9[%add3A_1926, %dma_wait3A_1928] : memref<256x32xf32, #tpu.memory_space<vmem>> -> memref<8x32xf32, #tpu.memory_space<vmem>>
      %dma_wait3A_1930 = arith.constant 0 : i32
      %dma_wait3A_1931 = arith.constant 0 : i32
      %dma_wait3A_1932 = tpu.memref_slice %arg2[%dma_wait3A_1927, %dma_wait3A_1930, %dma_wait3A_1931] : memref<125000x8x32xf32, #tpu.memory_space<hbm>> -> memref<1x8x32xf32, #tpu.memory_space<hbm>>
      %dma_wait3A_1933 = tpu.memref_squeeze %dma_wait3A_1932 : memref<1x8x32xf32, #tpu.memory_space<hbm>> -> memref<8x32xf32, #tpu.memory_space<hbm>>
      %dma_wait3A_1934 = arith.constant 0 : i32
      %dma_wait3A_1935 = tpu.memref_slice %arg9[%add3A_1926, %dma_wait3A_1934] : memref<256x32xf32, #tpu.memory_space<vmem>> -> memref<8x32xf32, #tpu.memory_space<vmem>>
      %dma_wait3A_1936 = arith.constant 0 : i32
      %dma_wait3A_1937 = arith.constant 0 : i32
      %dma_wait3A_1938 = tpu.memref_slice %arg2[%dma_wait3A_1927, %dma_wait3A_1936, %dma_wait3A_1937] : memref<125000x8x32xf32, #tpu.memory_space<hbm>> -> memref<1x8x32xf32, #tpu.memory_space<hbm>>
      %dma_wait3A_1939 = tpu.memref_squeeze %dma_wait3A_1938 : memref<1x8x32xf32, #tpu.memory_space<hbm>> -> memref<8x32xf32, #tpu.memory_space<hbm>>
      tpu.wait_dma2 semaphore(%arg12 : memref<!tpu.dma_semaphore, #tpu.memory_space<semaphore_mem>>) src(%dma_wait3A_1939 : memref<8x32xf32, #tpu.memory_space<hbm>>) dst(%dma_wait3A_1935 : memref<8x32xf32, #tpu.memory_space<vmem>>)
      %add3A_1940 = arith.constant 8 : i32
      %add3A_1941 = arith.addi %multiple_of3A_1890, %add3A_1940 : i32
      %dma_wait3A_1942 = arith.constant 0 : i32
      %dma_wait3A_1943 = arith.constant 0 : i32
      %dma_wait3A_1944 = tpu.memref_slice %arg10[%add3A_1941, %dma_wait3A_1943] : memref<256x32xf32, #tpu.memory_space<vmem>> -> memref<8x32xf32, #tpu.memory_space<vmem>>
      %dma_wait3A_1945 = arith.constant 0 : i32
      %dma_wait3A_1946 = arith.constant 0 : i32
      %dma_wait3A_1947 = tpu.memref_slice %arg3[%dma_wait3A_1942, %dma_wait3A_1945, %dma_wait3A_1946] : memref<125000x8x32xf32, #tpu.memory_space<hbm>> -> memref<1x8x32xf32, #tpu.memory_space<hbm>>
      %dma_wait3A_1948 = tpu.memref_squeeze %dma_wait3A_1947 : memref<1x8x32xf32, #tpu.memory_space<hbm>> -> memref<8x32xf32, #tpu.memory_space<hbm>>
      %dma_wait3A_1949 = arith.constant 0 : i32
      %dma_wait3A_1950 = tpu.memref_slice %arg10[%add3A_1941, %dma_wait3A_1949] : memref<256x32xf32, #tpu.memory_space<vmem>> -> memref<8x32xf32, #tpu.memory_space<vmem>>
      %dma_wait3A_1951 = arith.constant 0 : i32
      %dma_wait3A_1952 = arith.constant 0 : i32
      %dma_wait3A_1953 = tpu.memref_slice %arg3[%dma_wait3A_1942, %dma_wait3A_1951, %dma_wait3A_1952] : memref<125000x8x32xf32, #tpu.memory_space<hbm>> -> memref<1x8x32xf32, #tpu.memory_space<hbm>>
      %dma_wait3A_1954 = tpu.memref_squeeze %dma_wait3A_1953 : memref<1x8x32xf32, #tpu.memory_space<hbm>> -> memref<8x32xf32, #tpu.memory_space<hbm>>
      tpu.wait_dma2 semaphore(%arg12 : memref<!tpu.dma_semaphore, #tpu.memory_space<semaphore_mem>>) src(%dma_wait3A_1954 : memref<8x32xf32, #tpu.memory_space<hbm>>) dst(%dma_wait3A_1950 : memref<8x32xf32, #tpu.memory_space<vmem>>)
      %add3A_1955 = arith.constant 16 : i32
      %add3A_1956 = arith.addi %multiple_of3A_1890, %add3A_1955 : i32
      %dma_wait3A_1957 = arith.constant 0 : i32
      %dma_wait3A_1958 = arith.constant 0 : i32
      %dma_wait3A_1959 = tpu.memref_slice %arg9[%add3A_1956, %dma_wait3A_1958] : memref<256x32xf32, #tpu.memory_space<vmem>> -> memref<8x32xf32, #tpu.memory_space<vmem>>
      %dma_wait3A_1960 = arith.constant 0 : i32
      %dma_wait3A_1961 = arith.constant 0 : i32
      %dma_wait3A_1962 = tpu.memref_slice %arg2[%dma_wait3A_1957, %dma_wait3A_1960, %dma_wait3A_1961] : memref<125000x8x32xf32, #tpu.memory_space<hbm>> -> memref<1x8x32xf32, #tpu.memory_space<hbm>>
      %dma_wait3A_1963 = tpu.memref_squeeze %dma_wait3A_1962 : memref<1x8x32xf32, #tpu.memory_space<hbm>> -> memref<8x32xf32, #tpu.memory_space<hbm>>
      %dma_wait3A_1964 = arith.constant 0 : i32
      %dma_wait3A_1965 = tpu.memref_slice %arg9[%add3A_1956, %dma_wait3A_1964] : memref<256x32xf32, #tpu.memory_space<vmem>> -> memref<8x32xf32, #tpu.memory_space<vmem>>
      %dma_wait3A_1966 = arith.constant 0 : i32
      %dma_wait3A_1967 = arith.constant 0 : i32
      %dma_wait3A_1968 = tpu.memref_slice %arg2[%dma_wait3A_1957, %dma_wait3A_1966, %dma_wait3A_1967] : memref<125000x8x32xf32, #tpu.memory_space<hbm>> -> memref<1x8x32xf32, #tpu.memory_space<hbm>>
      %dma_wait3A_1969 = tpu.memref_squeeze %dma_wait3A_1968 : memref<1x8x32xf32, #tpu.memory_space<hbm>> -> memref<8x32xf32, #tpu.memory_space<hbm>>
      tpu.wait_dma2 semaphore(%arg12 : memref<!tpu.dma_semaphore, #tpu.memory_space<semaphore_mem>>) src(%dma_wait3A_1969 : memref<8x32xf32, #tpu.memory_space<hbm>>) dst(%dma_wait3A_1965 : memref<8x32xf32, #tpu.memory_space<vmem>>)
      %add3A_1970 = arith.constant 16 : i32
      %add3A_1971 = arith.addi %multiple_of3A_1890, %add3A_1970 : i32
      %dma_wait3A_1972 = arith.constant 0 : i32
      %dma_wait3A_1973 = arith.constant 0 : i32
      %dma_wait3A_1974 = tpu.memref_slice %arg10[%add3A_1971, %dma_wait3A_1973] : memref<256x32xf32, #tpu.memory_space<vmem>> -> memref<8x32xf32, #tpu.memory_space<vmem>>
      %dma_wait3A_1975 = arith.constant 0 : i32
      %dma_wait3A_1976 = arith.constant 0 : i32
      %dma_wait3A_1977 = tpu.memref_slice %arg3[%dma_wait3A_1972, %dma_wait3A_1975, %dma_wait3A_1976] : memref<125000x8x32xf32, #tpu.memory_space<hbm>> -> memref<1x8x32xf32, #tpu.memory_space<hbm>>
      %dma_wait3A_1978 = tpu.memref_squeeze %dma_wait3A_1977 : memref<1x8x32xf32, #tpu.memory_space<hbm>> -> memref<8x32xf32, #tpu.memory_space<hbm>>
      %dma_wait3A_1979 = arith.constant 0 : i32
      %dma_wait3A_1980 = tpu.memref_slice %arg10[%add3A_1971, %dma_wait3A_1979] : memref<256x32xf32, #tpu.memory_space<vmem>> -> memref<8x32xf32, #tpu.memory_space<vmem>>
      %dma_wait3A_1981 = arith.constant 0 : i32
      %dma_wait3A_1982 = arith.constant 0 : i32
      %dma_wait3A_1983 = tpu.memref_slice %arg3[%dma_wait3A_1972, %dma_wait3A_1981, %dma_wait3A_1982] : memref<125000x8x32xf32, #tpu.memory_space<hbm>> -> memref<1x8x32xf32, #tpu.memory_space<hbm>>
      %dma_wait3A_1984 = tpu.memref_squeeze %dma_wait3A_1983 : memref<1x8x32xf32, #tpu.memory_space<hbm>> -> memref<8x32xf32, #tpu.memory_space<hbm>>
      tpu.wait_dma2 semaphore(%arg12 : memref<!tpu.dma_semaphore, #tpu.memory_space<semaphore_mem>>) src(%dma_wait3A_1984 : memref<8x32xf32, #tpu.memory_space<hbm>>) dst(%dma_wait3A_1980 : memref<8x32xf32, #tpu.memory_space<vmem>>)
      %add3A_1985 = arith.constant 24 : i32
      %add3A_1986 = arith.addi %multiple_of3A_1890, %add3A_1985 : i32
      %dma_wait3A_1987 = arith.constant 0 : i32
      %dma_wait3A_1988 = arith.constant 0 : i32
      %dma_wait3A_1989 = tpu.memref_slice %arg9[%add3A_1986, %dma_wait3A_1988] : memref<256x32xf32, #tpu.memory_space<vmem>> -> memref<8x32xf32, #tpu.memory_space<vmem>>
      %dma_wait3A_1990 = arith.constant 0 : i32
      %dma_wait3A_1991 = arith.constant 0 : i32
      %dma_wait3A_1992 = tpu.memref_slice %arg2[%dma_wait3A_1987, %dma_wait3A_1990, %dma_wait3A_1991] : memref<125000x8x32xf32, #tpu.memory_space<hbm>> -> memref<1x8x32xf32, #tpu.memory_space<hbm>>
      %dma_wait3A_1993 = tpu.memref_squeeze %dma_wait3A_1992 : memref<1x8x32xf32, #tpu.memory_space<hbm>> -> memref<8x32xf32, #tpu.memory_space<hbm>>
      %dma_wait3A_1994 = arith.constant 0 : i32
      %dma_wait3A_1995 = tpu.memref_slice %arg9[%add3A_1986, %dma_wait3A_1994] : memref<256x32xf32, #tpu.memory_space<vmem>> -> memref<8x32xf32, #tpu.memory_space<vmem>>
      %dma_wait3A_1996 = arith.constant 0 : i32
      %dma_wait3A_1997 = arith.constant 0 : i32
      %dma_wait3A_1998 = tpu.memref_slice %arg2[%dma_wait3A_1987, %dma_wait3A_1996, %dma_wait3A_1997] : memref<125000x8x32xf32, #tpu.memory_space<hbm>> -> memref<1x8x32xf32, #tpu.memory_space<hbm>>
      %dma_wait3A_1999 = tpu.memref_squeeze %dma_wait3A_1998 : memref<1x8x32xf32, #tpu.memory_space<hbm>> -> memref<8x32xf32, #tpu.memory_space<hbm>>
      tpu.wait_dma2 semaphore(%arg12 : memref<!tpu.dma_semaphore, #tpu.memory_space<semaphore_mem>>) src(%dma_wait3A_1999 : memref<8x32xf32, #tpu.memory_space<hbm>>) dst(%dma_wait3A_1995 : memref<8x32xf32, #tpu.memory_space<vmem>>)
      %add3A_2000 = arith.constant 24 : i32
      %add3A_2001 = arith.addi %multiple_of3A_1890, %add3A_2000 : i32
      %dma_wait3A_2002 = arith.constant 0 : i32
      %dma_wait3A_2003 = arith.constant 0 : i32
      %dma_wait3A_2004 = tpu.memref_slice %arg10[%add3A_2001, %dma_wait3A_2003] : memref<256x32xf32, #tpu.memory_space<vmem>> -> memref<8x32xf32, #tpu.memory_space<vmem>>
      %dma_wait3A_2005 = arith.constant 0 : i32
      %dma_wait3A_2006 = arith.constant 0 : i32
      %dma_wait3A_2007 = tpu.memref_slice %arg3[%dma_wait3A_2002, %dma_wait3A_2005, %dma_wait3A_2006] : memref<125000x8x32xf32, #tpu.memory_space<hbm>> -> memref<1x8x32xf32, #tpu.memory_space<hbm>>
      %dma_wait3A_2008 = tpu.memref_squeeze %dma_wait3A_2007 : memref<1x8x32xf32, #tpu.memory_space<hbm>> -> memref<8x32xf32, #tpu.memory_space<hbm>>
      %dma_wait3A_2009 = arith.constant 0 : i32
      %dma_wait3A_2010 = tpu.memref_slice %arg10[%add3A_2001, %dma_wait3A_2009] : memref<256x32xf32, #tpu.memory_space<vmem>> -> memref<8x32xf32, #tpu.memory_space<vmem>>
      %dma_wait3A_2011 = arith.constant 0 : i32
      %dma_wait3A_2012 = arith.constant 0 : i32
      %dma_wait3A_2013 = tpu.memref_slice %arg3[%dma_wait3A_2002, %dma_wait3A_2011, %dma_wait3A_2012] : memref<125000x8x32xf32, #tpu.memory_space<hbm>> -> memref<1x8x32xf32, #tpu.memory_space<hbm>>
      %dma_wait3A_2014 = tpu.memref_squeeze %dma_wait3A_2013 : memref<1x8x32xf32, #tpu.memory_space<hbm>> -> memref<8x32xf32, #tpu.memory_space<hbm>>
      tpu.wait_dma2 semaphore(%arg12 : memref<!tpu.dma_semaphore, #tpu.memory_space<semaphore_mem>>) src(%dma_wait3A_2014 : memref<8x32xf32, #tpu.memory_space<hbm>>) dst(%dma_wait3A_2010 : memref<8x32xf32, #tpu.memory_space<vmem>>)
      %add3A_2015 = arith.constant 32 : i32
      %add3A_2016 = arith.addi %multiple_of3A_1890, %add3A_2015 : i32
      %dma_wait3A_2017 = arith.constant 0 : i32
      %dma_wait3A_2018 = arith.constant 0 : i32
      %dma_wait3A_2019 = tpu.memref_slice %arg9[%add3A_2016, %dma_wait3A_2018] : memref<256x32xf32, #tpu.memory_space<vmem>> -> memref<8x32xf32, #tpu.memory_space<vmem>>
      %dma_wait3A_2020 = arith.constant 0 : i32
      %dma_wait3A_2021 = arith.constant 0 : i32
      %dma_wait3A_2022 = tpu.memref_slice %arg2[%dma_wait3A_2017, %dma_wait3A_2020, %dma_wait3A_2021] : memref<125000x8x32xf32, #tpu.memory_space<hbm>> -> memref<1x8x32xf32, #tpu.memory_space<hbm>>
      %dma_wait3A_2023 = tpu.memref_squeeze %dma_wait3A_2022 : memref<1x8x32xf32, #tpu.memory_space<hbm>> -> memref<8x32xf32, #tpu.memory_space<hbm>>
      %dma_wait3A_2024 = arith.constant 0 : i32
      %dma_wait3A_2025 = tpu.memref_slice %arg9[%add3A_2016, %dma_wait3A_2024] : memref<256x32xf32, #tpu.memory_space<vmem>> -> memref<8x32xf32, #tpu.memory_space<vmem>>
      %dma_wait3A_2026 = arith.constant 0 : i32
      %dma_wait3A_2027 = arith.constant 0 : i32
      %dma_wait3A_2028 = tpu.memref_slice %arg2[%dma_wait3A_2017, %dma_wait3A_2026, %dma_wait3A_2027] : memref<125000x8x32xf32, #tpu.memory_space<hbm>> -> memref<1x8x32xf32, #tpu.memory_space<hbm>>
      %dma_wait3A_2029 = tpu.memref_squeeze %dma_wait3A_2028 : memref<1x8x32xf32, #tpu.memory_space<hbm>> -> memref<8x32xf32, #tpu.memory_space<hbm>>
      tpu.wait_dma2 semaphore(%arg12 : memref<!tpu.dma_semaphore, #tpu.memory_space<semaphore_mem>>) src(%dma_wait3A_2029 : memref<8x32xf32, #tpu.memory_space<hbm>>) dst(%dma_wait3A_2025 : memref<8x32xf32, #tpu.memory_space<vmem>>)
      %add3A_2030 = arith.constant 32 : i32
      %add3A_2031 = arith.addi %multiple_of3A_1890, %add3A_2030 : i32
      %dma_wait3A_2032 = arith.constant 0 : i32
      %dma_wait3A_2033 = arith.constant 0 : i32
      %dma_wait3A_2034 = tpu.memref_slice %arg10[%add3A_2031, %dma_wait3A_2033] : memref<256x32xf32, #tpu.memory_space<vmem>> -> memref<8x32xf32, #tpu.memory_space<vmem>>
      %dma_wait3A_2035 = arith.constant 0 : i32
      %dma_wait3A_2036 = arith.constant 0 : i32
      %dma_wait3A_2037 = tpu.memref_slice %arg3[%dma_wait3A_2032, %dma_wait3A_2035, %dma_wait3A_2036] : memref<125000x8x32xf32, #tpu.memory_space<hbm>> -> memref<1x8x32xf32, #tpu.memory_space<hbm>>
      %dma_wait3A_2038 = tpu.memref_squeeze %dma_wait3A_2037 : memref<1x8x32xf32, #tpu.memory_space<hbm>> -> memref<8x32xf32, #tpu.memory_space<hbm>>
      %dma_wait3A_2039 = arith.constant 0 : i32
      %dma_wait3A_2040 = tpu.memref_slice %arg10[%add3A_2031, %dma_wait3A_2039] : memref<256x32xf32, #tpu.memory_space<vmem>> -> memref<8x32xf32, #tpu.memory_space<vmem>>
      %dma_wait3A_2041 = arith.constant 0 : i32
      %dma_wait3A_2042 = arith.constant 0 : i32
      %dma_wait3A_2043 = tpu.memref_slice %arg3[%dma_wait3A_2032, %dma_wait3A_2041, %dma_wait3A_2042] : memref<125000x8x32xf32, #tpu.memory_space<hbm>> -> memref<1x8x32xf32, #tpu.memory_space<hbm>>
      %dma_wait3A_2044 = tpu.memref_squeeze %dma_wait3A_2043 : memref<1x8x32xf32, #tpu.memory_space<hbm>> -> memref<8x32xf32, #tpu.memory_space<hbm>>
      tpu.wait_dma2 semaphore(%arg12 : memref<!tpu.dma_semaphore, #tpu.memory_space<semaphore_mem>>) src(%dma_wait3A_2044 : memref<8x32xf32, #tpu.memory_space<hbm>>) dst(%dma_wait3A_2040 : memref<8x32xf32, #tpu.memory_space<vmem>>)
      %add3A_2045 = arith.constant 40 : i32
      %add3A_2046 = arith.addi %multiple_of3A_1890, %add3A_2045 : i32
      %dma_wait3A_2047 = arith.constant 0 : i32
      %dma_wait3A_2048 = arith.constant 0 : i32
      %dma_wait3A_2049 = tpu.memref_slice %arg9[%add3A_2046, %dma_wait3A_2048] : memref<256x32xf32, #tpu.memory_space<vmem>> -> memref<8x32xf32, #tpu.memory_space<vmem>>
      %dma_wait3A_2050 = arith.constant 0 : i32
      %dma_wait3A_2051 = arith.constant 0 : i32
      %dma_wait3A_2052 = tpu.memref_slice %arg2[%dma_wait3A_2047, %dma_wait3A_2050, %dma_wait3A_2051] : memref<125000x8x32xf32, #tpu.memory_space<hbm>> -> memref<1x8x32xf32, #tpu.memory_space<hbm>>
      %dma_wait3A_2053 = tpu.memref_squeeze %dma_wait3A_2052 : memref<1x8x32xf32, #tpu.memory_space<hbm>> -> memref<8x32xf32, #tpu.memory_space<hbm>>
      %dma_wait3A_2054 = arith.constant 0 : i32
      %dma_wait3A_2055 = tpu.memref_slice %arg9[%add3A_2046, %dma_wait3A_2054] : memref<256x32xf32, #tpu.memory_space<vmem>> -> memref<8x32xf32, #tpu.memory_space<vmem>>
      %dma_wait3A_2056 = arith.constant 0 : i32
      %dma_wait3A_2057 = arith.constant 0 : i32
      %dma_wait3A_2058 = tpu.memref_slice %arg2[%dma_wait3A_2047, %dma_wait3A_2056, %dma_wait3A_2057] : memref<125000x8x32xf32, #tpu.memory_space<hbm>> -> memref<1x8x32xf32, #tpu.memory_space<hbm>>
      %dma_wait3A_2059 = tpu.memref_squeeze %dma_wait3A_2058 : memref<1x8x32xf32, #tpu.memory_space<hbm>> -> memref<8x32xf32, #tpu.memory_space<hbm>>
      tpu.wait_dma2 semaphore(%arg12 : memref<!tpu.dma_semaphore, #tpu.memory_space<semaphore_mem>>) src(%dma_wait3A_2059 : memref<8x32xf32, #tpu.memory_space<hbm>>) dst(%dma_wait3A_2055 : memref<8x32xf32, #tpu.memory_space<vmem>>)
      %add3A_2060 = arith.constant 40 : i32
      %add3A_2061 = arith.addi %multiple_of3A_1890, %add3A_2060 : i32
      %dma_wait3A_2062 = arith.constant 0 : i32
      %dma_wait3A_2063 = arith.constant 0 : i32
      %dma_wait3A_2064 = tpu.memref_slice %arg10[%add3A_2061, %dma_wait3A_2063] : memref<256x32xf32, #tpu.memory_space<vmem>> -> memref<8x32xf32, #tpu.memory_space<vmem>>
      %dma_wait3A_2065 = arith.constant 0 : i32
      %dma_wait3A_2066 = arith.constant 0 : i32
      %dma_wait3A_2067 = tpu.memref_slice %arg3[%dma_wait3A_2062, %dma_wait3A_2065, %dma_wait3A_2066] : memref<125000x8x32xf32, #tpu.memory_space<hbm>> -> memref<1x8x32xf32, #tpu.memory_space<hbm>>
      %dma_wait3A_2068 = tpu.memref_squeeze %dma_wait3A_2067 : memref<1x8x32xf32, #tpu.memory_space<hbm>> -> memref<8x32xf32, #tpu.memory_space<hbm>>
      %dma_wait3A_2069 = arith.constant 0 : i32
      %dma_wait3A_2070 = tpu.memref_slice %arg10[%add3A_2061, %dma_wait3A_2069] : memref<256x32xf32, #tpu.memory_space<vmem>> -> memref<8x32xf32, #tpu.memory_space<vmem>>
      %dma_wait3A_2071 = arith.constant 0 : i32
      %dma_wait3A_2072 = arith.constant 0 : i32
      %dma_wait3A_2073 = tpu.memref_slice %arg3[%dma_wait3A_2062, %dma_wait3A_2071, %dma_wait3A_2072] : memref<125000x8x32xf32, #tpu.memory_space<hbm>> -> memref<1x8x32xf32, #tpu.memory_space<hbm>>
      %dma_wait3A_2074 = tpu.memref_squeeze %dma_wait3A_2073 : memref<1x8x32xf32, #tpu.memory_space<hbm>> -> memref<8x32xf32, #tpu.memory_space<hbm>>
      tpu.wait_dma2 semaphore(%arg12 : memref<!tpu.dma_semaphore, #tpu.memory_space<semaphore_mem>>) src(%dma_wait3A_2074 : memref<8x32xf32, #tpu.memory_space<hbm>>) dst(%dma_wait3A_2070 : memref<8x32xf32, #tpu.memory_space<vmem>>)
      %add3A_2075 = arith.constant 48 : i32
      %add3A_2076 = arith.addi %multiple_of3A_1890, %add3A_2075 : i32
      %dma_wait3A_2077 = arith.constant 0 : i32
      %dma_wait3A_2078 = arith.constant 0 : i32
      %dma_wait3A_2079 = tpu.memref_slice %arg9[%add3A_2076, %dma_wait3A_2078] : memref<256x32xf32, #tpu.memory_space<vmem>> -> memref<8x32xf32, #tpu.memory_space<vmem>>
      %dma_wait3A_2080 = arith.constant 0 : i32
      %dma_wait3A_2081 = arith.constant 0 : i32
      %dma_wait3A_2082 = tpu.memref_slice %arg2[%dma_wait3A_2077, %dma_wait3A_2080, %dma_wait3A_2081] : memref<125000x8x32xf32, #tpu.memory_space<hbm>> -> memref<1x8x32xf32, #tpu.memory_space<hbm>>
      %dma_wait3A_2083 = tpu.memref_squeeze %dma_wait3A_2082 : memref<1x8x32xf32, #tpu.memory_space<hbm>> -> memref<8x32xf32, #tpu.memory_space<hbm>>
      %dma_wait3A_2084 = arith.constant 0 : i32
      %dma_wait3A_2085 = tpu.memref_slice %arg9[%add3A_2076, %dma_wait3A_2084] : memref<256x32xf32, #tpu.memory_space<vmem>> -> memref<8x32xf32, #tpu.memory_space<vmem>>
      %dma_wait3A_2086 = arith.constant 0 : i32
      %dma_wait3A_2087 = arith.constant 0 : i32
      %dma_wait3A_2088 = tpu.memref_slice %arg2[%dma_wait3A_2077, %dma_wait3A_2086, %dma_wait3A_2087] : memref<125000x8x32xf32, #tpu.memory_space<hbm>> -> memref<1x8x32xf32, #tpu.memory_space<hbm>>
      %dma_wait3A_2089 = tpu.memref_squeeze %dma_wait3A_2088 : memref<1x8x32xf32, #tpu.memory_space<hbm>> -> memref<8x32xf32, #tpu.memory_space<hbm>>
      tpu.wait_dma2 semaphore(%arg12 : memref<!tpu.dma_semaphore, #tpu.memory_space<semaphore_mem>>) src(%dma_wait3A_2089 : memref<8x32xf32, #tpu.memory_space<hbm>>) dst(%dma_wait3A_2085 : memref<8x32xf32, #tpu.memory_space<vmem>>)
      %add3A_2090 = arith.constant 48 : i32
      %add3A_2091 = arith.addi %multiple_of3A_1890, %add3A_2090 : i32
      %dma_wait3A_2092 = arith.constant 0 : i32
      %dma_wait3A_2093 = arith.constant 0 : i32
      %dma_wait3A_2094 = tpu.memref_slice %arg10[%add3A_2091, %dma_wait3A_2093] : memref<256x32xf32, #tpu.memory_space<vmem>> -> memref<8x32xf32, #tpu.memory_space<vmem>>
      %dma_wait3A_2095 = arith.constant 0 : i32
      %dma_wait3A_2096 = arith.constant 0 : i32
      %dma_wait3A_2097 = tpu.memref_slice %arg3[%dma_wait3A_2092, %dma_wait3A_2095, %dma_wait3A_2096] : memref<125000x8x32xf32, #tpu.memory_space<hbm>> -> memref<1x8x32xf32, #tpu.memory_space<hbm>>
      %dma_wait3A_2098 = tpu.memref_squeeze %dma_wait3A_2097 : memref<1x8x32xf32, #tpu.memory_space<hbm>> -> memref<8x32xf32, #tpu.memory_space<hbm>>
      %dma_wait3A_2099 = arith.constant 0 : i32
      %dma_wait3A_2100 = tpu.memref_slice %arg10[%add3A_2091, %dma_wait3A_2099] : memref<256x32xf32, #tpu.memory_space<vmem>> -> memref<8x32xf32, #tpu.memory_space<vmem>>
      %dma_wait3A_2101 = arith.constant 0 : i32
      %dma_wait3A_2102 = arith.constant 0 : i32
      %dma_wait3A_2103 = tpu.memref_slice %arg3[%dma_wait3A_2092, %dma_wait3A_2101, %dma_wait3A_2102] : memref<125000x8x32xf32, #tpu.memory_space<hbm>> -> memref<1x8x32xf32, #tpu.memory_space<hbm>>
      %dma_wait3A_2104 = tpu.memref_squeeze %dma_wait3A_2103 : memref<1x8x32xf32, #tpu.memory_space<hbm>> -> memref<8x32xf32, #tpu.memory_space<hbm>>
      tpu.wait_dma2 semaphore(%arg12 : memref<!tpu.dma_semaphore, #tpu.memory_space<semaphore_mem>>) src(%dma_wait3A_2104 : memref<8x32xf32, #tpu.memory_space<hbm>>) dst(%dma_wait3A_2100 : memref<8x32xf32, #tpu.memory_space<vmem>>)
      %add3A_2105 = arith.constant 56 : i32
      %add3A_2106 = arith.addi %multiple_of3A_1890, %add3A_2105 : i32
      %dma_wait3A_2107 = arith.constant 0 : i32
      %dma_wait3A_2108 = arith.constant 0 : i32
      %dma_wait3A_2109 = tpu.memref_slice %arg9[%add3A_2106, %dma_wait3A_2108] : memref<256x32xf32, #tpu.memory_space<vmem>> -> memref<8x32xf32, #tpu.memory_space<vmem>>
      %dma_wait3A_2110 = arith.constant 0 : i32
      %dma_wait3A_2111 = arith.constant 0 : i32
      %dma_wait3A_2112 = tpu.memref_slice %arg2[%dma_wait3A_2107, %dma_wait3A_2110, %dma_wait3A_2111] : memref<125000x8x32xf32, #tpu.memory_space<hbm>> -> memref<1x8x32xf32, #tpu.memory_space<hbm>>
      %dma_wait3A_2113 = tpu.memref_squeeze %dma_wait3A_2112 : memref<1x8x32xf32, #tpu.memory_space<hbm>> -> memref<8x32xf32, #tpu.memory_space<hbm>>
      %dma_wait3A_2114 = arith.constant 0 : i32
      %dma_wait3A_2115 = tpu.memref_slice %arg9[%add3A_2106, %dma_wait3A_2114] : memref<256x32xf32, #tpu.memory_space<vmem>> -> memref<8x32xf32, #tpu.memory_space<vmem>>
      %dma_wait3A_2116 = arith.constant 0 : i32
      %dma_wait3A_2117 = arith.constant 0 : i32
      %dma_wait3A_2118 = tpu.memref_slice %arg2[%dma_wait3A_2107, %dma_wait3A_2116, %dma_wait3A_2117] : memref<125000x8x32xf32, #tpu.memory_space<hbm>> -> memref<1x8x32xf32, #tpu.memory_space<hbm>>
      %dma_wait3A_2119 = tpu.memref_squeeze %dma_wait3A_2118 : memref<1x8x32xf32, #tpu.memory_space<hbm>> -> memref<8x32xf32, #tpu.memory_space<hbm>>
      tpu.wait_dma2 semaphore(%arg12 : memref<!tpu.dma_semaphore, #tpu.memory_space<semaphore_mem>>) src(%dma_wait3A_2119 : memref<8x32xf32, #tpu.memory_space<hbm>>) dst(%dma_wait3A_2115 : memref<8x32xf32, #tpu.memory_space<vmem>>)
      %add3A_2120 = arith.constant 56 : i32
      %add3A_2121 = arith.addi %multiple_of3A_1890, %add3A_2120 : i32
      %dma_wait3A_2122 = arith.constant 0 : i32
      %dma_wait3A_2123 = arith.constant 0 : i32
      %dma_wait3A_2124 = tpu.memref_slice %arg10[%add3A_2121, %dma_wait3A_2123] : memref<256x32xf32, #tpu.memory_space<vmem>> -> memref<8x32xf32, #tpu.memory_space<vmem>>
      %dma_wait3A_2125 = arith.constant 0 : i32
      %dma_wait3A_2126 = arith.constant 0 : i32
      %dma_wait3A_2127 = tpu.memref_slice %arg3[%dma_wait3A_2122, %dma_wait3A_2125, %dma_wait3A_2126] : memref<125000x8x32xf32, #tpu.memory_space<hbm>> -> memref<1x8x32xf32, #tpu.memory_space<hbm>>
      %dma_wait3A_2128 = tpu.memref_squeeze %dma_wait3A_2127 : memref<1x8x32xf32, #tpu.memory_space<hbm>> -> memref<8x32xf32, #tpu.memory_space<hbm>>
      %dma_wait3A_2129 = arith.constant 0 : i32
      %dma_wait3A_2130 = tpu.memref_slice %arg10[%add3A_2121, %dma_wait3A_2129] : memref<256x32xf32, #tpu.memory_space<vmem>> -> memref<8x32xf32, #tpu.memory_space<vmem>>
      %dma_wait3A_2131 = arith.constant 0 : i32
      %dma_wait3A_2132 = arith.constant 0 : i32
      %dma_wait3A_2133 = tpu.memref_slice %arg3[%dma_wait3A_2122, %dma_wait3A_2131, %dma_wait3A_2132] : memref<125000x8x32xf32, #tpu.memory_space<hbm>> -> memref<1x8x32xf32, #tpu.memory_space<hbm>>
      %dma_wait3A_2134 = tpu.memref_squeeze %dma_wait3A_2133 : memref<1x8x32xf32, #tpu.memory_space<hbm>> -> memref<8x32xf32, #tpu.memory_space<hbm>>
      tpu.wait_dma2 semaphore(%arg12 : memref<!tpu.dma_semaphore, #tpu.memory_space<semaphore_mem>>) src(%dma_wait3A_2134 : memref<8x32xf32, #tpu.memory_space<hbm>>) dst(%dma_wait3A_2130 : memref<8x32xf32, #tpu.memory_space<vmem>>)
      %add3A_2135 = arith.constant 64 : i32
      %add3A_2136 = arith.addi %multiple_of3A_1890, %add3A_2135 : i32
      %dma_wait3A_2137 = arith.constant 0 : i32
      %dma_wait3A_2138 = arith.constant 0 : i32
      %dma_wait3A_2139 = tpu.memref_slice %arg9[%add3A_2136, %dma_wait3A_2138] : memref<256x32xf32, #tpu.memory_space<vmem>> -> memref<8x32xf32, #tpu.memory_space<vmem>>
      %dma_wait3A_2140 = arith.constant 0 : i32
      %dma_wait3A_2141 = arith.constant 0 : i32
      %dma_wait3A_2142 = tpu.memref_slice %arg2[%dma_wait3A_2137, %dma_wait3A_2140, %dma_wait3A_2141] : memref<125000x8x32xf32, #tpu.memory_space<hbm>> -> memref<1x8x32xf32, #tpu.memory_space<hbm>>
      %dma_wait3A_2143 = tpu.memref_squeeze %dma_wait3A_2142 : memref<1x8x32xf32, #tpu.memory_space<hbm>> -> memref<8x32xf32, #tpu.memory_space<hbm>>
      %dma_wait3A_2144 = arith.constant 0 : i32
      %dma_wait3A_2145 = tpu.memref_slice %arg9[%add3A_2136, %dma_wait3A_2144] : memref<256x32xf32, #tpu.memory_space<vmem>> -> memref<8x32xf32, #tpu.memory_space<vmem>>
      %dma_wait3A_2146 = arith.constant 0 : i32
      %dma_wait3A_2147 = arith.constant 0 : i32
      %dma_wait3A_2148 = tpu.memref_slice %arg2[%dma_wait3A_2137, %dma_wait3A_2146, %dma_wait3A_2147] : memref<125000x8x32xf32, #tpu.memory_space<hbm>> -> memref<1x8x32xf32, #tpu.memory_space<hbm>>
      %dma_wait3A_2149 = tpu.memref_squeeze %dma_wait3A_2148 : memref<1x8x32xf32, #tpu.memory_space<hbm>> -> memref<8x32xf32, #tpu.memory_space<hbm>>
      tpu.wait_dma2 semaphore(%arg12 : memref<!tpu.dma_semaphore, #tpu.memory_space<semaphore_mem>>) src(%dma_wait3A_2149 : memref<8x32xf32, #tpu.memory_space<hbm>>) dst(%dma_wait3A_2145 : memref<8x32xf32, #tpu.memory_space<vmem>>)
      %add3A_2150 = arith.constant 64 : i32
      %add3A_2151 = arith.addi %multiple_of3A_1890, %add3A_2150 : i32
      %dma_wait3A_2152 = arith.constant 0 : i32
      %dma_wait3A_2153 = arith.constant 0 : i32
      %dma_wait3A_2154 = tpu.memref_slice %arg10[%add3A_2151, %dma_wait3A_2153] : memref<256x32xf32, #tpu.memory_space<vmem>> -> memref<8x32xf32, #tpu.memory_space<vmem>>
      %dma_wait3A_2155 = arith.constant 0 : i32
      %dma_wait3A_2156 = arith.constant 0 : i32
      %dma_wait3A_2157 = tpu.memref_slice %arg3[%dma_wait3A_2152, %dma_wait3A_2155, %dma_wait3A_2156] : memref<125000x8x32xf32, #tpu.memory_space<hbm>> -> memref<1x8x32xf32, #tpu.memory_space<hbm>>
      %dma_wait3A_2158 = tpu.memref_squeeze %dma_wait3A_2157 : memref<1x8x32xf32, #tpu.memory_space<hbm>> -> memref<8x32xf32, #tpu.memory_space<hbm>>
      %dma_wait3A_2159 = arith.constant 0 : i32
      %dma_wait3A_2160 = tpu.memref_slice %arg10[%add3A_2151, %dma_wait3A_2159] : memref<256x32xf32, #tpu.memory_space<vmem>> -> memref<8x32xf32, #tpu.memory_space<vmem>>
      %dma_wait3A_2161 = arith.constant 0 : i32
      %dma_wait3A_2162 = arith.constant 0 : i32
      %dma_wait3A_2163 = tpu.memref_slice %arg3[%dma_wait3A_2152, %dma_wait3A_2161, %dma_wait3A_2162] : memref<125000x8x32xf32, #tpu.memory_space<hbm>> -> memref<1x8x32xf32, #tpu.memory_space<hbm>>
      %dma_wait3A_2164 = tpu.memref_squeeze %dma_wait3A_2163 : memref<1x8x32xf32, #tpu.memory_space<hbm>> -> memref<8x32xf32, #tpu.memory_space<hbm>>
      tpu.wait_dma2 semaphore(%arg12 : memref<!tpu.dma_semaphore, #tpu.memory_space<semaphore_mem>>) src(%dma_wait3A_2164 : memref<8x32xf32, #tpu.memory_space<hbm>>) dst(%dma_wait3A_2160 : memref<8x32xf32, #tpu.memory_space<vmem>>)
      %add3A_2165 = arith.constant 72 : i32
      %add3A_2166 = arith.addi %multiple_of3A_1890, %add3A_2165 : i32
      %dma_wait3A_2167 = arith.constant 0 : i32
      %dma_wait3A_2168 = arith.constant 0 : i32
      %dma_wait3A_2169 = tpu.memref_slice %arg9[%add3A_2166, %dma_wait3A_2168] : memref<256x32xf32, #tpu.memory_space<vmem>> -> memref<8x32xf32, #tpu.memory_space<vmem>>
      %dma_wait3A_2170 = arith.constant 0 : i32
      %dma_wait3A_2171 = arith.constant 0 : i32
      %dma_wait3A_2172 = tpu.memref_slice %arg2[%dma_wait3A_2167, %dma_wait3A_2170, %dma_wait3A_2171] : memref<125000x8x32xf32, #tpu.memory_space<hbm>> -> memref<1x8x32xf32, #tpu.memory_space<hbm>>
      %dma_wait3A_2173 = tpu.memref_squeeze %dma_wait3A_2172 : memref<1x8x32xf32, #tpu.memory_space<hbm>> -> memref<8x32xf32, #tpu.memory_space<hbm>>
      %dma_wait3A_2174 = arith.constant 0 : i32
      %dma_wait3A_2175 = tpu.memref_slice %arg9[%add3A_2166, %dma_wait3A_2174] : memref<256x32xf32, #tpu.memory_space<vmem>> -> memref<8x32xf32, #tpu.memory_space<vmem>>
      %dma_wait3A_2176 = arith.constant 0 : i32
      %dma_wait3A_2177 = arith.constant 0 : i32
      %dma_wait3A_2178 = tpu.memref_slice %arg2[%dma_wait3A_2167, %dma_wait3A_2176, %dma_wait3A_2177] : memref<125000x8x32xf32, #tpu.memory_space<hbm>> -> memref<1x8x32xf32, #tpu.memory_space<hbm>>
      %dma_wait3A_2179 = tpu.memref_squeeze %dma_wait3A_2178 : memref<1x8x32xf32, #tpu.memory_space<hbm>> -> memref<8x32xf32, #tpu.memory_space<hbm>>
      tpu.wait_dma2 semaphore(%arg12 : memref<!tpu.dma_semaphore, #tpu.memory_space<semaphore_mem>>) src(%dma_wait3A_2179 : memref<8x32xf32, #tpu.memory_space<hbm>>) dst(%dma_wait3A_2175 : memref<8x32xf32, #tpu.memory_space<vmem>>)
      %add3A_2180 = arith.constant 72 : i32
      %add3A_2181 = arith.addi %multiple_of3A_1890, %add3A_2180 : i32
      %dma_wait3A_2182 = arith.constant 0 : i32
      %dma_wait3A_2183 = arith.constant 0 : i32
      %dma_wait3A_2184 = tpu.memref_slice %arg10[%add3A_2181, %dma_wait3A_2183] : memref<256x32xf32, #tpu.memory_space<vmem>> -> memref<8x32xf32, #tpu.memory_space<vmem>>
      %dma_wait3A_2185 = arith.constant 0 : i32
      %dma_wait3A_2186 = arith.constant 0 : i32
      %dma_wait3A_2187 = tpu.memref_slice %arg3[%dma_wait3A_2182, %dma_wait3A_2185, %dma_wait3A_2186] : memref<125000x8x32xf32, #tpu.memory_space<hbm>> -> memref<1x8x32xf32, #tpu.memory_space<hbm>>
      %dma_wait3A_2188 = tpu.memref_squeeze %dma_wait3A_2187 : memref<1x8x32xf32, #tpu.memory_space<hbm>> -> memref<8x32xf32, #tpu.memory_space<hbm>>
      %dma_wait3A_2189 = arith.constant 0 : i32
      %dma_wait3A_2190 = tpu.memref_slice %arg10[%add3A_2181, %dma_wait3A_2189] : memref<256x32xf32, #tpu.memory_space<vmem>> -> memref<8x32xf32, #tpu.memory_space<vmem>>
      %dma_wait3A_2191 = arith.constant 0 : i32
      %dma_wait3A_2192 = arith.constant 0 : i32
      %dma_wait3A_2193 = tpu.memref_slice %arg3[%dma_wait3A_2182, %dma_wait3A_2191, %dma_wait3A_2192] : memref<125000x8x32xf32, #tpu.memory_space<hbm>> -> memref<1x8x32xf32, #tpu.memory_space<hbm>>
      %dma_wait3A_2194 = tpu.memref_squeeze %dma_wait3A_2193 : memref<1x8x32xf32, #tpu.memory_space<hbm>> -> memref<8x32xf32, #tpu.memory_space<hbm>>
      tpu.wait_dma2 semaphore(%arg12 : memref<!tpu.dma_semaphore, #tpu.memory_space<semaphore_mem>>) src(%dma_wait3A_2194 : memref<8x32xf32, #tpu.memory_space<hbm>>) dst(%dma_wait3A_2190 : memref<8x32xf32, #tpu.memory_space<vmem>>)
      %add3A_2195 = arith.constant 80 : i32
      %add3A_2196 = arith.addi %multiple_of3A_1890, %add3A_2195 : i32
      %dma_wait3A_2197 = arith.constant 0 : i32
      %dma_wait3A_2198 = arith.constant 0 : i32
      %dma_wait3A_2199 = tpu.memref_slice %arg9[%add3A_2196, %dma_wait3A_2198] : memref<256x32xf32, #tpu.memory_space<vmem>> -> memref<8x32xf32, #tpu.memory_space<vmem>>
      %dma_wait3A_2200 = arith.constant 0 : i32
      %dma_wait3A_2201 = arith.constant 0 : i32
      %dma_wait3A_2202 = tpu.memref_slice %arg2[%dma_wait3A_2197, %dma_wait3A_2200, %dma_wait3A_2201] : memref<125000x8x32xf32, #tpu.memory_space<hbm>> -> memref<1x8x32xf32, #tpu.memory_space<hbm>>
      %dma_wait3A_2203 = tpu.memref_squeeze %dma_wait3A_2202 : memref<1x8x32xf32, #tpu.memory_space<hbm>> -> memref<8x32xf32, #tpu.memory_space<hbm>>
      %dma_wait3A_2204 = arith.constant 0 : i32
      %dma_wait3A_2205 = tpu.memref_slice %arg9[%add3A_2196, %dma_wait3A_2204] : memref<256x32xf32, #tpu.memory_space<vmem>> -> memref<8x32xf32, #tpu.memory_space<vmem>>
      %dma_wait3A_2206 = arith.constant 0 : i32
      %dma_wait3A_2207 = arith.constant 0 : i32
      %dma_wait3A_2208 = tpu.memref_slice %arg2[%dma_wait3A_2197, %dma_wait3A_2206, %dma_wait3A_2207] : memref<125000x8x32xf32, #tpu.memory_space<hbm>> -> memref<1x8x32xf32, #tpu.memory_space<hbm>>
      %dma_wait3A_2209 = tpu.memref_squeeze %dma_wait3A_2208 : memref<1x8x32xf32, #tpu.memory_space<hbm>> -> memref<8x32xf32, #tpu.memory_space<hbm>>
      tpu.wait_dma2 semaphore(%arg12 : memref<!tpu.dma_semaphore, #tpu.memory_space<semaphore_mem>>) src(%dma_wait3A_2209 : memref<8x32xf32, #tpu.memory_space<hbm>>) dst(%dma_wait3A_2205 : memref<8x32xf32, #tpu.memory_space<vmem>>)
      %add3A_2210 = arith.constant 80 : i32
      %add3A_2211 = arith.addi %multiple_of3A_1890, %add3A_2210 : i32
      %dma_wait3A_2212 = arith.constant 0 : i32
      %dma_wait3A_2213 = arith.constant 0 : i32
      %dma_wait3A_2214 = tpu.memref_slice %arg10[%add3A_2211, %dma_wait3A_2213] : memref<256x32xf32, #tpu.memory_space<vmem>> -> memref<8x32xf32, #tpu.memory_space<vmem>>
      %dma_wait3A_2215 = arith.constant 0 : i32
      %dma_wait3A_2216 = arith.constant 0 : i32
      %dma_wait3A_2217 = tpu.memref_slice %arg3[%dma_wait3A_2212, %dma_wait3A_2215, %dma_wait3A_2216] : memref<125000x8x32xf32, #tpu.memory_space<hbm>> -> memref<1x8x32xf32, #tpu.memory_space<hbm>>
      %dma_wait3A_2218 = tpu.memref_squeeze %dma_wait3A_2217 : memref<1x8x32xf32, #tpu.memory_space<hbm>> -> memref<8x32xf32, #tpu.memory_space<hbm>>
      %dma_wait3A_2219 = arith.constant 0 : i32
      %dma_wait3A_2220 = tpu.memref_slice %arg10[%add3A_2211, %dma_wait3A_2219] : memref<256x32xf32, #tpu.memory_space<vmem>> -> memref<8x32xf32, #tpu.memory_space<vmem>>
      %dma_wait3A_2221 = arith.constant 0 : i32
      %dma_wait3A_2222 = arith.constant 0 : i32
      %dma_wait3A_2223 = tpu.memref_slice %arg3[%dma_wait3A_2212, %dma_wait3A_2221, %dma_wait3A_2222] : memref<125000x8x32xf32, #tpu.memory_space<hbm>> -> memref<1x8x32xf32, #tpu.memory_space<hbm>>
      %dma_wait3A_2224 = tpu.memref_squeeze %dma_wait3A_2223 : memref<1x8x32xf32, #tpu.memory_space<hbm>> -> memref<8x32xf32, #tpu.memory_space<hbm>>
      tpu.wait_dma2 semaphore(%arg12 : memref<!tpu.dma_semaphore, #tpu.memory_space<semaphore_mem>>) src(%dma_wait3A_2224 : memref<8x32xf32, #tpu.memory_space<hbm>>) dst(%dma_wait3A_2220 : memref<8x32xf32, #tpu.memory_space<vmem>>)
      %add3A_2225 = arith.constant 88 : i32
      %add3A_2226 = arith.addi %multiple_of3A_1890, %add3A_2225 : i32
      %dma_wait3A_2227 = arith.constant 0 : i32
      %dma_wait3A_2228 = arith.constant 0 : i32
      %dma_wait3A_2229 = tpu.memref_slice %arg9[%add3A_2226, %dma_wait3A_2228] : memref<256x32xf32, #tpu.memory_space<vmem>> -> memref<8x32xf32, #tpu.memory_space<vmem>>
      %dma_wait3A_2230 = arith.constant 0 : i32
      %dma_wait3A_2231 = arith.constant 0 : i32
      %dma_wait3A_2232 = tpu.memref_slice %arg2[%dma_wait3A_2227, %dma_wait3A_2230, %dma_wait3A_2231] : memref<125000x8x32xf32, #tpu.memory_space<hbm>> -> memref<1x8x32xf32, #tpu.memory_space<hbm>>
      %dma_wait3A_2233 = tpu.memref_squeeze %dma_wait3A_2232 : memref<1x8x32xf32, #tpu.memory_space<hbm>> -> memref<8x32xf32, #tpu.memory_space<hbm>>
      %dma_wait3A_2234 = arith.constant 0 : i32
      %dma_wait3A_2235 = tpu.memref_slice %arg9[%add3A_2226, %dma_wait3A_2234] : memref<256x32xf32, #tpu.memory_space<vmem>> -> memref<8x32xf32, #tpu.memory_space<vmem>>
      %dma_wait3A_2236 = arith.constant 0 : i32
      %dma_wait3A_2237 = arith.constant 0 : i32
      %dma_wait3A_2238 = tpu.memref_slice %arg2[%dma_wait3A_2227, %dma_wait3A_2236, %dma_wait3A_2237] : memref<125000x8x32xf32, #tpu.memory_space<hbm>> -> memref<1x8x32xf32, #tpu.memory_space<hbm>>
      %dma_wait3A_2239 = tpu.memref_squeeze %dma_wait3A_2238 : memref<1x8x32xf32, #tpu.memory_space<hbm>> -> memref<8x32xf32, #tpu.memory_space<hbm>>
      tpu.wait_dma2 semaphore(%arg12 : memref<!tpu.dma_semaphore, #tpu.memory_space<semaphore_mem>>) src(%dma_wait3A_2239 : memref<8x32xf32, #tpu.memory_space<hbm>>) dst(%dma_wait3A_2235 : memref<8x32xf32, #tpu.memory_space<vmem>>)
      %add3A_2240 = arith.constant 88 : i32
      %add3A_2241 = arith.addi %multiple_of3A_1890, %add3A_2240 : i32
      %dma_wait3A_2242 = arith.constant 0 : i32
      %dma_wait3A_2243 = arith.constant 0 : i32
      %dma_wait3A_2244 = tpu.memref_slice %arg10[%add3A_2241, %dma_wait3A_2243] : memref<256x32xf32, #tpu.memory_space<vmem>> -> memref<8x32xf32, #tpu.memory_space<vmem>>
      %dma_wait3A_2245 = arith.constant 0 : i32
      %dma_wait3A_2246 = arith.constant 0 : i32
      %dma_wait3A_2247 = tpu.memref_slice %arg3[%dma_wait3A_2242, %dma_wait3A_2245, %dma_wait3A_2246] : memref<125000x8x32xf32, #tpu.memory_space<hbm>> -> memref<1x8x32xf32, #tpu.memory_space<hbm>>
      %dma_wait3A_2248 = tpu.memref_squeeze %dma_wait3A_2247 : memref<1x8x32xf32, #tpu.memory_space<hbm>> -> memref<8x32xf32, #tpu.memory_space<hbm>>
      %dma_wait3A_2249 = arith.constant 0 : i32
      %dma_wait3A_2250 = tpu.memref_slice %arg10[%add3A_2241, %dma_wait3A_2249] : memref<256x32xf32, #tpu.memory_space<vmem>> -> memref<8x32xf32, #tpu.memory_space<vmem>>
      %dma_wait3A_2251 = arith.constant 0 : i32
      %dma_wait3A_2252 = arith.constant 0 : i32
      %dma_wait3A_2253 = tpu.memref_slice %arg3[%dma_wait3A_2242, %dma_wait3A_2251, %dma_wait3A_2252] : memref<125000x8x32xf32, #tpu.memory_space<hbm>> -> memref<1x8x32xf32, #tpu.memory_space<hbm>>
      %dma_wait3A_2254 = tpu.memref_squeeze %dma_wait3A_2253 : memref<1x8x32xf32, #tpu.memory_space<hbm>> -> memref<8x32xf32, #tpu.memory_space<hbm>>
      tpu.wait_dma2 semaphore(%arg12 : memref<!tpu.dma_semaphore, #tpu.memory_space<semaphore_mem>>) src(%dma_wait3A_2254 : memref<8x32xf32, #tpu.memory_space<hbm>>) dst(%dma_wait3A_2250 : memref<8x32xf32, #tpu.memory_space<vmem>>)
      %add3A_2255 = arith.constant 96 : i32
      %add3A_2256 = arith.addi %multiple_of3A_1890, %add3A_2255 : i32
      %dma_wait3A_2257 = arith.constant 0 : i32
      %dma_wait3A_2258 = arith.constant 0 : i32
      %dma_wait3A_2259 = tpu.memref_slice %arg9[%add3A_2256, %dma_wait3A_2258] : memref<256x32xf32, #tpu.memory_space<vmem>> -> memref<8x32xf32, #tpu.memory_space<vmem>>
      %dma_wait3A_2260 = arith.constant 0 : i32
      %dma_wait3A_2261 = arith.constant 0 : i32
      %dma_wait3A_2262 = tpu.memref_slice %arg2[%dma_wait3A_2257, %dma_wait3A_2260, %dma_wait3A_2261] : memref<125000x8x32xf32, #tpu.memory_space<hbm>> -> memref<1x8x32xf32, #tpu.memory_space<hbm>>
      %dma_wait3A_2263 = tpu.memref_squeeze %dma_wait3A_2262 : memref<1x8x32xf32, #tpu.memory_space<hbm>> -> memref<8x32xf32, #tpu.memory_space<hbm>>
      %dma_wait3A_2264 = arith.constant 0 : i32
      %dma_wait3A_2265 = tpu.memref_slice %arg9[%add3A_2256, %dma_wait3A_2264] : memref<256x32xf32, #tpu.memory_space<vmem>> -> memref<8x32xf32, #tpu.memory_space<vmem>>
      %dma_wait3A_2266 = arith.constant 0 : i32
      %dma_wait3A_2267 = arith.constant 0 : i32
      %dma_wait3A_2268 = tpu.memref_slice %arg2[%dma_wait3A_2257, %dma_wait3A_2266, %dma_wait3A_2267] : memref<125000x8x32xf32, #tpu.memory_space<hbm>> -> memref<1x8x32xf32, #tpu.memory_space<hbm>>
      %dma_wait3A_2269 = tpu.memref_squeeze %dma_wait3A_2268 : memref<1x8x32xf32, #tpu.memory_space<hbm>> -> memref<8x32xf32, #tpu.memory_space<hbm>>
      tpu.wait_dma2 semaphore(%arg12 : memref<!tpu.dma_semaphore, #tpu.memory_space<semaphore_mem>>) src(%dma_wait3A_2269 : memref<8x32xf32, #tpu.memory_space<hbm>>) dst(%dma_wait3A_2265 : memref<8x32xf32, #tpu.memory_space<vmem>>)
      %add3A_2270 = arith.constant 96 : i32
      %add3A_2271 = arith.addi %multiple_of3A_1890, %add3A_2270 : i32
      %dma_wait3A_2272 = arith.constant 0 : i32
      %dma_wait3A_2273 = arith.constant 0 : i32
      %dma_wait3A_2274 = tpu.memref_slice %arg10[%add3A_2271, %dma_wait3A_2273] : memref<256x32xf32, #tpu.memory_space<vmem>> -> memref<8x32xf32, #tpu.memory_space<vmem>>
      %dma_wait3A_2275 = arith.constant 0 : i32
      %dma_wait3A_2276 = arith.constant 0 : i32
      %dma_wait3A_2277 = tpu.memref_slice %arg3[%dma_wait3A_2272, %dma_wait3A_2275, %dma_wait3A_2276] : memref<125000x8x32xf32, #tpu.memory_space<hbm>> -> memref<1x8x32xf32, #tpu.memory_space<hbm>>
      %dma_wait3A_2278 = tpu.memref_squeeze %dma_wait3A_2277 : memref<1x8x32xf32, #tpu.memory_space<hbm>> -> memref<8x32xf32, #tpu.memory_space<hbm>>
      %dma_wait3A_2279 = arith.constant 0 : i32
      %dma_wait3A_2280 = tpu.memref_slice %arg10[%add3A_2271, %dma_wait3A_2279] : memref<256x32xf32, #tpu.memory_space<vmem>> -> memref<8x32xf32, #tpu.memory_space<vmem>>
      %dma_wait3A_2281 = arith.constant 0 : i32
      %dma_wait3A_2282 = arith.constant 0 : i32
      %dma_wait3A_2283 = tpu.memref_slice %arg3[%dma_wait3A_2272, %dma_wait3A_2281, %dma_wait3A_2282] : memref<125000x8x32xf32, #tpu.memory_space<hbm>> -> memref<1x8x32xf32, #tpu.memory_space<hbm>>
      %dma_wait3A_2284 = tpu.memref_squeeze %dma_wait3A_2283 : memref<1x8x32xf32, #tpu.memory_space<hbm>> -> memref<8x32xf32, #tpu.memory_space<hbm>>
      tpu.wait_dma2 semaphore(%arg12 : memref<!tpu.dma_semaphore, #tpu.memory_space<semaphore_mem>>) src(%dma_wait3A_2284 : memref<8x32xf32, #tpu.memory_space<hbm>>) dst(%dma_wait3A_2280 : memref<8x32xf32, #tpu.memory_space<vmem>>)
      %add3A_2285 = arith.constant 104 : i32
      %add3A_2286 = arith.addi %multiple_of3A_1890, %add3A_2285 : i32
      %dma_wait3A_2287 = arith.constant 0 : i32
      %dma_wait3A_2288 = arith.constant 0 : i32
      %dma_wait3A_2289 = tpu.memref_slice %arg9[%add3A_2286, %dma_wait3A_2288] : memref<256x32xf32, #tpu.memory_space<vmem>> -> memref<8x32xf32, #tpu.memory_space<vmem>>
      %dma_wait3A_2290 = arith.constant 0 : i32
      %dma_wait3A_2291 = arith.constant 0 : i32
      %dma_wait3A_2292 = tpu.memref_slice %arg2[%dma_wait3A_2287, %dma_wait3A_2290, %dma_wait3A_2291] : memref<125000x8x32xf32, #tpu.memory_space<hbm>> -> memref<1x8x32xf32, #tpu.memory_space<hbm>>
      %dma_wait3A_2293 = tpu.memref_squeeze %dma_wait3A_2292 : memref<1x8x32xf32, #tpu.memory_space<hbm>> -> memref<8x32xf32, #tpu.memory_space<hbm>>
      %dma_wait3A_2294 = arith.constant 0 : i32
      %dma_wait3A_2295 = tpu.memref_slice %arg9[%add3A_2286, %dma_wait3A_2294] : memref<256x32xf32, #tpu.memory_space<vmem>> -> memref<8x32xf32, #tpu.memory_space<vmem>>
      %dma_wait3A_2296 = arith.constant 0 : i32
      %dma_wait3A_2297 = arith.constant 0 : i32
      %dma_wait3A_2298 = tpu.memref_slice %arg2[%dma_wait3A_2287, %dma_wait3A_2296, %dma_wait3A_2297] : memref<125000x8x32xf32, #tpu.memory_space<hbm>> -> memref<1x8x32xf32, #tpu.memory_space<hbm>>
      %dma_wait3A_2299 = tpu.memref_squeeze %dma_wait3A_2298 : memref<1x8x32xf32, #tpu.memory_space<hbm>> -> memref<8x32xf32, #tpu.memory_space<hbm>>
      tpu.wait_dma2 semaphore(%arg12 : memref<!tpu.dma_semaphore, #tpu.memory_space<semaphore_mem>>) src(%dma_wait3A_2299 : memref<8x32xf32, #tpu.memory_space<hbm>>) dst(%dma_wait3A_2295 : memref<8x32xf32, #tpu.memory_space<vmem>>)
      %add3A_2300 = arith.constant 104 : i32
      %add3A_2301 = arith.addi %multiple_of3A_1890, %add3A_2300 : i32
      %dma_wait3A_2302 = arith.constant 0 : i32
      %dma_wait3A_2303 = arith.constant 0 : i32
      %dma_wait3A_2304 = tpu.memref_slice %arg10[%add3A_2301, %dma_wait3A_2303] : memref<256x32xf32, #tpu.memory_space<vmem>> -> memref<8x32xf32, #tpu.memory_space<vmem>>
      %dma_wait3A_2305 = arith.constant 0 : i32
      %dma_wait3A_2306 = arith.constant 0 : i32
      %dma_wait3A_2307 = tpu.memref_slice %arg3[%dma_wait3A_2302, %dma_wait3A_2305, %dma_wait3A_2306] : memref<125000x8x32xf32, #tpu.memory_space<hbm>> -> memref<1x8x32xf32, #tpu.memory_space<hbm>>
      %dma_wait3A_2308 = tpu.memref_squeeze %dma_wait3A_2307 : memref<1x8x32xf32, #tpu.memory_space<hbm>> -> memref<8x32xf32, #tpu.memory_space<hbm>>
      %dma_wait3A_2309 = arith.constant 0 : i32
      %dma_wait3A_2310 = tpu.memref_slice %arg10[%add3A_2301, %dma_wait3A_2309] : memref<256x32xf32, #tpu.memory_space<vmem>> -> memref<8x32xf32, #tpu.memory_space<vmem>>
      %dma_wait3A_2311 = arith.constant 0 : i32
      %dma_wait3A_2312 = arith.constant 0 : i32
      %dma_wait3A_2313 = tpu.memref_slice %arg3[%dma_wait3A_2302, %dma_wait3A_2311, %dma_wait3A_2312] : memref<125000x8x32xf32, #tpu.memory_space<hbm>> -> memref<1x8x32xf32, #tpu.memory_space<hbm>>
      %dma_wait3A_2314 = tpu.memref_squeeze %dma_wait3A_2313 : memref<1x8x32xf32, #tpu.memory_space<hbm>> -> memref<8x32xf32, #tpu.memory_space<hbm>>
      tpu.wait_dma2 semaphore(%arg12 : memref<!tpu.dma_semaphore, #tpu.memory_space<semaphore_mem>>) src(%dma_wait3A_2314 : memref<8x32xf32, #tpu.memory_space<hbm>>) dst(%dma_wait3A_2310 : memref<8x32xf32, #tpu.memory_space<vmem>>)
      %add3A_2315 = arith.constant 112 : i32
      %add3A_2316 = arith.addi %multiple_of3A_1890, %add3A_2315 : i32
      %dma_wait3A_2317 = arith.constant 0 : i32
      %dma_wait3A_2318 = arith.constant 0 : i32
      %dma_wait3A_2319 = tpu.memref_slice %arg9[%add3A_2316, %dma_wait3A_2318] : memref<256x32xf32, #tpu.memory_space<vmem>> -> memref<8x32xf32, #tpu.memory_space<vmem>>
      %dma_wait3A_2320 = arith.constant 0 : i32
      %dma_wait3A_2321 = arith.constant 0 : i32
      %dma_wait3A_2322 = tpu.memref_slice %arg2[%dma_wait3A_2317, %dma_wait3A_2320, %dma_wait3A_2321] : memref<125000x8x32xf32, #tpu.memory_space<hbm>> -> memref<1x8x32xf32, #tpu.memory_space<hbm>>
      %dma_wait3A_2323 = tpu.memref_squeeze %dma_wait3A_2322 : memref<1x8x32xf32, #tpu.memory_space<hbm>> -> memref<8x32xf32, #tpu.memory_space<hbm>>
      %dma_wait3A_2324 = arith.constant 0 : i32
      %dma_wait3A_2325 = tpu.memref_slice %arg9[%add3A_2316, %dma_wait3A_2324] : memref<256x32xf32, #tpu.memory_space<vmem>> -> memref<8x32xf32, #tpu.memory_space<vmem>>
      %dma_wait3A_2326 = arith.constant 0 : i32
      %dma_wait3A_2327 = arith.constant 0 : i32
      %dma_wait3A_2328 = tpu.memref_slice %arg2[%dma_wait3A_2317, %dma_wait3A_2326, %dma_wait3A_2327] : memref<125000x8x32xf32, #tpu.memory_space<hbm>> -> memref<1x8x32xf32, #tpu.memory_space<hbm>>
      %dma_wait3A_2329 = tpu.memref_squeeze %dma_wait3A_2328 : memref<1x8x32xf32, #tpu.memory_space<hbm>> -> memref<8x32xf32, #tpu.memory_space<hbm>>
      tpu.wait_dma2 semaphore(%arg12 : memref<!tpu.dma_semaphore, #tpu.memory_space<semaphore_mem>>) src(%dma_wait3A_2329 : memref<8x32xf32, #tpu.memory_space<hbm>>) dst(%dma_wait3A_2325 : memref<8x32xf32, #tpu.memory_space<vmem>>)
      %add3A_2330 = arith.constant 112 : i32
      %add3A_2331 = arith.addi %multiple_of3A_1890, %add3A_2330 : i32
      %dma_wait3A_2332 = arith.constant 0 : i32
      %dma_wait3A_2333 = arith.constant 0 : i32
      %dma_wait3A_2334 = tpu.memref_slice %arg10[%add3A_2331, %dma_wait3A_2333] : memref<256x32xf32, #tpu.memory_space<vmem>> -> memref<8x32xf32, #tpu.memory_space<vmem>>
      %dma_wait3A_2335 = arith.constant 0 : i32
      %dma_wait3A_2336 = arith.constant 0 : i32
      %dma_wait3A_2337 = tpu.memref_slice %arg3[%dma_wait3A_2332, %dma_wait3A_2335, %dma_wait3A_2336] : memref<125000x8x32xf32, #tpu.memory_space<hbm>> -> memref<1x8x32xf32, #tpu.memory_space<hbm>>
      %dma_wait3A_2338 = tpu.memref_squeeze %dma_wait3A_2337 : memref<1x8x32xf32, #tpu.memory_space<hbm>> -> memref<8x32xf32, #tpu.memory_space<hbm>>
      %dma_wait3A_2339 = arith.constant 0 : i32
      %dma_wait3A_2340 = tpu.memref_slice %arg10[%add3A_2331, %dma_wait3A_2339] : memref<256x32xf32, #tpu.memory_space<vmem>> -> memref<8x32xf32, #tpu.memory_space<vmem>>
      %dma_wait3A_2341 = arith.constant 0 : i32
      %dma_wait3A_2342 = arith.constant 0 : i32
      %dma_wait3A_2343 = tpu.memref_slice %arg3[%dma_wait3A_2332, %dma_wait3A_2341, %dma_wait3A_2342] : memref<125000x8x32xf32, #tpu.memory_space<hbm>> -> memref<1x8x32xf32, #tpu.memory_space<hbm>>
      %dma_wait3A_2344 = tpu.memref_squeeze %dma_wait3A_2343 : memref<1x8x32xf32, #tpu.memory_space<hbm>> -> memref<8x32xf32, #tpu.memory_space<hbm>>
      tpu.wait_dma2 semaphore(%arg12 : memref<!tpu.dma_semaphore, #tpu.memory_space<semaphore_mem>>) src(%dma_wait3A_2344 : memref<8x32xf32, #tpu.memory_space<hbm>>) dst(%dma_wait3A_2340 : memref<8x32xf32, #tpu.memory_space<vmem>>)
      %add3A_2345 = arith.constant 120 : i32
      %add3A_2346 = arith.addi %multiple_of3A_1890, %add3A_2345 : i32
      %dma_wait3A_2347 = arith.constant 0 : i32
      %dma_wait3A_2348 = arith.constant 0 : i32
      %dma_wait3A_2349 = tpu.memref_slice %arg9[%add3A_2346, %dma_wait3A_2348] : memref<256x32xf32, #tpu.memory_space<vmem>> -> memref<8x32xf32, #tpu.memory_space<vmem>>
      %dma_wait3A_2350 = arith.constant 0 : i32
      %dma_wait3A_2351 = arith.constant 0 : i32
      %dma_wait3A_2352 = tpu.memref_slice %arg2[%dma_wait3A_2347, %dma_wait3A_2350, %dma_wait3A_2351] : memref<125000x8x32xf32, #tpu.memory_space<hbm>> -> memref<1x8x32xf32, #tpu.memory_space<hbm>>
      %dma_wait3A_2353 = tpu.memref_squeeze %dma_wait3A_2352 : memref<1x8x32xf32, #tpu.memory_space<hbm>> -> memref<8x32xf32, #tpu.memory_space<hbm>>
      %dma_wait3A_2354 = arith.constant 0 : i32
      %dma_wait3A_2355 = tpu.memref_slice %arg9[%add3A_2346, %dma_wait3A_2354] : memref<256x32xf32, #tpu.memory_space<vmem>> -> memref<8x32xf32, #tpu.memory_space<vmem>>
      %dma_wait3A_2356 = arith.constant 0 : i32
      %dma_wait3A_2357 = arith.constant 0 : i32
      %dma_wait3A_2358 = tpu.memref_slice %arg2[%dma_wait3A_2347, %dma_wait3A_2356, %dma_wait3A_2357] : memref<125000x8x32xf32, #tpu.memory_space<hbm>> -> memref<1x8x32xf32, #tpu.memory_space<hbm>>
      %dma_wait3A_2359 = tpu.memref_squeeze %dma_wait3A_2358 : memref<1x8x32xf32, #tpu.memory_space<hbm>> -> memref<8x32xf32, #tpu.memory_space<hbm>>
      tpu.wait_dma2 semaphore(%arg12 : memref<!tpu.dma_semaphore, #tpu.memory_space<semaphore_mem>>) src(%dma_wait3A_2359 : memref<8x32xf32, #tpu.memory_space<hbm>>) dst(%dma_wait3A_2355 : memref<8x32xf32, #tpu.memory_space<vmem>>)
      %add3A_2360 = arith.constant 120 : i32
      %add3A_2361 = arith.addi %multiple_of3A_1890, %add3A_2360 : i32
      %dma_wait3A_2362 = arith.constant 0 : i32
      %dma_wait3A_2363 = arith.constant 0 : i32
      %dma_wait3A_2364 = tpu.memref_slice %arg10[%add3A_2361, %dma_wait3A_2363] : memref<256x32xf32, #tpu.memory_space<vmem>> -> memref<8x32xf32, #tpu.memory_space<vmem>>
      %dma_wait3A_2365 = arith.constant 0 : i32
      %dma_wait3A_2366 = arith.constant 0 : i32
      %dma_wait3A_2367 = tpu.memref_slice %arg3[%dma_wait3A_2362, %dma_wait3A_2365, %dma_wait3A_2366] : memref<125000x8x32xf32, #tpu.memory_space<hbm>> -> memref<1x8x32xf32, #tpu.memory_space<hbm>>
      %dma_wait3A_2368 = tpu.memref_squeeze %dma_wait3A_2367 : memref<1x8x32xf32, #tpu.memory_space<hbm>> -> memref<8x32xf32, #tpu.memory_space<hbm>>
      %dma_wait3A_2369 = arith.constant 0 : i32
      %dma_wait3A_2370 = tpu.memref_slice %arg10[%add3A_2361, %dma_wait3A_2369] : memref<256x32xf32, #tpu.memory_space<vmem>> -> memref<8x32xf32, #tpu.memory_space<vmem>>
      %dma_wait3A_2371 = arith.constant 0 : i32
      %dma_wait3A_2372 = arith.constant 0 : i32
      %dma_wait3A_2373 = tpu.memref_slice %arg3[%dma_wait3A_2362, %dma_wait3A_2371, %dma_wait3A_2372] : memref<125000x8x32xf32, #tpu.memory_space<hbm>> -> memref<1x8x32xf32, #tpu.memory_space<hbm>>
      %dma_wait3A_2374 = tpu.memref_squeeze %dma_wait3A_2373 : memref<1x8x32xf32, #tpu.memory_space<hbm>> -> memref<8x32xf32, #tpu.memory_space<hbm>>
      tpu.wait_dma2 semaphore(%arg12 : memref<!tpu.dma_semaphore, #tpu.memory_space<semaphore_mem>>) src(%dma_wait3A_2374 : memref<8x32xf32, #tpu.memory_space<hbm>>) dst(%dma_wait3A_2370 : memref<8x32xf32, #tpu.memory_space<vmem>>)
      %iota3A_2375 = tpu.iota {dimensions = array<i32: 0>} : vector<16xi32>
      %mul3A_2376 = arith.constant 8 : i32
      %mul3A_2377 = vector.broadcast %mul3A_2376 : i32 to vector<16xi32>
      %mul3A_2378 = arith.muli %iota3A_2375, %mul3A_2377 : vector<16xi32>
      %add3A_2379 = vector.broadcast %multiple_of3A_1890 : i32 to vector<16xi32>
      %add3A_2380 = arith.addi %add3A_2379, %mul3A_2378 : vector<16xi32>
      %and3A_2381 = arith.constant 7 : i32
      %and3A_2382 = vector.broadcast %and3A_2381 : i32 to vector<16xi32>
      %and3A_2383 = arith.andi %get3A_1892, %and3A_2382 : vector<16xi32>
      %add3A_2384 = arith.addi %add3A_2380, %and3A_2383 : vector<16xi32>
      %iota3A_2385 = tpu.iota {dimensions = array<i32: 0>} : vector<16xi32>
      %mul3A_2386 = arith.constant 8 : i32
      %mul3A_2387 = vector.broadcast %mul3A_2386 : i32 to vector<16xi32>
      %mul3A_2388 = arith.muli %iota3A_2385, %mul3A_2387 : vector<16xi32>
      %add3A_2389 = vector.broadcast %multiple_of3A_1890 : i32 to vector<16xi32>
      %add3A_2390 = arith.addi %add3A_2389, %mul3A_2388 : vector<16xi32>
      %and3A_2391 = arith.constant 7 : i32
      %and3A_2392 = vector.broadcast %and3A_2391 : i32 to vector<16xi32>
      %and3A_2393 = arith.andi %get3A_1894, %and3A_2392 : vector<16xi32>
      %add3A_2394 = arith.addi %add3A_2390, %and3A_2393 : vector<16xi32>
      %broadcast_in_dim3A_2395 = arith.constant 0.000000e+00 : f32
      %broadcast_in_dim3A_2396 = vector.broadcast %broadcast_in_dim3A_2395 : f32 to vector<16xf32>
      %broadcast_in_dim3A_2397 = arith.constant 0 : i32
      %broadcast_in_dim3A_2398 = vector.broadcast %broadcast_in_dim3A_2397 : i32 to vector<16xi32>
      %gather3A_2399 = tpu.vector_load_idx %arg9[%add3A_2384, %broadcast_in_dim3A_2398] : memref<256x32xf32, #tpu.memory_space<vmem>>[vector<16xi32>, vector<16xi32>], vector<16xf32>,
      %gather3A_2400 = tpu.vector_load_idx %arg10[%add3A_2394, %broadcast_in_dim3A_2398] : memref<256x32xf32, #tpu.memory_space<vmem>>[vector<16xi32>, vector<16xi32>], vector<16xf32>,
      %mul3A_2401 = arith.mulf %gather3A_2399, %gather3A_2400 : vector<16xf32>
      %add3A_2402 = arith.addf %broadcast_in_dim3A_2396, %mul3A_2401 : vector<16xf32>
      %broadcast_in_dim3A_2403 = arith.constant 1 : i32
      %broadcast_in_dim3A_2404 = vector.broadcast %broadcast_in_dim3A_2403 : i32 to vector<16xi32>
      %gather3A_2405 = tpu.vector_load_idx %arg9[%add3A_2384, %broadcast_in_dim3A_2404] : memref<256x32xf32, #tpu.memory_space<vmem>>[vector<16xi32>, vector<16xi32>], vector<16xf32>,
      %gather3A_2406 = tpu.vector_load_idx %arg10[%add3A_2394, %broadcast_in_dim3A_2404] : memref<256x32xf32, #tpu.memory_space<vmem>>[vector<16xi32>, vector<16xi32>], vector<16xf32>,
      %mul3A_2407 = arith.mulf %gather3A_2405, %gather3A_2406 : vector<16xf32>
      %add3A_2408 = arith.addf %add3A_2402, %mul3A_2407 : vector<16xf32>
      %broadcast_in_dim3A_2409 = arith.constant 2 : i32
      %broadcast_in_dim3A_2410 = vector.broadcast %broadcast_in_dim3A_2409 : i32 to vector<16xi32>
      %gather3A_2411 = tpu.vector_load_idx %arg9[%add3A_2384, %broadcast_in_dim3A_2410] : memref<256x32xf32, #tpu.memory_space<vmem>>[vector<16xi32>, vector<16xi32>], vector<16xf32>,
      %gather3A_2412 = tpu.vector_load_idx %arg10[%add3A_2394, %broadcast_in_dim3A_2410] : memref<256x32xf32, #tpu.memory_space<vmem>>[vector<16xi32>, vector<16xi32>], vector<16xf32>,
      %mul3A_2413 = arith.mulf %gather3A_2411, %gather3A_2412 : vector<16xf32>
      %add3A_2414 = arith.addf %add3A_2408, %mul3A_2413 : vector<16xf32>
      %broadcast_in_dim3A_2415 = arith.constant 3 : i32
      %broadcast_in_dim3A_2416 = vector.broadcast %broadcast_in_dim3A_2415 : i32 to vector<16xi32>
      %gather3A_2417 = tpu.vector_load_idx %arg9[%add3A_2384, %broadcast_in_dim3A_2416] : memref<256x32xf32, #tpu.memory_space<vmem>>[vector<16xi32>, vector<16xi32>], vector<16xf32>,
      %gather3A_2418 = tpu.vector_load_idx %arg10[%add3A_2394, %broadcast_in_dim3A_2416] : memref<256x32xf32, #tpu.memory_space<vmem>>[vector<16xi32>, vector<16xi32>], vector<16xf32>,
      %mul3A_2419 = arith.mulf %gather3A_2417, %gather3A_2418 : vector<16xf32>
      %add3A_2420 = arith.addf %add3A_2414, %mul3A_2419 : vector<16xf32>
      %broadcast_in_dim3A_2421 = arith.constant 4 : i32
      %broadcast_in_dim3A_2422 = vector.broadcast %broadcast_in_dim3A_2421 : i32 to vector<16xi32>
      %gather3A_2423 = tpu.vector_load_idx %arg9[%add3A_2384, %broadcast_in_dim3A_2422] : memref<256x32xf32, #tpu.memory_space<vmem>>[vector<16xi32>, vector<16xi32>], vector<16xf32>,
      %gather3A_2424 = tpu.vector_load_idx %arg10[%add3A_2394, %broadcast_in_dim3A_2422] : memref<256x32xf32, #tpu.memory_space<vmem>>[vector<16xi32>, vector<16xi32>], vector<16xf32>,
      %mul3A_2425 = arith.mulf %gather3A_2423, %gather3A_2424 : vector<16xf32>
      %add3A_2426 = arith.addf %add3A_2420, %mul3A_2425 : vector<16xf32>
      %broadcast_in_dim3A_2427 = arith.constant 5 : i32
      %broadcast_in_dim3A_2428 = vector.broadcast %broadcast_in_dim3A_2427 : i32 to vector<16xi32>
      %gather3A_2429 = tpu.vector_load_idx %arg9[%add3A_2384, %broadcast_in_dim3A_2428] : memref<256x32xf32, #tpu.memory_space<vmem>>[vector<16xi32>, vector<16xi32>], vector<16xf32>,
      %gather3A_2430 = tpu.vector_load_idx %arg10[%add3A_2394, %broadcast_in_dim3A_2428] : memref<256x32xf32, #tpu.memory_space<vmem>>[vector<16xi32>, vector<16xi32>], vector<16xf32>,
      %mul3A_2431 = arith.mulf %gather3A_2429, %gather3A_2430 : vector<16xf32>
      %add3A_2432 = arith.addf %add3A_2426, %mul3A_2431 : vector<16xf32>
      %broadcast_in_dim3A_2433 = arith.constant 6 : i32
      %broadcast_in_dim3A_2434 = vector.broadcast %broadcast_in_dim3A_2433 : i32 to vector<16xi32>
      %gather3A_2435 = tpu.vector_load_idx %arg9[%add3A_2384, %broadcast_in_dim3A_2434] : memref<256x32xf32, #tpu.memory_space<vmem>>[vector<16xi32>, vector<16xi32>], vector<16xf32>,
      %gather3A_2436 = tpu.vector_load_idx %arg10[%add3A_2394, %broadcast_in_dim3A_2434] : memref<256x32xf32, #tpu.memory_space<vmem>>[vector<16xi32>, vector<16xi32>], vector<16xf32>,
      %mul3A_2437 = arith.mulf %gather3A_2435, %gather3A_2436 : vector<16xf32>
      %add3A_2438 = arith.addf %add3A_2432, %mul3A_2437 : vector<16xf32>
      %broadcast_in_dim3A_2439 = arith.constant 7 : i32
      %broadcast_in_dim3A_2440 = vector.broadcast %broadcast_in_dim3A_2439 : i32 to vector<16xi32>
      %gather3A_2441 = tpu.vector_load_idx %arg9[%add3A_2384, %broadcast_in_dim3A_2440] : memref<256x32xf32, #tpu.memory_space<vmem>>[vector<16xi32>, vector<16xi32>], vector<16xf32>,
      %gather3A_2442 = tpu.vector_load_idx %arg10[%add3A_2394, %broadcast_in_dim3A_2440] : memref<256x32xf32, #tpu.memory_space<vmem>>[vector<16xi32>, vector<16xi32>], vector<16xf32>,
      %mul3A_2443 = arith.mulf %gather3A_2441, %gather3A_2442 : vector<16xf32>
      %add3A_2444 = arith.addf %add3A_2438, %mul3A_2443 : vector<16xf32>
      %broadcast_in_dim3A_2445 = arith.constant 8 : i32
      %broadcast_in_dim3A_2446 = vector.broadcast %broadcast_in_dim3A_2445 : i32 to vector<16xi32>
      %gather3A_2447 = tpu.vector_load_idx %arg9[%add3A_2384, %broadcast_in_dim3A_2446] : memref<256x32xf32, #tpu.memory_space<vmem>>[vector<16xi32>, vector<16xi32>], vector<16xf32>,
      %gather3A_2448 = tpu.vector_load_idx %arg10[%add3A_2394, %broadcast_in_dim3A_2446] : memref<256x32xf32, #tpu.memory_space<vmem>>[vector<16xi32>, vector<16xi32>], vector<16xf32>,
      %mul3A_2449 = arith.mulf %gather3A_2447, %gather3A_2448 : vector<16xf32>
      %add3A_2450 = arith.addf %add3A_2444, %mul3A_2449 : vector<16xf32>
      %broadcast_in_dim3A_2451 = arith.constant 9 : i32
      %broadcast_in_dim3A_2452 = vector.broadcast %broadcast_in_dim3A_2451 : i32 to vector<16xi32>
      %gather3A_2453 = tpu.vector_load_idx %arg9[%add3A_2384, %broadcast_in_dim3A_2452] : memref<256x32xf32, #tpu.memory_space<vmem>>[vector<16xi32>, vector<16xi32>], vector<16xf32>,
      %gather3A_2454 = tpu.vector_load_idx %arg10[%add3A_2394, %broadcast_in_dim3A_2452] : memref<256x32xf32, #tpu.memory_space<vmem>>[vector<16xi32>, vector<16xi32>], vector<16xf32>,
      %mul3A_2455 = arith.mulf %gather3A_2453, %gather3A_2454 : vector<16xf32>
      %add3A_2456 = arith.addf %add3A_2450, %mul3A_2455 : vector<16xf32>
      %broadcast_in_dim3A_2457 = arith.constant 10 : i32
      %broadcast_in_dim3A_2458 = vector.broadcast %broadcast_in_dim3A_2457 : i32 to vector<16xi32>
      %gather3A_2459 = tpu.vector_load_idx %arg9[%add3A_2384, %broadcast_in_dim3A_2458] : memref<256x32xf32, #tpu.memory_space<vmem>>[vector<16xi32>, vector<16xi32>], vector<16xf32>,
      %gather3A_2460 = tpu.vector_load_idx %arg10[%add3A_2394, %broadcast_in_dim3A_2458] : memref<256x32xf32, #tpu.memory_space<vmem>>[vector<16xi32>, vector<16xi32>], vector<16xf32>,
      %mul3A_2461 = arith.mulf %gather3A_2459, %gather3A_2460 : vector<16xf32>
      %add3A_2462 = arith.addf %add3A_2456, %mul3A_2461 : vector<16xf32>
      %broadcast_in_dim3A_2463 = arith.constant 11 : i32
      %broadcast_in_dim3A_2464 = vector.broadcast %broadcast_in_dim3A_2463 : i32 to vector<16xi32>
      %gather3A_2465 = tpu.vector_load_idx %arg9[%add3A_2384, %broadcast_in_dim3A_2464] : memref<256x32xf32, #tpu.memory_space<vmem>>[vector<16xi32>, vector<16xi32>], vector<16xf32>,
      %gather3A_2466 = tpu.vector_load_idx %arg10[%add3A_2394, %broadcast_in_dim3A_2464] : memref<256x32xf32, #tpu.memory_space<vmem>>[vector<16xi32>, vector<16xi32>], vector<16xf32>,
      %mul3A_2467 = arith.mulf %gather3A_2465, %gather3A_2466 : vector<16xf32>
      %add3A_2468 = arith.addf %add3A_2462, %mul3A_2467 : vector<16xf32>
      %broadcast_in_dim3A_2469 = arith.constant 12 : i32
      %broadcast_in_dim3A_2470 = vector.broadcast %broadcast_in_dim3A_2469 : i32 to vector<16xi32>
      %gather3A_2471 = tpu.vector_load_idx %arg9[%add3A_2384, %broadcast_in_dim3A_2470] : memref<256x32xf32, #tpu.memory_space<vmem>>[vector<16xi32>, vector<16xi32>], vector<16xf32>,
      %gather3A_2472 = tpu.vector_load_idx %arg10[%add3A_2394, %broadcast_in_dim3A_2470] : memref<256x32xf32, #tpu.memory_space<vmem>>[vector<16xi32>, vector<16xi32>], vector<16xf32>,
      %mul3A_2473 = arith.mulf %gather3A_2471, %gather3A_2472 : vector<16xf32>
      %add3A_2474 = arith.addf %add3A_2468, %mul3A_2473 : vector<16xf32>
      %broadcast_in_dim3A_2475 = arith.constant 13 : i32
      %broadcast_in_dim3A_2476 = vector.broadcast %broadcast_in_dim3A_2475 : i32 to vector<16xi32>
      %gather3A_2477 = tpu.vector_load_idx %arg9[%add3A_2384, %broadcast_in_dim3A_2476] : memref<256x32xf32, #tpu.memory_space<vmem>>[vector<16xi32>, vector<16xi32>], vector<16xf32>,
      %gather3A_2478 = tpu.vector_load_idx %arg10[%add3A_2394, %broadcast_in_dim3A_2476] : memref<256x32xf32, #tpu.memory_space<vmem>>[vector<16xi32>, vector<16xi32>], vector<16xf32>,
      %mul3A_2479 = arith.mulf %gather3A_2477, %gather3A_2478 : vector<16xf32>
      %add3A_2480 = arith.addf %add3A_2474, %mul3A_2479 : vector<16xf32>
      %broadcast_in_dim3A_2481 = arith.constant 14 : i32
      %broadcast_in_dim3A_2482 = vector.broadcast %broadcast_in_dim3A_2481 : i32 to vector<16xi32>
      %gather3A_2483 = tpu.vector_load_idx %arg9[%add3A_2384, %broadcast_in_dim3A_2482] : memref<256x32xf32, #tpu.memory_space<vmem>>[vector<16xi32>, vector<16xi32>], vector<16xf32>,
      %gather3A_2484 = tpu.vector_load_idx %arg10[%add3A_2394, %broadcast_in_dim3A_2482] : memref<256x32xf32, #tpu.memory_space<vmem>>[vector<16xi32>, vector<16xi32>], vector<16xf32>,
      %mul3A_2485 = arith.mulf %gather3A_2483, %gather3A_2484 : vector<16xf32>
      %add3A_2486 = arith.addf %add3A_2480, %mul3A_2485 : vector<16xf32>
      %broadcast_in_dim3A_2487 = arith.constant 15 : i32
      %broadcast_in_dim3A_2488 = vector.broadcast %broadcast_in_dim3A_2487 : i32 to vector<16xi32>
      %gather3A_2489 = tpu.vector_load_idx %arg9[%add3A_2384, %broadcast_in_dim3A_2488] : memref<256x32xf32, #tpu.memory_space<vmem>>[vector<16xi32>, vector<16xi32>], vector<16xf32>,
      %gather3A_2490 = tpu.vector_load_idx %arg10[%add3A_2394, %broadcast_in_dim3A_2488] : memref<256x32xf32, #tpu.memory_space<vmem>>[vector<16xi32>, vector<16xi32>], vector<16xf32>,
      %mul3A_2491 = arith.mulf %gather3A_2489, %gather3A_2490 : vector<16xf32>
      %add3A_2492 = arith.addf %add3A_2486, %mul3A_2491 : vector<16xf32>
      %broadcast_in_dim3A_2493 = arith.constant 16 : i32
      %broadcast_in_dim3A_2494 = vector.broadcast %broadcast_in_dim3A_2493 : i32 to vector<16xi32>
      %gather3A_2495 = tpu.vector_load_idx %arg9[%add3A_2384, %broadcast_in_dim3A_2494] : memref<256x32xf32, #tpu.memory_space<vmem>>[vector<16xi32>, vector<16xi32>], vector<16xf32>,
      %gather3A_2496 = tpu.vector_load_idx %arg10[%add3A_2394, %broadcast_in_dim3A_2494] : memref<256x32xf32, #tpu.memory_space<vmem>>[vector<16xi32>, vector<16xi32>], vector<16xf32>,
      %mul3A_2497 = arith.mulf %gather3A_2495, %gather3A_2496 : vector<16xf32>
      %add3A_2498 = arith.addf %add3A_2492, %mul3A_2497 : vector<16xf32>
      %broadcast_in_dim3A_2499 = arith.constant 17 : i32
      %broadcast_in_dim3A_2500 = vector.broadcast %broadcast_in_dim3A_2499 : i32 to vector<16xi32>
      %gather3A_2501 = tpu.vector_load_idx %arg9[%add3A_2384, %broadcast_in_dim3A_2500] : memref<256x32xf32, #tpu.memory_space<vmem>>[vector<16xi32>, vector<16xi32>], vector<16xf32>,
      %gather3A_2502 = tpu.vector_load_idx %arg10[%add3A_2394, %broadcast_in_dim3A_2500] : memref<256x32xf32, #tpu.memory_space<vmem>>[vector<16xi32>, vector<16xi32>], vector<16xf32>,
      %mul3A_2503 = arith.mulf %gather3A_2501, %gather3A_2502 : vector<16xf32>
      %add3A_2504 = arith.addf %add3A_2498, %mul3A_2503 : vector<16xf32>
      %broadcast_in_dim3A_2505 = arith.constant 18 : i32
      %broadcast_in_dim3A_2506 = vector.broadcast %broadcast_in_dim3A_2505 : i32 to vector<16xi32>
      %gather3A_2507 = tpu.vector_load_idx %arg9[%add3A_2384, %broadcast_in_dim3A_2506] : memref<256x32xf32, #tpu.memory_space<vmem>>[vector<16xi32>, vector<16xi32>], vector<16xf32>,
      %gather3A_2508 = tpu.vector_load_idx %arg10[%add3A_2394, %broadcast_in_dim3A_2506] : memref<256x32xf32, #tpu.memory_space<vmem>>[vector<16xi32>, vector<16xi32>], vector<16xf32>,
      %mul3A_2509 = arith.mulf %gather3A_2507, %gather3A_2508 : vector<16xf32>
      %add3A_2510 = arith.addf %add3A_2504, %mul3A_2509 : vector<16xf32>
      %broadcast_in_dim3A_2511 = arith.constant 19 : i32
      %broadcast_in_dim3A_2512 = vector.broadcast %broadcast_in_dim3A_2511 : i32 to vector<16xi32>
      %gather3A_2513 = tpu.vector_load_idx %arg9[%add3A_2384, %broadcast_in_dim3A_2512] : memref<256x32xf32, #tpu.memory_space<vmem>>[vector<16xi32>, vector<16xi32>], vector<16xf32>,
      %gather3A_2514 = tpu.vector_load_idx %arg10[%add3A_2394, %broadcast_in_dim3A_2512] : memref<256x32xf32, #tpu.memory_space<vmem>>[vector<16xi32>, vector<16xi32>], vector<16xf32>,
      %mul3A_2515 = arith.mulf %gather3A_2513, %gather3A_2514 : vector<16xf32>
      %add3A_2516 = arith.addf %add3A_2510, %mul3A_2515 : vector<16xf32>
      %broadcast_in_dim3A_2517 = arith.constant 20 : i32
      %broadcast_in_dim3A_2518 = vector.broadcast %broadcast_in_dim3A_2517 : i32 to vector<16xi32>
      %gather3A_2519 = tpu.vector_load_idx %arg9[%add3A_2384, %broadcast_in_dim3A_2518] : memref<256x32xf32, #tpu.memory_space<vmem>>[vector<16xi32>, vector<16xi32>], vector<16xf32>,
      %gather3A_2520 = tpu.vector_load_idx %arg10[%add3A_2394, %broadcast_in_dim3A_2518] : memref<256x32xf32, #tpu.memory_space<vmem>>[vector<16xi32>, vector<16xi32>], vector<16xf32>,
      %mul3A_2521 = arith.mulf %gather3A_2519, %gather3A_2520 : vector<16xf32>
      %add3A_2522 = arith.addf %add3A_2516, %mul3A_2521 : vector<16xf32>
      %broadcast_in_dim3A_2523 = arith.constant 21 : i32
      %broadcast_in_dim3A_2524 = vector.broadcast %broadcast_in_dim3A_2523 : i32 to vector<16xi32>
      %gather3A_2525 = tpu.vector_load_idx %arg9[%add3A_2384, %broadcast_in_dim3A_2524] : memref<256x32xf32, #tpu.memory_space<vmem>>[vector<16xi32>, vector<16xi32>], vector<16xf32>,
      %gather3A_2526 = tpu.vector_load_idx %arg10[%add3A_2394, %broadcast_in_dim3A_2524] : memref<256x32xf32, #tpu.memory_space<vmem>>[vector<16xi32>, vector<16xi32>], vector<16xf32>,
      %mul3A_2527 = arith.mulf %gather3A_2525, %gather3A_2526 : vector<16xf32>
      %add3A_2528 = arith.addf %add3A_2522, %mul3A_2527 : vector<16xf32>
      %broadcast_in_dim3A_2529 = arith.constant 22 : i32
      %broadcast_in_dim3A_2530 = vector.broadcast %broadcast_in_dim3A_2529 : i32 to vector<16xi32>
      %gather3A_2531 = tpu.vector_load_idx %arg9[%add3A_2384, %broadcast_in_dim3A_2530] : memref<256x32xf32, #tpu.memory_space<vmem>>[vector<16xi32>, vector<16xi32>], vector<16xf32>,
      %gather3A_2532 = tpu.vector_load_idx %arg10[%add3A_2394, %broadcast_in_dim3A_2530] : memref<256x32xf32, #tpu.memory_space<vmem>>[vector<16xi32>, vector<16xi32>], vector<16xf32>,
      %mul3A_2533 = arith.mulf %gather3A_2531, %gather3A_2532 : vector<16xf32>
      %add3A_2534 = arith.addf %add3A_2528, %mul3A_2533 : vector<16xf32>
      %broadcast_in_dim3A_2535 = arith.constant 23 : i32
      %broadcast_in_dim3A_2536 = vector.broadcast %broadcast_in_dim3A_2535 : i32 to vector<16xi32>
      %gather3A_2537 = tpu.vector_load_idx %arg9[%add3A_2384, %broadcast_in_dim3A_2536] : memref<256x32xf32, #tpu.memory_space<vmem>>[vector<16xi32>, vector<16xi32>], vector<16xf32>,
      %gather3A_2538 = tpu.vector_load_idx %arg10[%add3A_2394, %broadcast_in_dim3A_2536] : memref<256x32xf32, #tpu.memory_space<vmem>>[vector<16xi32>, vector<16xi32>], vector<16xf32>,
      %mul3A_2539 = arith.mulf %gather3A_2537, %gather3A_2538 : vector<16xf32>
      %add3A_2540 = arith.addf %add3A_2534, %mul3A_2539 : vector<16xf32>
      %broadcast_in_dim3A_2541 = arith.constant 24 : i32
      %broadcast_in_dim3A_2542 = vector.broadcast %broadcast_in_dim3A_2541 : i32 to vector<16xi32>
      %gather3A_2543 = tpu.vector_load_idx %arg9[%add3A_2384, %broadcast_in_dim3A_2542] : memref<256x32xf32, #tpu.memory_space<vmem>>[vector<16xi32>, vector<16xi32>], vector<16xf32>,
      %gather3A_2544 = tpu.vector_load_idx %arg10[%add3A_2394, %broadcast_in_dim3A_2542] : memref<256x32xf32, #tpu.memory_space<vmem>>[vector<16xi32>, vector<16xi32>], vector<16xf32>,
      %mul3A_2545 = arith.mulf %gather3A_2543, %gather3A_2544 : vector<16xf32>
      %add3A_2546 = arith.addf %add3A_2540, %mul3A_2545 : vector<16xf32>
      %broadcast_in_dim3A_2547 = arith.constant 25 : i32
      %broadcast_in_dim3A_2548 = vector.broadcast %broadcast_in_dim3A_2547 : i32 to vector<16xi32>
      %gather3A_2549 = tpu.vector_load_idx %arg9[%add3A_2384, %broadcast_in_dim3A_2548] : memref<256x32xf32, #tpu.memory_space<vmem>>[vector<16xi32>, vector<16xi32>], vector<16xf32>,
      %gather3A_2550 = tpu.vector_load_idx %arg10[%add3A_2394, %broadcast_in_dim3A_2548] : memref<256x32xf32, #tpu.memory_space<vmem>>[vector<16xi32>, vector<16xi32>], vector<16xf32>,
      %mul3A_2551 = arith.mulf %gather3A_2549, %gather3A_2550 : vector<16xf32>
      %add3A_2552 = arith.addf %add3A_2546, %mul3A_2551 : vector<16xf32>
      %broadcast_in_dim3A_2553 = arith.constant 26 : i32
      %broadcast_in_dim3A_2554 = vector.broadcast %broadcast_in_dim3A_2553 : i32 to vector<16xi32>
      %gather3A_2555 = tpu.vector_load_idx %arg9[%add3A_2384, %broadcast_in_dim3A_2554] : memref<256x32xf32, #tpu.memory_space<vmem>>[vector<16xi32>, vector<16xi32>], vector<16xf32>,
      %gather3A_2556 = tpu.vector_load_idx %arg10[%add3A_2394, %broadcast_in_dim3A_2554] : memref<256x32xf32, #tpu.memory_space<vmem>>[vector<16xi32>, vector<16xi32>], vector<16xf32>,
      %mul3A_2557 = arith.mulf %gather3A_2555, %gather3A_2556 : vector<16xf32>
      %add3A_2558 = arith.addf %add3A_2552, %mul3A_2557 : vector<16xf32>
      %broadcast_in_dim3A_2559 = arith.constant 27 : i32
      %broadcast_in_dim3A_2560 = vector.broadcast %broadcast_in_dim3A_2559 : i32 to vector<16xi32>
      %gather3A_2561 = tpu.vector_load_idx %arg9[%add3A_2384, %broadcast_in_dim3A_2560] : memref<256x32xf32, #tpu.memory_space<vmem>>[vector<16xi32>, vector<16xi32>], vector<16xf32>,
      %gather3A_2562 = tpu.vector_load_idx %arg10[%add3A_2394, %broadcast_in_dim3A_2560] : memref<256x32xf32, #tpu.memory_space<vmem>>[vector<16xi32>, vector<16xi32>], vector<16xf32>,
      %mul3A_2563 = arith.mulf %gather3A_2561, %gather3A_2562 : vector<16xf32>
      %add3A_2564 = arith.addf %add3A_2558, %mul3A_2563 : vector<16xf32>
      %broadcast_in_dim3A_2565 = arith.constant 28 : i32
      %broadcast_in_dim3A_2566 = vector.broadcast %broadcast_in_dim3A_2565 : i32 to vector<16xi32>
      %gather3A_2567 = tpu.vector_load_idx %arg9[%add3A_2384, %broadcast_in_dim3A_2566] : memref<256x32xf32, #tpu.memory_space<vmem>>[vector<16xi32>, vector<16xi32>], vector<16xf32>,
      %gather3A_2568 = tpu.vector_load_idx %arg10[%add3A_2394, %broadcast_in_dim3A_2566] : memref<256x32xf32, #tpu.memory_space<vmem>>[vector<16xi32>, vector<16xi32>], vector<16xf32>,
      %mul3A_2569 = arith.mulf %gather3A_2567, %gather3A_2568 : vector<16xf32>
      %add3A_2570 = arith.addf %add3A_2564, %mul3A_2569 : vector<16xf32>
      %broadcast_in_dim3A_2571 = arith.constant 29 : i32
      %broadcast_in_dim3A_2572 = vector.broadcast %broadcast_in_dim3A_2571 : i32 to vector<16xi32>
      %gather3A_2573 = tpu.vector_load_idx %arg9[%add3A_2384, %broadcast_in_dim3A_2572] : memref<256x32xf32, #tpu.memory_space<vmem>>[vector<16xi32>, vector<16xi32>], vector<16xf32>,
      %gather3A_2574 = tpu.vector_load_idx %arg10[%add3A_2394, %broadcast_in_dim3A_2572] : memref<256x32xf32, #tpu.memory_space<vmem>>[vector<16xi32>, vector<16xi32>], vector<16xf32>,
      %mul3A_2575 = arith.mulf %gather3A_2573, %gather3A_2574 : vector<16xf32>
      %add3A_2576 = arith.addf %add3A_2570, %mul3A_2575 : vector<16xf32>
      %broadcast_in_dim3A_2577 = arith.constant 30 : i32
      %broadcast_in_dim3A_2578 = vector.broadcast %broadcast_in_dim3A_2577 : i32 to vector<16xi32>
      %gather3A_2579 = tpu.vector_load_idx %arg9[%add3A_2384, %broadcast_in_dim3A_2578] : memref<256x32xf32, #tpu.memory_space<vmem>>[vector<16xi32>, vector<16xi32>], vector<16xf32>,
      %gather3A_2580 = tpu.vector_load_idx %arg10[%add3A_2394, %broadcast_in_dim3A_2578] : memref<256x32xf32, #tpu.memory_space<vmem>>[vector<16xi32>, vector<16xi32>], vector<16xf32>,
      %mul3A_2581 = arith.mulf %gather3A_2579, %gather3A_2580 : vector<16xf32>
      %add3A_2582 = arith.addf %add3A_2576, %mul3A_2581 : vector<16xf32>
      %broadcast_in_dim3A_2583 = arith.constant 31 : i32
      %broadcast_in_dim3A_2584 = vector.broadcast %broadcast_in_dim3A_2583 : i32 to vector<16xi32>
      %gather3A_2585 = tpu.vector_load_idx %arg9[%add3A_2384, %broadcast_in_dim3A_2584] : memref<256x32xf32, #tpu.memory_space<vmem>>[vector<16xi32>, vector<16xi32>], vector<16xf32>,
      %gather3A_2586 = tpu.vector_load_idx %arg10[%add3A_2394, %broadcast_in_dim3A_2584] : memref<256x32xf32, #tpu.memory_space<vmem>>[vector<16xi32>, vector<16xi32>], vector<16xf32>,
      %mul3A_2587 = arith.mulf %gather3A_2585, %gather3A_2586 : vector<16xf32>
      %add3A_2588 = arith.addf %add3A_2582, %mul3A_2587 : vector<16xf32>
      %swap3A_2589 = arith.index_cast %multiple_of3A_1885 : i32 to index
      %swap3A_2590 = tpu.vector_load %arg11[%swap3A_2589] {strides = array<i32>} : memref<512xf32, #tpu.memory_space<vmem>>, vector<16xf32>,
      tpu.vector_store %arg11[%swap3A_2589], %add3A_2588 {strides = array<i32>} : memref<512xf32, #tpu.memory_space<vmem>>, vector<16xf32>,
      %scan3A_2591 = arith.constant 0 : i32
      scf.yield %scan3A_2591 : i32
    }
    %scan3A_586 = arith.constant 31 : i32
    %multiple_of3A_587 = arith.constant 496 : i32
    %multiple_of3A_588 = tpu.assume_multiple %multiple_of3A_587, 16 : i32
    %multiple_of3A_589 = arith.constant 128 : i32
    %multiple_of3A_590 = tpu.assume_multiple %multiple_of3A_589, 128 : i32
    %get3A_591 = arith.index_cast %multiple_of3A_588 : i32 to index
    %get3A_592 = tpu.vector_load %arg7[%get3A_591] {strides = array<i32>} : memref<512xi32, #tpu.memory_space<vmem>>, vector<16xi32>,
    %get3A_593 = arith.index_cast %multiple_of3A_588 : i32 to index
    %get3A_594 = tpu.vector_load %arg8[%get3A_593] {strides = array<i32>} : memref<512xi32, #tpu.memory_space<vmem>>, vector<16xi32>,
    %add3A_595 = arith.constant 0 : i32
    %add3A_596 = arith.addi %multiple_of3A_590, %add3A_595 : i32
    %dma_wait3A = arith.constant 0 : i32
    %dma_wait3A_597 = arith.constant 0 : i32
    %dma_wait3A_598 = tpu.memref_slice %arg9[%add3A_596, %dma_wait3A_597] : memref<256x32xf32, #tpu.memory_space<vmem>> -> memref<8x32xf32, #tpu.memory_space<vmem>>
    %dma_wait3A_599 = arith.constant 0 : i32
    %dma_wait3A_600 = arith.constant 0 : i32
    %dma_wait3A_601 = tpu.memref_slice %arg2[%dma_wait3A, %dma_wait3A_599, %dma_wait3A_600] : memref<125000x8x32xf32, #tpu.memory_space<hbm>> -> memref<1x8x32xf32, #tpu.memory_space<hbm>>
    %dma_wait3A_602 = tpu.memref_squeeze %dma_wait3A_601 : memref<1x8x32xf32, #tpu.memory_space<hbm>> -> memref<8x32xf32, #tpu.memory_space<hbm>>
    %dma_wait3A_603 = arith.constant 0 : i32
    %dma_wait3A_604 = tpu.memref_slice %arg9[%add3A_596, %dma_wait3A_603] : memref<256x32xf32, #tpu.memory_space<vmem>> -> memref<8x32xf32, #tpu.memory_space<vmem>>
    %dma_wait3A_605 = arith.constant 0 : i32
    %dma_wait3A_606 = arith.constant 0 : i32
    %dma_wait3A_607 = tpu.memref_slice %arg2[%dma_wait3A, %dma_wait3A_605, %dma_wait3A_606] : memref<125000x8x32xf32, #tpu.memory_space<hbm>> -> memref<1x8x32xf32, #tpu.memory_space<hbm>>
    %dma_wait3A_608 = tpu.memref_squeeze %dma_wait3A_607 : memref<1x8x32xf32, #tpu.memory_space<hbm>> -> memref<8x32xf32, #tpu.memory_space<hbm>>
    tpu.wait_dma2 semaphore(%arg12 : memref<!tpu.dma_semaphore, #tpu.memory_space<semaphore_mem>>) src(%dma_wait3A_608 : memref<8x32xf32, #tpu.memory_space<hbm>>) dst(%dma_wait3A_604 : memref<8x32xf32, #tpu.memory_space<vmem>>)
    %add3A_609 = arith.constant 0 : i32
    %add3A_610 = arith.addi %multiple_of3A_590, %add3A_609 : i32
    %dma_wait3A_611 = arith.constant 0 : i32
    %dma_wait3A_612 = arith.constant 0 : i32
    %dma_wait3A_613 = tpu.memref_slice %arg10[%add3A_610, %dma_wait3A_612] : memref<256x32xf32, #tpu.memory_space<vmem>> -> memref<8x32xf32, #tpu.memory_space<vmem>>
    %dma_wait3A_614 = arith.constant 0 : i32
    %dma_wait3A_615 = arith.constant 0 : i32
    %dma_wait3A_616 = tpu.memref_slice %arg3[%dma_wait3A_611, %dma_wait3A_614, %dma_wait3A_615] : memref<125000x8x32xf32, #tpu.memory_space<hbm>> -> memref<1x8x32xf32, #tpu.memory_space<hbm>>
    %dma_wait3A_617 = tpu.memref_squeeze %dma_wait3A_616 : memref<1x8x32xf32, #tpu.memory_space<hbm>> -> memref<8x32xf32, #tpu.memory_space<hbm>>
    %dma_wait3A_618 = arith.constant 0 : i32
    %dma_wait3A_619 = tpu.memref_slice %arg10[%add3A_610, %dma_wait3A_618] : memref<256x32xf32, #tpu.memory_space<vmem>> -> memref<8x32xf32, #tpu.memory_space<vmem>>
    %dma_wait3A_620 = arith.constant 0 : i32
    %dma_wait3A_621 = arith.constant 0 : i32
    %dma_wait3A_622 = tpu.memref_slice %arg3[%dma_wait3A_611, %dma_wait3A_620, %dma_wait3A_621] : memref<125000x8x32xf32, #tpu.memory_space<hbm>> -> memref<1x8x32xf32, #tpu.memory_space<hbm>>
    %dma_wait3A_623 = tpu.memref_squeeze %dma_wait3A_622 : memref<1x8x32xf32, #tpu.memory_space<hbm>> -> memref<8x32xf32, #tpu.memory_space<hbm>>
    tpu.wait_dma2 semaphore(%arg12 : memref<!tpu.dma_semaphore, #tpu.memory_space<semaphore_mem>>) src(%dma_wait3A_623 : memref<8x32xf32, #tpu.memory_space<hbm>>) dst(%dma_wait3A_619 : memref<8x32xf32, #tpu.memory_space<vmem>>)
    %add3A_624 = arith.constant 8 : i32
    %add3A_625 = arith.addi %multiple_of3A_590, %add3A_624 : i32
    %dma_wait3A_626 = arith.constant 0 : i32
    %dma_wait3A_627 = arith.constant 0 : i32
    %dma_wait3A_628 = tpu.memref_slice %arg9[%add3A_625, %dma_wait3A_627] : memref<256x32xf32, #tpu.memory_space<vmem>> -> memref<8x32xf32, #tpu.memory_space<vmem>>
    %dma_wait3A_629 = arith.constant 0 : i32
    %dma_wait3A_630 = arith.constant 0 : i32
    %dma_wait3A_631 = tpu.memref_slice %arg2[%dma_wait3A_626, %dma_wait3A_629, %dma_wait3A_630] : memref<125000x8x32xf32, #tpu.memory_space<hbm>> -> memref<1x8x32xf32, #tpu.memory_space<hbm>>
    %dma_wait3A_632 = tpu.memref_squeeze %dma_wait3A_631 : memref<1x8x32xf32, #tpu.memory_space<hbm>> -> memref<8x32xf32, #tpu.memory_space<hbm>>
    %dma_wait3A_633 = arith.constant 0 : i32
    %dma_wait3A_634 = tpu.memref_slice %arg9[%add3A_625, %dma_wait3A_633] : memref<256x32xf32, #tpu.memory_space<vmem>> -> memref<8x32xf32, #tpu.memory_space<vmem>>
    %dma_wait3A_635 = arith.constant 0 : i32
    %dma_wait3A_636 = arith.constant 0 : i32
    %dma_wait3A_637 = tpu.memref_slice %arg2[%dma_wait3A_626, %dma_wait3A_635, %dma_wait3A_636] : memref<125000x8x32xf32, #tpu.memory_space<hbm>> -> memref<1x8x32xf32, #tpu.memory_space<hbm>>
    %dma_wait3A_638 = tpu.memref_squeeze %dma_wait3A_637 : memref<1x8x32xf32, #tpu.memory_space<hbm>> -> memref<8x32xf32, #tpu.memory_space<hbm>>
    tpu.wait_dma2 semaphore(%arg12 : memref<!tpu.dma_semaphore, #tpu.memory_space<semaphore_mem>>) src(%dma_wait3A_638 : memref<8x32xf32, #tpu.memory_space<hbm>>) dst(%dma_wait3A_634 : memref<8x32xf32, #tpu.memory_space<vmem>>)
    %add3A_639 = arith.constant 8 : i32
    %add3A_640 = arith.addi %multiple_of3A_590, %add3A_639 : i32
    %dma_wait3A_641 = arith.constant 0 : i32
    %dma_wait3A_642 = arith.constant 0 : i32
    %dma_wait3A_643 = tpu.memref_slice %arg10[%add3A_640, %dma_wait3A_642] : memref<256x32xf32, #tpu.memory_space<vmem>> -> memref<8x32xf32, #tpu.memory_space<vmem>>
    %dma_wait3A_644 = arith.constant 0 : i32
    %dma_wait3A_645 = arith.constant 0 : i32
    %dma_wait3A_646 = tpu.memref_slice %arg3[%dma_wait3A_641, %dma_wait3A_644, %dma_wait3A_645] : memref<125000x8x32xf32, #tpu.memory_space<hbm>> -> memref<1x8x32xf32, #tpu.memory_space<hbm>>
    %dma_wait3A_647 = tpu.memref_squeeze %dma_wait3A_646 : memref<1x8x32xf32, #tpu.memory_space<hbm>> -> memref<8x32xf32, #tpu.memory_space<hbm>>
    %dma_wait3A_648 = arith.constant 0 : i32
    %dma_wait3A_649 = tpu.memref_slice %arg10[%add3A_640, %dma_wait3A_648] : memref<256x32xf32, #tpu.memory_space<vmem>> -> memref<8x32xf32, #tpu.memory_space<vmem>>
    %dma_wait3A_650 = arith.constant 0 : i32
    %dma_wait3A_651 = arith.constant 0 : i32
    %dma_wait3A_652 = tpu.memref_slice %arg3[%dma_wait3A_641, %dma_wait3A_650, %dma_wait3A_651] : memref<125000x8x32xf32, #tpu.memory_space<hbm>> -> memref<1x8x32xf32, #tpu.memory_space<hbm>>
    %dma_wait3A_653 = tpu.memref_squeeze %dma_wait3A_652 : memref<1x8x32xf32, #tpu.memory_space<hbm>> -> memref<8x32xf32, #tpu.memory_space<hbm>>
    tpu.wait_dma2 semaphore(%arg12 : memref<!tpu.dma_semaphore, #tpu.memory_space<semaphore_mem>>) src(%dma_wait3A_653 : memref<8x32xf32, #tpu.memory_space<hbm>>) dst(%dma_wait3A_649 : memref<8x32xf32, #tpu.memory_space<vmem>>)
    %add3A_654 = arith.constant 16 : i32
    %add3A_655 = arith.addi %multiple_of3A_590, %add3A_654 : i32
    %dma_wait3A_656 = arith.constant 0 : i32
    %dma_wait3A_657 = arith.constant 0 : i32
    %dma_wait3A_658 = tpu.memref_slice %arg9[%add3A_655, %dma_wait3A_657] : memref<256x32xf32, #tpu.memory_space<vmem>> -> memref<8x32xf32, #tpu.memory_space<vmem>>
    %dma_wait3A_659 = arith.constant 0 : i32
    %dma_wait3A_660 = arith.constant 0 : i32
    %dma_wait3A_661 = tpu.memref_slice %arg2[%dma_wait3A_656, %dma_wait3A_659, %dma_wait3A_660] : memref<125000x8x32xf32, #tpu.memory_space<hbm>> -> memref<1x8x32xf32, #tpu.memory_space<hbm>>
    %dma_wait3A_662 = tpu.memref_squeeze %dma_wait3A_661 : memref<1x8x32xf32, #tpu.memory_space<hbm>> -> memref<8x32xf32, #tpu.memory_space<hbm>>
    %dma_wait3A_663 = arith.constant 0 : i32
    %dma_wait3A_664 = tpu.memref_slice %arg9[%add3A_655, %dma_wait3A_663] : memref<256x32xf32, #tpu.memory_space<vmem>> -> memref<8x32xf32, #tpu.memory_space<vmem>>
    %dma_wait3A_665 = arith.constant 0 : i32
    %dma_wait3A_666 = arith.constant 0 : i32
    %dma_wait3A_667 = tpu.memref_slice %arg2[%dma_wait3A_656, %dma_wait3A_665, %dma_wait3A_666] : memref<125000x8x32xf32, #tpu.memory_space<hbm>> -> memref<1x8x32xf32, #tpu.memory_space<hbm>>
    %dma_wait3A_668 = tpu.memref_squeeze %dma_wait3A_667 : memref<1x8x32xf32, #tpu.memory_space<hbm>> -> memref<8x32xf32, #tpu.memory_space<hbm>>
    tpu.wait_dma2 semaphore(%arg12 : memref<!tpu.dma_semaphore, #tpu.memory_space<semaphore_mem>>) src(%dma_wait3A_668 : memref<8x32xf32, #tpu.memory_space<hbm>>) dst(%dma_wait3A_664 : memref<8x32xf32, #tpu.memory_space<vmem>>)
    %add3A_669 = arith.constant 16 : i32
    %add3A_670 = arith.addi %multiple_of3A_590, %add3A_669 : i32
    %dma_wait3A_671 = arith.constant 0 : i32
    %dma_wait3A_672 = arith.constant 0 : i32
    %dma_wait3A_673 = tpu.memref_slice %arg10[%add3A_670, %dma_wait3A_672] : memref<256x32xf32, #tpu.memory_space<vmem>> -> memref<8x32xf32, #tpu.memory_space<vmem>>
    %dma_wait3A_674 = arith.constant 0 : i32
    %dma_wait3A_675 = arith.constant 0 : i32
    %dma_wait3A_676 = tpu.memref_slice %arg3[%dma_wait3A_671, %dma_wait3A_674, %dma_wait3A_675] : memref<125000x8x32xf32, #tpu.memory_space<hbm>> -> memref<1x8x32xf32, #tpu.memory_space<hbm>>
    %dma_wait3A_677 = tpu.memref_squeeze %dma_wait3A_676 : memref<1x8x32xf32, #tpu.memory_space<hbm>> -> memref<8x32xf32, #tpu.memory_space<hbm>>
    %dma_wait3A_678 = arith.constant 0 : i32
    %dma_wait3A_679 = tpu.memref_slice %arg10[%add3A_670, %dma_wait3A_678] : memref<256x32xf32, #tpu.memory_space<vmem>> -> memref<8x32xf32, #tpu.memory_space<vmem>>
    %dma_wait3A_680 = arith.constant 0 : i32
    %dma_wait3A_681 = arith.constant 0 : i32
    %dma_wait3A_682 = tpu.memref_slice %arg3[%dma_wait3A_671, %dma_wait3A_680, %dma_wait3A_681] : memref<125000x8x32xf32, #tpu.memory_space<hbm>> -> memref<1x8x32xf32, #tpu.memory_space<hbm>>
    %dma_wait3A_683 = tpu.memref_squeeze %dma_wait3A_682 : memref<1x8x32xf32, #tpu.memory_space<hbm>> -> memref<8x32xf32, #tpu.memory_space<hbm>>
    tpu.wait_dma2 semaphore(%arg12 : memref<!tpu.dma_semaphore, #tpu.memory_space<semaphore_mem>>) src(%dma_wait3A_683 : memref<8x32xf32, #tpu.memory_space<hbm>>) dst(%dma_wait3A_679 : memref<8x32xf32, #tpu.memory_space<vmem>>)
    %add3A_684 = arith.constant 24 : i32
    %add3A_685 = arith.addi %multiple_of3A_590, %add3A_684 : i32
    %dma_wait3A_686 = arith.constant 0 : i32
    %dma_wait3A_687 = arith.constant 0 : i32
    %dma_wait3A_688 = tpu.memref_slice %arg9[%add3A_685, %dma_wait3A_687] : memref<256x32xf32, #tpu.memory_space<vmem>> -> memref<8x32xf32, #tpu.memory_space<vmem>>
    %dma_wait3A_689 = arith.constant 0 : i32
    %dma_wait3A_690 = arith.constant 0 : i32
    %dma_wait3A_691 = tpu.memref_slice %arg2[%dma_wait3A_686, %dma_wait3A_689, %dma_wait3A_690] : memref<125000x8x32xf32, #tpu.memory_space<hbm>> -> memref<1x8x32xf32, #tpu.memory_space<hbm>>
    %dma_wait3A_692 = tpu.memref_squeeze %dma_wait3A_691 : memref<1x8x32xf32, #tpu.memory_space<hbm>> -> memref<8x32xf32, #tpu.memory_space<hbm>>
    %dma_wait3A_693 = arith.constant 0 : i32
    %dma_wait3A_694 = tpu.memref_slice %arg9[%add3A_685, %dma_wait3A_693] : memref<256x32xf32, #tpu.memory_space<vmem>> -> memref<8x32xf32, #tpu.memory_space<vmem>>
    %dma_wait3A_695 = arith.constant 0 : i32
    %dma_wait3A_696 = arith.constant 0 : i32
    %dma_wait3A_697 = tpu.memref_slice %arg2[%dma_wait3A_686, %dma_wait3A_695, %dma_wait3A_696] : memref<125000x8x32xf32, #tpu.memory_space<hbm>> -> memref<1x8x32xf32, #tpu.memory_space<hbm>>
    %dma_wait3A_698 = tpu.memref_squeeze %dma_wait3A_697 : memref<1x8x32xf32, #tpu.memory_space<hbm>> -> memref<8x32xf32, #tpu.memory_space<hbm>>
    tpu.wait_dma2 semaphore(%arg12 : memref<!tpu.dma_semaphore, #tpu.memory_space<semaphore_mem>>) src(%dma_wait3A_698 : memref<8x32xf32, #tpu.memory_space<hbm>>) dst(%dma_wait3A_694 : memref<8x32xf32, #tpu.memory_space<vmem>>)
    %add3A_699 = arith.constant 24 : i32
    %add3A_700 = arith.addi %multiple_of3A_590, %add3A_699 : i32
    %dma_wait3A_701 = arith.constant 0 : i32
    %dma_wait3A_702 = arith.constant 0 : i32
    %dma_wait3A_703 = tpu.memref_slice %arg10[%add3A_700, %dma_wait3A_702] : memref<256x32xf32, #tpu.memory_space<vmem>> -> memref<8x32xf32, #tpu.memory_space<vmem>>
    %dma_wait3A_704 = arith.constant 0 : i32
    %dma_wait3A_705 = arith.constant 0 : i32
    %dma_wait3A_706 = tpu.memref_slice %arg3[%dma_wait3A_701, %dma_wait3A_704, %dma_wait3A_705] : memref<125000x8x32xf32, #tpu.memory_space<hbm>> -> memref<1x8x32xf32, #tpu.memory_space<hbm>>
    %dma_wait3A_707 = tpu.memref_squeeze %dma_wait3A_706 : memref<1x8x32xf32, #tpu.memory_space<hbm>> -> memref<8x32xf32, #tpu.memory_space<hbm>>
    %dma_wait3A_708 = arith.constant 0 : i32
    %dma_wait3A_709 = tpu.memref_slice %arg10[%add3A_700, %dma_wait3A_708] : memref<256x32xf32, #tpu.memory_space<vmem>> -> memref<8x32xf32, #tpu.memory_space<vmem>>
    %dma_wait3A_710 = arith.constant 0 : i32
    %dma_wait3A_711 = arith.constant 0 : i32
    %dma_wait3A_712 = tpu.memref_slice %arg3[%dma_wait3A_701, %dma_wait3A_710, %dma_wait3A_711] : memref<125000x8x32xf32, #tpu.memory_space<hbm>> -> memref<1x8x32xf32, #tpu.memory_space<hbm>>
    %dma_wait3A_713 = tpu.memref_squeeze %dma_wait3A_712 : memref<1x8x32xf32, #tpu.memory_space<hbm>> -> memref<8x32xf32, #tpu.memory_space<hbm>>
    tpu.wait_dma2 semaphore(%arg12 : memref<!tpu.dma_semaphore, #tpu.memory_space<semaphore_mem>>) src(%dma_wait3A_713 : memref<8x32xf32, #tpu.memory_space<hbm>>) dst(%dma_wait3A_709 : memref<8x32xf32, #tpu.memory_space<vmem>>)
    %add3A_714 = arith.constant 32 : i32
    %add3A_715 = arith.addi %multiple_of3A_590, %add3A_714 : i32
    %dma_wait3A_716 = arith.constant 0 : i32
    %dma_wait3A_717 = arith.constant 0 : i32
    %dma_wait3A_718 = tpu.memref_slice %arg9[%add3A_715, %dma_wait3A_717] : memref<256x32xf32, #tpu.memory_space<vmem>> -> memref<8x32xf32, #tpu.memory_space<vmem>>
    %dma_wait3A_719 = arith.constant 0 : i32
    %dma_wait3A_720 = arith.constant 0 : i32
    %dma_wait3A_721 = tpu.memref_slice %arg2[%dma_wait3A_716, %dma_wait3A_719, %dma_wait3A_720] : memref<125000x8x32xf32, #tpu.memory_space<hbm>> -> memref<1x8x32xf32, #tpu.memory_space<hbm>>
    %dma_wait3A_722 = tpu.memref_squeeze %dma_wait3A_721 : memref<1x8x32xf32, #tpu.memory_space<hbm>> -> memref<8x32xf32, #tpu.memory_space<hbm>>
    %dma_wait3A_723 = arith.constant 0 : i32
    %dma_wait3A_724 = tpu.memref_slice %arg9[%add3A_715, %dma_wait3A_723] : memref<256x32xf32, #tpu.memory_space<vmem>> -> memref<8x32xf32, #tpu.memory_space<vmem>>
    %dma_wait3A_725 = arith.constant 0 : i32
    %dma_wait3A_726 = arith.constant 0 : i32
    %dma_wait3A_727 = tpu.memref_slice %arg2[%dma_wait3A_716, %dma_wait3A_725, %dma_wait3A_726] : memref<125000x8x32xf32, #tpu.memory_space<hbm>> -> memref<1x8x32xf32, #tpu.memory_space<hbm>>
    %dma_wait3A_728 = tpu.memref_squeeze %dma_wait3A_727 : memref<1x8x32xf32, #tpu.memory_space<hbm>> -> memref<8x32xf32, #tpu.memory_space<hbm>>
    tpu.wait_dma2 semaphore(%arg12 : memref<!tpu.dma_semaphore, #tpu.memory_space<semaphore_mem>>) src(%dma_wait3A_728 : memref<8x32xf32, #tpu.memory_space<hbm>>) dst(%dma_wait3A_724 : memref<8x32xf32, #tpu.memory_space<vmem>>)
    %add3A_729 = arith.constant 32 : i32
    %add3A_730 = arith.addi %multiple_of3A_590, %add3A_729 : i32
    %dma_wait3A_731 = arith.constant 0 : i32
    %dma_wait3A_732 = arith.constant 0 : i32
    %dma_wait3A_733 = tpu.memref_slice %arg10[%add3A_730, %dma_wait3A_732] : memref<256x32xf32, #tpu.memory_space<vmem>> -> memref<8x32xf32, #tpu.memory_space<vmem>>
    %dma_wait3A_734 = arith.constant 0 : i32
    %dma_wait3A_735 = arith.constant 0 : i32
    %dma_wait3A_736 = tpu.memref_slice %arg3[%dma_wait3A_731, %dma_wait3A_734, %dma_wait3A_735] : memref<125000x8x32xf32, #tpu.memory_space<hbm>> -> memref<1x8x32xf32, #tpu.memory_space<hbm>>
    %dma_wait3A_737 = tpu.memref_squeeze %dma_wait3A_736 : memref<1x8x32xf32, #tpu.memory_space<hbm>> -> memref<8x32xf32, #tpu.memory_space<hbm>>
    %dma_wait3A_738 = arith.constant 0 : i32
    %dma_wait3A_739 = tpu.memref_slice %arg10[%add3A_730, %dma_wait3A_738] : memref<256x32xf32, #tpu.memory_space<vmem>> -> memref<8x32xf32, #tpu.memory_space<vmem>>
    %dma_wait3A_740 = arith.constant 0 : i32
    %dma_wait3A_741 = arith.constant 0 : i32
    %dma_wait3A_742 = tpu.memref_slice %arg3[%dma_wait3A_731, %dma_wait3A_740, %dma_wait3A_741] : memref<125000x8x32xf32, #tpu.memory_space<hbm>> -> memref<1x8x32xf32, #tpu.memory_space<hbm>>
    %dma_wait3A_743 = tpu.memref_squeeze %dma_wait3A_742 : memref<1x8x32xf32, #tpu.memory_space<hbm>> -> memref<8x32xf32, #tpu.memory_space<hbm>>
    tpu.wait_dma2 semaphore(%arg12 : memref<!tpu.dma_semaphore, #tpu.memory_space<semaphore_mem>>) src(%dma_wait3A_743 : memref<8x32xf32, #tpu.memory_space<hbm>>) dst(%dma_wait3A_739 : memref<8x32xf32, #tpu.memory_space<vmem>>)
    %add3A_744 = arith.constant 40 : i32
    %add3A_745 = arith.addi %multiple_of3A_590, %add3A_744 : i32
    %dma_wait3A_746 = arith.constant 0 : i32
    %dma_wait3A_747 = arith.constant 0 : i32
    %dma_wait3A_748 = tpu.memref_slice %arg9[%add3A_745, %dma_wait3A_747] : memref<256x32xf32, #tpu.memory_space<vmem>> -> memref<8x32xf32, #tpu.memory_space<vmem>>
    %dma_wait3A_749 = arith.constant 0 : i32
    %dma_wait3A_750 = arith.constant 0 : i32
    %dma_wait3A_751 = tpu.memref_slice %arg2[%dma_wait3A_746, %dma_wait3A_749, %dma_wait3A_750] : memref<125000x8x32xf32, #tpu.memory_space<hbm>> -> memref<1x8x32xf32, #tpu.memory_space<hbm>>
    %dma_wait3A_752 = tpu.memref_squeeze %dma_wait3A_751 : memref<1x8x32xf32, #tpu.memory_space<hbm>> -> memref<8x32xf32, #tpu.memory_space<hbm>>
    %dma_wait3A_753 = arith.constant 0 : i32
    %dma_wait3A_754 = tpu.memref_slice %arg9[%add3A_745, %dma_wait3A_753] : memref<256x32xf32, #tpu.memory_space<vmem>> -> memref<8x32xf32, #tpu.memory_space<vmem>>
    %dma_wait3A_755 = arith.constant 0 : i32
    %dma_wait3A_756 = arith.constant 0 : i32
    %dma_wait3A_757 = tpu.memref_slice %arg2[%dma_wait3A_746, %dma_wait3A_755, %dma_wait3A_756] : memref<125000x8x32xf32, #tpu.memory_space<hbm>> -> memref<1x8x32xf32, #tpu.memory_space<hbm>>
    %dma_wait3A_758 = tpu.memref_squeeze %dma_wait3A_757 : memref<1x8x32xf32, #tpu.memory_space<hbm>> -> memref<8x32xf32, #tpu.memory_space<hbm>>
    tpu.wait_dma2 semaphore(%arg12 : memref<!tpu.dma_semaphore, #tpu.memory_space<semaphore_mem>>) src(%dma_wait3A_758 : memref<8x32xf32, #tpu.memory_space<hbm>>) dst(%dma_wait3A_754 : memref<8x32xf32, #tpu.memory_space<vmem>>)
    %add3A_759 = arith.constant 40 : i32
    %add3A_760 = arith.addi %multiple_of3A_590, %add3A_759 : i32
    %dma_wait3A_761 = arith.constant 0 : i32
    %dma_wait3A_762 = arith.constant 0 : i32
    %dma_wait3A_763 = tpu.memref_slice %arg10[%add3A_760, %dma_wait3A_762] : memref<256x32xf32, #tpu.memory_space<vmem>> -> memref<8x32xf32, #tpu.memory_space<vmem>>
    %dma_wait3A_764 = arith.constant 0 : i32
    %dma_wait3A_765 = arith.constant 0 : i32
    %dma_wait3A_766 = tpu.memref_slice %arg3[%dma_wait3A_761, %dma_wait3A_764, %dma_wait3A_765] : memref<125000x8x32xf32, #tpu.memory_space<hbm>> -> memref<1x8x32xf32, #tpu.memory_space<hbm>>
    %dma_wait3A_767 = tpu.memref_squeeze %dma_wait3A_766 : memref<1x8x32xf32, #tpu.memory_space<hbm>> -> memref<8x32xf32, #tpu.memory_space<hbm>>
    %dma_wait3A_768 = arith.constant 0 : i32
    %dma_wait3A_769 = tpu.memref_slice %arg10[%add3A_760, %dma_wait3A_768] : memref<256x32xf32, #tpu.memory_space<vmem>> -> memref<8x32xf32, #tpu.memory_space<vmem>>
    %dma_wait3A_770 = arith.constant 0 : i32
    %dma_wait3A_771 = arith.constant 0 : i32
    %dma_wait3A_772 = tpu.memref_slice %arg3[%dma_wait3A_761, %dma_wait3A_770, %dma_wait3A_771] : memref<125000x8x32xf32, #tpu.memory_space<hbm>> -> memref<1x8x32xf32, #tpu.memory_space<hbm>>
    %dma_wait3A_773 = tpu.memref_squeeze %dma_wait3A_772 : memref<1x8x32xf32, #tpu.memory_space<hbm>> -> memref<8x32xf32, #tpu.memory_space<hbm>>
    tpu.wait_dma2 semaphore(%arg12 : memref<!tpu.dma_semaphore, #tpu.memory_space<semaphore_mem>>) src(%dma_wait3A_773 : memref<8x32xf32, #tpu.memory_space<hbm>>) dst(%dma_wait3A_769 : memref<8x32xf32, #tpu.memory_space<vmem>>)
    %add3A_774 = arith.constant 48 : i32
    %add3A_775 = arith.addi %multiple_of3A_590, %add3A_774 : i32
    %dma_wait3A_776 = arith.constant 0 : i32
    %dma_wait3A_777 = arith.constant 0 : i32
    %dma_wait3A_778 = tpu.memref_slice %arg9[%add3A_775, %dma_wait3A_777] : memref<256x32xf32, #tpu.memory_space<vmem>> -> memref<8x32xf32, #tpu.memory_space<vmem>>
    %dma_wait3A_779 = arith.constant 0 : i32
    %dma_wait3A_780 = arith.constant 0 : i32
    %dma_wait3A_781 = tpu.memref_slice %arg2[%dma_wait3A_776, %dma_wait3A_779, %dma_wait3A_780] : memref<125000x8x32xf32, #tpu.memory_space<hbm>> -> memref<1x8x32xf32, #tpu.memory_space<hbm>>
    %dma_wait3A_782 = tpu.memref_squeeze %dma_wait3A_781 : memref<1x8x32xf32, #tpu.memory_space<hbm>> -> memref<8x32xf32, #tpu.memory_space<hbm>>
    %dma_wait3A_783 = arith.constant 0 : i32
    %dma_wait3A_784 = tpu.memref_slice %arg9[%add3A_775, %dma_wait3A_783] : memref<256x32xf32, #tpu.memory_space<vmem>> -> memref<8x32xf32, #tpu.memory_space<vmem>>
    %dma_wait3A_785 = arith.constant 0 : i32
    %dma_wait3A_786 = arith.constant 0 : i32
    %dma_wait3A_787 = tpu.memref_slice %arg2[%dma_wait3A_776, %dma_wait3A_785, %dma_wait3A_786] : memref<125000x8x32xf32, #tpu.memory_space<hbm>> -> memref<1x8x32xf32, #tpu.memory_space<hbm>>
    %dma_wait3A_788 = tpu.memref_squeeze %dma_wait3A_787 : memref<1x8x32xf32, #tpu.memory_space<hbm>> -> memref<8x32xf32, #tpu.memory_space<hbm>>
    tpu.wait_dma2 semaphore(%arg12 : memref<!tpu.dma_semaphore, #tpu.memory_space<semaphore_mem>>) src(%dma_wait3A_788 : memref<8x32xf32, #tpu.memory_space<hbm>>) dst(%dma_wait3A_784 : memref<8x32xf32, #tpu.memory_space<vmem>>)
    %add3A_789 = arith.constant 48 : i32
    %add3A_790 = arith.addi %multiple_of3A_590, %add3A_789 : i32
    %dma_wait3A_791 = arith.constant 0 : i32
    %dma_wait3A_792 = arith.constant 0 : i32
    %dma_wait3A_793 = tpu.memref_slice %arg10[%add3A_790, %dma_wait3A_792] : memref<256x32xf32, #tpu.memory_space<vmem>> -> memref<8x32xf32, #tpu.memory_space<vmem>>
    %dma_wait3A_794 = arith.constant 0 : i32
    %dma_wait3A_795 = arith.constant 0 : i32
    %dma_wait3A_796 = tpu.memref_slice %arg3[%dma_wait3A_791, %dma_wait3A_794, %dma_wait3A_795] : memref<125000x8x32xf32, #tpu.memory_space<hbm>> -> memref<1x8x32xf32, #tpu.memory_space<hbm>>
    %dma_wait3A_797 = tpu.memref_squeeze %dma_wait3A_796 : memref<1x8x32xf32, #tpu.memory_space<hbm>> -> memref<8x32xf32, #tpu.memory_space<hbm>>
    %dma_wait3A_798 = arith.constant 0 : i32
    %dma_wait3A_799 = tpu.memref_slice %arg10[%add3A_790, %dma_wait3A_798] : memref<256x32xf32, #tpu.memory_space<vmem>> -> memref<8x32xf32, #tpu.memory_space<vmem>>
    %dma_wait3A_800 = arith.constant 0 : i32
    %dma_wait3A_801 = arith.constant 0 : i32
    %dma_wait3A_802 = tpu.memref_slice %arg3[%dma_wait3A_791, %dma_wait3A_800, %dma_wait3A_801] : memref<125000x8x32xf32, #tpu.memory_space<hbm>> -> memref<1x8x32xf32, #tpu.memory_space<hbm>>
    %dma_wait3A_803 = tpu.memref_squeeze %dma_wait3A_802 : memref<1x8x32xf32, #tpu.memory_space<hbm>> -> memref<8x32xf32, #tpu.memory_space<hbm>>
    tpu.wait_dma2 semaphore(%arg12 : memref<!tpu.dma_semaphore, #tpu.memory_space<semaphore_mem>>) src(%dma_wait3A_803 : memref<8x32xf32, #tpu.memory_space<hbm>>) dst(%dma_wait3A_799 : memref<8x32xf32, #tpu.memory_space<vmem>>)
    %add3A_804 = arith.constant 56 : i32
    %add3A_805 = arith.addi %multiple_of3A_590, %add3A_804 : i32
    %dma_wait3A_806 = arith.constant 0 : i32
    %dma_wait3A_807 = arith.constant 0 : i32
    %dma_wait3A_808 = tpu.memref_slice %arg9[%add3A_805, %dma_wait3A_807] : memref<256x32xf32, #tpu.memory_space<vmem>> -> memref<8x32xf32, #tpu.memory_space<vmem>>
    %dma_wait3A_809 = arith.constant 0 : i32
    %dma_wait3A_810 = arith.constant 0 : i32
    %dma_wait3A_811 = tpu.memref_slice %arg2[%dma_wait3A_806, %dma_wait3A_809, %dma_wait3A_810] : memref<125000x8x32xf32, #tpu.memory_space<hbm>> -> memref<1x8x32xf32, #tpu.memory_space<hbm>>
    %dma_wait3A_812 = tpu.memref_squeeze %dma_wait3A_811 : memref<1x8x32xf32, #tpu.memory_space<hbm>> -> memref<8x32xf32, #tpu.memory_space<hbm>>
    %dma_wait3A_813 = arith.constant 0 : i32
    %dma_wait3A_814 = tpu.memref_slice %arg9[%add3A_805, %dma_wait3A_813] : memref<256x32xf32, #tpu.memory_space<vmem>> -> memref<8x32xf32, #tpu.memory_space<vmem>>
    %dma_wait3A_815 = arith.constant 0 : i32
    %dma_wait3A_816 = arith.constant 0 : i32
    %dma_wait3A_817 = tpu.memref_slice %arg2[%dma_wait3A_806, %dma_wait3A_815, %dma_wait3A_816] : memref<125000x8x32xf32, #tpu.memory_space<hbm>> -> memref<1x8x32xf32, #tpu.memory_space<hbm>>
    %dma_wait3A_818 = tpu.memref_squeeze %dma_wait3A_817 : memref<1x8x32xf32, #tpu.memory_space<hbm>> -> memref<8x32xf32, #tpu.memory_space<hbm>>
    tpu.wait_dma2 semaphore(%arg12 : memref<!tpu.dma_semaphore, #tpu.memory_space<semaphore_mem>>) src(%dma_wait3A_818 : memref<8x32xf32, #tpu.memory_space<hbm>>) dst(%dma_wait3A_814 : memref<8x32xf32, #tpu.memory_space<vmem>>)
    %add3A_819 = arith.constant 56 : i32
    %add3A_820 = arith.addi %multiple_of3A_590, %add3A_819 : i32
    %dma_wait3A_821 = arith.constant 0 : i32
    %dma_wait3A_822 = arith.constant 0 : i32
    %dma_wait3A_823 = tpu.memref_slice %arg10[%add3A_820, %dma_wait3A_822] : memref<256x32xf32, #tpu.memory_space<vmem>> -> memref<8x32xf32, #tpu.memory_space<vmem>>
    %dma_wait3A_824 = arith.constant 0 : i32
    %dma_wait3A_825 = arith.constant 0 : i32
    %dma_wait3A_826 = tpu.memref_slice %arg3[%dma_wait3A_821, %dma_wait3A_824, %dma_wait3A_825] : memref<125000x8x32xf32, #tpu.memory_space<hbm>> -> memref<1x8x32xf32, #tpu.memory_space<hbm>>
    %dma_wait3A_827 = tpu.memref_squeeze %dma_wait3A_826 : memref<1x8x32xf32, #tpu.memory_space<hbm>> -> memref<8x32xf32, #tpu.memory_space<hbm>>
    %dma_wait3A_828 = arith.constant 0 : i32
    %dma_wait3A_829 = tpu.memref_slice %arg10[%add3A_820, %dma_wait3A_828] : memref<256x32xf32, #tpu.memory_space<vmem>> -> memref<8x32xf32, #tpu.memory_space<vmem>>
    %dma_wait3A_830 = arith.constant 0 : i32
    %dma_wait3A_831 = arith.constant 0 : i32
    %dma_wait3A_832 = tpu.memref_slice %arg3[%dma_wait3A_821, %dma_wait3A_830, %dma_wait3A_831] : memref<125000x8x32xf32, #tpu.memory_space<hbm>> -> memref<1x8x32xf32, #tpu.memory_space<hbm>>
    %dma_wait3A_833 = tpu.memref_squeeze %dma_wait3A_832 : memref<1x8x32xf32, #tpu.memory_space<hbm>> -> memref<8x32xf32, #tpu.memory_space<hbm>>
    tpu.wait_dma2 semaphore(%arg12 : memref<!tpu.dma_semaphore, #tpu.memory_space<semaphore_mem>>) src(%dma_wait3A_833 : memref<8x32xf32, #tpu.memory_space<hbm>>) dst(%dma_wait3A_829 : memref<8x32xf32, #tpu.memory_space<vmem>>)
    %add3A_834 = arith.constant 64 : i32
    %add3A_835 = arith.addi %multiple_of3A_590, %add3A_834 : i32
    %dma_wait3A_836 = arith.constant 0 : i32
    %dma_wait3A_837 = arith.constant 0 : i32
    %dma_wait3A_838 = tpu.memref_slice %arg9[%add3A_835, %dma_wait3A_837] : memref<256x32xf32, #tpu.memory_space<vmem>> -> memref<8x32xf32, #tpu.memory_space<vmem>>
    %dma_wait3A_839 = arith.constant 0 : i32
    %dma_wait3A_840 = arith.constant 0 : i32
    %dma_wait3A_841 = tpu.memref_slice %arg2[%dma_wait3A_836, %dma_wait3A_839, %dma_wait3A_840] : memref<125000x8x32xf32, #tpu.memory_space<hbm>> -> memref<1x8x32xf32, #tpu.memory_space<hbm>>
    %dma_wait3A_842 = tpu.memref_squeeze %dma_wait3A_841 : memref<1x8x32xf32, #tpu.memory_space<hbm>> -> memref<8x32xf32, #tpu.memory_space<hbm>>
    %dma_wait3A_843 = arith.constant 0 : i32
    %dma_wait3A_844 = tpu.memref_slice %arg9[%add3A_835, %dma_wait3A_843] : memref<256x32xf32, #tpu.memory_space<vmem>> -> memref<8x32xf32, #tpu.memory_space<vmem>>
    %dma_wait3A_845 = arith.constant 0 : i32
    %dma_wait3A_846 = arith.constant 0 : i32
    %dma_wait3A_847 = tpu.memref_slice %arg2[%dma_wait3A_836, %dma_wait3A_845, %dma_wait3A_846] : memref<125000x8x32xf32, #tpu.memory_space<hbm>> -> memref<1x8x32xf32, #tpu.memory_space<hbm>>
    %dma_wait3A_848 = tpu.memref_squeeze %dma_wait3A_847 : memref<1x8x32xf32, #tpu.memory_space<hbm>> -> memref<8x32xf32, #tpu.memory_space<hbm>>
    tpu.wait_dma2 semaphore(%arg12 : memref<!tpu.dma_semaphore, #tpu.memory_space<semaphore_mem>>) src(%dma_wait3A_848 : memref<8x32xf32, #tpu.memory_space<hbm>>) dst(%dma_wait3A_844 : memref<8x32xf32, #tpu.memory_space<vmem>>)
    %add3A_849 = arith.constant 64 : i32
    %add3A_850 = arith.addi %multiple_of3A_590, %add3A_849 : i32
    %dma_wait3A_851 = arith.constant 0 : i32
    %dma_wait3A_852 = arith.constant 0 : i32
    %dma_wait3A_853 = tpu.memref_slice %arg10[%add3A_850, %dma_wait3A_852] : memref<256x32xf32, #tpu.memory_space<vmem>> -> memref<8x32xf32, #tpu.memory_space<vmem>>
    %dma_wait3A_854 = arith.constant 0 : i32
    %dma_wait3A_855 = arith.constant 0 : i32
    %dma_wait3A_856 = tpu.memref_slice %arg3[%dma_wait3A_851, %dma_wait3A_854, %dma_wait3A_855] : memref<125000x8x32xf32, #tpu.memory_space<hbm>> -> memref<1x8x32xf32, #tpu.memory_space<hbm>>
    %dma_wait3A_857 = tpu.memref_squeeze %dma_wait3A_856 : memref<1x8x32xf32, #tpu.memory_space<hbm>> -> memref<8x32xf32, #tpu.memory_space<hbm>>
    %dma_wait3A_858 = arith.constant 0 : i32
    %dma_wait3A_859 = tpu.memref_slice %arg10[%add3A_850, %dma_wait3A_858] : memref<256x32xf32, #tpu.memory_space<vmem>> -> memref<8x32xf32, #tpu.memory_space<vmem>>
    %dma_wait3A_860 = arith.constant 0 : i32
    %dma_wait3A_861 = arith.constant 0 : i32
    %dma_wait3A_862 = tpu.memref_slice %arg3[%dma_wait3A_851, %dma_wait3A_860, %dma_wait3A_861] : memref<125000x8x32xf32, #tpu.memory_space<hbm>> -> memref<1x8x32xf32, #tpu.memory_space<hbm>>
    %dma_wait3A_863 = tpu.memref_squeeze %dma_wait3A_862 : memref<1x8x32xf32, #tpu.memory_space<hbm>> -> memref<8x32xf32, #tpu.memory_space<hbm>>
    tpu.wait_dma2 semaphore(%arg12 : memref<!tpu.dma_semaphore, #tpu.memory_space<semaphore_mem>>) src(%dma_wait3A_863 : memref<8x32xf32, #tpu.memory_space<hbm>>) dst(%dma_wait3A_859 : memref<8x32xf32, #tpu.memory_space<vmem>>)
    %add3A_864 = arith.constant 72 : i32
    %add3A_865 = arith.addi %multiple_of3A_590, %add3A_864 : i32
    %dma_wait3A_866 = arith.constant 0 : i32
    %dma_wait3A_867 = arith.constant 0 : i32
    %dma_wait3A_868 = tpu.memref_slice %arg9[%add3A_865, %dma_wait3A_867] : memref<256x32xf32, #tpu.memory_space<vmem>> -> memref<8x32xf32, #tpu.memory_space<vmem>>
    %dma_wait3A_869 = arith.constant 0 : i32
    %dma_wait3A_870 = arith.constant 0 : i32
    %dma_wait3A_871 = tpu.memref_slice %arg2[%dma_wait3A_866, %dma_wait3A_869, %dma_wait3A_870] : memref<125000x8x32xf32, #tpu.memory_space<hbm>> -> memref<1x8x32xf32, #tpu.memory_space<hbm>>
    %dma_wait3A_872 = tpu.memref_squeeze %dma_wait3A_871 : memref<1x8x32xf32, #tpu.memory_space<hbm>> -> memref<8x32xf32, #tpu.memory_space<hbm>>
    %dma_wait3A_873 = arith.constant 0 : i32
    %dma_wait3A_874 = tpu.memref_slice %arg9[%add3A_865, %dma_wait3A_873] : memref<256x32xf32, #tpu.memory_space<vmem>> -> memref<8x32xf32, #tpu.memory_space<vmem>>
    %dma_wait3A_875 = arith.constant 0 : i32
    %dma_wait3A_876 = arith.constant 0 : i32
    %dma_wait3A_877 = tpu.memref_slice %arg2[%dma_wait3A_866, %dma_wait3A_875, %dma_wait3A_876] : memref<125000x8x32xf32, #tpu.memory_space<hbm>> -> memref<1x8x32xf32, #tpu.memory_space<hbm>>
    %dma_wait3A_878 = tpu.memref_squeeze %dma_wait3A_877 : memref<1x8x32xf32, #tpu.memory_space<hbm>> -> memref<8x32xf32, #tpu.memory_space<hbm>>
    tpu.wait_dma2 semaphore(%arg12 : memref<!tpu.dma_semaphore, #tpu.memory_space<semaphore_mem>>) src(%dma_wait3A_878 : memref<8x32xf32, #tpu.memory_space<hbm>>) dst(%dma_wait3A_874 : memref<8x32xf32, #tpu.memory_space<vmem>>)
    %add3A_879 = arith.constant 72 : i32
    %add3A_880 = arith.addi %multiple_of3A_590, %add3A_879 : i32
    %dma_wait3A_881 = arith.constant 0 : i32
    %dma_wait3A_882 = arith.constant 0 : i32
    %dma_wait3A_883 = tpu.memref_slice %arg10[%add3A_880, %dma_wait3A_882] : memref<256x32xf32, #tpu.memory_space<vmem>> -> memref<8x32xf32, #tpu.memory_space<vmem>>
    %dma_wait3A_884 = arith.constant 0 : i32
    %dma_wait3A_885 = arith.constant 0 : i32
    %dma_wait3A_886 = tpu.memref_slice %arg3[%dma_wait3A_881, %dma_wait3A_884, %dma_wait3A_885] : memref<125000x8x32xf32, #tpu.memory_space<hbm>> -> memref<1x8x32xf32, #tpu.memory_space<hbm>>
    %dma_wait3A_887 = tpu.memref_squeeze %dma_wait3A_886 : memref<1x8x32xf32, #tpu.memory_space<hbm>> -> memref<8x32xf32, #tpu.memory_space<hbm>>
    %dma_wait3A_888 = arith.constant 0 : i32
    %dma_wait3A_889 = tpu.memref_slice %arg10[%add3A_880, %dma_wait3A_888] : memref<256x32xf32, #tpu.memory_space<vmem>> -> memref<8x32xf32, #tpu.memory_space<vmem>>
    %dma_wait3A_890 = arith.constant 0 : i32
    %dma_wait3A_891 = arith.constant 0 : i32
    %dma_wait3A_892 = tpu.memref_slice %arg3[%dma_wait3A_881, %dma_wait3A_890, %dma_wait3A_891] : memref<125000x8x32xf32, #tpu.memory_space<hbm>> -> memref<1x8x32xf32, #tpu.memory_space<hbm>>
    %dma_wait3A_893 = tpu.memref_squeeze %dma_wait3A_892 : memref<1x8x32xf32, #tpu.memory_space<hbm>> -> memref<8x32xf32, #tpu.memory_space<hbm>>
    tpu.wait_dma2 semaphore(%arg12 : memref<!tpu.dma_semaphore, #tpu.memory_space<semaphore_mem>>) src(%dma_wait3A_893 : memref<8x32xf32, #tpu.memory_space<hbm>>) dst(%dma_wait3A_889 : memref<8x32xf32, #tpu.memory_space<vmem>>)
    %add3A_894 = arith.constant 80 : i32
    %add3A_895 = arith.addi %multiple_of3A_590, %add3A_894 : i32
    %dma_wait3A_896 = arith.constant 0 : i32
    %dma_wait3A_897 = arith.constant 0 : i32
    %dma_wait3A_898 = tpu.memref_slice %arg9[%add3A_895, %dma_wait3A_897] : memref<256x32xf32, #tpu.memory_space<vmem>> -> memref<8x32xf32, #tpu.memory_space<vmem>>
    %dma_wait3A_899 = arith.constant 0 : i32
    %dma_wait3A_900 = arith.constant 0 : i32
    %dma_wait3A_901 = tpu.memref_slice %arg2[%dma_wait3A_896, %dma_wait3A_899, %dma_wait3A_900] : memref<125000x8x32xf32, #tpu.memory_space<hbm>> -> memref<1x8x32xf32, #tpu.memory_space<hbm>>
    %dma_wait3A_902 = tpu.memref_squeeze %dma_wait3A_901 : memref<1x8x32xf32, #tpu.memory_space<hbm>> -> memref<8x32xf32, #tpu.memory_space<hbm>>
    %dma_wait3A_903 = arith.constant 0 : i32
    %dma_wait3A_904 = tpu.memref_slice %arg9[%add3A_895, %dma_wait3A_903] : memref<256x32xf32, #tpu.memory_space<vmem>> -> memref<8x32xf32, #tpu.memory_space<vmem>>
    %dma_wait3A_905 = arith.constant 0 : i32
    %dma_wait3A_906 = arith.constant 0 : i32
    %dma_wait3A_907 = tpu.memref_slice %arg2[%dma_wait3A_896, %dma_wait3A_905, %dma_wait3A_906] : memref<125000x8x32xf32, #tpu.memory_space<hbm>> -> memref<1x8x32xf32, #tpu.memory_space<hbm>>
    %dma_wait3A_908 = tpu.memref_squeeze %dma_wait3A_907 : memref<1x8x32xf32, #tpu.memory_space<hbm>> -> memref<8x32xf32, #tpu.memory_space<hbm>>
    tpu.wait_dma2 semaphore(%arg12 : memref<!tpu.dma_semaphore, #tpu.memory_space<semaphore_mem>>) src(%dma_wait3A_908 : memref<8x32xf32, #tpu.memory_space<hbm>>) dst(%dma_wait3A_904 : memref<8x32xf32, #tpu.memory_space<vmem>>)
    %add3A_909 = arith.constant 80 : i32
    %add3A_910 = arith.addi %multiple_of3A_590, %add3A_909 : i32
    %dma_wait3A_911 = arith.constant 0 : i32
    %dma_wait3A_912 = arith.constant 0 : i32
    %dma_wait3A_913 = tpu.memref_slice %arg10[%add3A_910, %dma_wait3A_912] : memref<256x32xf32, #tpu.memory_space<vmem>> -> memref<8x32xf32, #tpu.memory_space<vmem>>
    %dma_wait3A_914 = arith.constant 0 : i32
    %dma_wait3A_915 = arith.constant 0 : i32
    %dma_wait3A_916 = tpu.memref_slice %arg3[%dma_wait3A_911, %dma_wait3A_914, %dma_wait3A_915] : memref<125000x8x32xf32, #tpu.memory_space<hbm>> -> memref<1x8x32xf32, #tpu.memory_space<hbm>>
    %dma_wait3A_917 = tpu.memref_squeeze %dma_wait3A_916 : memref<1x8x32xf32, #tpu.memory_space<hbm>> -> memref<8x32xf32, #tpu.memory_space<hbm>>
    %dma_wait3A_918 = arith.constant 0 : i32
    %dma_wait3A_919 = tpu.memref_slice %arg10[%add3A_910, %dma_wait3A_918] : memref<256x32xf32, #tpu.memory_space<vmem>> -> memref<8x32xf32, #tpu.memory_space<vmem>>
    %dma_wait3A_920 = arith.constant 0 : i32
    %dma_wait3A_921 = arith.constant 0 : i32
    %dma_wait3A_922 = tpu.memref_slice %arg3[%dma_wait3A_911, %dma_wait3A_920, %dma_wait3A_921] : memref<125000x8x32xf32, #tpu.memory_space<hbm>> -> memref<1x8x32xf32, #tpu.memory_space<hbm>>
    %dma_wait3A_923 = tpu.memref_squeeze %dma_wait3A_922 : memref<1x8x32xf32, #tpu.memory_space<hbm>> -> memref<8x32xf32, #tpu.memory_space<hbm>>
    tpu.wait_dma2 semaphore(%arg12 : memref<!tpu.dma_semaphore, #tpu.memory_space<semaphore_mem>>) src(%dma_wait3A_923 : memref<8x32xf32, #tpu.memory_space<hbm>>) dst(%dma_wait3A_919 : memref<8x32xf32, #tpu.memory_space<vmem>>)
    %add3A_924 = arith.constant 88 : i32
    %add3A_925 = arith.addi %multiple_of3A_590, %add3A_924 : i32
    %dma_wait3A_926 = arith.constant 0 : i32
    %dma_wait3A_927 = arith.constant 0 : i32
    %dma_wait3A_928 = tpu.memref_slice %arg9[%add3A_925, %dma_wait3A_927] : memref<256x32xf32, #tpu.memory_space<vmem>> -> memref<8x32xf32, #tpu.memory_space<vmem>>
    %dma_wait3A_929 = arith.constant 0 : i32
    %dma_wait3A_930 = arith.constant 0 : i32
    %dma_wait3A_931 = tpu.memref_slice %arg2[%dma_wait3A_926, %dma_wait3A_929, %dma_wait3A_930] : memref<125000x8x32xf32, #tpu.memory_space<hbm>> -> memref<1x8x32xf32, #tpu.memory_space<hbm>>
    %dma_wait3A_932 = tpu.memref_squeeze %dma_wait3A_931 : memref<1x8x32xf32, #tpu.memory_space<hbm>> -> memref<8x32xf32, #tpu.memory_space<hbm>>
    %dma_wait3A_933 = arith.constant 0 : i32
    %dma_wait3A_934 = tpu.memref_slice %arg9[%add3A_925, %dma_wait3A_933] : memref<256x32xf32, #tpu.memory_space<vmem>> -> memref<8x32xf32, #tpu.memory_space<vmem>>
    %dma_wait3A_935 = arith.constant 0 : i32
    %dma_wait3A_936 = arith.constant 0 : i32
    %dma_wait3A_937 = tpu.memref_slice %arg2[%dma_wait3A_926, %dma_wait3A_935, %dma_wait3A_936] : memref<125000x8x32xf32, #tpu.memory_space<hbm>> -> memref<1x8x32xf32, #tpu.memory_space<hbm>>
    %dma_wait3A_938 = tpu.memref_squeeze %dma_wait3A_937 : memref<1x8x32xf32, #tpu.memory_space<hbm>> -> memref<8x32xf32, #tpu.memory_space<hbm>>
    tpu.wait_dma2 semaphore(%arg12 : memref<!tpu.dma_semaphore, #tpu.memory_space<semaphore_mem>>) src(%dma_wait3A_938 : memref<8x32xf32, #tpu.memory_space<hbm>>) dst(%dma_wait3A_934 : memref<8x32xf32, #tpu.memory_space<vmem>>)
    %add3A_939 = arith.constant 88 : i32
    %add3A_940 = arith.addi %multiple_of3A_590, %add3A_939 : i32
    %dma_wait3A_941 = arith.constant 0 : i32
    %dma_wait3A_942 = arith.constant 0 : i32
    %dma_wait3A_943 = tpu.memref_slice %arg10[%add3A_940, %dma_wait3A_942] : memref<256x32xf32, #tpu.memory_space<vmem>> -> memref<8x32xf32, #tpu.memory_space<vmem>>
    %dma_wait3A_944 = arith.constant 0 : i32
    %dma_wait3A_945 = arith.constant 0 : i32
    %dma_wait3A_946 = tpu.memref_slice %arg3[%dma_wait3A_941, %dma_wait3A_944, %dma_wait3A_945] : memref<125000x8x32xf32, #tpu.memory_space<hbm>> -> memref<1x8x32xf32, #tpu.memory_space<hbm>>
    %dma_wait3A_947 = tpu.memref_squeeze %dma_wait3A_946 : memref<1x8x32xf32, #tpu.memory_space<hbm>> -> memref<8x32xf32, #tpu.memory_space<hbm>>
    %dma_wait3A_948 = arith.constant 0 : i32
    %dma_wait3A_949 = tpu.memref_slice %arg10[%add3A_940, %dma_wait3A_948] : memref<256x32xf32, #tpu.memory_space<vmem>> -> memref<8x32xf32, #tpu.memory_space<vmem>>
    %dma_wait3A_950 = arith.constant 0 : i32
    %dma_wait3A_951 = arith.constant 0 : i32
    %dma_wait3A_952 = tpu.memref_slice %arg3[%dma_wait3A_941, %dma_wait3A_950, %dma_wait3A_951] : memref<125000x8x32xf32, #tpu.memory_space<hbm>> -> memref<1x8x32xf32, #tpu.memory_space<hbm>>
    %dma_wait3A_953 = tpu.memref_squeeze %dma_wait3A_952 : memref<1x8x32xf32, #tpu.memory_space<hbm>> -> memref<8x32xf32, #tpu.memory_space<hbm>>
    tpu.wait_dma2 semaphore(%arg12 : memref<!tpu.dma_semaphore, #tpu.memory_space<semaphore_mem>>) src(%dma_wait3A_953 : memref<8x32xf32, #tpu.memory_space<hbm>>) dst(%dma_wait3A_949 : memref<8x32xf32, #tpu.memory_space<vmem>>)
    %add3A_954 = arith.constant 96 : i32
    %add3A_955 = arith.addi %multiple_of3A_590, %add3A_954 : i32
    %dma_wait3A_956 = arith.constant 0 : i32
    %dma_wait3A_957 = arith.constant 0 : i32
    %dma_wait3A_958 = tpu.memref_slice %arg9[%add3A_955, %dma_wait3A_957] : memref<256x32xf32, #tpu.memory_space<vmem>> -> memref<8x32xf32, #tpu.memory_space<vmem>>
    %dma_wait3A_959 = arith.constant 0 : i32
    %dma_wait3A_960 = arith.constant 0 : i32
    %dma_wait3A_961 = tpu.memref_slice %arg2[%dma_wait3A_956, %dma_wait3A_959, %dma_wait3A_960] : memref<125000x8x32xf32, #tpu.memory_space<hbm>> -> memref<1x8x32xf32, #tpu.memory_space<hbm>>
    %dma_wait3A_962 = tpu.memref_squeeze %dma_wait3A_961 : memref<1x8x32xf32, #tpu.memory_space<hbm>> -> memref<8x32xf32, #tpu.memory_space<hbm>>
    %dma_wait3A_963 = arith.constant 0 : i32
    %dma_wait3A_964 = tpu.memref_slice %arg9[%add3A_955, %dma_wait3A_963] : memref<256x32xf32, #tpu.memory_space<vmem>> -> memref<8x32xf32, #tpu.memory_space<vmem>>
    %dma_wait3A_965 = arith.constant 0 : i32
    %dma_wait3A_966 = arith.constant 0 : i32
    %dma_wait3A_967 = tpu.memref_slice %arg2[%dma_wait3A_956, %dma_wait3A_965, %dma_wait3A_966] : memref<125000x8x32xf32, #tpu.memory_space<hbm>> -> memref<1x8x32xf32, #tpu.memory_space<hbm>>
    %dma_wait3A_968 = tpu.memref_squeeze %dma_wait3A_967 : memref<1x8x32xf32, #tpu.memory_space<hbm>> -> memref<8x32xf32, #tpu.memory_space<hbm>>
    tpu.wait_dma2 semaphore(%arg12 : memref<!tpu.dma_semaphore, #tpu.memory_space<semaphore_mem>>) src(%dma_wait3A_968 : memref<8x32xf32, #tpu.memory_space<hbm>>) dst(%dma_wait3A_964 : memref<8x32xf32, #tpu.memory_space<vmem>>)
    %add3A_969 = arith.constant 96 : i32
    %add3A_970 = arith.addi %multiple_of3A_590, %add3A_969 : i32
    %dma_wait3A_971 = arith.constant 0 : i32
    %dma_wait3A_972 = arith.constant 0 : i32
    %dma_wait3A_973 = tpu.memref_slice %arg10[%add3A_970, %dma_wait3A_972] : memref<256x32xf32, #tpu.memory_space<vmem>> -> memref<8x32xf32, #tpu.memory_space<vmem>>
    %dma_wait3A_974 = arith.constant 0 : i32
    %dma_wait3A_975 = arith.constant 0 : i32
    %dma_wait3A_976 = tpu.memref_slice %arg3[%dma_wait3A_971, %dma_wait3A_974, %dma_wait3A_975] : memref<125000x8x32xf32, #tpu.memory_space<hbm>> -> memref<1x8x32xf32, #tpu.memory_space<hbm>>
    %dma_wait3A_977 = tpu.memref_squeeze %dma_wait3A_976 : memref<1x8x32xf32, #tpu.memory_space<hbm>> -> memref<8x32xf32, #tpu.memory_space<hbm>>
    %dma_wait3A_978 = arith.constant 0 : i32
    %dma_wait3A_979 = tpu.memref_slice %arg10[%add3A_970, %dma_wait3A_978] : memref<256x32xf32, #tpu.memory_space<vmem>> -> memref<8x32xf32, #tpu.memory_space<vmem>>
    %dma_wait3A_980 = arith.constant 0 : i32
    %dma_wait3A_981 = arith.constant 0 : i32
    %dma_wait3A_982 = tpu.memref_slice %arg3[%dma_wait3A_971, %dma_wait3A_980, %dma_wait3A_981] : memref<125000x8x32xf32, #tpu.memory_space<hbm>> -> memref<1x8x32xf32, #tpu.memory_space<hbm>>
    %dma_wait3A_983 = tpu.memref_squeeze %dma_wait3A_982 : memref<1x8x32xf32, #tpu.memory_space<hbm>> -> memref<8x32xf32, #tpu.memory_space<hbm>>
    tpu.wait_dma2 semaphore(%arg12 : memref<!tpu.dma_semaphore, #tpu.memory_space<semaphore_mem>>) src(%dma_wait3A_983 : memref<8x32xf32, #tpu.memory_space<hbm>>) dst(%dma_wait3A_979 : memref<8x32xf32, #tpu.memory_space<vmem>>)
    %add3A_984 = arith.constant 104 : i32
    %add3A_985 = arith.addi %multiple_of3A_590, %add3A_984 : i32
    %dma_wait3A_986 = arith.constant 0 : i32
    %dma_wait3A_987 = arith.constant 0 : i32
    %dma_wait3A_988 = tpu.memref_slice %arg9[%add3A_985, %dma_wait3A_987] : memref<256x32xf32, #tpu.memory_space<vmem>> -> memref<8x32xf32, #tpu.memory_space<vmem>>
    %dma_wait3A_989 = arith.constant 0 : i32
    %dma_wait3A_990 = arith.constant 0 : i32
    %dma_wait3A_991 = tpu.memref_slice %arg2[%dma_wait3A_986, %dma_wait3A_989, %dma_wait3A_990] : memref<125000x8x32xf32, #tpu.memory_space<hbm>> -> memref<1x8x32xf32, #tpu.memory_space<hbm>>
    %dma_wait3A_992 = tpu.memref_squeeze %dma_wait3A_991 : memref<1x8x32xf32, #tpu.memory_space<hbm>> -> memref<8x32xf32, #tpu.memory_space<hbm>>
    %dma_wait3A_993 = arith.constant 0 : i32
    %dma_wait3A_994 = tpu.memref_slice %arg9[%add3A_985, %dma_wait3A_993] : memref<256x32xf32, #tpu.memory_space<vmem>> -> memref<8x32xf32, #tpu.memory_space<vmem>>
    %dma_wait3A_995 = arith.constant 0 : i32
    %dma_wait3A_996 = arith.constant 0 : i32
    %dma_wait3A_997 = tpu.memref_slice %arg2[%dma_wait3A_986, %dma_wait3A_995, %dma_wait3A_996] : memref<125000x8x32xf32, #tpu.memory_space<hbm>> -> memref<1x8x32xf32, #tpu.memory_space<hbm>>
    %dma_wait3A_998 = tpu.memref_squeeze %dma_wait3A_997 : memref<1x8x32xf32, #tpu.memory_space<hbm>> -> memref<8x32xf32, #tpu.memory_space<hbm>>
    tpu.wait_dma2 semaphore(%arg12 : memref<!tpu.dma_semaphore, #tpu.memory_space<semaphore_mem>>) src(%dma_wait3A_998 : memref<8x32xf32, #tpu.memory_space<hbm>>) dst(%dma_wait3A_994 : memref<8x32xf32, #tpu.memory_space<vmem>>)
    %add3A_999 = arith.constant 104 : i32
    %add3A_1000 = arith.addi %multiple_of3A_590, %add3A_999 : i32
    %dma_wait3A_1001 = arith.constant 0 : i32
    %dma_wait3A_1002 = arith.constant 0 : i32
    %dma_wait3A_1003 = tpu.memref_slice %arg10[%add3A_1000, %dma_wait3A_1002] : memref<256x32xf32, #tpu.memory_space<vmem>> -> memref<8x32xf32, #tpu.memory_space<vmem>>
    %dma_wait3A_1004 = arith.constant 0 : i32
    %dma_wait3A_1005 = arith.constant 0 : i32
    %dma_wait3A_1006 = tpu.memref_slice %arg3[%dma_wait3A_1001, %dma_wait3A_1004, %dma_wait3A_1005] : memref<125000x8x32xf32, #tpu.memory_space<hbm>> -> memref<1x8x32xf32, #tpu.memory_space<hbm>>
    %dma_wait3A_1007 = tpu.memref_squeeze %dma_wait3A_1006 : memref<1x8x32xf32, #tpu.memory_space<hbm>> -> memref<8x32xf32, #tpu.memory_space<hbm>>
    %dma_wait3A_1008 = arith.constant 0 : i32
    %dma_wait3A_1009 = tpu.memref_slice %arg10[%add3A_1000, %dma_wait3A_1008] : memref<256x32xf32, #tpu.memory_space<vmem>> -> memref<8x32xf32, #tpu.memory_space<vmem>>
    %dma_wait3A_1010 = arith.constant 0 : i32
    %dma_wait3A_1011 = arith.constant 0 : i32
    %dma_wait3A_1012 = tpu.memref_slice %arg3[%dma_wait3A_1001, %dma_wait3A_1010, %dma_wait3A_1011] : memref<125000x8x32xf32, #tpu.memory_space<hbm>> -> memref<1x8x32xf32, #tpu.memory_space<hbm>>
    %dma_wait3A_1013 = tpu.memref_squeeze %dma_wait3A_1012 : memref<1x8x32xf32, #tpu.memory_space<hbm>> -> memref<8x32xf32, #tpu.memory_space<hbm>>
    tpu.wait_dma2 semaphore(%arg12 : memref<!tpu.dma_semaphore, #tpu.memory_space<semaphore_mem>>) src(%dma_wait3A_1013 : memref<8x32xf32, #tpu.memory_space<hbm>>) dst(%dma_wait3A_1009 : memref<8x32xf32, #tpu.memory_space<vmem>>)
    %add3A_1014 = arith.constant 112 : i32
    %add3A_1015 = arith.addi %multiple_of3A_590, %add3A_1014 : i32
    %dma_wait3A_1016 = arith.constant 0 : i32
    %dma_wait3A_1017 = arith.constant 0 : i32
    %dma_wait3A_1018 = tpu.memref_slice %arg9[%add3A_1015, %dma_wait3A_1017] : memref<256x32xf32, #tpu.memory_space<vmem>> -> memref<8x32xf32, #tpu.memory_space<vmem>>
    %dma_wait3A_1019 = arith.constant 0 : i32
    %dma_wait3A_1020 = arith.constant 0 : i32
    %dma_wait3A_1021 = tpu.memref_slice %arg2[%dma_wait3A_1016, %dma_wait3A_1019, %dma_wait3A_1020] : memref<125000x8x32xf32, #tpu.memory_space<hbm>> -> memref<1x8x32xf32, #tpu.memory_space<hbm>>
    %dma_wait3A_1022 = tpu.memref_squeeze %dma_wait3A_1021 : memref<1x8x32xf32, #tpu.memory_space<hbm>> -> memref<8x32xf32, #tpu.memory_space<hbm>>
    %dma_wait3A_1023 = arith.constant 0 : i32
    %dma_wait3A_1024 = tpu.memref_slice %arg9[%add3A_1015, %dma_wait3A_1023] : memref<256x32xf32, #tpu.memory_space<vmem>> -> memref<8x32xf32, #tpu.memory_space<vmem>>
    %dma_wait3A_1025 = arith.constant 0 : i32
    %dma_wait3A_1026 = arith.constant 0 : i32
    %dma_wait3A_1027 = tpu.memref_slice %arg2[%dma_wait3A_1016, %dma_wait3A_1025, %dma_wait3A_1026] : memref<125000x8x32xf32, #tpu.memory_space<hbm>> -> memref<1x8x32xf32, #tpu.memory_space<hbm>>
    %dma_wait3A_1028 = tpu.memref_squeeze %dma_wait3A_1027 : memref<1x8x32xf32, #tpu.memory_space<hbm>> -> memref<8x32xf32, #tpu.memory_space<hbm>>
    tpu.wait_dma2 semaphore(%arg12 : memref<!tpu.dma_semaphore, #tpu.memory_space<semaphore_mem>>) src(%dma_wait3A_1028 : memref<8x32xf32, #tpu.memory_space<hbm>>) dst(%dma_wait3A_1024 : memref<8x32xf32, #tpu.memory_space<vmem>>)
    %add3A_1029 = arith.constant 112 : i32
    %add3A_1030 = arith.addi %multiple_of3A_590, %add3A_1029 : i32
    %dma_wait3A_1031 = arith.constant 0 : i32
    %dma_wait3A_1032 = arith.constant 0 : i32
    %dma_wait3A_1033 = tpu.memref_slice %arg10[%add3A_1030, %dma_wait3A_1032] : memref<256x32xf32, #tpu.memory_space<vmem>> -> memref<8x32xf32, #tpu.memory_space<vmem>>
    %dma_wait3A_1034 = arith.constant 0 : i32
    %dma_wait3A_1035 = arith.constant 0 : i32
    %dma_wait3A_1036 = tpu.memref_slice %arg3[%dma_wait3A_1031, %dma_wait3A_1034, %dma_wait3A_1035] : memref<125000x8x32xf32, #tpu.memory_space<hbm>> -> memref<1x8x32xf32, #tpu.memory_space<hbm>>
    %dma_wait3A_1037 = tpu.memref_squeeze %dma_wait3A_1036 : memref<1x8x32xf32, #tpu.memory_space<hbm>> -> memref<8x32xf32, #tpu.memory_space<hbm>>
    %dma_wait3A_1038 = arith.constant 0 : i32
    %dma_wait3A_1039 = tpu.memref_slice %arg10[%add3A_1030, %dma_wait3A_1038] : memref<256x32xf32, #tpu.memory_space<vmem>> -> memref<8x32xf32, #tpu.memory_space<vmem>>
    %dma_wait3A_1040 = arith.constant 0 : i32
    %dma_wait3A_1041 = arith.constant 0 : i32
    %dma_wait3A_1042 = tpu.memref_slice %arg3[%dma_wait3A_1031, %dma_wait3A_1040, %dma_wait3A_1041] : memref<125000x8x32xf32, #tpu.memory_space<hbm>> -> memref<1x8x32xf32, #tpu.memory_space<hbm>>
    %dma_wait3A_1043 = tpu.memref_squeeze %dma_wait3A_1042 : memref<1x8x32xf32, #tpu.memory_space<hbm>> -> memref<8x32xf32, #tpu.memory_space<hbm>>
    tpu.wait_dma2 semaphore(%arg12 : memref<!tpu.dma_semaphore, #tpu.memory_space<semaphore_mem>>) src(%dma_wait3A_1043 : memref<8x32xf32, #tpu.memory_space<hbm>>) dst(%dma_wait3A_1039 : memref<8x32xf32, #tpu.memory_space<vmem>>)
    %add3A_1044 = arith.constant 120 : i32
    %add3A_1045 = arith.addi %multiple_of3A_590, %add3A_1044 : i32
    %dma_wait3A_1046 = arith.constant 0 : i32
    %dma_wait3A_1047 = arith.constant 0 : i32
    %dma_wait3A_1048 = tpu.memref_slice %arg9[%add3A_1045, %dma_wait3A_1047] : memref<256x32xf32, #tpu.memory_space<vmem>> -> memref<8x32xf32, #tpu.memory_space<vmem>>
    %dma_wait3A_1049 = arith.constant 0 : i32
    %dma_wait3A_1050 = arith.constant 0 : i32
    %dma_wait3A_1051 = tpu.memref_slice %arg2[%dma_wait3A_1046, %dma_wait3A_1049, %dma_wait3A_1050] : memref<125000x8x32xf32, #tpu.memory_space<hbm>> -> memref<1x8x32xf32, #tpu.memory_space<hbm>>
    %dma_wait3A_1052 = tpu.memref_squeeze %dma_wait3A_1051 : memref<1x8x32xf32, #tpu.memory_space<hbm>> -> memref<8x32xf32, #tpu.memory_space<hbm>>
    %dma_wait3A_1053 = arith.constant 0 : i32
    %dma_wait3A_1054 = tpu.memref_slice %arg9[%add3A_1045, %dma_wait3A_1053] : memref<256x32xf32, #tpu.memory_space<vmem>> -> memref<8x32xf32, #tpu.memory_space<vmem>>
    %dma_wait3A_1055 = arith.constant 0 : i32
    %dma_wait3A_1056 = arith.constant 0 : i32
    %dma_wait3A_1057 = tpu.memref_slice %arg2[%dma_wait3A_1046, %dma_wait3A_1055, %dma_wait3A_1056] : memref<125000x8x32xf32, #tpu.memory_space<hbm>> -> memref<1x8x32xf32, #tpu.memory_space<hbm>>
    %dma_wait3A_1058 = tpu.memref_squeeze %dma_wait3A_1057 : memref<1x8x32xf32, #tpu.memory_space<hbm>> -> memref<8x32xf32, #tpu.memory_space<hbm>>
    tpu.wait_dma2 semaphore(%arg12 : memref<!tpu.dma_semaphore, #tpu.memory_space<semaphore_mem>>) src(%dma_wait3A_1058 : memref<8x32xf32, #tpu.memory_space<hbm>>) dst(%dma_wait3A_1054 : memref<8x32xf32, #tpu.memory_space<vmem>>)
    %add3A_1059 = arith.constant 120 : i32
    %add3A_1060 = arith.addi %multiple_of3A_590, %add3A_1059 : i32
    %dma_wait3A_1061 = arith.constant 0 : i32
    %dma_wait3A_1062 = arith.constant 0 : i32
    %dma_wait3A_1063 = tpu.memref_slice %arg10[%add3A_1060, %dma_wait3A_1062] : memref<256x32xf32, #tpu.memory_space<vmem>> -> memref<8x32xf32, #tpu.memory_space<vmem>>
    %dma_wait3A_1064 = arith.constant 0 : i32
    %dma_wait3A_1065 = arith.constant 0 : i32
    %dma_wait3A_1066 = tpu.memref_slice %arg3[%dma_wait3A_1061, %dma_wait3A_1064, %dma_wait3A_1065] : memref<125000x8x32xf32, #tpu.memory_space<hbm>> -> memref<1x8x32xf32, #tpu.memory_space<hbm>>
    %dma_wait3A_1067 = tpu.memref_squeeze %dma_wait3A_1066 : memref<1x8x32xf32, #tpu.memory_space<hbm>> -> memref<8x32xf32, #tpu.memory_space<hbm>>
    %dma_wait3A_1068 = arith.constant 0 : i32
    %dma_wait3A_1069 = tpu.memref_slice %arg10[%add3A_1060, %dma_wait3A_1068] : memref<256x32xf32, #tpu.memory_space<vmem>> -> memref<8x32xf32, #tpu.memory_space<vmem>>
    %dma_wait3A_1070 = arith.constant 0 : i32
    %dma_wait3A_1071 = arith.constant 0 : i32
    %dma_wait3A_1072 = tpu.memref_slice %arg3[%dma_wait3A_1061, %dma_wait3A_1070, %dma_wait3A_1071] : memref<125000x8x32xf32, #tpu.memory_space<hbm>> -> memref<1x8x32xf32, #tpu.memory_space<hbm>>
    %dma_wait3A_1073 = tpu.memref_squeeze %dma_wait3A_1072 : memref<1x8x32xf32, #tpu.memory_space<hbm>> -> memref<8x32xf32, #tpu.memory_space<hbm>>
    tpu.wait_dma2 semaphore(%arg12 : memref<!tpu.dma_semaphore, #tpu.memory_space<semaphore_mem>>) src(%dma_wait3A_1073 : memref<8x32xf32, #tpu.memory_space<hbm>>) dst(%dma_wait3A_1069 : memref<8x32xf32, #tpu.memory_space<vmem>>)
    %iota3A = tpu.iota {dimensions = array<i32: 0>} : vector<16xi32>
    %mul3A_1074 = arith.constant 8 : i32
    %mul3A_1075 = vector.broadcast %mul3A_1074 : i32 to vector<16xi32>
    %mul3A_1076 = arith.muli %iota3A, %mul3A_1075 : vector<16xi32>
    %add3A_1077 = vector.broadcast %multiple_of3A_590 : i32 to vector<16xi32>
    %add3A_1078 = arith.addi %add3A_1077, %mul3A_1076 : vector<16xi32>
    %and3A = arith.constant 7 : i32
    %and3A_1079 = vector.broadcast %and3A : i32 to vector<16xi32>
    %and3A_1080 = arith.andi %get3A_592, %and3A_1079 : vector<16xi32>
    %add3A_1081 = arith.addi %add3A_1078, %and3A_1080 : vector<16xi32>
    %iota3A_1082 = tpu.iota {dimensions = array<i32: 0>} : vector<16xi32>
    %mul3A_1083 = arith.constant 8 : i32
    %mul3A_1084 = vector.broadcast %mul3A_1083 : i32 to vector<16xi32>
    %mul3A_1085 = arith.muli %iota3A_1082, %mul3A_1084 : vector<16xi32>
    %add3A_1086 = vector.broadcast %multiple_of3A_590 : i32 to vector<16xi32>
    %add3A_1087 = arith.addi %add3A_1086, %mul3A_1085 : vector<16xi32>
    %and3A_1088 = arith.constant 7 : i32
    %and3A_1089 = vector.broadcast %and3A_1088 : i32 to vector<16xi32>
    %and3A_1090 = arith.andi %get3A_594, %and3A_1089 : vector<16xi32>
    %add3A_1091 = arith.addi %add3A_1087, %and3A_1090 : vector<16xi32>
    %broadcast_in_dim3A = arith.constant 0.000000e+00 : f32
    %broadcast_in_dim3A_1092 = vector.broadcast %broadcast_in_dim3A : f32 to vector<16xf32>
    %broadcast_in_dim3A_1093 = arith.constant 0 : i32
    %broadcast_in_dim3A_1094 = vector.broadcast %broadcast_in_dim3A_1093 : i32 to vector<16xi32>
    %gather3A = tpu.vector_load_idx %arg9[%add3A_1081, %broadcast_in_dim3A_1094] : memref<256x32xf32, #tpu.memory_space<vmem>>[vector<16xi32>, vector<16xi32>], vector<16xf32>,
    %gather3A_1095 = tpu.vector_load_idx %arg10[%add3A_1091, %broadcast_in_dim3A_1094] : memref<256x32xf32, #tpu.memory_space<vmem>>[vector<16xi32>, vector<16xi32>], vector<16xf32>,
    %mul3A_1096 = arith.mulf %gather3A, %gather3A_1095 : vector<16xf32>
    %add3A_1097 = arith.addf %broadcast_in_dim3A_1092, %mul3A_1096 : vector<16xf32>
    %broadcast_in_dim3A_1098 = arith.constant 1 : i32
    %broadcast_in_dim3A_1099 = vector.broadcast %broadcast_in_dim3A_1098 : i32 to vector<16xi32>
    %gather3A_1100 = tpu.vector_load_idx %arg9[%add3A_1081, %broadcast_in_dim3A_1099] : memref<256x32xf32, #tpu.memory_space<vmem>>[vector<16xi32>, vector<16xi32>], vector<16xf32>,
    %gather3A_1101 = tpu.vector_load_idx %arg10[%add3A_1091, %broadcast_in_dim3A_1099] : memref<256x32xf32, #tpu.memory_space<vmem>>[vector<16xi32>, vector<16xi32>], vector<16xf32>,
    %mul3A_1102 = arith.mulf %gather3A_1100, %gather3A_1101 : vector<16xf32>
    %add3A_1103 = arith.addf %add3A_1097, %mul3A_1102 : vector<16xf32>
    %broadcast_in_dim3A_1104 = arith.constant 2 : i32
    %broadcast_in_dim3A_1105 = vector.broadcast %broadcast_in_dim3A_1104 : i32 to vector<16xi32>
    %gather3A_1106 = tpu.vector_load_idx %arg9[%add3A_1081, %broadcast_in_dim3A_1105] : memref<256x32xf32, #tpu.memory_space<vmem>>[vector<16xi32>, vector<16xi32>], vector<16xf32>,
    %gather3A_1107 = tpu.vector_load_idx %arg10[%add3A_1091, %broadcast_in_dim3A_1105] : memref<256x32xf32, #tpu.memory_space<vmem>>[vector<16xi32>, vector<16xi32>], vector<16xf32>,
    %mul3A_1108 = arith.mulf %gather3A_1106, %gather3A_1107 : vector<16xf32>
    %add3A_1109 = arith.addf %add3A_1103, %mul3A_1108 : vector<16xf32>
    %broadcast_in_dim3A_1110 = arith.constant 3 : i32
    %broadcast_in_dim3A_1111 = vector.broadcast %broadcast_in_dim3A_1110 : i32 to vector<16xi32>
    %gather3A_1112 = tpu.vector_load_idx %arg9[%add3A_1081, %broadcast_in_dim3A_1111] : memref<256x32xf32, #tpu.memory_space<vmem>>[vector<16xi32>, vector<16xi32>], vector<16xf32>,
    %gather3A_1113 = tpu.vector_load_idx %arg10[%add3A_1091, %broadcast_in_dim3A_1111] : memref<256x32xf32, #tpu.memory_space<vmem>>[vector<16xi32>, vector<16xi32>], vector<16xf32>,
    %mul3A_1114 = arith.mulf %gather3A_1112, %gather3A_1113 : vector<16xf32>
    %add3A_1115 = arith.addf %add3A_1109, %mul3A_1114 : vector<16xf32>
    %broadcast_in_dim3A_1116 = arith.constant 4 : i32
    %broadcast_in_dim3A_1117 = vector.broadcast %broadcast_in_dim3A_1116 : i32 to vector<16xi32>
    %gather3A_1118 = tpu.vector_load_idx %arg9[%add3A_1081, %broadcast_in_dim3A_1117] : memref<256x32xf32, #tpu.memory_space<vmem>>[vector<16xi32>, vector<16xi32>], vector<16xf32>,
    %gather3A_1119 = tpu.vector_load_idx %arg10[%add3A_1091, %broadcast_in_dim3A_1117] : memref<256x32xf32, #tpu.memory_space<vmem>>[vector<16xi32>, vector<16xi32>], vector<16xf32>,
    %mul3A_1120 = arith.mulf %gather3A_1118, %gather3A_1119 : vector<16xf32>
    %add3A_1121 = arith.addf %add3A_1115, %mul3A_1120 : vector<16xf32>
    %broadcast_in_dim3A_1122 = arith.constant 5 : i32
    %broadcast_in_dim3A_1123 = vector.broadcast %broadcast_in_dim3A_1122 : i32 to vector<16xi32>
    %gather3A_1124 = tpu.vector_load_idx %arg9[%add3A_1081, %broadcast_in_dim3A_1123] : memref<256x32xf32, #tpu.memory_space<vmem>>[vector<16xi32>, vector<16xi32>], vector<16xf32>,
    %gather3A_1125 = tpu.vector_load_idx %arg10[%add3A_1091, %broadcast_in_dim3A_1123] : memref<256x32xf32, #tpu.memory_space<vmem>>[vector<16xi32>, vector<16xi32>], vector<16xf32>,
    %mul3A_1126 = arith.mulf %gather3A_1124, %gather3A_1125 : vector<16xf32>
    %add3A_1127 = arith.addf %add3A_1121, %mul3A_1126 : vector<16xf32>
    %broadcast_in_dim3A_1128 = arith.constant 6 : i32
    %broadcast_in_dim3A_1129 = vector.broadcast %broadcast_in_dim3A_1128 : i32 to vector<16xi32>
    %gather3A_1130 = tpu.vector_load_idx %arg9[%add3A_1081, %broadcast_in_dim3A_1129] : memref<256x32xf32, #tpu.memory_space<vmem>>[vector<16xi32>, vector<16xi32>], vector<16xf32>,
    %gather3A_1131 = tpu.vector_load_idx %arg10[%add3A_1091, %broadcast_in_dim3A_1129] : memref<256x32xf32, #tpu.memory_space<vmem>>[vector<16xi32>, vector<16xi32>], vector<16xf32>,
    %mul3A_1132 = arith.mulf %gather3A_1130, %gather3A_1131 : vector<16xf32>
    %add3A_1133 = arith.addf %add3A_1127, %mul3A_1132 : vector<16xf32>
    %broadcast_in_dim3A_1134 = arith.constant 7 : i32
    %broadcast_in_dim3A_1135 = vector.broadcast %broadcast_in_dim3A_1134 : i32 to vector<16xi32>
    %gather3A_1136 = tpu.vector_load_idx %arg9[%add3A_1081, %broadcast_in_dim3A_1135] : memref<256x32xf32, #tpu.memory_space<vmem>>[vector<16xi32>, vector<16xi32>], vector<16xf32>,
    %gather3A_1137 = tpu.vector_load_idx %arg10[%add3A_1091, %broadcast_in_dim3A_1135] : memref<256x32xf32, #tpu.memory_space<vmem>>[vector<16xi32>, vector<16xi32>], vector<16xf32>,
    %mul3A_1138 = arith.mulf %gather3A_1136, %gather3A_1137 : vector<16xf32>
    %add3A_1139 = arith.addf %add3A_1133, %mul3A_1138 : vector<16xf32>
    %broadcast_in_dim3A_1140 = arith.constant 8 : i32
    %broadcast_in_dim3A_1141 = vector.broadcast %broadcast_in_dim3A_1140 : i32 to vector<16xi32>
    %gather3A_1142 = tpu.vector_load_idx %arg9[%add3A_1081, %broadcast_in_dim3A_1141] : memref<256x32xf32, #tpu.memory_space<vmem>>[vector<16xi32>, vector<16xi32>], vector<16xf32>,
    %gather3A_1143 = tpu.vector_load_idx %arg10[%add3A_1091, %broadcast_in_dim3A_1141] : memref<256x32xf32, #tpu.memory_space<vmem>>[vector<16xi32>, vector<16xi32>], vector<16xf32>,
    %mul3A_1144 = arith.mulf %gather3A_1142, %gather3A_1143 : vector<16xf32>
    %add3A_1145 = arith.addf %add3A_1139, %mul3A_1144 : vector<16xf32>
    %broadcast_in_dim3A_1146 = arith.constant 9 : i32
    %broadcast_in_dim3A_1147 = vector.broadcast %broadcast_in_dim3A_1146 : i32 to vector<16xi32>
    %gather3A_1148 = tpu.vector_load_idx %arg9[%add3A_1081, %broadcast_in_dim3A_1147] : memref<256x32xf32, #tpu.memory_space<vmem>>[vector<16xi32>, vector<16xi32>], vector<16xf32>,
    %gather3A_1149 = tpu.vector_load_idx %arg10[%add3A_1091, %broadcast_in_dim3A_1147] : memref<256x32xf32, #tpu.memory_space<vmem>>[vector<16xi32>, vector<16xi32>], vector<16xf32>,
    %mul3A_1150 = arith.mulf %gather3A_1148, %gather3A_1149 : vector<16xf32>
    %add3A_1151 = arith.addf %add3A_1145, %mul3A_1150 : vector<16xf32>
    %broadcast_in_dim3A_1152 = arith.constant 10 : i32
    %broadcast_in_dim3A_1153 = vector.broadcast %broadcast_in_dim3A_1152 : i32 to vector<16xi32>
    %gather3A_1154 = tpu.vector_load_idx %arg9[%add3A_1081, %broadcast_in_dim3A_1153] : memref<256x32xf32, #tpu.memory_space<vmem>>[vector<16xi32>, vector<16xi32>], vector<16xf32>,
    %gather3A_1155 = tpu.vector_load_idx %arg10[%add3A_1091, %broadcast_in_dim3A_1153] : memref<256x32xf32, #tpu.memory_space<vmem>>[vector<16xi32>, vector<16xi32>], vector<16xf32>,
    %mul3A_1156 = arith.mulf %gather3A_1154, %gather3A_1155 : vector<16xf32>
    %add3A_1157 = arith.addf %add3A_1151, %mul3A_1156 : vector<16xf32>
    %broadcast_in_dim3A_1158 = arith.constant 11 : i32
    %broadcast_in_dim3A_1159 = vector.broadcast %broadcast_in_dim3A_1158 : i32 to vector<16xi32>
    %gather3A_1160 = tpu.vector_load_idx %arg9[%add3A_1081, %broadcast_in_dim3A_1159] : memref<256x32xf32, #tpu.memory_space<vmem>>[vector<16xi32>, vector<16xi32>], vector<16xf32>,
    %gather3A_1161 = tpu.vector_load_idx %arg10[%add3A_1091, %broadcast_in_dim3A_1159] : memref<256x32xf32, #tpu.memory_space<vmem>>[vector<16xi32>, vector<16xi32>], vector<16xf32>,
    %mul3A_1162 = arith.mulf %gather3A_1160, %gather3A_1161 : vector<16xf32>
    %add3A_1163 = arith.addf %add3A_1157, %mul3A_1162 : vector<16xf32>
    %broadcast_in_dim3A_1164 = arith.constant 12 : i32
    %broadcast_in_dim3A_1165 = vector.broadcast %broadcast_in_dim3A_1164 : i32 to vector<16xi32>
    %gather3A_1166 = tpu.vector_load_idx %arg9[%add3A_1081, %broadcast_in_dim3A_1165] : memref<256x32xf32, #tpu.memory_space<vmem>>[vector<16xi32>, vector<16xi32>], vector<16xf32>,
    %gather3A_1167 = tpu.vector_load_idx %arg10[%add3A_1091, %broadcast_in_dim3A_1165] : memref<256x32xf32, #tpu.memory_space<vmem>>[vector<16xi32>, vector<16xi32>], vector<16xf32>,
    %mul3A_1168 = arith.mulf %gather3A_1166, %gather3A_1167 : vector<16xf32>
    %add3A_1169 = arith.addf %add3A_1163, %mul3A_1168 : vector<16xf32>
    %broadcast_in_dim3A_1170 = arith.constant 13 : i32
    %broadcast_in_dim3A_1171 = vector.broadcast %broadcast_in_dim3A_1170 : i32 to vector<16xi32>
    %gather3A_1172 = tpu.vector_load_idx %arg9[%add3A_1081, %broadcast_in_dim3A_1171] : memref<256x32xf32, #tpu.memory_space<vmem>>[vector<16xi32>, vector<16xi32>], vector<16xf32>,
    %gather3A_1173 = tpu.vector_load_idx %arg10[%add3A_1091, %broadcast_in_dim3A_1171] : memref<256x32xf32, #tpu.memory_space<vmem>>[vector<16xi32>, vector<16xi32>], vector<16xf32>,
    %mul3A_1174 = arith.mulf %gather3A_1172, %gather3A_1173 : vector<16xf32>
    %add3A_1175 = arith.addf %add3A_1169, %mul3A_1174 : vector<16xf32>
    %broadcast_in_dim3A_1176 = arith.constant 14 : i32
    %broadcast_in_dim3A_1177 = vector.broadcast %broadcast_in_dim3A_1176 : i32 to vector<16xi32>
    %gather3A_1178 = tpu.vector_load_idx %arg9[%add3A_1081, %broadcast_in_dim3A_1177] : memref<256x32xf32, #tpu.memory_space<vmem>>[vector<16xi32>, vector<16xi32>], vector<16xf32>,
    %gather3A_1179 = tpu.vector_load_idx %arg10[%add3A_1091, %broadcast_in_dim3A_1177] : memref<256x32xf32, #tpu.memory_space<vmem>>[vector<16xi32>, vector<16xi32>], vector<16xf32>,
    %mul3A_1180 = arith.mulf %gather3A_1178, %gather3A_1179 : vector<16xf32>
    %add3A_1181 = arith.addf %add3A_1175, %mul3A_1180 : vector<16xf32>
    %broadcast_in_dim3A_1182 = arith.constant 15 : i32
    %broadcast_in_dim3A_1183 = vector.broadcast %broadcast_in_dim3A_1182 : i32 to vector<16xi32>
    %gather3A_1184 = tpu.vector_load_idx %arg9[%add3A_1081, %broadcast_in_dim3A_1183] : memref<256x32xf32, #tpu.memory_space<vmem>>[vector<16xi32>, vector<16xi32>], vector<16xf32>,
    %gather3A_1185 = tpu.vector_load_idx %arg10[%add3A_1091, %broadcast_in_dim3A_1183] : memref<256x32xf32, #tpu.memory_space<vmem>>[vector<16xi32>, vector<16xi32>], vector<16xf32>,
    %mul3A_1186 = arith.mulf %gather3A_1184, %gather3A_1185 : vector<16xf32>
    %add3A_1187 = arith.addf %add3A_1181, %mul3A_1186 : vector<16xf32>
    %broadcast_in_dim3A_1188 = arith.constant 16 : i32
    %broadcast_in_dim3A_1189 = vector.broadcast %broadcast_in_dim3A_1188 : i32 to vector<16xi32>
    %gather3A_1190 = tpu.vector_load_idx %arg9[%add3A_1081, %broadcast_in_dim3A_1189] : memref<256x32xf32, #tpu.memory_space<vmem>>[vector<16xi32>, vector<16xi32>], vector<16xf32>,
    %gather3A_1191 = tpu.vector_load_idx %arg10[%add3A_1091, %broadcast_in_dim3A_1189] : memref<256x32xf32, #tpu.memory_space<vmem>>[vector<16xi32>, vector<16xi32>], vector<16xf32>,
    %mul3A_1192 = arith.mulf %gather3A_1190, %gather3A_1191 : vector<16xf32>
    %add3A_1193 = arith.addf %add3A_1187, %mul3A_1192 : vector<16xf32>
    %broadcast_in_dim3A_1194 = arith.constant 17 : i32
    %broadcast_in_dim3A_1195 = vector.broadcast %broadcast_in_dim3A_1194 : i32 to vector<16xi32>
    %gather3A_1196 = tpu.vector_load_idx %arg9[%add3A_1081, %broadcast_in_dim3A_1195] : memref<256x32xf32, #tpu.memory_space<vmem>>[vector<16xi32>, vector<16xi32>], vector<16xf32>,
    %gather3A_1197 = tpu.vector_load_idx %arg10[%add3A_1091, %broadcast_in_dim3A_1195] : memref<256x32xf32, #tpu.memory_space<vmem>>[vector<16xi32>, vector<16xi32>], vector<16xf32>,
    %mul3A_1198 = arith.mulf %gather3A_1196, %gather3A_1197 : vector<16xf32>
    %add3A_1199 = arith.addf %add3A_1193, %mul3A_1198 : vector<16xf32>
    %broadcast_in_dim3A_1200 = arith.constant 18 : i32
    %broadcast_in_dim3A_1201 = vector.broadcast %broadcast_in_dim3A_1200 : i32 to vector<16xi32>
    %gather3A_1202 = tpu.vector_load_idx %arg9[%add3A_1081, %broadcast_in_dim3A_1201] : memref<256x32xf32, #tpu.memory_space<vmem>>[vector<16xi32>, vector<16xi32>], vector<16xf32>,
    %gather3A_1203 = tpu.vector_load_idx %arg10[%add3A_1091, %broadcast_in_dim3A_1201] : memref<256x32xf32, #tpu.memory_space<vmem>>[vector<16xi32>, vector<16xi32>], vector<16xf32>,
    %mul3A_1204 = arith.mulf %gather3A_1202, %gather3A_1203 : vector<16xf32>
    %add3A_1205 = arith.addf %add3A_1199, %mul3A_1204 : vector<16xf32>
    %broadcast_in_dim3A_1206 = arith.constant 19 : i32
    %broadcast_in_dim3A_1207 = vector.broadcast %broadcast_in_dim3A_1206 : i32 to vector<16xi32>
    %gather3A_1208 = tpu.vector_load_idx %arg9[%add3A_1081, %broadcast_in_dim3A_1207] : memref<256x32xf32, #tpu.memory_space<vmem>>[vector<16xi32>, vector<16xi32>], vector<16xf32>,
    %gather3A_1209 = tpu.vector_load_idx %arg10[%add3A_1091, %broadcast_in_dim3A_1207] : memref<256x32xf32, #tpu.memory_space<vmem>>[vector<16xi32>, vector<16xi32>], vector<16xf32>,
    %mul3A_1210 = arith.mulf %gather3A_1208, %gather3A_1209 : vector<16xf32>
    %add3A_1211 = arith.addf %add3A_1205, %mul3A_1210 : vector<16xf32>
    %broadcast_in_dim3A_1212 = arith.constant 20 : i32
    %broadcast_in_dim3A_1213 = vector.broadcast %broadcast_in_dim3A_1212 : i32 to vector<16xi32>
    %gather3A_1214 = tpu.vector_load_idx %arg9[%add3A_1081, %broadcast_in_dim3A_1213] : memref<256x32xf32, #tpu.memory_space<vmem>>[vector<16xi32>, vector<16xi32>], vector<16xf32>,
    %gather3A_1215 = tpu.vector_load_idx %arg10[%add3A_1091, %broadcast_in_dim3A_1213] : memref<256x32xf32, #tpu.memory_space<vmem>>[vector<16xi32>, vector<16xi32>], vector<16xf32>,
    %mul3A_1216 = arith.mulf %gather3A_1214, %gather3A_1215 : vector<16xf32>
    %add3A_1217 = arith.addf %add3A_1211, %mul3A_1216 : vector<16xf32>
    %broadcast_in_dim3A_1218 = arith.constant 21 : i32
    %broadcast_in_dim3A_1219 = vector.broadcast %broadcast_in_dim3A_1218 : i32 to vector<16xi32>
    %gather3A_1220 = tpu.vector_load_idx %arg9[%add3A_1081, %broadcast_in_dim3A_1219] : memref<256x32xf32, #tpu.memory_space<vmem>>[vector<16xi32>, vector<16xi32>], vector<16xf32>,
    %gather3A_1221 = tpu.vector_load_idx %arg10[%add3A_1091, %broadcast_in_dim3A_1219] : memref<256x32xf32, #tpu.memory_space<vmem>>[vector<16xi32>, vector<16xi32>], vector<16xf32>,
    %mul3A_1222 = arith.mulf %gather3A_1220, %gather3A_1221 : vector<16xf32>
    %add3A_1223 = arith.addf %add3A_1217, %mul3A_1222 : vector<16xf32>
    %broadcast_in_dim3A_1224 = arith.constant 22 : i32
    %broadcast_in_dim3A_1225 = vector.broadcast %broadcast_in_dim3A_1224 : i32 to vector<16xi32>
    %gather3A_1226 = tpu.vector_load_idx %arg9[%add3A_1081, %broadcast_in_dim3A_1225] : memref<256x32xf32, #tpu.memory_space<vmem>>[vector<16xi32>, vector<16xi32>], vector<16xf32>,
    %gather3A_1227 = tpu.vector_load_idx %arg10[%add3A_1091, %broadcast_in_dim3A_1225] : memref<256x32xf32, #tpu.memory_space<vmem>>[vector<16xi32>, vector<16xi32>], vector<16xf32>,
    %mul3A_1228 = arith.mulf %gather3A_1226, %gather3A_1227 : vector<16xf32>
    %add3A_1229 = arith.addf %add3A_1223, %mul3A_1228 : vector<16xf32>
    %broadcast_in_dim3A_1230 = arith.constant 23 : i32
    %broadcast_in_dim3A_1231 = vector.broadcast %broadcast_in_dim3A_1230 : i32 to vector<16xi32>
    %gather3A_1232 = tpu.vector_load_idx %arg9[%add3A_1081, %broadcast_in_dim3A_1231] : memref<256x32xf32, #tpu.memory_space<vmem>>[vector<16xi32>, vector<16xi32>], vector<16xf32>,
    %gather3A_1233 = tpu.vector_load_idx %arg10[%add3A_1091, %broadcast_in_dim3A_1231] : memref<256x32xf32, #tpu.memory_space<vmem>>[vector<16xi32>, vector<16xi32>], vector<16xf32>,
    %mul3A_1234 = arith.mulf %gather3A_1232, %gather3A_1233 : vector<16xf32>
    %add3A_1235 = arith.addf %add3A_1229, %mul3A_1234 : vector<16xf32>
    %broadcast_in_dim3A_1236 = arith.constant 24 : i32
    %broadcast_in_dim3A_1237 = vector.broadcast %broadcast_in_dim3A_1236 : i32 to vector<16xi32>
    %gather3A_1238 = tpu.vector_load_idx %arg9[%add3A_1081, %broadcast_in_dim3A_1237] : memref<256x32xf32, #tpu.memory_space<vmem>>[vector<16xi32>, vector<16xi32>], vector<16xf32>,
    %gather3A_1239 = tpu.vector_load_idx %arg10[%add3A_1091, %broadcast_in_dim3A_1237] : memref<256x32xf32, #tpu.memory_space<vmem>>[vector<16xi32>, vector<16xi32>], vector<16xf32>,
    %mul3A_1240 = arith.mulf %gather3A_1238, %gather3A_1239 : vector<16xf32>
    %add3A_1241 = arith.addf %add3A_1235, %mul3A_1240 : vector<16xf32>
    %broadcast_in_dim3A_1242 = arith.constant 25 : i32
    %broadcast_in_dim3A_1243 = vector.broadcast %broadcast_in_dim3A_1242 : i32 to vector<16xi32>
    %gather3A_1244 = tpu.vector_load_idx %arg9[%add3A_1081, %broadcast_in_dim3A_1243] : memref<256x32xf32, #tpu.memory_space<vmem>>[vector<16xi32>, vector<16xi32>], vector<16xf32>,
    %gather3A_1245 = tpu.vector_load_idx %arg10[%add3A_1091, %broadcast_in_dim3A_1243] : memref<256x32xf32, #tpu.memory_space<vmem>>[vector<16xi32>, vector<16xi32>], vector<16xf32>,
    %mul3A_1246 = arith.mulf %gather3A_1244, %gather3A_1245 : vector<16xf32>
    %add3A_1247 = arith.addf %add3A_1241, %mul3A_1246 : vector<16xf32>
    %broadcast_in_dim3A_1248 = arith.constant 26 : i32
    %broadcast_in_dim3A_1249 = vector.broadcast %broadcast_in_dim3A_1248 : i32 to vector<16xi32>
    %gather3A_1250 = tpu.vector_load_idx %arg9[%add3A_1081, %broadcast_in_dim3A_1249] : memref<256x32xf32, #tpu.memory_space<vmem>>[vector<16xi32>, vector<16xi32>], vector<16xf32>,
    %gather3A_1251 = tpu.vector_load_idx %arg10[%add3A_1091, %broadcast_in_dim3A_1249] : memref<256x32xf32, #tpu.memory_space<vmem>>[vector<16xi32>, vector<16xi32>], vector<16xf32>,
    %mul3A_1252 = arith.mulf %gather3A_1250, %gather3A_1251 : vector<16xf32>
    %add3A_1253 = arith.addf %add3A_1247, %mul3A_1252 : vector<16xf32>
    %broadcast_in_dim3A_1254 = arith.constant 27 : i32
    %broadcast_in_dim3A_1255 = vector.broadcast %broadcast_in_dim3A_1254 : i32 to vector<16xi32>
    %gather3A_1256 = tpu.vector_load_idx %arg9[%add3A_1081, %broadcast_in_dim3A_1255] : memref<256x32xf32, #tpu.memory_space<vmem>>[vector<16xi32>, vector<16xi32>], vector<16xf32>,
    %gather3A_1257 = tpu.vector_load_idx %arg10[%add3A_1091, %broadcast_in_dim3A_1255] : memref<256x32xf32, #tpu.memory_space<vmem>>[vector<16xi32>, vector<16xi32>], vector<16xf32>,
    %mul3A_1258 = arith.mulf %gather3A_1256, %gather3A_1257 : vector<16xf32>
    %add3A_1259 = arith.addf %add3A_1253, %mul3A_1258 : vector<16xf32>
    %broadcast_in_dim3A_1260 = arith.constant 28 : i32
    %broadcast_in_dim3A_1261 = vector.broadcast %broadcast_in_dim3A_1260 : i32 to vector<16xi32>
    %gather3A_1262 = tpu.vector_load_idx %arg9[%add3A_1081, %broadcast_in_dim3A_1261] : memref<256x32xf32, #tpu.memory_space<vmem>>[vector<16xi32>, vector<16xi32>], vector<16xf32>,
    %gather3A_1263 = tpu.vector_load_idx %arg10[%add3A_1091, %broadcast_in_dim3A_1261] : memref<256x32xf32, #tpu.memory_space<vmem>>[vector<16xi32>, vector<16xi32>], vector<16xf32>,
    %mul3A_1264 = arith.mulf %gather3A_1262, %gather3A_1263 : vector<16xf32>
    %add3A_1265 = arith.addf %add3A_1259, %mul3A_1264 : vector<16xf32>
    %broadcast_in_dim3A_1266 = arith.constant 29 : i32
    %broadcast_in_dim3A_1267 = vector.broadcast %broadcast_in_dim3A_1266 : i32 to vector<16xi32>
    %gather3A_1268 = tpu.vector_load_idx %arg9[%add3A_1081, %broadcast_in_dim3A_1267] : memref<256x32xf32, #tpu.memory_space<vmem>>[vector<16xi32>, vector<16xi32>], vector<16xf32>,
    %gather3A_1269 = tpu.vector_load_idx %arg10[%add3A_1091, %broadcast_in_dim3A_1267] : memref<256x32xf32, #tpu.memory_space<vmem>>[vector<16xi32>, vector<16xi32>], vector<16xf32>,
    %mul3A_1270 = arith.mulf %gather3A_1268, %gather3A_1269 : vector<16xf32>
    %add3A_1271 = arith.addf %add3A_1265, %mul3A_1270 : vector<16xf32>
    %broadcast_in_dim3A_1272 = arith.constant 30 : i32
    %broadcast_in_dim3A_1273 = vector.broadcast %broadcast_in_dim3A_1272 : i32 to vector<16xi32>
    %gather3A_1274 = tpu.vector_load_idx %arg9[%add3A_1081, %broadcast_in_dim3A_1273] : memref<256x32xf32, #tpu.memory_space<vmem>>[vector<16xi32>, vector<16xi32>], vector<16xf32>,
    %gather3A_1275 = tpu.vector_load_idx %arg10[%add3A_1091, %broadcast_in_dim3A_1273] : memref<256x32xf32, #tpu.memory_space<vmem>>[vector<16xi32>, vector<16xi32>], vector<16xf32>,
    %mul3A_1276 = arith.mulf %gather3A_1274, %gather3A_1275 : vector<16xf32>
    %add3A_1277 = arith.addf %add3A_1271, %mul3A_1276 : vector<16xf32>
    %broadcast_in_dim3A_1278 = arith.constant 31 : i32
    %broadcast_in_dim3A_1279 = vector.broadcast %broadcast_in_dim3A_1278 : i32 to vector<16xi32>
    %gather3A_1280 = tpu.vector_load_idx %arg9[%add3A_1081, %broadcast_in_dim3A_1279] : memref<256x32xf32, #tpu.memory_space<vmem>>[vector<16xi32>, vector<16xi32>], vector<16xf32>,
    %gather3A_1281 = tpu.vector_load_idx %arg10[%add3A_1091, %broadcast_in_dim3A_1279] : memref<256x32xf32, #tpu.memory_space<vmem>>[vector<16xi32>, vector<16xi32>], vector<16xf32>,
    %mul3A_1282 = arith.mulf %gather3A_1280, %gather3A_1281 : vector<16xf32>
    %add3A_1283 = arith.addf %add3A_1277, %mul3A_1282 : vector<16xf32>
    %swap3A = arith.index_cast %multiple_of3A_588 : i32 to index
    %swap3A_1284 = tpu.vector_load %arg11[%swap3A] {strides = array<i32>} : memref<512xf32, #tpu.memory_space<vmem>>, vector<16xf32>,
    tpu.vector_store %arg11[%swap3A], %add3A_1283 {strides = array<i32>} : memref<512xf32, #tpu.memory_space<vmem>>, vector<16xf32>,
    "tpu.region"() ({
      %run_scoped3A = tpu.sem_alloc : memref<!tpu.dma_semaphore, #tpu.memory_space<semaphore_mem>>
      %dma_start3A_1285 = tpu.memref_slice %arg6[%mul3A_2] : memref<16384xf32, #tpu.memory_space<hbm>> -> memref<512xf32, #tpu.memory_space<hbm>>
      %dma_start3A_1286 = tpu.memref_slice %arg6[%mul3A_2] : memref<16384xf32, #tpu.memory_space<hbm>> -> memref<512xf32, #tpu.memory_space<hbm>>
      tpu.enqueue_dma source(%arg11 : memref<512xf32, #tpu.memory_space<vmem>>) target(%dma_start3A_1286 : memref<512xf32, #tpu.memory_space<hbm>>) target_semaphore(%run_scoped3A : memref<!tpu.dma_semaphore, #tpu.memory_space<semaphore_mem>>)
      %dma_wait3A_1287 = tpu.memref_slice %arg6[%mul3A_2] : memref<16384xf32, #tpu.memory_space<hbm>> -> memref<512xf32, #tpu.memory_space<hbm>>
      %dma_wait3A_1288 = tpu.memref_slice %arg6[%mul3A_2] : memref<16384xf32, #tpu.memory_space<hbm>> -> memref<512xf32, #tpu.memory_space<hbm>>
      tpu.wait_dma2 semaphore(%run_scoped3A : memref<!tpu.dma_semaphore, #tpu.memory_space<semaphore_mem>>) src(%arg11 : memref<512xf32, #tpu.memory_space<vmem>>) dst(%dma_wait3A_1288 : memref<512xf32, #tpu.memory_space<hbm>>)
      tpu.yield
    }) : () -> ()
    return
  }
}

</mosaic_0001>

<sc_bundles>
// kernel: kernel.3.cloned.1.call-start
scs
__scs_entry_jumppad:
0x0: {  	(pc) =	sbr.rel $0x88, $3  }
0x1: {  	(tag) =	ssettag $0x0;
	lr =	simm.s32 $0x1  }
0x2: {  	[smem:$0x3F9D] =	sst lr;
	_ =	strace $0xD0000000  }
0x3: {  	_ = 	snop  }
0x4: {  	_ = 	snop  }
0x5: {  	_ = 	snop  }
0x6: {  	_ = 	snop  }
0x7: {  	_ = 	snop  }
__scs_overlays_trampoline_lowered:
0x8: {  	[smem:$0x3FAC] =	sst s0  }
0x9: {  	[smem:$0x3FAD] =	sst s1  }
0xa: {  	[smem:$0x3FAE] =	sst s2  }
0xb: {  	[smem:$0x3FAF] =	sst s3  }
0xc: {  	[smem:$0x3FB0] =	sst s4  }
0xd: {  	[smem:$0x3FB1] =	sst s5  }
0xe: {  	[smem:$0x3FB2] =	sst s6  }
0xf: {  	[smem:$0x3FB3] =	sst s7  }
0x10: {  	[smem:$0x3FB4] =	sst s8  }
0x11: {  	[smem:$0x3FB5] =	sst s9;
	s0 =	simm.s32 @!p0 $0x0  }
0x12: {  	s1 =	sld [smem:$0x3F9B];
	s0 =	simm.s32 @p0 $0x1  }
0x13: {  	[smem:$0x3FB6] =	sst s0;
	s0 =	simm.s32 @!p1 $0x0  }
0x14: {  	s2 =	sld [smem:$0x3F9A];
	s0 =	simm.s32 @p1 $0x1  }
0x15: {  	[smem:$0x3FB7] =	sst s0;
	s0 =	simm.s32 @!p2 $0x0  }
0x16: {  	s3 =	sld [smem:$0x3FDB];
	s0 =	simm.s32 @p2 $0x1  }
0x17: {  	s4 =	simm.s32 $0x1BF5;
	[smem:$0x3FB9] =	sst s0  }
0x18: {  	s0 =	sld [smem:$0x3F9C];
	_ =	swait.ge [sflag:s4], $0x0  }
0x19: {  	s7 =	sld [smem:$0x3F9D]  }
0x1a: {  	s8 =	sadd.s32 $0xFFFFE003, lr  }
0x1b: {  	s9 =	sadd.s32 $0xFFFFFEF7, lr;
	s5 =	simm.s32 $0xFFFFFFFF;
	p2 =	slt.u32 s8, $0xFFFFF086  }
0x1c: {  	p1 =	slt.u32 s9, $0xF7A;
	s5 =	simm.s32 @!p2 $0x0  }
0x1d: {  	s5 =	simm.s32 @p1 $0x1;
	p0 =	seq.s32 s7, s2  }
0x1e: {  	s7 =	smul.u32 @!p0 $0xF7A, s2;
	p2 =	seq.s32 @!p0 s5, $0x0  }
0x1f: {  	s9 =	smul.u32 $0xF7A, s1;
	s8 =	simm.s32 @!p0 $0x1BF5;
	p2 =	por !p2, p0  }
0x20: {  	[sflag:s8] =	ssyncset.s32 @!p0 $0xFFFFF086;
	s6 =	sadd.s32 @!p0 s3, s7;
	s7 =	simm.s32 @!p0 $0x108  }
0x21: {  	s3 =	sadd.s32 s3, s9;
	s6 =	sadd.s32 @!p0 $0x88, s6;
	s7 =	simm.s32 @p2 $0x1082  }
0x22: {  	[simem:s7], [sflag:s8] =	dma.local @!p0 [hbm:s6], $0xF7A  }
0x23: {  	s9 =	sor.u32 $0xD0000000, s2;
	s6 =	simm.s32 $0x108;
	_ =	swait.ge @!p0 [sflag:s8], $0x0  }
0x24: {  	s3 =	sadd.s32 $0x88, s3;
	s6 =	simm.s32 @!p1 $0x1082;
	[sflag:s4] =	ssyncset.s32 $0xFFFFF086  }
0x25: {  	[simem:s6], [sflag:s4] =	dma.local [hbm:s3], $0xF7A  }
0x26: {  	[smem:$0x3F9D] =	sst s1;
	(tag) =	ssettag s2;
	_ =	strace s9  }
0x27: {  	s1 =	sld [smem:$0x3FAD]  }
0x28: {  	s2 =	sld [smem:$0x3FAE]  }
0x29: {  	s4 =	sld [smem:$0x3FB0]  }
0x2a: {  	p0 =	seq.s32 s5, $0x0;
	s5 =	sld [smem:$0x3FB1]  }
0x2b: {  	s6 =	sld [smem:$0x3FB2]  }
0x2c: {  	s7 =	sld [smem:$0x3FB3]  }
0x2d: {  	s3 =	simm.s32 $0x108;
	s8 =	sld [smem:$0x3FB4]  }
0x2e: {  	s3 =	simm.s32 @!p0 $0x1082;
	s9 =	sld [smem:$0x3FB5]  }
0x2f: {  	lr =	sadd.s32 s0, s3;
	s0 =	sld [smem:$0x3FAC]  }
0x30: {  	s3 =	sld [smem:$0x3FAF]  }
0x31: {  	[smem:$0x3FB8] =	sst s10  }
0x32: {  	s10 =	sld [smem:$0x3FB6];
	_ =	sdelay $0x3  }
0x33: {  	p0 =	seq.s32 s10, $0x1;
	s10 =	sld [smem:$0x3FB8];
	_ =	sdelay $0x3  }
0x34: {  	[smem:$0x3FB8] =	sst s10  }
0x35: {  	s10 =	sld [smem:$0x3FB7];
	_ =	sdelay $0x3  }
0x36: {  	p1 =	seq.s32 s10, $0x1;
	s10 =	sld [smem:$0x3FB8];
	_ =	sdelay $0x3  }
0x37: {  	[smem:$0x3FB8] =	sst s10  }
0x38: {  	s10 =	sld [smem:$0x3FB9]  }
0x39: {  	_ = 	snop;
	(pc) =	sbr.ind lr, $3  }
0x3a: {  	_ = 	snop  }
0x3b: {  	_ = 	snop  }
0x3c: {  	p2 =	seq.s32 s10, $0x1;
	s10 =	sld [smem:$0x3FB8]  }
0x3d: {  	_ =	shalt  }
0x3e: {  	_ =	shalt  }
0x3f: {  	_ =	shalt  }
0x40: {  	_ =	shalt  }
0x41: {  	_ =	shalt  }
0x42: {  	_ =	shalt  }
0x43: {  	_ =	shalt  }
0x44: {  	_ =	shalt  }
0x45: {  	_ =	shalt  }
0x46: {  	_ =	shalt  }
0x47: {  	_ =	shalt  }
0x48: {  	_ =	shalt  }
0x49: {  	_ =	shalt  }
0x4a: {  	_ =	shalt  }
0x4b: {  	_ =	shalt  }
0x4c: {  	_ =	shalt  }
0x4d: {  	_ =	shalt  }
0x4e: {  	_ =	shalt  }
0x4f: {  	_ =	shalt  }
0x50: {  	_ =	shalt  }
0x51: {  	_ =	shalt  }
0x52: {  	_ =	shalt  }
0x53: {  	_ =	shalt  }
0x54: {  	_ =	shalt  }
0x55: {  	_ =	shalt  }
0x56: {  	_ =	shalt  }
0x57: {  	_ =	shalt  }
0x58: {  	_ =	shalt  }
0x59: {  	_ =	shalt  }
0x5a: {  	_ =	shalt  }
0x5b: {  	_ =	shalt  }
0x5c: {  	_ =	shalt  }
0x5d: {  	_ =	shalt  }
0x5e: {  	_ =	shalt  }
0x5f: {  	_ =	shalt  }
0x60: {  	_ =	shalt  }
0x61: {  	_ =	shalt  }
0x62: {  	_ =	shalt  }
0x63: {  	_ =	shalt  }
0x64: {  	_ =	shalt  }
0x65: {  	_ =	shalt  }
0x66: {  	_ =	shalt  }
0x67: {  	_ =	shalt  }
0x68: {  	_ =	shalt  }
0x69: {  	_ =	shalt  }
0x6a: {  	_ =	shalt  }
0x6b: {  	_ =	shalt  }
0x6c: {  	_ =	shalt  }
0x6d: {  	_ =	shalt  }
0x6e: {  	_ =	shalt  }
0x6f: {  	_ =	shalt  }
0x70: {  	_ =	shalt  }
0x71: {  	_ =	shalt  }
0x72: {  	_ =	shalt  }
0x73: {  	_ =	shalt  }
0x74: {  	_ =	shalt  }
0x75: {  	_ =	shalt  }
0x76: {  	_ =	shalt  }
0x77: {  	_ =	shalt  }
0x78: {  	_ =	shalt  }
0x79: {  	_ =	shalt  }
0x7a: {  	_ =	shalt  }
0x7b: {  	_ =	shalt  }
0x7c: {  	_ =	shalt  }
0x7d: {  	_ =	shalt  }
0x7e: {  	_ =	shalt  }
0x7f: {  	_ =	shalt  }
0x80: {  	_ =	shalt  }
0x81: {  	_ =	shalt  }
0x82: {  	_ =	shalt  }
0x83: {  	_ =	shalt  }
0x84: {  	_ =	shalt  }
0x85: {  	_ =	shalt  }
0x86: {  	_ =	shalt  }
0x87: {  	_ =	shalt  }
.Lfunc_end0:
.L_simem_size_0:
called_computation_lowered:
.L_overlay_start_0:
0x88: {  	s2 =	sld [smem:$0x3FD9]  }
0x89: {  	s3 =	sld [smem:$0x3FFE];
	_ =	sdelay $0x1  }
0x8a: {  	s1 =	srdreg.scid  }
0x8b: {  	s0 =	sand.u32 $0x1, s1  }
0x8c: {  	s17 =	sshll.u32 s0, $0xA;
	s2 =	sadd.s32 s3, s2  }
0x8d: {  	s2 =	sadd.s32 s2, s17  }
0x8e: {  	[smem:$0x3FC4] =	sst s2  }
0x8f: {  	_ = 	snop  }
0x90: {  	s2 =	sld [smem:$0x3FC9]  }
0x91: {  	s18 =	sld [smem:$0x3FC8]  }
0x92: {  	s4 =	sld [smem:$0x3FD0];
	(tm) =	ssettm $0x1  }
0x93: {  	s5 =	sld [smem:$0x3FFB];
	_ =	sdelay $0x3  }
0x94: {  	_ =	strace s5  }
0x95: {  	s5 =	sld [smem:$0x3FFC];
	_ =	sdelay $0x3  }
0x96: {  	_ =	strace s5  }
0x97: {  	s5 =	sld [smem:$0x3FFD];
	_ =	sdelay $0x3  }
0x98: {  	_ =	strace s5  }
0x99: {  	_ =	strace $0x8FFFFFFF  }
0x9a: {  	s19 =	sld [smem:$0x3FDB];
	_ =	sdelay $0x1  }
0x9b: {  	s6 =	simm.s32 $_scs_section_size  }
0x9c: {  	s7 =	simm.s32 $_size__tile_overlayer_lowered;
	s8 =	simm.s32 $_tile_overlayer_lowered  }
0x9d: {  	s22 =	simm.s32 $0x1BFF;
	s21 =	sshll.u32 s8, $0x1;
	s5 =	sadd.s32 s6, s19  }
0x9e: {  	s9 =	simm.s32 $0x0;
	s20 =	sshll.u32 s7, $0x1;
	s7 =	sadd.s32 s21, s5  }
0x9f: {  	[timem:s9], [sflag:s22] =	dma.local [hbm:s7], s20  }
0xa0: {  	_ =	swait.ge [sflag:s22], s20  }
0xa1: {  	s6 =	ssub.s32 $0x0, s20;
	[sflag:s22] =	ssyncset.done $0x0  }
0xa2: {  	[sflag:s22] =	ssyncadd.s32 s6;
	_ =	sdelay $0x1  }
0xa3: {  	s23 =	simm.s32 $0x1B8B  }
0xa4: {  	_ =	swait.ge [sflag:s23], $0x1  }
0xa5: {  	[sflag:s23] =	ssyncset.done $0x0  }
0xa6: {  	s25 =	simm.s32 $0x1B8E;
	s24 =	sld [smem:$0x3FFE];
	[sflag:s23] =	ssyncadd.s32 $0xFFFFFFFF  }
0xa7: {  	s26 =	simm.s32 $execute0_lowered;
	[smem:$0x3FD2] =	sst s25  }
0xa8: {  	s7 =	sshll.u32 s26, $0x1;
	_ =	strace $0x80000046;
	[dreg:$0x1] =	wrdreg $0xFFFFFFFF  }
0xa9: {  	s28 =	simm.s32 $_size_execute0_lowered;
	s5 =	sadd.s32 s5, s7;
	[dreg:$0x0] =	wrdreg $0x0  }
0xaa: {  	s7 =	sshll.u32 s28, $0x1;
	[dreg:$0x2] =	wrdreg s5  }
0xab: {  	[dreg:$0x3] =	wrdreg s7  }
0xac: {  	[dreg:$0x4] =	wrdreg $0xC0  }
0xad: {  	_ =	task [dreg:s9], $0x5FFFF  }
0xae: {  	[dreg:$0x1] =	wrdreg $0xFFFFFFFF  }
0xaf: {  	[dreg:$0x0] =	wrdreg $0x60  }
0xb0: {  	[dreg:$0x2] =	wrdreg s24  }
0xb1: {  	[dreg:$0x3] =	wrdreg s2  }
0xb2: {  	[dreg:$0x4] =	wrdreg s18  }
0xb3: {  	[dreg:$0x5] =	wrdreg s4  }
0xb4: {  	[dreg:$0x6] =	wrdreg $0x9  }
0xb5: {  	_ =	task.clear_ibuf [dreg:s9], $0x7FFFF;
	_ =	strace $0x90000046  }
0xb6: {  	s29 =	simm.s32 $0x9;
	_ =	strace $0x80000048  }
0xb7: {  	_ =	swait.ge [sflag:s29], $0x1  }
0xb8: {  	[sflag:s29] =	ssyncadd.s32 $0xFFFFFFFF  }
0xb9: {  	_ =	strace $0x90000048  }
0xba: {  	_ =	sfence  }
0xbb: {  	s30 =	sld [smem:$0x0];
	_ =	sdelay $0x2  }
0xbc: {  	s31 =	sshll.u32 s1, $0xD;
	s1 =	sshrl.u32 s1, $0x2  }
0xbd: {  	s3 =	sand.u32 $0x4000, s31;
	s1 =	sadd.s32 s1, s30  }
0xbe: {  	s0 =	sor.u32 s3, s0;
	s1 =	sshll.u32 s1, $0x11  }
0xbf: {  	s0 =	sor.u32 s1, s0  }
0xc0: {  	s0 =	sadd.s32 $0x8F2B, s0  }
0xc1: {  	[sflag:s0] =	ssyncadd.remote.s32 $0x1  }
0xc2: {  	_ =	sfence.sel $0xFFFF  }
0xc3: {  	[dreg:$0x0] =	wrdreg $0xFFFFFFFF;
	(pc) =	sbr.abs _section_cstart, $3  }
0xc4: {  	[dreg:$0x1] =	wrdreg $0xFFFFFFFF  }
0xc5: {  	_ =	task.clear_ibuf [dreg:s9], $0x2FFFF;
	_ =	strace $0x9FFFFFFF  }
0xc6: {  	(tm) =	ssettm $0x7FFFFFFF  }
0xc7: {  	_ =	shalt  }
tec
execute0_lowered:
.L_overlay_start_1:
0x0: {  	(tag) =	ssettag $0x1  }
0x1: {  	s0 =	rddreg [dreg:$0x0]  }
0x2: {  	s1 =	rddreg [dreg:$0x1]  }
0x3: {  	s2 =	rddreg [dreg:$0x2]  }
0x4: {  	s5 =	rddreg [dreg:$0x3];
	s3 =	simm.s32 $0x0  }
0x5: {  	s25 =	srdreg.scid;
	s4 =	stileid.u32;
	s21 =	simm.s32 $0x1  }
0x6: {  	s12 =	simm.s32 $0x400;
	[smem:$0x7FF] =	sst s3;
	s3 =	sand.u32 $0x1, s25  }
0x7: {  	s28 =	simm.s32 $0x8400;
	s4 =	sshll.u32 s4, $0x7;
	s7 =	sshll.u32 s3, $0x6  }
0x8: {  	s30 =	simm.s32 $0x0;
	s15 =	sadd.s32 $0x400, s0;
	s7 =	sor.u32 s7, s4  }
0x9: {  	_ =	strace $0x80000047;
	s6 =	ssub.s32 $0x2, s3;
	s1 =	sadd.s32 s1, s7  }
0xa: {  	v0 =	vlaneseq.u32;
	s8 =	sshrl.u32 s6, $0x1;
	s29 =	sadd.s32 s2, s7;
	[dreg:$0x11] =	wrdreg s1  }
0xb: {  	v1 =	vmul.u32 $0x400, v0;
	s26 =	ssub.s32 s6, s8;
	s31 =	sadd.s32 s5, s7;
	[dreg:$0x12] =	wrdreg s29  }
0xc: {  	s4 =	sadd.s32 $0xF42800, s0;
	[dreg:$0x13] =	wrdreg s31;
	s0 =	smax.u32 s26, $0x1  }
0xd: {  	v0 =	vmul.u32 $0x8, v0;
	v1 =	vor.u32 $0x4000, v1;
	s2 =	simm.s32 $0x0;
	s1 =	simm.s32 $0x2;
	[dreg:$0x14] =	wrdreg s0  }
.LBB2_1:
0xe: {  	[dreg:$0x15] =	wrdreg s2  }
0xf: {  	s3 =	simm.s32 $0x0;
	s0 =	rddreg [dreg:$0x11]  }
0x10: {  	[tilespmem:s3], [sflag:$0x2] =	stream.linear.gather [hbm4b:s0+s3], $0x200, $0x38;
	[tilespmem:$0x10600] =	vst v63  }
0x11: {  	_ =	swait.ge [sflag:s1], $0x200  }
0x12: {  	[sflag:s1] =	ssyncset.done $0x0  }
0x13: {  	s11 =	simm.s32 $0x200;
	s10 =	rddreg [dreg:$0x12];
	[sflag:s1] =	ssyncadd.s32 $0xFFFFFE00  }
0x14: {  	[tilespmem:s11], [sflag:$0x2] =	stream.linear.gather [hbm4b:s10+s3], $0x200, $0x38;
	[tilespmem:$0x10600] =	vst v63  }
0x15: {  	_ =	swait.ge [sflag:s1], $0x200  }
0x16: {  	[sflag:s1] =	ssyncset.done $0x0  }
0x17: {  	[sflag:s1] =	ssyncadd.s32 $0xFFFFFE00  }
0x18: {  	v2 =	vld [tilespmem:$0x0];
	_ =	sdelay $0x4  }
0x19: {  	v3 =	vshll.u32 v2, $0x4  }
0x1a: {  	(v2sf) =	vpush v3, $0x0;
	_ =	sdelay $0x4  }
0x1b: {  	v4 =	vld [tilespmem:$0x200];
	_ =	sdelay $0x4  }
0x1c: {  	v2 =	vshll.u32 v4, $0x4  }
0x1d: {  	(v2sf) =	vpush v2, $0x0  }
0x1e: {  	(v2sf) =	vpush v3, $0x1;
	_ =	sdelay $0x1  }
0x1f: {  	(v2sf) =	vpush v2, $0x1  }
0x20: {  	s13 =	spop (v2sf);
	(v2sf) =	vpush v3, $0x2;
	_ =	sdelay $0x1  }
0x21: {  	(v2sf) =	vpush v2, $0x2;
	_ =	sdelay $0x1  }
0x22: {  	(v2sf) =	vpush v3, $0x3;
	_ =	sdelay $0x2  }
0x23: {  	(v2sf) =	vpush v2, $0x3;
	_ =	sdelay $0x3  }
0x24: {  	s0 =	sand.u32 $0x1FFFFF80, s13;
	s14 =	spop (v2sf)  }
0x25: {  	s7 =	simm.s32 $0x400;
	s0 =	sadd.s32 s15, s0;
	s16 =	spop (v2sf)  }
0x26: {  	[tilespmem:s7], [sflag:$0x1] =	stream.linear.gather [hbm4b:s0+s3], $0x400, $0x38;
	[tilespmem:$0x10600] =	vst v63  }
0x27: {  	s18 =	spop (v2sf)  }
0x28: {  	s20 =	spop (v2sf);
	(v2sf) =	vpush v3, $0x4  }
0x29: {  	s0 =	sand.u32 $0x1FFFFF80, s14  }
0x2a: {  	s8 =	simm.s32 $0x8400;
	s0 =	sadd.s32 s4, s0;
	s23 =	spop (v2sf);
	(v2sf) =	vpush v2, $0x4  }
0x2b: {  	[tilespmem:s8], [sflag:$0x1] =	stream.linear.gather [hbm4b:s0+s3], $0x400, $0x38;
	[tilespmem:$0x10600] =	vst v63  }
0x2c: {  	s0 =	sand.u32 $0x1FFFFF80, s16;
	s25 =	spop (v2sf);
	(v2sf) =	vpush v3, $0x5  }
0x2d: {  	s17 =	simm.s32 $0x800;
	s0 =	sadd.s32 s15, s0  }
0x2e: {  	[tilespmem:s17], [sflag:$0x1] =	stream.linear.gather [hbm4b:s0+s3], $0x400, $0x38;
	[tilespmem:$0x10600] =	vst v63  }
0x2f: {  	s29 =	spop (v2sf);
	(v2sf) =	vpush v2, $0x5  }
0x30: {  	s0 =	sand.u32 $0x1FFFFF80, s18  }
0x31: {  	s19 =	simm.s32 $0x8800;
	s0 =	sadd.s32 s4, s0  }
0x32: {  	[tilespmem:s19], [sflag:$0x1] =	stream.linear.gather [hbm4b:s0+s3], $0x400, $0x38;
	[tilespmem:$0x10600] =	vst v63  }
0x33: {  	s0 =	sand.u32 $0x1FFFFF80, s20  }
0x34: {  	s22 =	simm.s32 $0xC00;
	s0 =	sadd.s32 s15, s0  }
0x35: {  	[tilespmem:s22], [sflag:$0x1] =	stream.linear.gather [hbm4b:s0+s3], $0x400, $0x38;
	[tilespmem:$0x10600] =	vst v63  }
0x36: {  	s0 =	sand.u32 $0x1FFFFF80, s23  }
0x37: {  	s24 =	simm.s32 $0x8C00;
	s0 =	sadd.s32 s4, s0;
	s2 =	spop (v2sf);
	(v2sf) =	vpush v3, $0x6  }
0x38: {  	[tilespmem:s24], [sflag:$0x1] =	stream.linear.gather [hbm4b:s0+s3], $0x400, $0x38;
	[tilespmem:$0x10600] =	vst v63  }
0x39: {  	s6 =	spop (v2sf);
	(v2sf) =	vpush v2, $0x6  }
0x3a: {  	s0 =	sand.u32 $0x1FFFFF80, s25  }
0x3b: {  	s26 =	simm.s32 $0x1000;
	s0 =	sadd.s32 s15, s0;
	s10 =	spop (v2sf);
	(v2sf) =	vpush v3, $0x7  }
0x3c: {  	[tilespmem:s26], [sflag:$0x1] =	stream.linear.gather [hbm4b:s0+s3], $0x400, $0x38;
	[tilespmem:$0x10600] =	vst v63  }
0x3d: {  	s0 =	sand.u32 $0x1FFFFF80, s29  }
0x3e: {  	s31 =	simm.s32 $0x9000;
	s0 =	sadd.s32 s4, s0;
	s13 =	spop (v2sf);
	(v2sf) =	vpush v2, $0x7  }
0x3f: {  	[tilespmem:s31], [sflag:$0x1] =	stream.linear.gather [hbm4b:s0+s3], $0x400, $0x38;
	[tilespmem:$0x10600] =	vst v63  }
0x40: {  	s0 =	sand.u32 $0x1FFFFF80, s2  }
0x41: {  	s5 =	simm.s32 $0x1400;
	s0 =	sadd.s32 s15, s0  }
0x42: {  	[tilespmem:s5], [sflag:$0x1] =	stream.linear.gather [hbm4b:s0+s3], $0x400, $0x38;
	[tilespmem:$0x10600] =	vst v63  }
0x43: {  	s0 =	sand.u32 $0x1FFFFF80, s6  }
0x44: {  	s9 =	simm.s32 $0x9400;
	s0 =	sadd.s32 s4, s0  }
0x45: {  	[tilespmem:s9], [sflag:$0x1] =	stream.linear.gather [hbm4b:s0+s3], $0x400, $0x38;
	[tilespmem:$0x10600] =	vst v63  }
0x46: {  	s16 =	spop (v2sf);
	(v2sf) =	vpush v3, $0x8  }
0x47: {  	s0 =	sand.u32 $0x1FFFFF80, s10  }
0x48: {  	s11 =	simm.s32 $0x1800;
	s0 =	sadd.s32 s15, s0;
	s18 =	spop (v2sf);
	(v2sf) =	vpush v2, $0x8  }
0x49: {  	[tilespmem:s11], [sflag:$0x1] =	stream.linear.gather [hbm4b:s0+s3], $0x400, $0x38;
	[tilespmem:$0x10600] =	vst v63  }
0x4a: {  	s0 =	sand.u32 $0x1FFFFF80, s13;
	s20 =	spop (v2sf);
	(v2sf) =	vpush v3, $0x9  }
0x4b: {  	s14 =	simm.s32 $0x9800;
	s0 =	sadd.s32 s4, s0  }
0x4c: {  	[tilespmem:s14], [sflag:$0x1] =	stream.linear.gather [hbm4b:s0+s3], $0x400, $0x38;
	[tilespmem:$0x10600] =	vst v63  }
0x4d: {  	s23 =	spop (v2sf);
	(v2sf) =	vpush v2, $0x9  }
0x4e: {  	s0 =	sand.u32 $0x1FFFFF80, s16  }
0x4f: {  	s17 =	simm.s32 $0x1C00;
	s0 =	sadd.s32 s15, s0  }
0x50: {  	[tilespmem:s17], [sflag:$0x1] =	stream.linear.gather [hbm4b:s0+s3], $0x400, $0x38;
	[tilespmem:$0x10600] =	vst v63  }
0x51: {  	s0 =	sand.u32 $0x1FFFFF80, s18  }
0x52: {  	s19 =	simm.s32 $0x9C00;
	s0 =	sadd.s32 s4, s0  }
0x53: {  	[tilespmem:s19], [sflag:$0x1] =	stream.linear.gather [hbm4b:s0+s3], $0x400, $0x38;
	[tilespmem:$0x10600] =	vst v63  }
0x54: {  	s0 =	sand.u32 $0x1FFFFF80, s20  }
0x55: {  	s22 =	simm.s32 $0x2000;
	s0 =	sadd.s32 s15, s0;
	s25 =	spop (v2sf);
	(v2sf) =	vpush v3, $0xA  }
0x56: {  	[tilespmem:s22], [sflag:$0x1] =	stream.linear.gather [hbm4b:s0+s3], $0x400, $0x38;
	[tilespmem:$0x10600] =	vst v63  }
0x57: {  	s29 =	spop (v2sf);
	(v2sf) =	vpush v2, $0xA  }
0x58: {  	s0 =	sand.u32 $0x1FFFFF80, s23  }
0x59: {  	s24 =	simm.s32 $0xA000;
	s0 =	sadd.s32 s4, s0;
	s2 =	spop (v2sf);
	(v2sf) =	vpush v3, $0xB  }
0x5a: {  	[tilespmem:s24], [sflag:$0x1] =	stream.linear.gather [hbm4b:s0+s3], $0x400, $0x38;
	[tilespmem:$0x10600] =	vst v63  }
0x5b: {  	s0 =	sand.u32 $0x1FFFFF80, s25  }
0x5c: {  	s26 =	simm.s32 $0x2400;
	s0 =	sadd.s32 s15, s0;
	s6 =	spop (v2sf);
	(v2sf) =	vpush v2, $0xB  }
0x5d: {  	[tilespmem:s26], [sflag:$0x1] =	stream.linear.gather [hbm4b:s0+s3], $0x400, $0x38;
	[tilespmem:$0x10600] =	vst v63  }
0x5e: {  	s0 =	sand.u32 $0x1FFFFF80, s29  }
0x5f: {  	s31 =	simm.s32 $0xA400;
	s0 =	sadd.s32 s4, s0  }
0x60: {  	[tilespmem:s31], [sflag:$0x1] =	stream.linear.gather [hbm4b:s0+s3], $0x400, $0x38;
	[tilespmem:$0x10600] =	vst v63  }
0x61: {  	s0 =	sand.u32 $0x1FFFFF80, s2  }
0x62: {  	s5 =	simm.s32 $0x2800;
	s0 =	sadd.s32 s15, s0  }
0x63: {  	[tilespmem:s5], [sflag:$0x1] =	stream.linear.gather [hbm4b:s0+s3], $0x400, $0x38;
	[tilespmem:$0x10600] =	vst v63  }
0x64: {  	s10 =	spop (v2sf);
	(v2sf) =	vpush v3, $0xC  }
0x65: {  	s0 =	sand.u32 $0x1FFFFF80, s6  }
0x66: {  	s9 =	simm.s32 $0xA800;
	s0 =	sadd.s32 s4, s0;
	s13 =	spop (v2sf);
	(v2sf) =	vpush v2, $0xC  }
0x67: {  	[tilespmem:s9], [sflag:$0x1] =	stream.linear.gather [hbm4b:s0+s3], $0x400, $0x38;
	[tilespmem:$0x10600] =	vst v63  }
0x68: {  	s0 =	sand.u32 $0x1FFFFF80, s10;
	s16 =	spop (v2sf);
	(v2sf) =	vpush v3, $0xD  }
0x69: {  	s11 =	simm.s32 $0x2C00;
	s0 =	sadd.s32 s15, s0  }
0x6a: {  	[tilespmem:s11], [sflag:$0x1] =	stream.linear.gather [hbm4b:s0+s3], $0x400, $0x38;
	[tilespmem:$0x10600] =	vst v63  }
0x6b: {  	s18 =	spop (v2sf);
	(v2sf) =	vpush v2, $0xD  }
0x6c: {  	s0 =	sand.u32 $0x1FFFFF80, s13  }
0x6d: {  	s14 =	simm.s32 $0xAC00;
	s0 =	sadd.s32 s4, s0  }
0x6e: {  	[tilespmem:s14], [sflag:$0x1] =	stream.linear.gather [hbm4b:s0+s3], $0x400, $0x38;
	[tilespmem:$0x10600] =	vst v63  }
0x6f: {  	s0 =	sand.u32 $0x1FFFFF80, s16  }
0x70: {  	s17 =	simm.s32 $0x3000;
	s0 =	sadd.s32 s15, s0  }
0x71: {  	[tilespmem:s17], [sflag:$0x1] =	stream.linear.gather [hbm4b:s0+s3], $0x400, $0x38;
	[tilespmem:$0x10600] =	vst v63  }
0x72: {  	s0 =	sand.u32 $0x1FFFFF80, s18  }
0x73: {  	s19 =	simm.s32 $0xB000;
	s0 =	sadd.s32 s4, s0;
	s20 =	spop (v2sf);
	(v2sf) =	vpush v3, $0xE  }
0x74: {  	[tilespmem:s19], [sflag:$0x1] =	stream.linear.gather [hbm4b:s0+s3], $0x400, $0x38;
	[tilespmem:$0x10600] =	vst v63  }
0x75: {  	s23 =	spop (v2sf);
	(v2sf) =	vpush v2, $0xE  }
0x76: {  	s0 =	sand.u32 $0x1FFFFF80, s20  }
0x77: {  	s22 =	simm.s32 $0x3400;
	s0 =	sadd.s32 s15, s0;
	s25 =	spop (v2sf)  }
0x78: {  	(v2sf) =	vpush v3, $0xF;
	[tilespmem:s22], [sflag:$0x1] =	stream.linear.gather [hbm4b:s0+s3], $0x400, $0x38;
	[tilespmem:$0x10600] =	vst v63  }
0x79: {  	s0 =	sand.u32 $0x1FFFFF80, s23  }
0x7a: {  	s24 =	simm.s32 $0xB400;
	s29 =	spop (v2sf);
	s0 =	sadd.s32 s4, s0  }
0x7b: {  	(v2sf) =	vpush v2, $0xF;
	[tilespmem:s24], [sflag:$0x1] =	stream.linear.gather [hbm4b:s0+s3], $0x400, $0x38;
	[tilespmem:$0x10600] =	vst v63  }
0x7c: {  	s0 =	sand.u32 $0x1FFFFF80, s25  }
0x7d: {  	s26 =	simm.s32 $0x3800;
	s0 =	sadd.s32 s15, s0  }
0x7e: {  	[tilespmem:s26], [sflag:$0x1] =	stream.linear.gather [hbm4b:s0+s3], $0x400, $0x38;
	[tilespmem:$0x10600] =	vst v63  }
0x7f: {  	s0 =	sand.u32 $0x1FFFFF80, s29  }
0x80: {  	s31 =	simm.s32 $0xB800;
	s0 =	sadd.s32 s4, s0  }
0x81: {  	[tilespmem:s31], [sflag:$0x1] =	stream.linear.gather [hbm4b:s0+s3], $0x400, $0x38;
	[tilespmem:$0x10600] =	vst v63  }
0x82: {  	s1 =	spop (v2sf)  }
0x83: {  	s0 =	sand.u32 $0x1FFFFF80, s1  }
0x84: {  	s2 =	simm.s32 $0x3C00;
	s5 =	spop (v2sf);
	s0 =	sadd.s32 s15, s0  }
0x85: {  	[tilespmem:s2], [sflag:$0x1] =	stream.linear.gather [hbm4b:s0+s3], $0x400, $0x38;
	[tilespmem:$0x10600] =	vst v63  }
0x86: {  	s0 =	sand.u32 $0x1FFFFF80, s5  }
0x87: {  	s6 =	simm.s32 $0xBC00;
	s9 =	spop (v2sf);
	s0 =	sadd.s32 s4, s0  }
0x88: {  	[tilespmem:s6], [sflag:$0x1] =	stream.linear.gather [hbm4b:s0+s3], $0x400, $0x38;
	[tilespmem:$0x10600] =	vst v63  }
0x89: {  	s0 =	sand.u32 $0x1FFFFF80, s9  }
0x8a: {  	s10 =	simm.s32 $0x4000;
	s11 =	spop (v2sf);
	s0 =	sadd.s32 s15, s0  }
0x8b: {  	[tilespmem:s10], [sflag:$0x1] =	stream.linear.gather [hbm4b:s0+s3], $0x400, $0x38;
	[tilespmem:$0x10600] =	vst v63  }
0x8c: {  	s0 =	sand.u32 $0x1FFFFF80, s11  }
0x8d: {  	s13 =	simm.s32 $0xC000;
	s6 =	simm.s32 $0x10;
	s0 =	sadd.s32 s4, s0  }
0x8e: {  	[tilespmem:s13], [sflag:$0x1] =	stream.linear.gather [hbm4b:s0+s3], $0x400, $0x38;
	[tilespmem:$0x10600] =	vst v63  }
0x8f: {  	s18 =	simm.s32 $0x210;
	v2 =	vld [tilespmem:s6+$0x0]  }
0x90: {  	v4 =	vld [tilespmem:s18+$0x0];
	_ =	sdelay $0x3  }
0x91: {  	v3 =	vshll.u32 v2, $0x4  }
0x92: {  	v2 =	vshll.u32 v4, $0x4;
	(v2sf) =	vpush v3, $0x0  }
0x93: {  	(v2sf) =	vpush v2, $0x0  }
0x94: {  	(v2sf) =	vpush v3, $0x1;
	_ =	sdelay $0x2  }
0x95: {  	(v2sf) =	vpush v2, $0x1;
	_ =	sdelay $0x1  }
0x96: {  	(v2sf) =	vpush v3, $0x2;
	_ =	sdelay $0x1  }
0x97: {  	(v2sf) =	vpush v2, $0x2;
	_ =	sdelay $0x1  }
0x98: {  	(v2sf) =	vpush v3, $0x3;
	_ =	sdelay $0x1  }
0x99: {  	s0 =	sand.u32 $0x4000, s10  }
0x9a: {  	s17 =	sor.u32 $0x400, s0;
	s22 =	sor.u32 $0x8400, s0;
	s23 =	sor.u32 $0x800, s0  }
0x9b: {  	s26 =	sor.u32 $0x8800, s0;
	s9 =	sor.u32 $0xC00, s0;
	s14 =	spop (v2sf);
	(v2sf) =	vpush v2, $0x3  }
0x9c: {  	s10 =	sor.u32 $0x8C00, s0;
	s16 =	sand.u32 $0x1FFFFF80, s14;
	s5 =	spop (v2sf)  }
0x9d: {  	(v2sf) =	vpush v3, $0x4;
	s1 =	sadd.s32 s15, s16;
	s19 =	sand.u32 $0x1FFFFF80, s5;
	s20 =	spop (v2sf)  }
0x9e: {  	[tilespmem:s17], [sflag:$0x1] =	stream.linear.gather [hbm4b:s1+s3], $0x400, $0x38;
	[tilespmem:$0x10600] =	vst v63  }
0x9f: {  	s16 =	sor.u32 $0x1000, s0;
	s1 =	sadd.s32 s4, s19;
	s2 =	sand.u32 $0x1FFFFF80, s20  }
0xa0: {  	(v2sf) =	vpush v2, $0x4;
	s24 =	spop (v2sf);
	s17 =	sor.u32 $0x9000, s0;
	s2 =	sadd.s32 s15, s2  }
0xa1: {  	(v2sf) =	vpush v3, $0x5;
	[tilespmem:s22], [sflag:$0x1] =	stream.linear.gather [hbm4b:s1+s3], $0x400, $0x38;
	[tilespmem:$0x10600] =	vst v63  }
0xa2: {  	s25 =	sand.u32 $0x1FFFFF80, s24;
	s29 =	spop (v2sf);
	(v2sf) =	vpush v2, $0x5;
	s24 =	sor.u32 $0x9400, s0  }
0xa3: {  	[tilespmem:s23], [sflag:$0x1] =	stream.linear.gather [hbm4b:s2+s3], $0x400, $0x38;
	[tilespmem:$0x10600] =	vst v63  }
0xa4: {  	s1 =	sadd.s32 s4, s25;
	s31 =	sand.u32 $0x1FFFFF80, s29;
	s5 =	spop (v2sf);
	(v2sf) =	vpush v3, $0x6  }
0xa5: {  	[tilespmem:s26], [sflag:$0x1] =	stream.linear.gather [hbm4b:s1+s3], $0x400, $0x38;
	[tilespmem:$0x10600] =	vst v63  }
0xa6: {  	s11 =	spop (v2sf);
	s2 =	sand.u32 $0x1FFFFF80, s5;
	s1 =	sadd.s32 s15, s31  }
0xa7: {  	[tilespmem:s9], [sflag:$0x1] =	stream.linear.gather [hbm4b:s1+s3], $0x400, $0x38;
	[tilespmem:$0x10600] =	vst v63  }
0xa8: {  	(v2sf) =	vpush v2, $0x6;
	s13 =	sand.u32 $0x1FFFFF80, s11;
	s23 =	sor.u32 $0x1400, s0;
	s2 =	sadd.s32 s4, s2  }
0xa9: {  	[tilespmem:s10], [sflag:$0x1] =	stream.linear.gather [hbm4b:s2+s3], $0x400, $0x38;
	[tilespmem:$0x10600] =	vst v63  }
0xaa: {  	s5 =	sor.u32 $0x9800, s0;
	s1 =	sadd.s32 s15, s13;
	s14 =	spop (v2sf)  }
0xab: {  	[tilespmem:s16], [sflag:$0x1] =	stream.linear.gather [hbm4b:s1+s3], $0x400, $0x38;
	[tilespmem:$0x10600] =	vst v63  }
0xac: {  	s31 =	sor.u32 $0x1800, s0;
	(v2sf) =	vpush v3, $0x7;
	s2 =	sand.u32 $0x1FFFFF80, s14;
	s19 =	spop (v2sf)  }
0xad: {  	s13 =	sor.u32 $0x1C00, s0;
	s2 =	sadd.s32 s4, s2;
	s20 =	sand.u32 $0x1FFFFF80, s19  }
0xae: {  	(v2sf) =	vpush v2, $0x7;
	[tilespmem:s17], [sflag:$0x1] =	stream.linear.gather [hbm4b:s2+s3], $0x400, $0x38;
	[tilespmem:$0x10600] =	vst v63  }
0xaf: {  	s14 =	sor.u32 $0x9C00, s0;
	s22 =	spop (v2sf);
	(v2sf) =	vpush v3, $0x8;
	s1 =	sadd.s32 s15, s20  }
0xb0: {  	s2 =	sand.u32 $0x1FFFFF80, s22;
	s25 =	spop (v2sf);
	s20 =	sor.u32 $0x2000, s0  }
0xb1: {  	(v2sf) =	vpush v2, $0x8;
	s22 =	sor.u32 $0xA000, s0;
	s26 =	sand.u32 $0x1FFFFF80, s25;
	s29 =	spop (v2sf)  }
0xb2: {  	[tilespmem:s23], [sflag:$0x1] =	stream.linear.gather [hbm4b:s1+s3], $0x400, $0x38;
	[tilespmem:$0x10600] =	vst v63  }
0xb3: {  	s2 =	sadd.s32 s4, s2;
	(v2sf) =	vpush v3, $0x9;
	s1 =	sadd.s32 s15, s26;
	s9 =	spop (v2sf)  }
0xb4: {  	[tilespmem:s24], [sflag:$0x1] =	stream.linear.gather [hbm4b:s2+s3], $0x400, $0x38;
	[tilespmem:$0x10600] =	vst v63  }
0xb5: {  	(v2sf) =	vpush v2, $0x9;
	s26 =	sor.u32 $0x2400, s0;
	s10 =	sand.u32 $0x1FFFFF80, s9;
	s2 =	sand.u32 $0x1FFFFF80, s29  }
0xb6: {  	[tilespmem:s31], [sflag:$0x1] =	stream.linear.gather [hbm4b:s1+s3], $0x400, $0x38;
	[tilespmem:$0x10600] =	vst v63  }
0xb7: {  	s11 =	spop (v2sf);
	s9 =	sor.u32 $0x2800, s0;
	s2 =	sadd.s32 s4, s2  }
0xb8: {  	(v2sf) =	vpush v3, $0xA;
	[tilespmem:s5], [sflag:$0x1] =	stream.linear.gather [hbm4b:s2+s3], $0x400, $0x38;
	[tilespmem:$0x10600] =	vst v63  }
0xb9: {  	s29 =	sor.u32 $0xA400, s0;
	s1 =	sadd.s32 s15, s10;
	s2 =	sand.u32 $0x1FFFFF80, s11  }
0xba: {  	[tilespmem:s13], [sflag:$0x1] =	stream.linear.gather [hbm4b:s1+s3], $0x400, $0x38;
	[tilespmem:$0x10600] =	vst v63  }
0xbb: {  	s10 =	sor.u32 $0xA800, s0;
	s2 =	sadd.s32 s4, s2;
	s16 =	spop (v2sf)  }
0xbc: {  	[tilespmem:s14], [sflag:$0x1] =	stream.linear.gather [hbm4b:s2+s3], $0x400, $0x38;
	(v2sf) =	vpush v2, $0xA;
	[tilespmem:$0x10600] =	vst v63  }
0xbd: {  	s17 =	sand.u32 $0x1FFFFF80, s16;
	s19 =	spop (v2sf);
	s16 =	sor.u32 $0x2C00, s0  }
0xbe: {  	(v2sf) =	vpush v3, $0xB;
	s1 =	sadd.s32 s15, s17;
	s2 =	sand.u32 $0x1FFFFF80, s19;
	s23 =	spop (v2sf)  }
0xbf: {  	(v2sf) =	vpush v2, $0xB;
	[tilespmem:s20], [sflag:$0x1] =	stream.linear.gather [hbm4b:s1+s3], $0x400, $0x38;
	[tilespmem:$0x10600] =	vst v63  }
0xc0: {  	s2 =	sadd.s32 s4, s2;
	s24 =	sand.u32 $0x1FFFFF80, s23;
	s25 =	spop (v2sf)  }
0xc1: {  	(v2sf) =	vpush v3, $0xC;
	[tilespmem:s22], [sflag:$0x1] =	stream.linear.gather [hbm4b:s2+s3], $0x400, $0x38;
	[tilespmem:$0x10600] =	vst v63  }
0xc2: {  	s1 =	sadd.s32 s15, s24;
	s31 =	spop (v2sf);
	s2 =	sand.u32 $0x1FFFFF80, s25  }
0xc3: {  	(v2sf) =	vpush v2, $0xC;
	[tilespmem:s26], [sflag:$0x1] =	stream.linear.gather [hbm4b:s1+s3], $0x400, $0x38;
	[tilespmem:$0x10600] =	vst v63  }
0xc4: {  	s17 =	sor.u32 $0xAC00, s0;
	s5 =	spop (v2sf);
	s2 =	sadd.s32 s4, s2  }
0xc5: {  	(v2sf) =	vpush v3, $0xD;
	[tilespmem:s29], [sflag:$0x1] =	stream.linear.gather [hbm4b:s2+s3], $0x400, $0x38;
	[tilespmem:$0x10600] =	vst v63  }
0xc6: {  	s23 =	sor.u32 $0x3000, s0;
	s24 =	sor.u32 $0xB000, s0;
	s2 =	sand.u32 $0x1FFFFF80, s31  }
0xc7: {  	s11 =	spop (v2sf);
	(v2sf) =	vpush v2, $0xD;
	s1 =	sadd.s32 s15, s2;
	s2 =	sand.u32 $0x1FFFFF80, s5  }
0xc8: {  	[tilespmem:s9], [sflag:$0x1] =	stream.linear.gather [hbm4b:s1+s3], $0x400, $0x38;
	[tilespmem:$0x10600] =	vst v63  }
0xc9: {  	s13 =	sand.u32 $0x1FFFFF80, s11;
	s31 =	sor.u32 $0x3400, s0;
	s2 =	sadd.s32 s4, s2  }
0xca: {  	[tilespmem:s10], [sflag:$0x1] =	stream.linear.gather [hbm4b:s2+s3], $0x400, $0x38;
	[tilespmem:$0x10600] =	vst v63  }
0xcb: {  	s5 =	sor.u32 $0xB400, s0;
	s1 =	sadd.s32 s15, s13;
	s14 =	spop (v2sf);
	(v2sf) =	vpush v3, $0xE  }
0xcc: {  	[tilespmem:s16], [sflag:$0x1] =	stream.linear.gather [hbm4b:s1+s3], $0x400, $0x38;
	[tilespmem:$0x10600] =	vst v63  }
0xcd: {  	s13 =	sor.u32 $0x3800, s0;
	s2 =	sand.u32 $0x1FFFFF80, s14;
	s19 =	spop (v2sf);
	(v2sf) =	vpush v2, $0xE  }
0xce: {  	s2 =	sadd.s32 s4, s2;
	s20 =	sand.u32 $0x1FFFFF80, s19;
	s22 =	spop (v2sf);
	(v2sf) =	vpush v3, $0xF  }
0xcf: {  	[tilespmem:s17], [sflag:$0x1] =	stream.linear.gather [hbm4b:s2+s3], $0x400, $0x38;
	[tilespmem:$0x10600] =	vst v63  }
0xd0: {  	s1 =	sadd.s32 s15, s20;
	s2 =	sand.u32 $0x1FFFFF80, s22;
	s25 =	spop (v2sf);
	(v2sf) =	vpush v2, $0xF  }
0xd1: {  	[tilespmem:s23], [sflag:$0x1] =	stream.linear.gather [hbm4b:s1+s3], $0x400, $0x38;
	[tilespmem:$0x10600] =	vst v63  }
0xd2: {  	s2 =	sadd.s32 s4, s2;
	s26 =	sand.u32 $0x1FFFFF80, s25;
	s29 =	spop (v2sf)  }
0xd3: {  	[tilespmem:s24], [sflag:$0x1] =	stream.linear.gather [hbm4b:s2+s3], $0x400, $0x38;
	[tilespmem:$0x10600] =	vst v63  }
0xd4: {  	s1 =	sadd.s32 s15, s26;
	s9 =	spop (v2sf);
	s2 =	sand.u32 $0x1FFFFF80, s29  }
0xd5: {  	[tilespmem:s31], [sflag:$0x1] =	stream.linear.gather [hbm4b:s1+s3], $0x400, $0x38;
	[tilespmem:$0x10600] =	vst v63  }
0xd6: {  	s10 =	sand.u32 $0x1FFFFF80, s9;
	s11 =	spop (v2sf);
	s2 =	sadd.s32 s4, s2  }
0xd7: {  	[tilespmem:s5], [sflag:$0x1] =	stream.linear.gather [hbm4b:s2+s3], $0x400, $0x38;
	[tilespmem:$0x10600] =	vst v63  }
0xd8: {  	s14 =	sor.u32 $0xB800, s0;
	s1 =	sadd.s32 s15, s10;
	s2 =	sand.u32 $0x1FFFFF80, s11  }
0xd9: {  	[tilespmem:s13], [sflag:$0x1] =	stream.linear.gather [hbm4b:s1+s3], $0x400, $0x38;
	[tilespmem:$0x10600] =	vst v63  }
0xda: {  	s20 =	sor.u32 $0x3C00, s0;
	s2 =	sadd.s32 s4, s2;
	s16 =	spop (v2sf)  }
0xdb: {  	[tilespmem:s14], [sflag:$0x1] =	stream.linear.gather [hbm4b:s2+s3], $0x400, $0x38;
	[tilespmem:$0x10600] =	vst v63  }
0xdc: {  	s22 =	sor.u32 $0xBC00, s0;
	s17 =	sand.u32 $0x1FFFFF80, s16;
	s19 =	spop (v2sf)  }
0xdd: {  	s1 =	sadd.s32 s15, s17;
	s2 =	sand.u32 $0x1FFFFF80, s19;
	s23 =	spop (v2sf)  }
0xde: {  	[tilespmem:s20], [sflag:$0x1] =	stream.linear.gather [hbm4b:s1+s3], $0x400, $0x38;
	[tilespmem:$0x10600] =	vst v63  }
0xdf: {  	s2 =	sadd.s32 s4, s2;
	s24 =	sand.u32 $0x1FFFFF80, s23;
	s25 =	spop (v2sf)  }
0xe0: {  	[tilespmem:s22], [sflag:$0x1] =	stream.linear.gather [hbm4b:s2+s3], $0x400, $0x38;
	[tilespmem:$0x10600] =	vst v63  }
0xe1: {  	s26 =	sadd.s32 $0x4000, s0;
	s1 =	sadd.s32 s15, s24;
	s2 =	sand.u32 $0x1FFFFF80, s25  }
0xe2: {  	[tilespmem:s26], [sflag:$0x1] =	stream.linear.gather [hbm4b:s1+s3], $0x400, $0x38;
	[tilespmem:$0x10600] =	vst v63  }
0xe3: {  	s0 =	sadd.s32 $0xC000, s0;
	s29 =	sadd.s32 s4, s2  }
0xe4: {  	[tilespmem:s0], [sflag:$0x1] =	stream.linear.gather [hbm4b:s29+s3], $0x400, $0x38;
	[tilespmem:$0x10600] =	vst v63  }
0xe5: {  	v2 =	vld [tilespmem:s6+$0xFFFFFFF0]  }
0xe6: {  	v3 =	vld [tilespmem:s18+$0xFFFFFFF0];
	_ =	swait.ge [sflag:s21], $0x400  }
0xe7: {  	[sflag:s21] =	ssyncset.done $0x0  }
0xe8: {  	[sflag:s21] =	ssyncadd.s32 $0xFFFFFC00  }
0xe9: {  	_ =	swait.ge [sflag:s21], $0x400  }
0xea: {  	[sflag:s21] =	ssyncset.done $0x0  }
0xeb: {  	[sflag:s21] =	ssyncadd.s32 $0xFFFFFC00  }
0xec: {  	_ =	swait.ge [sflag:s21], $0x400  }
0xed: {  	[sflag:s21] =	ssyncset.done $0x0  }
0xee: {  	[sflag:s21] =	ssyncadd.s32 $0xFFFFFC00  }
0xef: {  	_ =	swait.ge [sflag:s21], $0x400  }
0xf0: {  	[sflag:s21] =	ssyncset.done $0x0  }
0xf1: {  	[sflag:s21] =	ssyncadd.s32 $0xFFFFFC00  }
0xf2: {  	_ =	swait.ge [sflag:s21], $0x400  }
0xf3: {  	[sflag:s21] =	ssyncset.done $0x0  }
0xf4: {  	[sflag:s21] =	ssyncadd.s32 $0xFFFFFC00  }
0xf5: {  	_ =	swait.ge [sflag:s21], $0x400  }
0xf6: {  	[sflag:s21] =	ssyncset.done $0x0  }
0xf7: {  	[sflag:s21] =	ssyncadd.s32 $0xFFFFFC00  }
0xf8: {  	_ =	swait.ge [sflag:s21], $0x400  }
0xf9: {  	[sflag:s21] =	ssyncset.done $0x0  }
0xfa: {  	[sflag:s21] =	ssyncadd.s32 $0xFFFFFC00  }
0xfb: {  	_ =	swait.ge [sflag:s21], $0x400  }
0xfc: {  	[sflag:s21] =	ssyncset.done $0x0  }
0xfd: {  	[sflag:s21] =	ssyncadd.s32 $0xFFFFFC00  }
0xfe: {  	_ =	swait.ge [sflag:s21], $0x400  }
0xff: {  	[sflag:s21] =	ssyncset.done $0x0  }
0x100: {  	[sflag:s21] =	ssyncadd.s32 $0xFFFFFC00  }
0x101: {  	_ =	swait.ge [sflag:s21], $0x400  }
0x102: {  	[sflag:s21] =	ssyncset.done $0x0  }
0x103: {  	[sflag:s21] =	ssyncadd.s32 $0xFFFFFC00  }
0x104: {  	_ =	swait.ge [sflag:s21], $0x400  }
0x105: {  	[sflag:s21] =	ssyncset.done $0x0  }
0x106: {  	[sflag:s21] =	ssyncadd.s32 $0xFFFFFC00  }
0x107: {  	_ =	swait.ge [sflag:s21], $0x400  }
0x108: {  	[sflag:s21] =	ssyncset.done $0x0  }
0x109: {  	[sflag:s21] =	ssyncadd.s32 $0xFFFFFC00  }
0x10a: {  	_ =	swait.ge [sflag:s21], $0x400  }
0x10b: {  	[sflag:s21] =	ssyncset.done $0x0  }
0x10c: {  	[sflag:s21] =	ssyncadd.s32 $0xFFFFFC00  }
0x10d: {  	_ =	swait.ge [sflag:s21], $0x400  }
0x10e: {  	[sflag:s21] =	ssyncset.done $0x0  }
0x10f: {  	[sflag:s21] =	ssyncadd.s32 $0xFFFFFC00  }
0x110: {  	_ =	swait.ge [sflag:s21], $0x400  }
0x111: {  	[sflag:s21] =	ssyncset.done $0x0  }
0x112: {  	[sflag:s21] =	ssyncadd.s32 $0xFFFFFC00  }
0x113: {  	_ =	swait.ge [sflag:s21], $0x400  }
0x114: {  	[sflag:s21] =	ssyncset.done $0x0  }
0x115: {  	[sflag:s21] =	ssyncadd.s32 $0xFFFFFC00  }
0x116: {  	_ =	swait.ge [sflag:s21], $0x400  }
0x117: {  	[sflag:s21] =	ssyncset.done $0x0  }
0x118: {  	[sflag:s21] =	ssyncadd.s32 $0xFFFFFC00  }
0x119: {  	_ =	swait.ge [sflag:s21], $0x400  }
0x11a: {  	[sflag:s21] =	ssyncset.done $0x0  }
0x11b: {  	[sflag:s21] =	ssyncadd.s32 $0xFFFFFC00  }
0x11c: {  	_ =	swait.ge [sflag:s21], $0x400  }
0x11d: {  	[sflag:s21] =	ssyncset.done $0x0  }
0x11e: {  	[sflag:s21] =	ssyncadd.s32 $0xFFFFFC00  }
0x11f: {  	_ =	swait.ge [sflag:s21], $0x400  }
0x120: {  	[sflag:s21] =	ssyncset.done $0x0  }
0x121: {  	[sflag:s21] =	ssyncadd.s32 $0xFFFFFC00  }
0x122: {  	_ =	swait.ge [sflag:s21], $0x400  }
0x123: {  	[sflag:s21] =	ssyncset.done $0x0  }
0x124: {  	[sflag:s21] =	ssyncadd.s32 $0xFFFFFC00  }
0x125: {  	_ =	swait.ge [sflag:s21], $0x400  }
0x126: {  	[sflag:s21] =	ssyncset.done $0x0  }
0x127: {  	[sflag:s21] =	ssyncadd.s32 $0xFFFFFC00  }
0x128: {  	_ =	swait.ge [sflag:s21], $0x400  }
0x129: {  	[sflag:s21] =	ssyncset.done $0x0  }
0x12a: {  	[sflag:s21] =	ssyncadd.s32 $0xFFFFFC00  }
0x12b: {  	_ =	swait.ge [sflag:s21], $0x400  }
0x12c: {  	[sflag:s21] =	ssyncset.done $0x0  }
0x12d: {  	[sflag:s21] =	ssyncadd.s32 $0xFFFFFC00  }
0x12e: {  	_ =	swait.ge [sflag:s21], $0x400  }
0x12f: {  	[sflag:s21] =	ssyncset.done $0x0  }
0x130: {  	[sflag:s21] =	ssyncadd.s32 $0xFFFFFC00  }
0x131: {  	_ =	swait.ge [sflag:s21], $0x400  }
0x132: {  	[sflag:s21] =	ssyncset.done $0x0  }
0x133: {  	[sflag:s21] =	ssyncadd.s32 $0xFFFFFC00  }
0x134: {  	_ =	swait.ge [sflag:s21], $0x400  }
0x135: {  	[sflag:s21] =	ssyncset.done $0x0  }
0x136: {  	[sflag:s21] =	ssyncadd.s32 $0xFFFFFC00  }
0x137: {  	_ =	swait.ge [sflag:s21], $0x400  }
0x138: {  	[sflag:s21] =	ssyncset.done $0x0  }
0x139: {  	[sflag:s21] =	ssyncadd.s32 $0xFFFFFC00  }
0x13a: {  	_ =	swait.ge [sflag:s21], $0x400  }
0x13b: {  	[sflag:s21] =	ssyncset.done $0x0  }
0x13c: {  	[sflag:s21] =	ssyncadd.s32 $0xFFFFFC00  }
0x13d: {  	_ =	swait.ge [sflag:s21], $0x400  }
0x13e: {  	s31 =	sand.u32 $0x80, s3;
	[sflag:s21] =	ssyncset.done $0x0  }
0x13f: {  	v4 =	vor.u32 s31, v0;
	v2 =	vand.u32 $0x7, v2;
	[sflag:s21] =	ssyncadd.s32 $0xFFFFFC00  }
0x140: {  	v3 =	vand.u32 $0x7, v3;
	v2 =	vor.u32 v4, v2;
	_ =	swait.ge [sflag:s21], $0x400  }
0x141: {  	v3 =	vor.u32 v4, v3;
	v2 =	vshll.u32 v2, $0x7;
	[sflag:s21] =	ssyncset.done $0x0  }
0x142: {  	v3 =	vshll.u32 v3, $0x7;
	[sflag:s21] =	ssyncadd.s32 $0xFFFFFC00  }
0x143: {  	v4 =	vor.u32 $0x1, v2;
	_ =	swait.ge [sflag:s21], $0x400  }
0x144: {  	v5 =	vor.u32 $0x1, v3;
	[sflag:s21] =	ssyncset.done $0x0  }
0x145: {  	v6 =	vor.u32 $0x2, v2;
	[sflag:s21] =	ssyncadd.s32 $0xFFFFFC00  }
0x146: {  	v8 =	vor.u32 $0x2, v3;
	v7 =	vld.idx.msk [tilespmem:v2+s7+$0x0], $0xffff  }
0x147: {  	v12 =	vor.u32 $0x4, v2;
	v9 =	vld.idx.msk [tilespmem:v3+s8+$0x0], $0xffff  }
0x148: {  	v11 =	vor.u32 $0x3, v3;
	v4 =	vld.idx.msk [tilespmem:v4+s7+$0x0], $0xffff  }
0x149: {  	v13 =	vor.u32 $0x4, v3;
	v5 =	vld.idx.msk [tilespmem:v5+s8+$0x0], $0xffff  }
0x14a: {  	v10 =	vor.u32 $0x3, v2;
	v6 =	vld.idx.msk [tilespmem:v6+s7+$0x0], $0xffff  }
0x14b: {  	v8 =	vld.idx.msk [tilespmem:v8+s8+$0x0], $0xffff  }
0x14c: {  	v14 =	vor.u32 $0x5, v2;
	v12 =	vld.idx.msk [tilespmem:v12+s7+$0x0], $0xffff  }
0x14d: {  	v15 =	vor.u32 $0x5, v3;
	v7 =	vmul.f32 v9, v7;
	v9 =	vld.idx.msk [tilespmem:v11+s8+$0x0], $0xffff  }
0x14e: {  	v11 =	vor.u32 $0x6, v2;
	v4 =	vmul.f32 v5, v4;
	v5 =	vld.idx.msk [tilespmem:v13+s8+$0x0], $0xffff  }
0x14f: {  	v10 =	vld.idx.msk [tilespmem:v10+s7+$0x0], $0xffff;
	v13 =	vor.u32 $0x7, v2  }
0x150: {  	v16 =	vor.u32 $0x6, v3;
	v7 =	vadd.f32 $0.0e+00, v7  }
0x151: {  	v14 =	vld.idx.msk [tilespmem:v14+s7+$0x0], $0xffff;
	v6 =	vmul.f32 v8, v6;
	v8 =	vor.u32 $0x8, v2  }
0x152: {  	v17 =	vor.u32 $0x7, v3;
	v4 =	vadd.f32 v4, v7;
	v7 =	vld.idx.msk [tilespmem:v15+s8+$0x0], $0xffff  }
0x153: {  	v15 =	vor.u32 $0x8, v3;
	v11 =	vld.idx.msk [tilespmem:v11+s7+$0x0], $0xffff;
	v5 =	vmul.f32 v5, v12  }
0x154: {  	v13 =	vld.idx.msk [tilespmem:v13+s7+$0x0], $0xffff;
	v12 =	vor.u32 $0xA, v2;
	v4 =	vadd.f32 v6, v4;
	v6 =	vmul.f32 v9, v10  }
0x155: {  	v9 =	vld.idx.msk [tilespmem:v16+s8+$0x0], $0xffff;
	v10 =	vor.u32 $0x9, v2  }
0x156: {  	v50 =	vor.u32 $0x9, v3;
	v8 =	vld.idx.msk [tilespmem:v8+s7+$0x0], $0xffff;
	v4 =	vadd.f32 v6, v4  }
0x157: {  	v51 =	vor.u32 $0xA, v3;
	v6 =	vld.idx.msk [tilespmem:v17+s8+$0x0], $0xffff  }
0x158: {  	v4 =	vadd.f32 v5, v4;
	v5 =	vmul.f32 v7, v14;
	v7 =	vld.idx.msk [tilespmem:v15+s8+$0x0], $0xffff;
	v14 =	vor.u32 $0xB, v2  }
0x159: {  	v15 =	vor.u32 $0xB, v3;
	v12 =	vld.idx.msk [tilespmem:v12+s7+$0x0], $0xffff  }
0x15a: {  	v10 =	vld.idx.msk [tilespmem:v10+s7+$0x0], $0xffff;
	v4 =	vadd.f32 v5, v4;
	v5 =	vmul.f32 v9, v11;
	v11 =	vor.u32 $0xC, v2  }
0x15b: {  	v52 =	vor.u32 $0xC, v3;
	v9 =	vld.idx.msk [tilespmem:v50+s8+$0x0], $0xffff  }
0x15c: {  	v4 =	vadd.f32 v5, v4;
	v5 =	vmul.f32 v6, v13;
	v6 =	vld.idx.msk [tilespmem:v51+s8+$0x0], $0xffff;
	v13 =	vor.u32 $0xD, v2  }
0x15d: {  	v53 =	vor.u32 $0xD, v3;
	v14 =	vld.idx.msk [tilespmem:v14+s7+$0x0], $0xffff  }
0x15e: {  	v4 =	vadd.f32 v5, v4;
	v5 =	vmul.f32 v7, v8;
	v7 =	vld.idx.msk [tilespmem:v15+s8+$0x0], $0xffff;
	v8 =	vor.u32 $0xE, v2  }
0x15f: {  	v15 =	vor.u32 $0xE, v3;
	v11 =	vld.idx.msk [tilespmem:v11+s7+$0x0], $0xffff  }
0x160: {  	v4 =	vadd.f32 v5, v4;
	v5 =	vmul.f32 v9, v10;
	v9 =	vld.idx.msk [tilespmem:v52+s8+$0x0], $0xffff;
	v10 =	vor.u32 $0xF, v2  }
0x161: {  	v54 =	vor.u32 $0xF, v3;
	v13 =	vld.idx.msk [tilespmem:v13+s7+$0x0], $0xffff  }
0x162: {  	v4 =	vadd.f32 v5, v4;
	v5 =	vmul.f32 v6, v12;
	v6 =	vld.idx.msk [tilespmem:v53+s8+$0x0], $0xffff;
	v12 =	vor.u32 $0x10, v2  }
0x163: {  	v55 =	vor.u32 $0x10, v3;
	v8 =	vld.idx.msk [tilespmem:v8+s7+$0x0], $0xffff  }
0x164: {  	v4 =	vadd.f32 v5, v4;
	v5 =	vmul.f32 v7, v14;
	v7 =	vld.idx.msk [tilespmem:v15+s8+$0x0], $0xffff;
	v14 =	vor.u32 $0x11, v2  }
0x165: {  	v15 =	vor.u32 $0x11, v3;
	v10 =	vld.idx.msk [tilespmem:v10+s7+$0x0], $0xffff  }
0x166: {  	v4 =	vadd.f32 v5, v4;
	v5 =	vmul.f32 v9, v11;
	v9 =	vld.idx.msk [tilespmem:v54+s8+$0x0], $0xffff;
	v11 =	vor.u32 $0x12, v2  }
0x167: {  	v56 =	vor.u32 $0x12, v3;
	v12 =	vld.idx.msk [tilespmem:v12+s7+$0x0], $0xffff  }
0x168: {  	v4 =	vadd.f32 v5, v4;
	v5 =	vmul.f32 v6, v13;
	v6 =	vld.idx.msk [tilespmem:v55+s8+$0x0], $0xffff;
	v13 =	vor.u32 $0x13, v2  }
0x169: {  	v57 =	vor.u32 $0x13, v3;
	v14 =	vld.idx.msk [tilespmem:v14+s7+$0x0], $0xffff  }
0x16a: {  	v4 =	vadd.f32 v5, v4;
	v5 =	vmul.f32 v7, v8;
	v7 =	vld.idx.msk [tilespmem:v15+s8+$0x0], $0xffff;
	v8 =	vor.u32 $0x14, v2  }
0x16b: {  	v15 =	vor.u32 $0x14, v3;
	v11 =	vld.idx.msk [tilespmem:v11+s7+$0x0], $0xffff  }
0x16c: {  	v4 =	vadd.f32 v5, v4;
	v5 =	vmul.f32 v9, v10;
	v9 =	vld.idx.msk [tilespmem:v56+s8+$0x0], $0xffff;
	v10 =	vor.u32 $0x15, v2  }
0x16d: {  	v58 =	vor.u32 $0x15, v3;
	v13 =	vld.idx.msk [tilespmem:v13+s7+$0x0], $0xffff  }
0x16e: {  	v4 =	vadd.f32 v5, v4;
	v5 =	vmul.f32 v6, v12;
	v6 =	vld.idx.msk [tilespmem:v57+s8+$0x0], $0xffff;
	v12 =	vor.u32 $0x16, v2  }
0x16f: {  	v59 =	vor.u32 $0x16, v3;
	v8 =	vld.idx.msk [tilespmem:v8+s7+$0x0], $0xffff  }
0x170: {  	v4 =	vadd.f32 v5, v4;
	v5 =	vmul.f32 v7, v14;
	v7 =	vld.idx.msk [tilespmem:v15+s8+$0x0], $0xffff;
	v14 =	vor.u32 $0x17, v2  }
0x171: {  	v15 =	vor.u32 $0x17, v3;
	v10 =	vld.idx.msk [tilespmem:v10+s7+$0x0], $0xffff  }
0x172: {  	v4 =	vadd.f32 v5, v4;
	v5 =	vmul.f32 v9, v11;
	v9 =	vld.idx.msk [tilespmem:v58+s8+$0x0], $0xffff;
	v11 =	vor.u32 $0x18, v2  }
0x173: {  	v60 =	vor.u32 $0x18, v3;
	v12 =	vld.idx.msk [tilespmem:v12+s7+$0x0], $0xffff  }
0x174: {  	v4 =	vadd.f32 v5, v4;
	v5 =	vmul.f32 v6, v13;
	v6 =	vld.idx.msk [tilespmem:v59+s8+$0x0], $0xffff;
	v13 =	vor.u32 $0x19, v2  }
0x175: {  	v61 =	vor.u32 $0x19, v3;
	v14 =	vld.idx.msk [tilespmem:v14+s7+$0x0], $0xffff  }
0x176: {  	v4 =	vadd.f32 v5, v4;
	v5 =	vmul.f32 v7, v8;
	v7 =	vld.idx.msk [tilespmem:v15+s8+$0x0], $0xffff;
	v8 =	vor.u32 $0x1A, v2  }
0x177: {  	v15 =	vor.u32 $0x1A, v3;
	v11 =	vld.idx.msk [tilespmem:v11+s7+$0x0], $0xffff  }
0x178: {  	v4 =	vadd.f32 v5, v4;
	v5 =	vmul.f32 v9, v10;
	v9 =	vld.idx.msk [tilespmem:v60+s8+$0x0], $0xffff;
	v10 =	vor.u32 $0x1B, v2  }
0x179: {  	v62 =	vor.u32 $0x1B, v3;
	v13 =	vld.idx.msk [tilespmem:v13+s7+$0x0], $0xffff  }
0x17a: {  	v63 =	vor.u32 $0x1C, v2;
	v4 =	vadd.f32 v5, v4;
	v5 =	vmul.f32 v6, v12;
	v12 =	vld.idx.msk [tilespmem:v61+s8+$0x0], $0xffff  }
0x17b: {  	v18 =	vld.idx.msk [tilespmem:v8+s7+$0x0], $0xffff;
	v8 =	vor.u32 $0x1C, v3  }
0x17c: {  	v6 =	vmul.f32 v7, v14;
	v14 =	vld.idx.msk [tilespmem:v15+s8+$0x0], $0xffff;
	v15 =	vor.u32 $0x1D, v2;
	v5 =	vadd.f32 v5, v4  }
0x17d: {  	v19 =	vor.u32 $0x1D, v3;
	v4 =	vld.idx.msk [tilespmem:v10+s7+$0x0], $0xffff  }
0x17e: {  	v9 =	vmul.f32 v9, v11;
	v7 =	vadd.f32 v6, v5;
	v6 =	vld.idx.msk [tilespmem:v62+s8+$0x0], $0xffff  }
0x17f: {  	v5 =	vld.idx.msk [tilespmem:v63+s7+$0x0], $0xffff  }
0x180: {  	v12 =	vmul.f32 v12, v13;
	v9 =	vadd.f32 v9, v7;
	v7 =	vld.idx.msk [tilespmem:v8+s8+$0x0], $0xffff  }
0x181: {  	s19 =	simm.s32 $0x80;
	v11 =	vor.u32 $0x1E, v2;
	v10 =	vor.u32 $0x1F, v2;
	v8 =	vor.u32 $0x1E, v3;
	v2 =	vld.idx.msk [tilespmem:v15+s7+$0x0], $0xffff  }
0x182: {  	s17 =	simm.s32 $0x8000;
	s1 =	simm.s32 $0x10400;
	s3 =	simm.s32 $0x10400;
	v3 =	vor.u32 $0x1F, v3;
	v13 =	vmul.f32 v14, v18;
	v12 =	vadd.f32 v12, v9;
	v9 =	vld.idx.msk [tilespmem:v19+s8+$0x0], $0xffff  }
.LBB2_2:
0x183: {  	_ =	sdelay $0x2  }
0x184: {  	v11 =	vld.idx.msk [tilespmem:v11+s12+$0x0], $0xffff;
	v12 =	vadd.f32 v13, v12;
	v4 =	vmul.f32 v6, v4  }
0x185: {  	v6 =	vld.idx.msk [tilespmem:v8+s28+$0x0], $0xffff  }
0x186: {  	v3 =	vld.idx.msk [tilespmem:v3+s28+$0x0], $0xffff;
	v5 =	vmul.f32 v7, v5;
	v4 =	vadd.f32 v4, v12  }
0x187: {  	v8 =	vld.idx.msk [tilespmem:v10+s12+$0x0], $0xffff  }
0x188: {  	v2 =	vmul.f32 v9, v2;
	v4 =	vadd.f32 v5, v4;
	_ =	sdelay $0x1  }
0x189: {  	v2 =	vadd.f32 v2, v4;
	v4 =	vmul.f32 v6, v11;
	_ =	sdelay $0x1  }
0x18a: {  	v3 =	vmul.f32 v3, v8;
	v2 =	vadd.f32 v4, v2;
	_ =	sdelay $0x1  }
0x18b: {  	v2 =	vadd.f32 v3, v2;
	_ =	sdelay $0x1  }
0x18c: {  	s6 =	sadd.s32 $0x10, s6;
	[tilespmem:s3+$0x0] =	vst v2  }
0x18d: {  	s18 =	sadd.s32 $0x10, s18;
	v2 =	vld [tilespmem:s6+$0x0]  }
0x18e: {  	v4 =	vld [tilespmem:s18+$0x0];
	_ =	sdelay $0x3  }
0x18f: {  	v3 =	vshll.u32 v2, $0x4  }
0x190: {  	v2 =	vshll.u32 v4, $0x4;
	(v2sf) =	vpush v3, $0x0  }
0x191: {  	s1 =	sadd.s32 $0x10, s1;
	(v2sf) =	vpush v2, $0x0  }
0x192: {  	s2 =	smov.u32 s19;
	[dreg:$0x5] =	wrdreg s1;
	(v2sf) =	vpush v3, $0x1  }
0x193: {  	[dreg:$0x6] =	wrdreg s2;
	s0 =	smov.u32 s1  }
0x194: {  	[dreg:$0x7] =	wrdreg s0;
	s0 =	sand.u32 $0x4000, s17  }
0x195: {  	s5 =	sor.u32 $0xA000, s0;
	s22 =	sor.u32 $0x2400, s0;
	s2 =	sor.u32 $0xAC00, s0  }
0x196: {  	s7 =	sor.u32 $0x9C00, s0;
	s9 =	sor.u32 $0x8400, s0;
	s23 =	sor.u32 $0x9800, s0;
	(v2sf) =	vpush v2, $0x1  }
0x197: {  	s8 =	sor.u32 $0xB000, s0;
	s1 =	sor.u32 $0x8C00, s0;
	[dreg:$0xe] =	wrdreg s2  }
0x198: {  	s10 =	sor.u32 $0x3400, s0;
	s31 =	sor.u32 $0x800, s0;
	[dreg:$0xc] =	wrdreg s8;
	(v2sf) =	vpush v3, $0x2  }
0x199: {  	s16 =	sor.u32 $0xA400, s0;
	s11 =	sor.u32 $0xBC00, s0;
	[dreg:$0xb] =	wrdreg s10;
	(v2sf) =	vpush v2, $0x2  }
0x19a: {  	s26 =	sor.u32 $0x1800, s0;
	s13 =	sor.u32 $0xB800, s0;
	[dreg:$0x8] =	wrdreg s11  }
0x19b: {  	s20 =	sor.u32 $0x2C00, s0;
	s14 =	sor.u32 $0x3C00, s0;
	[dreg:$0xa] =	wrdreg s13;
	(v2sf) =	vpush v3, $0x3  }
0x19c: {  	s25 =	sor.u32 $0x1400, s0;
	s24 =	sor.u32 $0xB400, s0;
	[dreg:$0x9] =	wrdreg s14  }
0x19d: {  	s29 =	sor.u32 $0x3800, s0;
	s2 =	sor.u32 $0x400, s0;
	[dreg:$0x10] =	wrdreg s24  }
0x19e: {  	s8 =	sor.u32 $0x2000, s0;
	[dreg:$0xf] =	wrdreg s29;
	s3 =	sor.u32 $0x3000, s0  }
0x19f: {  	s10 =	sor.u32 $0xC00, s0;
	[dreg:$0xd] =	wrdreg s3;
	(v2sf) =	vpush v2, $0x3;
	s24 =	spop (v2sf)  }
0x1a0: {  	s13 =	sand.u32 $0x1FFFFF80, s24;
	s24 =	sor.u32 $0x1C00, s0;
	s14 =	spop (v2sf)  }
0x1a1: {  	(v2sf) =	vpush v3, $0x4;
	s13 =	sadd.s32 s15, s13;
	s14 =	sand.u32 $0x1FFFFF80, s14;
	s29 =	spop (v2sf)  }
0x1a2: {  	(v2sf) =	vpush v2, $0x4;
	[tilespmem:s2], [sflag:$0x1] =	stream.linear.gather [hbm4b:s13+s30], $0x400, $0x38;
	[tilespmem:$0x10600] =	vst v63  }
0x1a3: {  	s3 =	sadd.s32 s4, s14;
	s11 =	sand.u32 $0x1FFFFF80, s29;
	s2 =	sor.u32 $0x9400, s0  }
0x1a4: {  	(v2sf) =	vpush v3, $0x5;
	[tilespmem:s9], [sflag:$0x1] =	stream.linear.gather [hbm4b:s3+s30], $0x400, $0x38;
	[tilespmem:$0x10600] =	vst v63  }
0x1a5: {  	s13 =	sor.u32 $0x8800, s0;
	s29 =	spop (v2sf);
	s14 =	sadd.s32 s15, s11  }
0x1a6: {  	(v2sf) =	vpush v2, $0x5;
	[tilespmem:s31], [sflag:$0x1] =	stream.linear.gather [hbm4b:s14+s30], $0x400, $0x38;
	[tilespmem:$0x10600] =	vst v63  }
0x1a7: {  	s9 =	sor.u32 $0xA800, s0;
	s3 =	spop (v2sf);
	s14 =	sand.u32 $0x1FFFFF80, s29  }
0x1a8: {  	s11 =	spop (v2sf);
	(v2sf) =	vpush v3, $0x6;
	s29 =	sand.u32 $0x1FFFFF80, s3;
	s14 =	sadd.s32 s4, s14  }
0x1a9: {  	[tilespmem:s13], [sflag:$0x1] =	stream.linear.gather [hbm4b:s14+s30], $0x400, $0x38;
	[tilespmem:$0x10600] =	vst v63  }
0x1aa: {  	s31 =	sand.u32 $0x1FFFFF80, s11;
	s3 =	spop (v2sf);
	(v2sf) =	vpush v2, $0x6;
	s29 =	sadd.s32 s15, s29  }
0x1ab: {  	[tilespmem:s10], [sflag:$0x1] =	stream.linear.gather [hbm4b:s29+s30], $0x400, $0x38;
	[tilespmem:$0x10600] =	vst v63  }
0x1ac: {  	s11 =	sor.u32 $0x1000, s0;
	s3 =	sand.u32 $0x1FFFFF80, s3;
	(v2sf) =	vpush v3, $0x7;
	s13 =	sadd.s32 s4, s31  }
0x1ad: {  	[tilespmem:s1], [sflag:$0x1] =	stream.linear.gather [hbm4b:s13+s30], $0x400, $0x38;
	[tilespmem:$0x10600] =	vst v63  }
0x1ae: {  	s14 =	sor.u32 $0x9000, s0;
	s29 =	spop (v2sf);
	(v2sf) =	vpush v2, $0x7;
	s10 =	sadd.s32 s15, s3  }
0x1af: {  	[tilespmem:s11], [sflag:$0x1] =	stream.linear.gather [hbm4b:s10+s30], $0x400, $0x38;
	[tilespmem:$0x10600] =	vst v63  }
0x1b0: {  	s31 =	sor.u32 $0x2800, s0;
	s13 =	sand.u32 $0x1FFFFF80, s29;
	s29 =	spop (v2sf);
	(v2sf) =	vpush v3, $0x8  }
0x1b1: {  	s3 =	sadd.s32 s4, s13;
	s10 =	sand.u32 $0x1FFFFF80, s29;
	s11 =	spop (v2sf)  }
0x1b2: {  	[tilespmem:s14], [sflag:$0x1] =	stream.linear.gather [hbm4b:s3+s30], $0x400, $0x38;
	(v2sf) =	vpush v2, $0x8;
	[tilespmem:$0x10600] =	vst v63  }
0x1b3: {  	s13 =	sadd.s32 s15, s10;
	s14 =	sand.u32 $0x1FFFFF80, s11;
	s29 =	spop (v2sf)  }
0x1b4: {  	(v2sf) =	vpush v3, $0x9;
	[tilespmem:s25], [sflag:$0x1] =	stream.linear.gather [hbm4b:s13+s30], $0x400, $0x38;
	[tilespmem:$0x10600] =	vst v63  }
0x1b5: {  	s3 =	sadd.s32 s4, s14;
	s11 =	sand.u32 $0x1FFFFF80, s29;
	s13 =	spop (v2sf);
	(v2sf) =	vpush v2, $0x9  }
0x1b6: {  	[tilespmem:s2], [sflag:$0x1] =	stream.linear.gather [hbm4b:s3+s30], $0x400, $0x38;
	[tilespmem:$0x10600] =	vst v63  }
0x1b7: {  	s14 =	sadd.s32 s15, s11;
	s25 =	sand.u32 $0x1FFFFF80, s13;
	s29 =	spop (v2sf);
	(v2sf) =	vpush v3, $0xA  }
0x1b8: {  	[tilespmem:s26], [sflag:$0x1] =	stream.linear.gather [hbm4b:s14+s30], $0x400, $0x38;
	[tilespmem:$0x10600] =	vst v63  }
0x1b9: {  	s2 =	sadd.s32 s4, s25;
	s10 =	sand.u32 $0x1FFFFF80, s29;
	s11 =	spop (v2sf)  }
0x1ba: {  	(v2sf) =	vpush v2, $0xA;
	[tilespmem:s23], [sflag:$0x1] =	stream.linear.gather [hbm4b:s2+s30], $0x400, $0x38;
	[tilespmem:$0x10600] =	vst v63  }
0x1bb: {  	s13 =	sadd.s32 s15, s10;
	s14 =	sand.u32 $0x1FFFFF80, s11;
	s23 =	spop (v2sf)  }
0x1bc: {  	(v2sf) =	vpush v3, $0xB;
	[tilespmem:s24], [sflag:$0x1] =	stream.linear.gather [hbm4b:s13+s30], $0x400, $0x38;
	[tilespmem:$0x10600] =	vst v63  }
0x1bd: {  	s25 =	sadd.s32 s4, s14;
	s26 =	sand.u32 $0x1FFFFF80, s23;
	s29 =	spop (v2sf)  }
0x1be: {  	(v2sf) =	vpush v2, $0xB;
	[tilespmem:s7], [sflag:$0x1] =	stream.linear.gather [hbm4b:s25+s30], $0x400, $0x38;
	[tilespmem:$0x10600] =	vst v63  }
0x1bf: {  	s2 =	sadd.s32 s15, s26;
	s3 =	sand.u32 $0x1FFFFF80, s29;
	s7 =	spop (v2sf)  }
0x1c0: {  	[tilespmem:s8], [sflag:$0x1] =	stream.linear.gather [hbm4b:s2+s30], $0x400, $0x38;
	[tilespmem:$0x10600] =	vst v63  }
0x1c1: {  	s10 =	sadd.s32 s4, s3;
	s11 =	sand.u32 $0x1FFFFF80, s7;
	s13 =	spop (v2sf)  }
0x1c2: {  	(v2sf) =	vpush v3, $0xC;
	[tilespmem:s5], [sflag:$0x1] =	stream.linear.gather [hbm4b:s10+s30], $0x400, $0x38;
	[tilespmem:$0x10600] =	vst v63  }
0x1c3: {  	s14 =	sadd.s32 s15, s11;
	s23 =	sand.u32 $0x1FFFFF80, s13;
	s24 =	spop (v2sf)  }
0x1c4: {  	(v2sf) =	vpush v2, $0xC;
	s25 =	sadd.s32 s4, s23;
	s26 =	sand.u32 $0x1FFFFF80, s24;
	s29 =	spop (v2sf)  }
0x1c5: {  	(v2sf) =	vpush v3, $0xD;
	[tilespmem:s22], [sflag:$0x1] =	stream.linear.gather [hbm4b:s14+s30], $0x400, $0x38;
	[tilespmem:$0x10600] =	vst v63  }
0x1c6: {  	s2 =	sadd.s32 s15, s26;
	s5 =	sand.u32 $0x1FFFFF80, s29;
	s7 =	spop (v2sf)  }
0x1c7: {  	(v2sf) =	vpush v2, $0xD;
	[tilespmem:s16], [sflag:$0x1] =	stream.linear.gather [hbm4b:s25+s30], $0x400, $0x38;
	[tilespmem:$0x10600] =	vst v63  }
0x1c8: {  	s8 =	sadd.s32 s4, s5;
	s10 =	sand.u32 $0x1FFFFF80, s7;
	s25 =	rddreg [dreg:$0xe]  }
0x1c9: {  	(v2sf) =	vpush v3, $0xE;
	s11 =	spop (v2sf);
	s7 =	rddreg [dreg:$0xd];
	s13 =	sadd.s32 s15, s10  }
0x1ca: {  	[tilespmem:s31], [sflag:$0x1] =	stream.linear.gather [hbm4b:s2+s30], $0x400, $0x38;
	[tilespmem:$0x10600] =	vst v63  }
0x1cb: {  	s14 =	sand.u32 $0x1FFFFF80, s11;
	s11 =	rddreg [dreg:$0xc];
	s16 =	spop (v2sf)  }
0x1cc: {  	[tilespmem:s9], [sflag:$0x1] =	stream.linear.gather [hbm4b:s8+s30], $0x400, $0x38;
	[tilespmem:$0x10600] =	vst v63  }
0x1cd: {  	(v2sf) =	vpush v2, $0xE;
	s22 =	sadd.s32 s4, s14;
	s23 =	sand.u32 $0x1FFFFF80, s16;
	s24 =	spop (v2sf)  }
0x1ce: {  	[tilespmem:s20], [sflag:$0x1] =	stream.linear.gather [hbm4b:s13+s30], $0x400, $0x38;
	[tilespmem:$0x10600] =	vst v63  }
0x1cf: {  	(v2sf) =	vpush v3, $0xF;
	s26 =	sadd.s32 s15, s23;
	s29 =	sand.u32 $0x1FFFFF80, s24;
	s20 =	rddreg [dreg:$0xb]  }
0x1d0: {  	[tilespmem:s25], [sflag:$0x1] =	stream.linear.gather [hbm4b:s22+s30], $0x400, $0x38;
	[tilespmem:$0x10600] =	vst v63  }
0x1d1: {  	(v2sf) =	vpush v2, $0xF;
	s8 =	sadd.s32 s4, s29;
	s25 =	rddreg [dreg:$0x10];
	s31 =	spop (v2sf)  }
0x1d2: {  	[tilespmem:s7], [sflag:$0x1] =	stream.linear.gather [hbm4b:s26+s30], $0x400, $0x38;
	[tilespmem:$0x10600] =	vst v63  }
0x1d3: {  	s9 =	sand.u32 $0x1FFFFF80, s31;
	s10 =	spop (v2sf);
	s7 =	rddreg [dreg:$0xf]  }
0x1d4: {  	s13 =	sadd.s32 s15, s9;
	s14 =	sand.u32 $0x1FFFFF80, s10;
	s16 =	spop (v2sf)  }
0x1d5: {  	[tilespmem:s11], [sflag:$0x1] =	stream.linear.gather [hbm4b:s8+s30], $0x400, $0x38;
	[tilespmem:$0x10600] =	vst v63  }
0x1d6: {  	s22 =	sadd.s32 s4, s14;
	s23 =	sand.u32 $0x1FFFFF80, s16;
	s24 =	spop (v2sf)  }
0x1d7: {  	[tilespmem:s20], [sflag:$0x1] =	stream.linear.gather [hbm4b:s13+s30], $0x400, $0x38;
	[tilespmem:$0x10600] =	vst v63  }
0x1d8: {  	s11 =	rddreg [dreg:$0xa];
	s29 =	sand.u32 $0x1FFFFF80, s24;
	s31 =	spop (v2sf)  }
0x1d9: {  	[tilespmem:s25], [sflag:$0x1] =	stream.linear.gather [hbm4b:s22+s30], $0x400, $0x38;
	[tilespmem:$0x10600] =	vst v63  }
0x1da: {  	s26 =	sadd.s32 s15, s23;
	s8 =	sadd.s32 s4, s29;
	s9 =	sand.u32 $0x1FFFFF80, s31  }
0x1db: {  	[tilespmem:s7], [sflag:$0x1] =	stream.linear.gather [hbm4b:s26+s30], $0x400, $0x38;
	[tilespmem:$0x10600] =	vst v63  }
0x1dc: {  	s20 =	rddreg [dreg:$0x9];
	s10 =	spop (v2sf);
	s13 =	sadd.s32 s15, s9  }
0x1dd: {  	[tilespmem:s11], [sflag:$0x1] =	stream.linear.gather [hbm4b:s8+s30], $0x400, $0x38;
	[tilespmem:$0x10600] =	vst v63  }
0x1de: {  	s14 =	sand.u32 $0x1FFFFF80, s10;
	s25 =	rddreg [dreg:$0x8];
	s16 =	spop (v2sf)  }
0x1df: {  	[tilespmem:s20], [sflag:$0x1] =	stream.linear.gather [hbm4b:s13+s30], $0x400, $0x38;
	[tilespmem:$0x10600] =	vst v63  }
0x1e0: {  	s22 =	sadd.s32 s4, s14;
	s23 =	sand.u32 $0x1FFFFF80, s16;
	s24 =	spop (v2sf)  }
0x1e1: {  	[tilespmem:s25], [sflag:$0x1] =	stream.linear.gather [hbm4b:s22+s30], $0x400, $0x38;
	[tilespmem:$0x10600] =	vst v63  }
0x1e2: {  	s26 =	sadd.s32 $0x4000, s0;
	s2 =	sadd.s32 s15, s23;
	s3 =	sand.u32 $0x1FFFFF80, s24  }
0x1e3: {  	[tilespmem:s26], [sflag:$0x1] =	stream.linear.gather [hbm4b:s2+s30], $0x400, $0x38;
	[tilespmem:$0x10600] =	vst v63  }
0x1e4: {  	s0 =	sadd.s32 $0xC000, s0;
	s29 =	sadd.s32 s4, s3  }
0x1e5: {  	[tilespmem:s0], [sflag:$0x1] =	stream.linear.gather [hbm4b:s29+s30], $0x400, $0x38;
	[tilespmem:$0x10600] =	vst v63  }
0x1e6: {  	s1 =	rddreg [dreg:$0x5];
	v2 =	vld [tilespmem:s6+$0xFFFFFFF0]  }
0x1e7: {  	s3 =	rddreg [dreg:$0x7];
	v3 =	vld [tilespmem:s18+$0xFFFFFFF0];
	_ =	swait.ge [sflag:s21], $0x400  }
0x1e8: {  	[sflag:s21] =	ssyncset.done $0x0  }
0x1e9: {  	[sflag:s21] =	ssyncadd.s32 $0xFFFFFC00  }
0x1ea: {  	s31 =	rddreg [dreg:$0x6];
	_ =	swait.ge [sflag:s21], $0x400  }
0x1eb: {  	[sflag:s21] =	ssyncset.done $0x0  }
0x1ec: {  	[sflag:s21] =	ssyncadd.s32 $0xFFFFFC00  }
0x1ed: {  	_ =	swait.ge [sflag:s21], $0x400  }
0x1ee: {  	[sflag:s21] =	ssyncset.done $0x0  }
0x1ef: {  	[sflag:s21] =	ssyncadd.s32 $0xFFFFFC00  }
0x1f0: {  	_ =	swait.ge [sflag:s21], $0x400  }
0x1f1: {  	[sflag:s21] =	ssyncset.done $0x0  }
0x1f2: {  	[sflag:s21] =	ssyncadd.s32 $0xFFFFFC00  }
0x1f3: {  	_ =	swait.ge [sflag:s21], $0x400  }
0x1f4: {  	[sflag:s21] =	ssyncset.done $0x0  }
0x1f5: {  	[sflag:s21] =	ssyncadd.s32 $0xFFFFFC00  }
0x1f6: {  	_ =	swait.ge [sflag:s21], $0x400  }
0x1f7: {  	[sflag:s21] =	ssyncset.done $0x0  }
0x1f8: {  	[sflag:s21] =	ssyncadd.s32 $0xFFFFFC00  }
0x1f9: {  	_ =	swait.ge [sflag:s21], $0x400  }
0x1fa: {  	[sflag:s21] =	ssyncset.done $0x0  }
0x1fb: {  	[sflag:s21] =	ssyncadd.s32 $0xFFFFFC00  }
0x1fc: {  	_ =	swait.ge [sflag:s21], $0x400  }
0x1fd: {  	[sflag:s21] =	ssyncset.done $0x0  }
0x1fe: {  	[sflag:s21] =	ssyncadd.s32 $0xFFFFFC00  }
0x1ff: {  	_ =	swait.ge [sflag:s21], $0x400  }
0x200: {  	[sflag:s21] =	ssyncset.done $0x0  }
0x201: {  	[sflag:s21] =	ssyncadd.s32 $0xFFFFFC00  }
0x202: {  	_ =	swait.ge [sflag:s21], $0x400  }
0x203: {  	[sflag:s21] =	ssyncset.done $0x0  }
0x204: {  	[sflag:s21] =	ssyncadd.s32 $0xFFFFFC00  }
0x205: {  	_ =	swait.ge [sflag:s21], $0x400  }
0x206: {  	[sflag:s21] =	ssyncset.done $0x0  }
0x207: {  	[sflag:s21] =	ssyncadd.s32 $0xFFFFFC00  }
0x208: {  	_ =	swait.ge [sflag:s21], $0x400  }
0x209: {  	[sflag:s21] =	ssyncset.done $0x0  }
0x20a: {  	[sflag:s21] =	ssyncadd.s32 $0xFFFFFC00  }
0x20b: {  	_ =	swait.ge [sflag:s21], $0x400  }
0x20c: {  	[sflag:s21] =	ssyncset.done $0x0  }
0x20d: {  	[sflag:s21] =	ssyncadd.s32 $0xFFFFFC00  }
0x20e: {  	_ =	swait.ge [sflag:s21], $0x400  }
0x20f: {  	[sflag:s21] =	ssyncset.done $0x0  }
0x210: {  	[sflag:s21] =	ssyncadd.s32 $0xFFFFFC00  }
0x211: {  	_ =	swait.ge [sflag:s21], $0x400  }
0x212: {  	[sflag:s21] =	ssyncset.done $0x0  }
0x213: {  	[sflag:s21] =	ssyncadd.s32 $0xFFFFFC00  }
0x214: {  	_ =	swait.ge [sflag:s21], $0x400  }
0x215: {  	[sflag:s21] =	ssyncset.done $0x0  }
0x216: {  	[sflag:s21] =	ssyncadd.s32 $0xFFFFFC00  }
0x217: {  	_ =	swait.ge [sflag:s21], $0x400  }
0x218: {  	[sflag:s21] =	ssyncset.done $0x0  }
0x219: {  	[sflag:s21] =	ssyncadd.s32 $0xFFFFFC00  }
0x21a: {  	_ =	swait.ge [sflag:s21], $0x400  }
0x21b: {  	[sflag:s21] =	ssyncset.done $0x0  }
0x21c: {  	[sflag:s21] =	ssyncadd.s32 $0xFFFFFC00  }
0x21d: {  	_ =	swait.ge [sflag:s21], $0x400  }
0x21e: {  	[sflag:s21] =	ssyncset.done $0x0  }
0x21f: {  	[sflag:s21] =	ssyncadd.s32 $0xFFFFFC00  }
0x220: {  	_ =	swait.ge [sflag:s21], $0x400  }
0x221: {  	[sflag:s21] =	ssyncset.done $0x0  }
0x222: {  	[sflag:s21] =	ssyncadd.s32 $0xFFFFFC00  }
0x223: {  	_ =	swait.ge [sflag:s21], $0x400  }
0x224: {  	[sflag:s21] =	ssyncset.done $0x0  }
0x225: {  	[sflag:s21] =	ssyncadd.s32 $0xFFFFFC00  }
0x226: {  	_ =	swait.ge [sflag:s21], $0x400  }
0x227: {  	[sflag:s21] =	ssyncset.done $0x0  }
0x228: {  	[sflag:s21] =	ssyncadd.s32 $0xFFFFFC00  }
0x229: {  	_ =	swait.ge [sflag:s21], $0x400  }
0x22a: {  	[sflag:s21] =	ssyncset.done $0x0  }
0x22b: {  	[sflag:s21] =	ssyncadd.s32 $0xFFFFFC00  }
0x22c: {  	_ =	swait.ge [sflag:s21], $0x400  }
0x22d: {  	[sflag:s21] =	ssyncset.done $0x0  }
0x22e: {  	[sflag:s21] =	ssyncadd.s32 $0xFFFFFC00  }
0x22f: {  	_ =	swait.ge [sflag:s21], $0x400  }
0x230: {  	[sflag:s21] =	ssyncset.done $0x0  }
0x231: {  	[sflag:s21] =	ssyncadd.s32 $0xFFFFFC00  }
0x232: {  	_ =	swait.ge [sflag:s21], $0x400  }
0x233: {  	[sflag:s21] =	ssyncset.done $0x0  }
0x234: {  	[sflag:s21] =	ssyncadd.s32 $0xFFFFFC00  }
0x235: {  	_ =	swait.ge [sflag:s21], $0x400  }
0x236: {  	[sflag:s21] =	ssyncset.done $0x0  }
0x237: {  	[sflag:s21] =	ssyncadd.s32 $0xFFFFFC00  }
0x238: {  	_ =	swait.ge [sflag:s21], $0x400  }
0x239: {  	[sflag:s21] =	ssyncset.done $0x0  }
0x23a: {  	[sflag:s21] =	ssyncadd.s32 $0xFFFFFC00  }
0x23b: {  	_ =	swait.ge [sflag:s21], $0x400  }
0x23c: {  	[sflag:s21] =	ssyncset.done $0x0  }
0x23d: {  	[sflag:s21] =	ssyncadd.s32 $0xFFFFFC00  }
0x23e: {  	_ =	swait.ge [sflag:s21], $0x400  }
0x23f: {  	s0 =	sand.u32 $0x80, s31;
	[sflag:s21] =	ssyncset.done $0x0  }
0x240: {  	v4 =	vor.u32 s0, v0;
	v2 =	vand.u32 $0x7, v2;
	[sflag:s21] =	ssyncadd.s32 $0xFFFFFC00  }
0x241: {  	v3 =	vand.u32 $0x7, v3;
	v2 =	vor.u32 v4, v2;
	_ =	swait.ge [sflag:s21], $0x400  }
0x242: {  	v3 =	vor.u32 v4, v3;
	v2 =	vshll.u32 v2, $0x7;
	[sflag:s21] =	ssyncset.done $0x0  }
0x243: {  	v3 =	vshll.u32 v3, $0x7;
	[sflag:s21] =	ssyncadd.s32 $0xFFFFFC00  }
0x244: {  	v4 =	vor.u32 $0x1, v2;
	_ =	swait.ge [sflag:s21], $0x400  }
0x245: {  	v5 =	vor.u32 $0x1, v3;
	[sflag:s21] =	ssyncset.done $0x0  }
0x246: {  	v6 =	vor.u32 $0x2, v2;
	[sflag:s21] =	ssyncadd.s32 $0xFFFFFC00  }
0x247: {  	v8 =	vor.u32 $0x2, v3;
	v7 =	vld.idx.msk [tilespmem:v2+s12+$0x0], $0xffff  }
0x248: {  	v12 =	vor.u32 $0x4, v2;
	v9 =	vld.idx.msk [tilespmem:v3+s28+$0x0], $0xffff  }
0x249: {  	v11 =	vor.u32 $0x3, v3;
	v4 =	vld.idx.msk [tilespmem:v4+s12+$0x0], $0xffff  }
0x24a: {  	v13 =	vor.u32 $0x4, v3;
	v5 =	vld.idx.msk [tilespmem:v5+s28+$0x0], $0xffff  }
0x24b: {  	v10 =	vor.u32 $0x3, v2;
	v6 =	vld.idx.msk [tilespmem:v6+s12+$0x0], $0xffff  }
0x24c: {  	v8 =	vld.idx.msk [tilespmem:v8+s28+$0x0], $0xffff  }
0x24d: {  	v14 =	vor.u32 $0x5, v2;
	v12 =	vld.idx.msk [tilespmem:v12+s12+$0x0], $0xffff  }
0x24e: {  	v15 =	vor.u32 $0x5, v3;
	v7 =	vmul.f32 v9, v7;
	v9 =	vld.idx.msk [tilespmem:v11+s28+$0x0], $0xffff  }
0x24f: {  	v11 =	vor.u32 $0x6, v2;
	v4 =	vmul.f32 v5, v4;
	v5 =	vld.idx.msk [tilespmem:v13+s28+$0x0], $0xffff  }
0x250: {  	v10 =	vld.idx.msk [tilespmem:v10+s12+$0x0], $0xffff;
	v13 =	vor.u32 $0x7, v2  }
0x251: {  	v16 =	vor.u32 $0x6, v3;
	v7 =	vadd.f32 $0.0e+00, v7  }
0x252: {  	v14 =	vld.idx.msk [tilespmem:v14+s12+$0x0], $0xffff;
	v6 =	vmul.f32 v8, v6;
	v8 =	vor.u32 $0x8, v2  }
0x253: {  	v17 =	vor.u32 $0x7, v3;
	v4 =	vadd.f32 v4, v7;
	v7 =	vld.idx.msk [tilespmem:v15+s28+$0x0], $0xffff  }
0x254: {  	v15 =	vor.u32 $0x8, v3;
	v11 =	vld.idx.msk [tilespmem:v11+s12+$0x0], $0xffff;
	v5 =	vmul.f32 v5, v12  }
0x255: {  	v13 =	vld.idx.msk [tilespmem:v13+s12+$0x0], $0xffff;
	v12 =	vor.u32 $0xA, v2;
	v4 =	vadd.f32 v6, v4;
	v6 =	vmul.f32 v9, v10  }
0x256: {  	v9 =	vld.idx.msk [tilespmem:v16+s28+$0x0], $0xffff;
	v10 =	vor.u32 $0x9, v2  }
0x257: {  	v50 =	vor.u32 $0x9, v3;
	v8 =	vld.idx.msk [tilespmem:v8+s12+$0x0], $0xffff;
	v4 =	vadd.f32 v6, v4  }
0x258: {  	v51 =	vor.u32 $0xA, v3;
	v6 =	vld.idx.msk [tilespmem:v17+s28+$0x0], $0xffff  }
0x259: {  	v4 =	vadd.f32 v5, v4;
	v5 =	vmul.f32 v7, v14;
	v7 =	vld.idx.msk [tilespmem:v15+s28+$0x0], $0xffff;
	v14 =	vor.u32 $0xB, v2  }
0x25a: {  	v15 =	vor.u32 $0xB, v3;
	v12 =	vld.idx.msk [tilespmem:v12+s12+$0x0], $0xffff  }
0x25b: {  	v10 =	vld.idx.msk [tilespmem:v10+s12+$0x0], $0xffff;
	v4 =	vadd.f32 v5, v4;
	v5 =	vmul.f32 v9, v11;
	v11 =	vor.u32 $0xC, v2  }
0x25c: {  	v52 =	vor.u32 $0xC, v3;
	v9 =	vld.idx.msk [tilespmem:v50+s28+$0x0], $0xffff  }
0x25d: {  	v4 =	vadd.f32 v5, v4;
	v5 =	vmul.f32 v6, v13;
	v6 =	vld.idx.msk [tilespmem:v51+s28+$0x0], $0xffff;
	v13 =	vor.u32 $0xD, v2  }
0x25e: {  	v53 =	vor.u32 $0xD, v3;
	v14 =	vld.idx.msk [tilespmem:v14+s12+$0x0], $0xffff  }
0x25f: {  	v4 =	vadd.f32 v5, v4;
	v5 =	vmul.f32 v7, v8;
	v7 =	vld.idx.msk [tilespmem:v15+s28+$0x0], $0xffff;
	v8 =	vor.u32 $0xE, v2  }
0x260: {  	v15 =	vor.u32 $0xE, v3;
	v11 =	vld.idx.msk [tilespmem:v11+s12+$0x0], $0xffff  }
0x261: {  	v4 =	vadd.f32 v5, v4;
	v5 =	vmul.f32 v9, v10;
	v9 =	vld.idx.msk [tilespmem:v52+s28+$0x0], $0xffff;
	v10 =	vor.u32 $0xF, v2  }
0x262: {  	v54 =	vor.u32 $0xF, v3;
	v13 =	vld.idx.msk [tilespmem:v13+s12+$0x0], $0xffff  }
0x263: {  	v4 =	vadd.f32 v5, v4;
	v5 =	vmul.f32 v6, v12;
	v6 =	vld.idx.msk [tilespmem:v53+s28+$0x0], $0xffff;
	v12 =	vor.u32 $0x10, v2  }
0x264: {  	v55 =	vor.u32 $0x10, v3;
	v8 =	vld.idx.msk [tilespmem:v8+s12+$0x0], $0xffff  }
0x265: {  	v4 =	vadd.f32 v5, v4;
	v5 =	vmul.f32 v7, v14;
	v7 =	vld.idx.msk [tilespmem:v15+s28+$0x0], $0xffff;
	v14 =	vor.u32 $0x11, v2  }
0x266: {  	v15 =	vor.u32 $0x11, v3;
	v10 =	vld.idx.msk [tilespmem:v10+s12+$0x0], $0xffff  }
0x267: {  	v4 =	vadd.f32 v5, v4;
	v5 =	vmul.f32 v9, v11;
	v9 =	vld.idx.msk [tilespmem:v54+s28+$0x0], $0xffff;
	v11 =	vor.u32 $0x12, v2  }
0x268: {  	v56 =	vor.u32 $0x12, v3;
	v12 =	vld.idx.msk [tilespmem:v12+s12+$0x0], $0xffff  }
0x269: {  	v4 =	vadd.f32 v5, v4;
	v5 =	vmul.f32 v6, v13;
	v6 =	vld.idx.msk [tilespmem:v55+s28+$0x0], $0xffff;
	v13 =	vor.u32 $0x13, v2  }
0x26a: {  	v57 =	vor.u32 $0x13, v3;
	v14 =	vld.idx.msk [tilespmem:v14+s12+$0x0], $0xffff  }
0x26b: {  	v4 =	vadd.f32 v5, v4;
	v5 =	vmul.f32 v7, v8;
	v7 =	vld.idx.msk [tilespmem:v15+s28+$0x0], $0xffff;
	v8 =	vor.u32 $0x14, v2  }
0x26c: {  	v15 =	vor.u32 $0x14, v3;
	v11 =	vld.idx.msk [tilespmem:v11+s12+$0x0], $0xffff  }
0x26d: {  	v4 =	vadd.f32 v5, v4;
	v5 =	vmul.f32 v9, v10;
	v9 =	vld.idx.msk [tilespmem:v56+s28+$0x0], $0xffff;
	v10 =	vor.u32 $0x15, v2  }
0x26e: {  	v58 =	vor.u32 $0x15, v3;
	v13 =	vld.idx.msk [tilespmem:v13+s12+$0x0], $0xffff  }
0x26f: {  	v4 =	vadd.f32 v5, v4;
	v5 =	vmul.f32 v6, v12;
	v6 =	vld.idx.msk [tilespmem:v57+s28+$0x0], $0xffff;
	v12 =	vor.u32 $0x16, v2  }
0x270: {  	v59 =	vor.u32 $0x16, v3;
	v8 =	vld.idx.msk [tilespmem:v8+s12+$0x0], $0xffff  }
0x271: {  	v4 =	vadd.f32 v5, v4;
	v5 =	vmul.f32 v7, v14;
	v7 =	vld.idx.msk [tilespmem:v15+s28+$0x0], $0xffff;
	v14 =	vor.u32 $0x17, v2  }
0x272: {  	v15 =	vor.u32 $0x17, v3;
	v10 =	vld.idx.msk [tilespmem:v10+s12+$0x0], $0xffff  }
0x273: {  	v4 =	vadd.f32 v5, v4;
	v5 =	vmul.f32 v9, v11;
	v9 =	vld.idx.msk [tilespmem:v58+s28+$0x0], $0xffff;
	v11 =	vor.u32 $0x18, v2  }
0x274: {  	v60 =	vor.u32 $0x18, v3;
	v12 =	vld.idx.msk [tilespmem:v12+s12+$0x0], $0xffff  }
0x275: {  	v4 =	vadd.f32 v5, v4;
	v5 =	vmul.f32 v6, v13;
	v6 =	vld.idx.msk [tilespmem:v59+s28+$0x0], $0xffff;
	v13 =	vor.u32 $0x19, v2  }
0x276: {  	v61 =	vor.u32 $0x19, v3;
	v14 =	vld.idx.msk [tilespmem:v14+s12+$0x0], $0xffff  }
0x277: {  	v4 =	vadd.f32 v5, v4;
	v5 =	vmul.f32 v7, v8;
	v7 =	vld.idx.msk [tilespmem:v15+s28+$0x0], $0xffff;
	v8 =	vor.u32 $0x1A, v2  }
0x278: {  	v15 =	vor.u32 $0x1A, v3;
	v11 =	vld.idx.msk [tilespmem:v11+s12+$0x0], $0xffff  }
0x279: {  	v4 =	vadd.f32 v5, v4;
	v5 =	vmul.f32 v9, v10;
	v9 =	vld.idx.msk [tilespmem:v60+s28+$0x0], $0xffff;
	v10 =	vor.u32 $0x1B, v2  }
0x27a: {  	v62 =	vor.u32 $0x1B, v3;
	v13 =	vld.idx.msk [tilespmem:v13+s12+$0x0], $0xffff  }
0x27b: {  	v63 =	vor.u32 $0x1C, v2;
	v4 =	vadd.f32 v5, v4;
	v5 =	vmul.f32 v6, v12;
	v12 =	vld.idx.msk [tilespmem:v61+s28+$0x0], $0xffff  }
0x27c: {  	v19 =	vor.u32 $0x1C, v3;
	v18 =	vld.idx.msk [tilespmem:v8+s12+$0x0], $0xffff  }
0x27d: {  	v6 =	vmul.f32 v7, v14;
	v14 =	vld.idx.msk [tilespmem:v15+s28+$0x0], $0xffff;
	v15 =	vor.u32 $0x1D, v2;
	v5 =	vadd.f32 v5, v4  }
0x27e: {  	p0 =	sne.s32 s19, $0xF00;
	v20 =	vor.u32 $0x1D, v3;
	v4 =	vld.idx.msk [tilespmem:v10+s12+$0x0], $0xffff  }
.Ltmp0:
0x27f: {  	v9 =	vmul.f32 v9, v11;
	v7 =	vadd.f32 v6, v5;
	v6 =	vld.idx.msk [tilespmem:v62+s28+$0x0], $0xffff;
	(pc) =	sbr.rel @p0 .LBB2_2-.Ltmp0, $4  }
0x280: {  	v5 =	vld.idx.msk [tilespmem:v63+s12+$0x0], $0xffff  }
0x281: {  	v12 =	vmul.f32 v12, v13;
	v9 =	vadd.f32 v9, v7;
	v7 =	vld.idx.msk [tilespmem:v19+s28+$0x0], $0xffff  }
0x282: {  	v8 =	vor.u32 $0x1E, v3;
	v11 =	vor.u32 $0x1E, v2;
	v10 =	vor.u32 $0x1F, v2;
	v2 =	vld.idx.msk [tilespmem:v15+s12+$0x0], $0xffff  }
0x283: {  	s19 =	sadd.s32 $0x80, s19;
	s17 =	sadd.s32 $0x4000, s17;
	s2 =	simm.s32 $0x0;
	v3 =	vor.u32 $0x1F, v3;
	v13 =	vmul.f32 v14, v18;
	v12 =	vadd.f32 v12, v9;
	v9 =	vld.idx.msk [tilespmem:v20+s28+$0x0], $0xffff  }
0x284: {  	_ =	sdelay $0x2  }
0x285: {  	s0 =	simm.s32 $0x400  }
0x286: {  	v4 =	vmul.f32 v6, v4;
	s1 =	simm.s32 $0x8400;
	v11 =	vld.idx.msk [tilespmem:v11+s0+$0x0], $0xffff;
	v12 =	vadd.f32 v13, v12  }
0x287: {  	v32 =	vld.idx.msk [tilespmem:v8+s1+$0x0], $0xffff  }
0x288: {  	v33 =	vld.idx.msk [tilespmem:v10+s0+$0x0], $0xffff;
	v5 =	vmul.f32 v7, v5;
	v4 =	vadd.f32 v4, v12  }
0x289: {  	v3 =	vld.idx.msk [tilespmem:v3+s1+$0x0], $0xffff  }
0x28a: {  	v2 =	vmul.f32 v9, v2;
	v4 =	vadd.f32 v5, v4;
	_ =	sdelay $0x1  }
0x28b: {  	v34 =	vmul.f32 v32, v11;
	v2 =	vadd.f32 v2, v4;
	_ =	sdelay $0x1  }
0x28c: {  	v3 =	vmul.f32 v3, v33;
	v2 =	vadd.f32 v34, v2;
	_ =	sdelay $0x1  }
0x28d: {  	v2 =	vadd.f32 v3, v2;
	_ =	sdelay $0x1  }
0x28e: {  	[tilespmem:s3+$0x0] =	vst v2  }
0x28f: {  	v2 =	vld [tilespmem:$0x1F0]  }
0x290: {  	v3 =	vld [tilespmem:$0x3F0];
	_ =	swait.ge [sflag:s21], $0x400  }
0x291: {  	[sflag:s21] =	ssyncset.done $0x0  }
0x292: {  	[sflag:s21] =	ssyncadd.s32 $0xFFFFFC00  }
0x293: {  	_ =	swait.ge [sflag:s21], $0x400  }
0x294: {  	[sflag:s21] =	ssyncset.done $0x0  }
0x295: {  	[sflag:s21] =	ssyncadd.s32 $0xFFFFFC00  }
0x296: {  	_ =	swait.ge [sflag:s21], $0x400  }
0x297: {  	[sflag:s21] =	ssyncset.done $0x0  }
0x298: {  	[sflag:s21] =	ssyncadd.s32 $0xFFFFFC00  }
0x299: {  	_ =	swait.ge [sflag:s21], $0x400  }
0x29a: {  	[sflag:s21] =	ssyncset.done $0x0  }
0x29b: {  	[sflag:s21] =	ssyncadd.s32 $0xFFFFFC00  }
0x29c: {  	_ =	swait.ge [sflag:s21], $0x400  }
0x29d: {  	[sflag:s21] =	ssyncset.done $0x0  }
0x29e: {  	[sflag:s21] =	ssyncadd.s32 $0xFFFFFC00  }
0x29f: {  	_ =	swait.ge [sflag:s21], $0x400  }
0x2a0: {  	[sflag:s21] =	ssyncset.done $0x0  }
0x2a1: {  	[sflag:s21] =	ssyncadd.s32 $0xFFFFFC00  }
0x2a2: {  	_ =	swait.ge [sflag:s21], $0x400  }
0x2a3: {  	[sflag:s21] =	ssyncset.done $0x0  }
0x2a4: {  	[sflag:s21] =	ssyncadd.s32 $0xFFFFFC00  }
0x2a5: {  	_ =	swait.ge [sflag:s21], $0x400  }
0x2a6: {  	[sflag:s21] =	ssyncset.done $0x0  }
0x2a7: {  	[sflag:s21] =	ssyncadd.s32 $0xFFFFFC00  }
0x2a8: {  	_ =	swait.ge [sflag:s21], $0x400  }
0x2a9: {  	[sflag:s21] =	ssyncset.done $0x0  }
0x2aa: {  	[sflag:s21] =	ssyncadd.s32 $0xFFFFFC00  }
0x2ab: {  	_ =	swait.ge [sflag:s21], $0x400  }
0x2ac: {  	[sflag:s21] =	ssyncset.done $0x0  }
0x2ad: {  	[sflag:s21] =	ssyncadd.s32 $0xFFFFFC00  }
0x2ae: {  	_ =	swait.ge [sflag:s21], $0x400  }
0x2af: {  	[sflag:s21] =	ssyncset.done $0x0  }
0x2b0: {  	[sflag:s21] =	ssyncadd.s32 $0xFFFFFC00  }
0x2b1: {  	_ =	swait.ge [sflag:s21], $0x400  }
0x2b2: {  	[sflag:s21] =	ssyncset.done $0x0  }
0x2b3: {  	[sflag:s21] =	ssyncadd.s32 $0xFFFFFC00  }
0x2b4: {  	_ =	swait.ge [sflag:s21], $0x400  }
0x2b5: {  	[sflag:s21] =	ssyncset.done $0x0  }
0x2b6: {  	[sflag:s21] =	ssyncadd.s32 $0xFFFFFC00  }
0x2b7: {  	_ =	swait.ge [sflag:s21], $0x400  }
0x2b8: {  	[sflag:s21] =	ssyncset.done $0x0  }
0x2b9: {  	[sflag:s21] =	ssyncadd.s32 $0xFFFFFC00  }
0x2ba: {  	_ =	swait.ge [sflag:s21], $0x400  }
0x2bb: {  	[sflag:s21] =	ssyncset.done $0x0  }
0x2bc: {  	[sflag:s21] =	ssyncadd.s32 $0xFFFFFC00  }
0x2bd: {  	_ =	swait.ge [sflag:s21], $0x400  }
0x2be: {  	[sflag:s21] =	ssyncset.done $0x0  }
0x2bf: {  	[sflag:s21] =	ssyncadd.s32 $0xFFFFFC00  }
0x2c0: {  	_ =	swait.ge [sflag:s21], $0x400  }
0x2c1: {  	[sflag:s21] =	ssyncset.done $0x0  }
0x2c2: {  	[sflag:s21] =	ssyncadd.s32 $0xFFFFFC00  }
0x2c3: {  	_ =	swait.ge [sflag:s21], $0x400  }
0x2c4: {  	[sflag:s21] =	ssyncset.done $0x0  }
0x2c5: {  	[sflag:s21] =	ssyncadd.s32 $0xFFFFFC00  }
0x2c6: {  	_ =	swait.ge [sflag:s21], $0x400  }
0x2c7: {  	[sflag:s21] =	ssyncset.done $0x0  }
0x2c8: {  	[sflag:s21] =	ssyncadd.s32 $0xFFFFFC00  }
0x2c9: {  	_ =	swait.ge [sflag:s21], $0x400  }
0x2ca: {  	[sflag:s21] =	ssyncset.done $0x0  }
0x2cb: {  	[sflag:s21] =	ssyncadd.s32 $0xFFFFFC00  }
0x2cc: {  	_ =	swait.ge [sflag:s21], $0x400  }
0x2cd: {  	[sflag:s21] =	ssyncset.done $0x0  }
0x2ce: {  	[sflag:s21] =	ssyncadd.s32 $0xFFFFFC00  }
0x2cf: {  	_ =	swait.ge [sflag:s21], $0x400  }
0x2d0: {  	[sflag:s21] =	ssyncset.done $0x0  }
0x2d1: {  	[sflag:s21] =	ssyncadd.s32 $0xFFFFFC00  }
0x2d2: {  	_ =	swait.ge [sflag:s21], $0x400  }
0x2d3: {  	[sflag:s21] =	ssyncset.done $0x0  }
0x2d4: {  	[sflag:s21] =	ssyncadd.s32 $0xFFFFFC00  }
0x2d5: {  	_ =	swait.ge [sflag:s21], $0x400  }
0x2d6: {  	[sflag:s21] =	ssyncset.done $0x0  }
0x2d7: {  	[sflag:s21] =	ssyncadd.s32 $0xFFFFFC00  }
0x2d8: {  	_ =	swait.ge [sflag:s21], $0x400  }
0x2d9: {  	[sflag:s21] =	ssyncset.done $0x0  }
0x2da: {  	[sflag:s21] =	ssyncadd.s32 $0xFFFFFC00  }
0x2db: {  	_ =	swait.ge [sflag:s21], $0x400  }
0x2dc: {  	[sflag:s21] =	ssyncset.done $0x0  }
0x2dd: {  	[sflag:s21] =	ssyncadd.s32 $0xFFFFFC00  }
0x2de: {  	_ =	swait.ge [sflag:s21], $0x400  }
0x2df: {  	[sflag:s21] =	ssyncset.done $0x0  }
0x2e0: {  	[sflag:s21] =	ssyncadd.s32 $0xFFFFFC00  }
0x2e1: {  	_ =	swait.ge [sflag:s21], $0x400  }
0x2e2: {  	[sflag:s21] =	ssyncset.done $0x0  }
0x2e3: {  	[sflag:s21] =	ssyncadd.s32 $0xFFFFFC00  }
0x2e4: {  	_ =	swait.ge [sflag:s21], $0x400  }
0x2e5: {  	[sflag:s21] =	ssyncset.done $0x0  }
0x2e6: {  	[sflag:s21] =	ssyncadd.s32 $0xFFFFFC00  }
0x2e7: {  	_ =	swait.ge [sflag:s21], $0x400  }
0x2e8: {  	[sflag:s21] =	ssyncset.done $0x0  }
0x2e9: {  	v2 =	vand.u32 $0x7, v2;
	[sflag:s21] =	ssyncadd.s32 $0xFFFFFC00  }
0x2ea: {  	v3 =	vand.u32 $0x7, v3;
	v2 =	vshll.u32 v2, $0x7;
	_ =	swait.ge [sflag:s21], $0x400  }
0x2eb: {  	v35 =	vshll.u32 v3, $0x7;
	v3 =	vor.u32 v1, v2;
	[sflag:s21] =	ssyncset.done $0x0  }
0x2ec: {  	v2 =	vor.u32 v1, v35;
	[sflag:s21] =	ssyncadd.s32 $0xFFFFFC00  }
0x2ed: {  	v36 =	vor.u32 $0x1, v3;
	_ =	swait.ge [sflag:s21], $0x400  }
0x2ee: {  	v37 =	vor.u32 $0x1, v2;
	[sflag:s21] =	ssyncset.done $0x0  }
0x2ef: {  	v38 =	vor.u32 $0x2, v3;
	[sflag:s21] =	ssyncadd.s32 $0xFFFFFC00  }
0x2f0: {  	v40 =	vor.u32 $0x2, v2;
	v39 =	vld.idx.msk [tilespmem:v3+s0+$0x0], $0xffff  }
0x2f1: {  	v42 =	vor.u32 $0x3, v3;
	v41 =	vld.idx.msk [tilespmem:v2+s1+$0x0], $0xffff  }
0x2f2: {  	v43 =	vor.u32 $0x3, v2;
	v4 =	vld.idx.msk [tilespmem:v36+s0+$0x0], $0xffff  }
0x2f3: {  	v44 =	vor.u32 $0x4, v3;
	v5 =	vld.idx.msk [tilespmem:v37+s1+$0x0], $0xffff  }
0x2f4: {  	v45 =	vor.u32 $0x4, v2;
	v6 =	vld.idx.msk [tilespmem:v38+s0+$0x0], $0xffff  }
0x2f5: {  	v14 =	vor.u32 $0x5, v3;
	v8 =	vld.idx.msk [tilespmem:v40+s1+$0x0], $0xffff  }
0x2f6: {  	v47 =	vor.u32 $0x5, v2;
	v46 =	vld.idx.msk [tilespmem:v42+s0+$0x0], $0xffff;
	v7 =	vmul.f32 v41, v39  }
0x2f7: {  	v15 =	vor.u32 $0x6, v3;
	v11 =	vld.idx.msk [tilespmem:v43+s1+$0x0], $0xffff  }
0x2f8: {  	v49 =	vor.u32 $0x6, v2;
	v48 =	vld.idx.msk [tilespmem:v44+s0+$0x0], $0xffff;
	v4 =	vmul.f32 v5, v4;
	v7 =	vadd.f32 $0.0e+00, v7  }
0x2f9: {  	v16 =	vor.u32 $0x7, v3;
	v13 =	vld.idx.msk [tilespmem:v45+s1+$0x0], $0xffff  }
0x2fa: {  	v51 =	vor.u32 $0x7, v2;
	v50 =	vld.idx.msk [tilespmem:v14+s0+$0x0], $0xffff;
	v6 =	vmul.f32 v8, v6;
	v4 =	vadd.f32 v4, v7  }
0x2fb: {  	v52 =	vor.u32 $0x8, v3;
	v10 =	vld.idx.msk [tilespmem:v47+s1+$0x0], $0xffff  }
0x2fc: {  	v55 =	vor.u32 $0x8, v2;
	v54 =	vld.idx.msk [tilespmem:v15+s0+$0x0], $0xffff;
	v53 =	vmul.f32 v11, v46;
	v4 =	vadd.f32 v6, v4  }
0x2fd: {  	v56 =	vor.u32 $0x9, v3;
	v12 =	vld.idx.msk [tilespmem:v49+s1+$0x0], $0xffff  }
0x2fe: {  	v58 =	vor.u32 $0x9, v2;
	v57 =	vld.idx.msk [tilespmem:v16+s0+$0x0], $0xffff;
	v5 =	vmul.f32 v13, v48;
	v4 =	vadd.f32 v53, v4  }
0x2ff: {  	v59 =	vor.u32 $0xA, v3;
	v8 =	vld.idx.msk [tilespmem:v51+s1+$0x0], $0xffff  }
0x300: {  	v62 =	vor.u32 $0xA, v2;
	v61 =	vld.idx.msk [tilespmem:v52+s0+$0x0], $0xffff;
	v60 =	vmul.f32 v10, v50;
	v4 =	vadd.f32 v5, v4  }
0x301: {  	v63 =	vor.u32 $0xB, v3;
	v11 =	vld.idx.msk [tilespmem:v55+s1+$0x0], $0xffff  }
0x302: {  	v22 =	vor.u32 $0xB, v2;
	v21 =	vld.idx.msk [tilespmem:v56+s0+$0x0], $0xffff;
	v20 =	vmul.f32 v12, v54;
	v4 =	vadd.f32 v60, v4  }
0x303: {  	v23 =	vor.u32 $0xC, v3;
	v13 =	vld.idx.msk [tilespmem:v58+s1+$0x0], $0xffff  }
0x304: {  	v26 =	vor.u32 $0xC, v2;
	v25 =	vld.idx.msk [tilespmem:v59+s0+$0x0], $0xffff;
	v24 =	vmul.f32 v8, v57;
	v4 =	vadd.f32 v20, v4  }
0x305: {  	v27 =	vor.u32 $0xD, v3;
	v10 =	vld.idx.msk [tilespmem:v62+s1+$0x0], $0xffff  }
0x306: {  	v30 =	vor.u32 $0xD, v2;
	v29 =	vld.idx.msk [tilespmem:v63+s0+$0x0], $0xffff;
	v28 =	vmul.f32 v11, v61;
	v4 =	vadd.f32 v24, v4  }
0x307: {  	v31 =	vor.u32 $0xE, v3;
	v12 =	vld.idx.msk [tilespmem:v22+s1+$0x0], $0xffff  }
0x308: {  	v34 =	vor.u32 $0xE, v2;
	v33 =	vld.idx.msk [tilespmem:v23+s0+$0x0], $0xffff;
	v32 =	vmul.f32 v13, v21;
	v4 =	vadd.f32 v28, v4  }
0x309: {  	v35 =	vor.u32 $0xF, v3;
	v8 =	vld.idx.msk [tilespmem:v26+s1+$0x0], $0xffff  }
0x30a: {  	v37 =	vld.idx.msk [tilespmem:v27+s0+$0x0], $0xffff;
	v38 =	vor.u32 $0xF, v2;
	v36 =	vmul.f32 v10, v25;
	v4 =	vadd.f32 v32, v4  }
0x30b: {  	v39 =	vor.u32 $0x10, v3;
	v11 =	vld.idx.msk [tilespmem:v30+s1+$0x0], $0xffff  }
0x30c: {  	v42 =	vor.u32 $0x10, v2;
	v41 =	vld.idx.msk [tilespmem:v31+s0+$0x0], $0xffff;
	v40 =	vmul.f32 v12, v29;
	v4 =	vadd.f32 v36, v4  }
0x30d: {  	v46 =	vor.u32 $0x11, v2;
	v13 =	vld.idx.msk [tilespmem:v34+s1+$0x0], $0xffff  }
0x30e: {  	v43 =	vor.u32 $0x11, v3;
	v45 =	vld.idx.msk [tilespmem:v35+s0+$0x0], $0xffff;
	v44 =	vmul.f32 v8, v33;
	v4 =	vadd.f32 v40, v4  }
0x30f: {  	v47 =	vor.u32 $0x12, v3;
	v10 =	vld.idx.msk [tilespmem:v38+s1+$0x0], $0xffff  }
0x310: {  	v50 =	vor.u32 $0x12, v2;
	v49 =	vld.idx.msk [tilespmem:v39+s0+$0x0], $0xffff;
	v48 =	vmul.f32 v11, v37;
	v4 =	vadd.f32 v44, v4  }
0x311: {  	v51 =	vor.u32 $0x13, v3;
	v12 =	vld.idx.msk [tilespmem:v42+s1+$0x0], $0xffff  }
0x312: {  	v54 =	vor.u32 $0x13, v2;
	v9 =	vld.idx.msk [tilespmem:v46+s1+$0x0], $0xffff;
	v52 =	vmul.f32 v13, v41;
	v4 =	vadd.f32 v48, v4  }
0x313: {  	v55 =	vor.u32 $0x14, v3;
	v53 =	vld.idx.msk [tilespmem:v43+s0+$0x0], $0xffff  }
0x314: {  	v58 =	vor.u32 $0x14, v2;
	v57 =	vld.idx.msk [tilespmem:v47+s0+$0x0], $0xffff;
	v56 =	vmul.f32 v10, v45;
	v4 =	vadd.f32 v52, v4  }
0x315: {  	v59 =	vor.u32 $0x15, v3;
	v11 =	vld.idx.msk [tilespmem:v50+s1+$0x0], $0xffff  }
0x316: {  	v62 =	vor.u32 $0x15, v2;
	v61 =	vld.idx.msk [tilespmem:v51+s0+$0x0], $0xffff;
	v60 =	vmul.f32 v12, v49;
	v4 =	vadd.f32 v56, v4  }
0x317: {  	v63 =	vor.u32 $0x16, v3;
	v13 =	vld.idx.msk [tilespmem:v54+s1+$0x0], $0xffff  }
0x318: {  	v22 =	vor.u32 $0x16, v2;
	v21 =	vld.idx.msk [tilespmem:v55+s0+$0x0], $0xffff;
	v20 =	vmul.f32 v9, v53;
	v4 =	vadd.f32 v60, v4  }
0x319: {  	v23 =	vor.u32 $0x17, v3;
	v10 =	vld.idx.msk [tilespmem:v58+s1+$0x0], $0xffff  }
0x31a: {  	v25 =	vld.idx.msk [tilespmem:v59+s0+$0x0], $0xffff;
	v26 =	vor.u32 $0x17, v2;
	v24 =	vmul.f32 v11, v57;
	v4 =	vadd.f32 v20, v4  }
0x31b: {  	v27 =	vor.u32 $0x18, v3;
	v12 =	vld.idx.msk [tilespmem:v62+s1+$0x0], $0xffff  }
0x31c: {  	v29 =	vld.idx.msk [tilespmem:v63+s0+$0x0], $0xffff;
	v30 =	vor.u32 $0x18, v2;
	v28 =	vmul.f32 v13, v61;
	v4 =	vadd.f32 v24, v4  }
0x31d: {  	v31 =	vor.u32 $0x19, v3;
	v9 =	vld.idx.msk [tilespmem:v22+s1+$0x0], $0xffff  }
0x31e: {  	v34 =	vor.u32 $0x19, v2;
	v33 =	vld.idx.msk [tilespmem:v23+s0+$0x0], $0xffff;
	v32 =	vmul.f32 v10, v21;
	v4 =	vadd.f32 v28, v4  }
0x31f: {  	v35 =	vor.u32 $0x1A, v3;
	v11 =	vld.idx.msk [tilespmem:v26+s1+$0x0], $0xffff  }
0x320: {  	v38 =	vor.u32 $0x1A, v2;
	v37 =	vld.idx.msk [tilespmem:v27+s0+$0x0], $0xffff;
	v36 =	vmul.f32 v12, v25;
	v4 =	vadd.f32 v32, v4  }
0x321: {  	v39 =	vor.u32 $0x1B, v3;
	v13 =	vld.idx.msk [tilespmem:v30+s1+$0x0], $0xffff  }
0x322: {  	v42 =	vor.u32 $0x1B, v2;
	v41 =	vld.idx.msk [tilespmem:v31+s0+$0x0], $0xffff;
	v40 =	vmul.f32 v9, v29;
	v4 =	vadd.f32 v36, v4  }
0x323: {  	v43 =	vor.u32 $0x1C, v3;
	v10 =	vld.idx.msk [tilespmem:v34+s1+$0x0], $0xffff  }
0x324: {  	v46 =	vor.u32 $0x1C, v2;
	v45 =	vld.idx.msk [tilespmem:v35+s0+$0x0], $0xffff;
	v44 =	vmul.f32 v11, v33;
	v4 =	vadd.f32 v40, v4  }
0x325: {  	v50 =	vor.u32 $0x1D, v2;
	v12 =	vld.idx.msk [tilespmem:v38+s1+$0x0], $0xffff  }
0x326: {  	v47 =	vor.u32 $0x1D, v3;
	v49 =	vld.idx.msk [tilespmem:v39+s0+$0x0], $0xffff;
	v48 =	vmul.f32 v13, v37;
	v4 =	vadd.f32 v44, v4  }
0x327: {  	v51 =	vor.u32 $0x1E, v3;
	v9 =	vld.idx.msk [tilespmem:v42+s1+$0x0], $0xffff  }
0x328: {  	v54 =	vor.u32 $0x1E, v2;
	v53 =	vld.idx.msk [tilespmem:v43+s0+$0x0], $0xffff;
	v52 =	vmul.f32 v10, v41;
	v4 =	vadd.f32 v48, v4  }
0x329: {  	v3 =	vor.u32 $0x1F, v3;
	v11 =	vld.idx.msk [tilespmem:v46+s1+$0x0], $0xffff  }
0x32a: {  	v2 =	vor.u32 $0x1F, v2;
	v57 =	vld.idx.msk [tilespmem:v50+s1+$0x0], $0xffff;
	v55 =	vmul.f32 v12, v45;
	v4 =	vadd.f32 v52, v4  }
0x32b: {  	v56 =	vld.idx.msk [tilespmem:v47+s0+$0x0], $0xffff  }
0x32c: {  	v59 =	vld.idx.msk [tilespmem:v51+s0+$0x0], $0xffff;
	v58 =	vmul.f32 v9, v49;
	v4 =	vadd.f32 v55, v4  }
0x32d: {  	v60 =	vld.idx.msk [tilespmem:v54+s1+$0x0], $0xffff  }
0x32e: {  	v3 =	vld.idx.msk [tilespmem:v3+s0+$0x0], $0xffff;
	v61 =	vmul.f32 v11, v53;
	v4 =	vadd.f32 v58, v4  }
0x32f: {  	v2 =	vld.idx.msk [tilespmem:v2+s1+$0x0], $0xffff  }
0x330: {  	v62 =	vmul.f32 v57, v56;
	v4 =	vadd.f32 v61, v4;
	_ =	sdelay $0x1  }
0x331: {  	v63 =	vmul.f32 v60, v59;
	v4 =	vadd.f32 v62, v4;
	_ =	sdelay $0x1  }
0x332: {  	v2 =	vmul.f32 v2, v3;
	v4 =	vadd.f32 v63, v4;
	_ =	sdelay $0x1  }
0x333: {  	v2 =	vadd.f32 v2, v4;
	_ =	sdelay $0x1  }
0x334: {  	s26 =	simm.s32 $0x10400;
	s25 =	rddreg [dreg:$0x13];
	s1 =	simm.s32 $0x2;
	[tilespmem:$0x105F0] =	vst v2  }
0x335: {  	[hbm4b:s25+s2] =	stream.linear.scatter [tilespmem:s26], [sflag:$0x2], $0x200, $0x38;
	[tilespmem:$0x10600] =	vst v63  }
0x336: {  	_ =	swait.ge [sflag:s1], $0x200  }
0x337: {  	s29 =	rddreg [dreg:$0x15]  }
0x338: {  	s31 =	rddreg [dreg:$0x14];
	s2 =	sadd.s32 $0x1, s29  }
0x339: {  	p0 =	sne.s32 s2, s31  }
.Ltmp1:
0x33a: {  	_ = 	snop;
	(pc) =	sbr.rel @p0 .LBB2_1-.Ltmp1, $3  }
0x33b: {  	_ =	sdelay $0x1  }
0x33c: {  	[sflag:s1] =	ssyncset.done $0x0  }
0x33d: {  	[sflag:s1] =	ssyncadd.s32 $0xFFFFFE00  }
0x33e: {  	_ =	sfence.sel $0x180000  }
0x33f: {  	[bflag:$0x0] =	sbarrier.arrive $0xFFFF  }
0x340: {  	_ =	strace $0x90000047  }
0x341: {  	s0 =	stileid.u32;
	[bflag:$0x2] =	sbarrier.arrive $0xFFFF  }
0x342: {  	p0 =	sne.s32 s0, $0x0;
	s0 =	rddreg [dreg:$0x4]  }
0x343: {  	s0 =	sadd.s32 @!p0 $0x100000, s0  }
0x344: {  	[sflag:s0] =	ssyncadd.tile.s32 @!p0 $0x1;
	_ =	shalt  }
.Lfunc_end2:
_tile_overlayer_lowered:
.L_overlay_start_2:
0x345: {  	(tag) =	ssettag $0x2  }
0x346: {  	s0 =	rddreg [dreg:$0x0];
	s2 =	stileid.u32  }
0x347: {  	s1 =	rddreg [dreg:$0x1];
	p0 =	sne.s32 s2, $0x0  }
0x348: {  	s3 =	rddreg [dreg:$0x2];
	[bflag:$0x3] =	sbarrier.arrive $0xFFFF;
	s2 =	simm.s32 @!p0 $0x1C02  }
0x349: {  	[timem:s3], [sflag:s2] =	dma.local @!p0 [hbm:s0], s1  }
0x34a: {  	s0 =	simm.s32 @!p0 $0x2  }
0x34b: {  	_ =	swait.ge @!p0 [sflag:s0], s1  }
0x34c: {  	s1 =	ssub.s32 @!p0 $0x0, s1;
	[sflag:s0] =	ssyncset.done @!p0 $0x0  }
0x34d: {  	[sflag:s0] =	ssyncadd.s32 @!p0 s1  }
0x34e: {  	[bflag:$0x3] =	sbarrier.arrive $0xFFFF  }
0x34f: {  	_ =	shalt  }

</sc_bundles>
